<compile_context>
chip_gen: v7x
topology: tpu7x:2x2x1
jax: 0.10.2.dev20260603
libtpu: 0.0.44.dev20260713+nightly
codegen_flags: <defaults>
</compile_context>

<pallas_src>
import functools

import jax
import jax.numpy as jnp
from jax import lax
from jax.experimental import pallas as pl
from jax.experimental.pallas import tpu as pltpu
from jax.experimental.pallas import tpu_sc as plsc

NCORES = 2
NSUB = 16
NW = NCORES * NSUB
CHUNK = 128
LANES = 16


def _mesh():
  return plsc.VectorSubcoreMesh(
      core_axis_name="c", subcore_axis_name="s",
      num_cores=NCORES, num_subcores=NSUB)


def _acc_rows(n):
  return ((n + 1 + 255) // 256) * 256


def _deg_kernel(eidx, *, nrows, nch):
  rpt = nrows // NSUB
  assert nch >= 8 and nch % 4 == 0

  def body(eidx_hbm, out_hbm, idx_d, ones_v, zbuf,
           si0, si1, si2, si3, ss0, ss1, ss2, ss3, deg_sh):
    c = lax.axis_index("c")
    s = lax.axis_index("s")
    si = (si0, si1, si2, si3)
    ss = (ss0, ss1, ss2, ss3)
    one = jnp.full((LANES,), 1.0, jnp.float32)
    zero = jnp.zeros((LANES,), jnp.float32)
    for j in range(CHUNK // LANES):
      ones_v[pl.ds(j * LANES, LANES)] = one
    for j in range(rpt // LANES):
      zbuf[pl.ds(j * LANES, LANES)] = zero
    pltpu.sync_copy(zbuf, deg_sh.at[pl.ds(s * rpt, rpt)])
    plsc.subcore_barrier()
    cb = (c * NSUB + s) * nch

    def i_start(j, q):
      pltpu.async_copy(eidx_hbm.at[cb + j, 1], idx_d.at[q], si[q])

    def i_wait(q):
      pltpu.make_async_copy(eidx_hbm.at[cb, 1], idx_d.at[q], si[q]).wait()

    def s_start(q):
      pltpu.async_copy(ones_v, deg_sh.at[idx_d.at[q]], ss[q], add=True)

    def s_wait(q):
      pltpu.make_async_copy(ones_v, deg_sh.at[idx_d.at[q]], ss[q]).wait()

    def step(j, q, *, first=False, do_i=True):
      i_wait(q)
      if not first:
        s_wait((q + 3) % 4)
      s_start(q)
      if do_i:
        i_start(j + 2, (q + 2) % 4)

    i_start(0, 0)
    i_start(1, 1)
    step(0, 0, first=True)
    step(1, 1)
    step(2, 2)
    step(3, 3)

    def outer(oi, carry):
      j0 = 4 + oi * 4
      for t in range(4):
        step(j0 + t, t)
      return carry

    lax.fori_loop(0, (nch - 8) // 4, outer, 0)
    step(nch - 4, 0)
    step(nch - 3, 1)
    step(nch - 2, 2, do_i=False)
    step(nch - 1, 3, do_i=False)
    s_wait(3)
    plsc.subcore_barrier()
    pltpu.sync_copy(deg_sh.at[pl.ds(s * rpt, rpt)],
                    out_hbm.at[pl.ds(c * nrows + s * rpt, rpt)])

  call = pl.kernel(
      body,
      out_type=jax.ShapeDtypeStruct((NCORES * nrows,), jnp.float32),
      mesh=_mesh(),
      scratch_types=[
          pltpu.VMEM((4, CHUNK), jnp.int32),
          pltpu.VMEM((CHUNK,), jnp.float32),
          pltpu.VMEM((rpt,), jnp.float32),
          pltpu.SemaphoreType.DMA,
          pltpu.SemaphoreType.DMA,
          pltpu.SemaphoreType.DMA,
          pltpu.SemaphoreType.DMA,
          pltpu.SemaphoreType.DMA,
          pltpu.SemaphoreType.DMA,
          pltpu.SemaphoreType.DMA,
          pltpu.SemaphoreType.DMA,
          pltpu.VMEM_SHARED((nrows,), jnp.float32),
      ],
      interpret=False,
  )
  return call(eidx)


def _agg_kernel(eidx, xs, *, nrows, nch):
  f = xs.shape[1]
  rpt = nrows // NSUB
  assert nch >= 8 and nch % 4 == 0

  def body(eidx_hbm, xs_hbm, out_hbm, idx_all, rows0, rows1, zbuf,
           si0, si1, si2, si3, sg0, sg1, ss0, ss1, agg_sh):
    c = lax.axis_index("c")
    s = lax.axis_index("s")
    rows = (rows0, rows1)
    si = (si0, si1, si2, si3)
    sg = (sg0, sg1)
    ss = (ss0, ss1)
    zero = jnp.zeros((LANES,), jnp.float32)
    for r in range(LANES):
      for j in range(f // LANES):
        zbuf[r, pl.ds(j * LANES, LANES)] = zero
    for k in range(rpt // LANES):
      pltpu.sync_copy(zbuf, agg_sh.at[pl.ds(s * rpt + k * LANES, LANES)])
    plsc.subcore_barrier()
    cb = (c * NSUB + s) * nch

    def i_start(j, q):
      pltpu.async_copy(eidx_hbm.at[cb + j], idx_all.at[q], si[q])

    def i_wait(q):
      pltpu.make_async_copy(eidx_hbm.at[cb], idx_all.at[q], si[q]).wait()

    def g_start(q, b):
      pltpu.async_copy(xs_hbm.at[idx_all.at[q, 0]], rows[b], sg[b])

    def g_wait(b):
      pltpu.make_async_copy(xs_hbm.at[idx_all.at[0, 0]], rows[b], sg[b]).wait()

    def s_start(q, b):
      pltpu.async_copy(rows[b], agg_sh.at[idx_all.at[q, 1]], ss[b], add=True)

    def s_wait(b):
      pltpu.make_async_copy(rows[b], agg_sh.at[idx_all.at[0, 1]], ss[b]).wait()

    def step(j, q, *, first=False, do_g=True, do_i=True):
      b = q % 2
      nb = 1 - b
      nq = (q + 1) % 4
      g_wait(b)
      if not first:
        s_wait(nb)
      s_start(q, b)
      if do_g:
        i_wait(nq)
        g_start(nq, nb)
      if do_i:
        i_start(j + 2, (q + 2) % 4)

    i_start(0, 0)
    i_start(1, 1)
    i_wait(0)
    g_start(0, 0)
    step(0, 0, first=True)
    step(1, 1)
    step(2, 2)
    step(3, 3)

    def outer(oi, carry):
      j0 = 4 + oi * 4
      for t in range(4):
        step(j0 + t, t)
      return carry

    lax.fori_loop(0, (nch - 8) // 4, outer, 0)
    step(nch - 4, 0)
    step(nch - 3, 1)
    step(nch - 2, 2, do_i=False)
    step(nch - 1, 3, do_g=False, do_i=False)
    s_wait(1)
    plsc.subcore_barrier()
    pltpu.sync_copy(agg_sh.at[pl.ds(s * rpt, rpt)],
                    out_hbm.at[pl.ds(c * nrows + s * rpt, rpt)])

  call = pl.kernel(
      body,
      out_type=jax.ShapeDtypeStruct((NCORES * nrows, f), jnp.float32),
      mesh=_mesh(),
      scratch_types=[
          pltpu.VMEM((4, 2, CHUNK), jnp.int32),
          pltpu.VMEM((CHUNK, f), jnp.float32),
          pltpu.VMEM((CHUNK, f), jnp.float32),
          pltpu.VMEM((LANES, f), jnp.float32),
          pltpu.SemaphoreType.DMA,
          pltpu.SemaphoreType.DMA,
          pltpu.SemaphoreType.DMA,
          pltpu.SemaphoreType.DMA,
          pltpu.SemaphoreType.DMA,
          pltpu.SemaphoreType.DMA,
          pltpu.SemaphoreType.DMA,
          pltpu.SemaphoreType.DMA,
          pltpu.VMEM_SHARED((nrows, f), jnp.float32),
      ],
      interpret=False,
  )
  return call(eidx, xs)


def _scale_kernel(x, degp, *, nrows, rb):
  n, f = x.shape

  def body(x_ref, d0_ref, d1_ref, o_ref):
    deg = d0_ref[0] + d1_ref[0] + 1.0
    o_ref[...] = x_ref[...] * lax.rsqrt(deg)

  return pl.pallas_call(
      body,
      grid=((n + rb - 1) // rb,),
      in_specs=[
          pl.BlockSpec((rb, f), lambda i: (i, 0)),
          pl.BlockSpec((1, rb, 1), lambda i: (0, i, 0)),
          pl.BlockSpec((1, rb, 1), lambda i: (1, i, 0)),
      ],
      out_specs=pl.BlockSpec((rb, f), lambda i: (i, 0)),
      out_shape=jax.ShapeDtypeStruct((n, f), jnp.float32),
      interpret=False,
  )(x, degp, degp)


def _head_kernel(aggp, xs, degp, W1, b1, W2, b2, *, nrows, rb):
  n, f = xs.shape
  h = W1.shape[1]
  c = W2.shape[1]

  def body(a0_ref, a1_ref, xs_ref, d0_ref, d1_ref, w1_ref, b1_ref, w2_ref,
           b2_ref, o_ref):
    t = a0_ref[0] + a1_ref[0] + xs_ref[...]
    dis = lax.rsqrt(d0_ref[0] + d1_ref[0] + 1.0)
    u = jnp.dot(t, w1_ref[...], preferred_element_type=jnp.float32)
    hid = jnp.maximum(u * dis + b1_ref[...], 0.0)
    logits = jnp.dot(hid, w2_ref[...],
                     preferred_element_type=jnp.float32) + b2_ref[...]
    m = jnp.max(logits, axis=1, keepdims=True)
    lse = m + jnp.log(jnp.sum(jnp.exp(logits - m), axis=1, keepdims=True))
    o_ref[...] = logits - lse

  return pl.pallas_call(
      body,
      grid=((n + rb - 1) // rb,),
      in_specs=[
          pl.BlockSpec((1, rb, f), lambda i: (0, i, 0)),
          pl.BlockSpec((1, rb, f), lambda i: (1, i, 0)),
          pl.BlockSpec((rb, f), lambda i: (i, 0)),
          pl.BlockSpec((1, rb, 1), lambda i: (0, i, 0)),
          pl.BlockSpec((1, rb, 1), lambda i: (1, i, 0)),
          pl.BlockSpec((f, h), lambda i: (0, 0)),
          pl.BlockSpec((1, h), lambda i: (0, 0)),
          pl.BlockSpec((h, c), lambda i: (0, 0)),
          pl.BlockSpec((1, c), lambda i: (0, 0)),
      ],
      out_specs=pl.BlockSpec((rb, c), lambda i: (i, 0)),
      out_shape=jax.ShapeDtypeStruct((n, c), jnp.float32),
      interpret=False,
  )(aggp, aggp, xs, degp, degp, W1, b1.reshape(1, h), W2, b2.reshape(1, c))


@jax.jit
def kernel(x, edge_index, W1, b1, W2, b2):
  n, f = x.shape
  e = edge_index.shape[1]
  nrows = _acc_rows(n)
  grain = NW * CHUNK * 4
  ep = ((e + grain - 1) // grain) * grain
  nch = ep // (NW * CHUNK)

  src = edge_index[0].astype(jnp.int32)
  dst = edge_index[1].astype(jnp.int32)
  pad_i = jnp.arange(ep - e, dtype=jnp.int32)
  src_p = jnp.concatenate([src, pad_i % n])
  dst_p = jnp.concatenate([dst, n + pad_i % (nrows - n)])
  eidx = jnp.stack([src_p.reshape(NW * nch, CHUNK),
                    dst_p.reshape(NW * nch, CHUNK)], axis=1)

  rb = nrows // 8
  degp = _deg_kernel(eidx, nrows=nrows, nch=nch).reshape(NCORES, nrows, 1)
  xs = _scale_kernel(x, degp, nrows=nrows, rb=rb)
  aggp = _agg_kernel(eidx, xs, nrows=nrows, nch=nch)
  aggp = aggp.reshape(NCORES, nrows, f)
  return _head_kernel(aggp, xs, degp, W1, b1, W2, b2, nrows=nrows, rb=rb)

# --- scband reference (transcript-rebuilt; emitter-appended) ---
"""Pipeline reference for scband-gcn1-layer-py-g-996432412809 (READ-ONLY COPY).

The authoritative reference and input builder live on the scoring server;
editing this copy changes nothing except your own understanding.
"""

import jax, jax.numpy as jnp
import numpy as np

N_NODES = 10000
N_EDGES = 320000
NFEAT = 128
NHID = 128
NCLASS = 40


def setup_inputs(seed: int = 0) -> dict:
    key = jax.random.key(seed)
    k1, k2, k3, k4, k5, k6 = jax.random.split(key, 6)
    x = jax.random.normal(k1, (N_NODES, NFEAT), dtype=jnp.float32)
    edge_index = jax.random.randint(k2, (2, N_EDGES), 0, N_NODES, dtype=jnp.int64)
    # GCNConv weight (lin, no bias) + conv bias, glorot-style init
    W1 = jax.random.normal(k3, (NFEAT, NHID), dtype=jnp.float32) * (1.0 / np.sqrt(NFEAT))
    b1 = jnp.zeros((NHID,), dtype=jnp.float32)
    # final Linear
    W2 = jax.random.normal(k4, (NHID, NCLASS), dtype=jnp.float32) * (1.0 / np.sqrt(NHID))
    b2 = jax.random.uniform(k5, (NCLASS,), dtype=jnp.float32, minval=-1.0 / np.sqrt(NHID), maxval=1.0 / np.sqrt(NHID))
    return {"x": x, "edge_index": edge_index, "W1": W1, "b1": b1, "W2": W2, "b2": b2}


def _gcn_conv(x, edge_index, W, b):
    # Faithful PyG GCNConv: add self-loops, symmetric normalization, lin -> propagate -> + bias
    N = x.shape[0]
    loop = jnp.arange(N, dtype=edge_index.dtype)
    src = jnp.concatenate([edge_index[0], loop])
    dst = jnp.concatenate([edge_index[1], loop])
    deg = jnp.zeros((N,), dtype=x.dtype).at[dst].add(1.0)
    deg_inv_sqrt = jnp.where(deg > 0, jax.lax.rsqrt(jnp.maximum(deg, 1e-12)), 0.0)
    norm = deg_inv_sqrt[src] * deg_inv_sqrt[dst]
    xw = x @ W
    msg = xw[src] * norm[:, None]
    out = jnp.zeros((N, W.shape[1]), dtype=x.dtype).at[dst].add(msg)
    return out + b


def reference(x, edge_index, W1, b1, W2, b2):
    x1 = jax.nn.relu(_gcn_conv(x, edge_index, W1, b1))
    logits = x1 @ W2 + b2
    return jax.nn.log_softmax(logits, axis=1)

if __name__ == "__main__":
    import jax
    _d = setup_inputs()
    print(jax.jit(kernel)(*tuple(_d.values())))

</pallas_src>

<mosaic_0001>
#map = affine_map<(d0, d1) -> (0, 0, 0)>
#map1 = affine_map<(d0, d1) -> (0)>
module attributes {stable_mosaic.version = 14 : i64} {
  func.func @body(%arg0: i32, %arg1: i32, %arg2: memref<2560x2x128xi32, #tpu.memory_space<hbm>>, %arg3: memref<20480xf32, #tpu.memory_space<hbm>>, %arg4: memref<4x128xi32, #tpu.memory_space<vmem>>, %arg5: memref<128xf32, #tpu.memory_space<vmem>>, %arg6: memref<640xf32, #tpu.memory_space<vmem>>, %arg7: memref<!tpu.dma_semaphore, #tpu.memory_space<semaphore_mem>>, %arg8: memref<!tpu.dma_semaphore, #tpu.memory_space<semaphore_mem>>, %arg9: memref<!tpu.dma_semaphore, #tpu.memory_space<semaphore_mem>>, %arg10: memref<!tpu.dma_semaphore, #tpu.memory_space<semaphore_mem>>, %arg11: memref<!tpu.dma_semaphore, #tpu.memory_space<semaphore_mem>>, %arg12: memref<!tpu.dma_semaphore, #tpu.memory_space<semaphore_mem>>, %arg13: memref<!tpu.dma_semaphore, #tpu.memory_space<semaphore_mem>>, %arg14: memref<!tpu.dma_semaphore, #tpu.memory_space<semaphore_mem>>, %arg15: memref<10240xf32, #tpu.memory_space<vmem_shared>>) attributes {dimension_semantics = [#tpu.dimension_semantics<core_parallel>, #tpu.dimension_semantics<subcore_parallel>], iteration_bounds = array<i64: 2, 16>, scalar_prefetch = 0 : i64, scratch_operands = 12 : i64, tpu.core_type = #tpu.core_type<sc_vector_subcore>, window_params = [{transform_indices = #map}, {transform_indices = #map1}]} {
    %broadcast_in_dim3A = arith.constant 1.000000e+00 : f32
    %broadcast_in_dim3A_0 = vector.broadcast %broadcast_in_dim3A : f32 to vector<16xf32>
    %broadcast_in_dim3A_1 = arith.constant 0.000000e+00 : f32
    %broadcast_in_dim3A_2 = vector.broadcast %broadcast_in_dim3A_1 : f32 to vector<16xf32>
    %swap3A = arith.constant 0 : index
    %swap3A_3 = tpu.vector_load %arg5[%swap3A] {strides = array<i32>} : memref<128xf32, #tpu.memory_space<vmem>>, vector<16xf32>,
    %swap3A_4 = vector.shape_cast %swap3A_3 : vector<16xf32> to vector<16xf32>
    %swap3A_5 = vector.shape_cast %broadcast_in_dim3A_0 : vector<16xf32> to vector<16xf32>
    tpu.vector_store %arg5[%swap3A], %swap3A_5 {strides = array<i32>} : memref<128xf32, #tpu.memory_space<vmem>>, vector<16xf32>,
    %swap3A_6 = arith.constant 16 : index
    %swap3A_7 = tpu.vector_load %arg5[%swap3A_6] {strides = array<i32>} : memref<128xf32, #tpu.memory_space<vmem>>, vector<16xf32>,
    %swap3A_8 = vector.shape_cast %swap3A_7 : vector<16xf32> to vector<16xf32>
    %swap3A_9 = vector.shape_cast %broadcast_in_dim3A_0 : vector<16xf32> to vector<16xf32>
    tpu.vector_store %arg5[%swap3A_6], %swap3A_9 {strides = array<i32>} : memref<128xf32, #tpu.memory_space<vmem>>, vector<16xf32>,
    %swap3A_10 = arith.constant 32 : index
    %swap3A_11 = tpu.vector_load %arg5[%swap3A_10] {strides = array<i32>} : memref<128xf32, #tpu.memory_space<vmem>>, vector<16xf32>,
    %swap3A_12 = vector.shape_cast %swap3A_11 : vector<16xf32> to vector<16xf32>
    %swap3A_13 = vector.shape_cast %broadcast_in_dim3A_0 : vector<16xf32> to vector<16xf32>
    tpu.vector_store %arg5[%swap3A_10], %swap3A_13 {strides = array<i32>} : memref<128xf32, #tpu.memory_space<vmem>>, vector<16xf32>,
    %swap3A_14 = arith.constant 48 : index
    %swap3A_15 = tpu.vector_load %arg5[%swap3A_14] {strides = array<i32>} : memref<128xf32, #tpu.memory_space<vmem>>, vector<16xf32>,
    %swap3A_16 = vector.shape_cast %swap3A_15 : vector<16xf32> to vector<16xf32>
    %swap3A_17 = vector.shape_cast %broadcast_in_dim3A_0 : vector<16xf32> to vector<16xf32>
    tpu.vector_store %arg5[%swap3A_14], %swap3A_17 {strides = array<i32>} : memref<128xf32, #tpu.memory_space<vmem>>, vector<16xf32>,
    %swap3A_18 = arith.constant 64 : index
    %swap3A_19 = tpu.vector_load %arg5[%swap3A_18] {strides = array<i32>} : memref<128xf32, #tpu.memory_space<vmem>>, vector<16xf32>,
    %swap3A_20 = vector.shape_cast %swap3A_19 : vector<16xf32> to vector<16xf32>
    %swap3A_21 = vector.shape_cast %broadcast_in_dim3A_0 : vector<16xf32> to vector<16xf32>
    tpu.vector_store %arg5[%swap3A_18], %swap3A_21 {strides = array<i32>} : memref<128xf32, #tpu.memory_space<vmem>>, vector<16xf32>,
    %swap3A_22 = arith.constant 80 : index
    %swap3A_23 = tpu.vector_load %arg5[%swap3A_22] {strides = array<i32>} : memref<128xf32, #tpu.memory_space<vmem>>, vector<16xf32>,
    %swap3A_24 = vector.shape_cast %swap3A_23 : vector<16xf32> to vector<16xf32>
    %swap3A_25 = vector.shape_cast %broadcast_in_dim3A_0 : vector<16xf32> to vector<16xf32>
    tpu.vector_store %arg5[%swap3A_22], %swap3A_25 {strides = array<i32>} : memref<128xf32, #tpu.memory_space<vmem>>, vector<16xf32>,
    %swap3A_26 = arith.constant 96 : index
    %swap3A_27 = tpu.vector_load %arg5[%swap3A_26] {strides = array<i32>} : memref<128xf32, #tpu.memory_space<vmem>>, vector<16xf32>,
    %swap3A_28 = vector.shape_cast %swap3A_27 : vector<16xf32> to vector<16xf32>
    %swap3A_29 = vector.shape_cast %broadcast_in_dim3A_0 : vector<16xf32> to vector<16xf32>
    tpu.vector_store %arg5[%swap3A_26], %swap3A_29 {strides = array<i32>} : memref<128xf32, #tpu.memory_space<vmem>>, vector<16xf32>,
    %swap3A_30 = arith.constant 112 : index
    %swap3A_31 = tpu.vector_load %arg5[%swap3A_30] {strides = array<i32>} : memref<128xf32, #tpu.memory_space<vmem>>, vector<16xf32>,
    %swap3A_32 = vector.shape_cast %swap3A_31 : vector<16xf32> to vector<16xf32>
    %swap3A_33 = vector.shape_cast %broadcast_in_dim3A_0 : vector<16xf32> to vector<16xf32>
    tpu.vector_store %arg5[%swap3A_30], %swap3A_33 {strides = array<i32>} : memref<128xf32, #tpu.memory_space<vmem>>, vector<16xf32>,
    %swap3A_34 = arith.constant 0 : index
    %swap3A_35 = tpu.vector_load %arg6[%swap3A_34] {strides = array<i32>} : memref<640xf32, #tpu.memory_space<vmem>>, vector<16xf32>,
    %swap3A_36 = vector.shape_cast %swap3A_35 : vector<16xf32> to vector<16xf32>
    %swap3A_37 = vector.shape_cast %broadcast_in_dim3A_2 : vector<16xf32> to vector<16xf32>
    tpu.vector_store %arg6[%swap3A_34], %swap3A_37 {strides = array<i32>} : memref<640xf32, #tpu.memory_space<vmem>>, vector<16xf32>,
    %swap3A_38 = arith.constant 16 : index
    %swap3A_39 = tpu.vector_load %arg6[%swap3A_38] {strides = array<i32>} : memref<640xf32, #tpu.memory_space<vmem>>, vector<16xf32>,
    %swap3A_40 = vector.shape_cast %swap3A_39 : vector<16xf32> to vector<16xf32>
    %swap3A_41 = vector.shape_cast %broadcast_in_dim3A_2 : vector<16xf32> to vector<16xf32>
    tpu.vector_store %arg6[%swap3A_38], %swap3A_41 {strides = array<i32>} : memref<640xf32, #tpu.memory_space<vmem>>, vector<16xf32>,
    %swap3A_42 = arith.constant 32 : index
    %swap3A_43 = tpu.vector_load %arg6[%swap3A_42] {strides = array<i32>} : memref<640xf32, #tpu.memory_space<vmem>>, vector<16xf32>,
    %swap3A_44 = vector.shape_cast %swap3A_43 : vector<16xf32> to vector<16xf32>
    %swap3A_45 = vector.shape_cast %broadcast_in_dim3A_2 : vector<16xf32> to vector<16xf32>
    tpu.vector_store %arg6[%swap3A_42], %swap3A_45 {strides = array<i32>} : memref<640xf32, #tpu.memory_space<vmem>>, vector<16xf32>,
    %swap3A_46 = arith.constant 48 : index
    %swap3A_47 = tpu.vector_load %arg6[%swap3A_46] {strides = array<i32>} : memref<640xf32, #tpu.memory_space<vmem>>, vector<16xf32>,
    %swap3A_48 = vector.shape_cast %swap3A_47 : vector<16xf32> to vector<16xf32>
    %swap3A_49 = vector.shape_cast %broadcast_in_dim3A_2 : vector<16xf32> to vector<16xf32>
    tpu.vector_store %arg6[%swap3A_46], %swap3A_49 {strides = array<i32>} : memref<640xf32, #tpu.memory_space<vmem>>, vector<16xf32>,
    %swap3A_50 = arith.constant 64 : index
    %swap3A_51 = tpu.vector_load %arg6[%swap3A_50] {strides = array<i32>} : memref<640xf32, #tpu.memory_space<vmem>>, vector<16xf32>,
    %swap3A_52 = vector.shape_cast %swap3A_51 : vector<16xf32> to vector<16xf32>
    %swap3A_53 = vector.shape_cast %broadcast_in_dim3A_2 : vector<16xf32> to vector<16xf32>
    tpu.vector_store %arg6[%swap3A_50], %swap3A_53 {strides = array<i32>} : memref<640xf32, #tpu.memory_space<vmem>>, vector<16xf32>,
    %swap3A_54 = arith.constant 80 : index
    %swap3A_55 = tpu.vector_load %arg6[%swap3A_54] {strides = array<i32>} : memref<640xf32, #tpu.memory_space<vmem>>, vector<16xf32>,
    %swap3A_56 = vector.shape_cast %swap3A_55 : vector<16xf32> to vector<16xf32>
    %swap3A_57 = vector.shape_cast %broadcast_in_dim3A_2 : vector<16xf32> to vector<16xf32>
    tpu.vector_store %arg6[%swap3A_54], %swap3A_57 {strides = array<i32>} : memref<640xf32, #tpu.memory_space<vmem>>, vector<16xf32>,
    %swap3A_58 = arith.constant 96 : index
    %swap3A_59 = tpu.vector_load %arg6[%swap3A_58] {strides = array<i32>} : memref<640xf32, #tpu.memory_space<vmem>>, vector<16xf32>,
    %swap3A_60 = vector.shape_cast %swap3A_59 : vector<16xf32> to vector<16xf32>
    %swap3A_61 = vector.shape_cast %broadcast_in_dim3A_2 : vector<16xf32> to vector<16xf32>
    tpu.vector_store %arg6[%swap3A_58], %swap3A_61 {strides = array<i32>} : memref<640xf32, #tpu.memory_space<vmem>>, vector<16xf32>,
    %swap3A_62 = arith.constant 112 : index
    %swap3A_63 = tpu.vector_load %arg6[%swap3A_62] {strides = array<i32>} : memref<640xf32, #tpu.memory_space<vmem>>, vector<16xf32>,
    %swap3A_64 = vector.shape_cast %swap3A_63 : vector<16xf32> to vector<16xf32>
    %swap3A_65 = vector.shape_cast %broadcast_in_dim3A_2 : vector<16xf32> to vector<16xf32>
    tpu.vector_store %arg6[%swap3A_62], %swap3A_65 {strides = array<i32>} : memref<640xf32, #tpu.memory_space<vmem>>, vector<16xf32>,
    %swap3A_66 = arith.constant 128 : index
    %swap3A_67 = tpu.vector_load %arg6[%swap3A_66] {strides = array<i32>} : memref<640xf32, #tpu.memory_space<vmem>>, vector<16xf32>,
    %swap3A_68 = vector.shape_cast %swap3A_67 : vector<16xf32> to vector<16xf32>
    %swap3A_69 = vector.shape_cast %broadcast_in_dim3A_2 : vector<16xf32> to vector<16xf32>
    tpu.vector_store %arg6[%swap3A_66], %swap3A_69 {strides = array<i32>} : memref<640xf32, #tpu.memory_space<vmem>>, vector<16xf32>,
    %swap3A_70 = arith.constant 144 : index
    %swap3A_71 = tpu.vector_load %arg6[%swap3A_70] {strides = array<i32>} : memref<640xf32, #tpu.memory_space<vmem>>, vector<16xf32>,
    %swap3A_72 = vector.shape_cast %swap3A_71 : vector<16xf32> to vector<16xf32>
    %swap3A_73 = vector.shape_cast %broadcast_in_dim3A_2 : vector<16xf32> to vector<16xf32>
    tpu.vector_store %arg6[%swap3A_70], %swap3A_73 {strides = array<i32>} : memref<640xf32, #tpu.memory_space<vmem>>, vector<16xf32>,
    %swap3A_74 = arith.constant 160 : index
    %swap3A_75 = tpu.vector_load %arg6[%swap3A_74] {strides = array<i32>} : memref<640xf32, #tpu.memory_space<vmem>>, vector<16xf32>,
    %swap3A_76 = vector.shape_cast %swap3A_75 : vector<16xf32> to vector<16xf32>
    %swap3A_77 = vector.shape_cast %broadcast_in_dim3A_2 : vector<16xf32> to vector<16xf32>
    tpu.vector_store %arg6[%swap3A_74], %swap3A_77 {strides = array<i32>} : memref<640xf32, #tpu.memory_space<vmem>>, vector<16xf32>,
    %swap3A_78 = arith.constant 176 : index
    %swap3A_79 = tpu.vector_load %arg6[%swap3A_78] {strides = array<i32>} : memref<640xf32, #tpu.memory_space<vmem>>, vector<16xf32>,
    %swap3A_80 = vector.shape_cast %swap3A_79 : vector<16xf32> to vector<16xf32>
    %swap3A_81 = vector.shape_cast %broadcast_in_dim3A_2 : vector<16xf32> to vector<16xf32>
    tpu.vector_store %arg6[%swap3A_78], %swap3A_81 {strides = array<i32>} : memref<640xf32, #tpu.memory_space<vmem>>, vector<16xf32>,
    %swap3A_82 = arith.constant 192 : index
    %swap3A_83 = tpu.vector_load %arg6[%swap3A_82] {strides = array<i32>} : memref<640xf32, #tpu.memory_space<vmem>>, vector<16xf32>,
    %swap3A_84 = vector.shape_cast %swap3A_83 : vector<16xf32> to vector<16xf32>
    %swap3A_85 = vector.shape_cast %broadcast_in_dim3A_2 : vector<16xf32> to vector<16xf32>
    tpu.vector_store %arg6[%swap3A_82], %swap3A_85 {strides = array<i32>} : memref<640xf32, #tpu.memory_space<vmem>>, vector<16xf32>,
    %swap3A_86 = arith.constant 208 : index
    %swap3A_87 = tpu.vector_load %arg6[%swap3A_86] {strides = array<i32>} : memref<640xf32, #tpu.memory_space<vmem>>, vector<16xf32>,
    %swap3A_88 = vector.shape_cast %swap3A_87 : vector<16xf32> to vector<16xf32>
    %swap3A_89 = vector.shape_cast %broadcast_in_dim3A_2 : vector<16xf32> to vector<16xf32>
    tpu.vector_store %arg6[%swap3A_86], %swap3A_89 {strides = array<i32>} : memref<640xf32, #tpu.memory_space<vmem>>, vector<16xf32>,
    %swap3A_90 = arith.constant 224 : index
    %swap3A_91 = tpu.vector_load %arg6[%swap3A_90] {strides = array<i32>} : memref<640xf32, #tpu.memory_space<vmem>>, vector<16xf32>,
    %swap3A_92 = vector.shape_cast %swap3A_91 : vector<16xf32> to vector<16xf32>
    %swap3A_93 = vector.shape_cast %broadcast_in_dim3A_2 : vector<16xf32> to vector<16xf32>
    tpu.vector_store %arg6[%swap3A_90], %swap3A_93 {strides = array<i32>} : memref<640xf32, #tpu.memory_space<vmem>>, vector<16xf32>,
    %swap3A_94 = arith.constant 240 : index
    %swap3A_95 = tpu.vector_load %arg6[%swap3A_94] {strides = array<i32>} : memref<640xf32, #tpu.memory_space<vmem>>, vector<16xf32>,
    %swap3A_96 = vector.shape_cast %swap3A_95 : vector<16xf32> to vector<16xf32>
    %swap3A_97 = vector.shape_cast %broadcast_in_dim3A_2 : vector<16xf32> to vector<16xf32>
    tpu.vector_store %arg6[%swap3A_94], %swap3A_97 {strides = array<i32>} : memref<640xf32, #tpu.memory_space<vmem>>, vector<16xf32>,
    %swap3A_98 = arith.constant 256 : index
    %swap3A_99 = tpu.vector_load %arg6[%swap3A_98] {strides = array<i32>} : memref<640xf32, #tpu.memory_space<vmem>>, vector<16xf32>,
    %swap3A_100 = vector.shape_cast %swap3A_99 : vector<16xf32> to vector<16xf32>
    %swap3A_101 = vector.shape_cast %broadcast_in_dim3A_2 : vector<16xf32> to vector<16xf32>
    tpu.vector_store %arg6[%swap3A_98], %swap3A_101 {strides = array<i32>} : memref<640xf32, #tpu.memory_space<vmem>>, vector<16xf32>,
    %swap3A_102 = arith.constant 272 : index
    %swap3A_103 = tpu.vector_load %arg6[%swap3A_102] {strides = array<i32>} : memref<640xf32, #tpu.memory_space<vmem>>, vector<16xf32>,
    %swap3A_104 = vector.shape_cast %swap3A_103 : vector<16xf32> to vector<16xf32>
    %swap3A_105 = vector.shape_cast %broadcast_in_dim3A_2 : vector<16xf32> to vector<16xf32>
    tpu.vector_store %arg6[%swap3A_102], %swap3A_105 {strides = array<i32>} : memref<640xf32, #tpu.memory_space<vmem>>, vector<16xf32>,
    %swap3A_106 = arith.constant 288 : index
    %swap3A_107 = tpu.vector_load %arg6[%swap3A_106] {strides = array<i32>} : memref<640xf32, #tpu.memory_space<vmem>>, vector<16xf32>,
    %swap3A_108 = vector.shape_cast %swap3A_107 : vector<16xf32> to vector<16xf32>
    %swap3A_109 = vector.shape_cast %broadcast_in_dim3A_2 : vector<16xf32> to vector<16xf32>
    tpu.vector_store %arg6[%swap3A_106], %swap3A_109 {strides = array<i32>} : memref<640xf32, #tpu.memory_space<vmem>>, vector<16xf32>,
    %swap3A_110 = arith.constant 304 : index
    %swap3A_111 = tpu.vector_load %arg6[%swap3A_110] {strides = array<i32>} : memref<640xf32, #tpu.memory_space<vmem>>, vector<16xf32>,
    %swap3A_112 = vector.shape_cast %swap3A_111 : vector<16xf32> to vector<16xf32>
    %swap3A_113 = vector.shape_cast %broadcast_in_dim3A_2 : vector<16xf32> to vector<16xf32>
    tpu.vector_store %arg6[%swap3A_110], %swap3A_113 {strides = array<i32>} : memref<640xf32, #tpu.memory_space<vmem>>, vector<16xf32>,
    %swap3A_114 = arith.constant 320 : index
    %swap3A_115 = tpu.vector_load %arg6[%swap3A_114] {strides = array<i32>} : memref<640xf32, #tpu.memory_space<vmem>>, vector<16xf32>,
    %swap3A_116 = vector.shape_cast %swap3A_115 : vector<16xf32> to vector<16xf32>
    %swap3A_117 = vector.shape_cast %broadcast_in_dim3A_2 : vector<16xf32> to vector<16xf32>
    tpu.vector_store %arg6[%swap3A_114], %swap3A_117 {strides = array<i32>} : memref<640xf32, #tpu.memory_space<vmem>>, vector<16xf32>,
    %swap3A_118 = arith.constant 336 : index
    %swap3A_119 = tpu.vector_load %arg6[%swap3A_118] {strides = array<i32>} : memref<640xf32, #tpu.memory_space<vmem>>, vector<16xf32>,
    %swap3A_120 = vector.shape_cast %swap3A_119 : vector<16xf32> to vector<16xf32>
    %swap3A_121 = vector.shape_cast %broadcast_in_dim3A_2 : vector<16xf32> to vector<16xf32>
    tpu.vector_store %arg6[%swap3A_118], %swap3A_121 {strides = array<i32>} : memref<640xf32, #tpu.memory_space<vmem>>, vector<16xf32>,
    %swap3A_122 = arith.constant 352 : index
    %swap3A_123 = tpu.vector_load %arg6[%swap3A_122] {strides = array<i32>} : memref<640xf32, #tpu.memory_space<vmem>>, vector<16xf32>,
    %swap3A_124 = vector.shape_cast %swap3A_123 : vector<16xf32> to vector<16xf32>
    %swap3A_125 = vector.shape_cast %broadcast_in_dim3A_2 : vector<16xf32> to vector<16xf32>
    tpu.vector_store %arg6[%swap3A_122], %swap3A_125 {strides = array<i32>} : memref<640xf32, #tpu.memory_space<vmem>>, vector<16xf32>,
    %swap3A_126 = arith.constant 368 : index
    %swap3A_127 = tpu.vector_load %arg6[%swap3A_126] {strides = array<i32>} : memref<640xf32, #tpu.memory_space<vmem>>, vector<16xf32>,
    %swap3A_128 = vector.shape_cast %swap3A_127 : vector<16xf32> to vector<16xf32>
    %swap3A_129 = vector.shape_cast %broadcast_in_dim3A_2 : vector<16xf32> to vector<16xf32>
    tpu.vector_store %arg6[%swap3A_126], %swap3A_129 {strides = array<i32>} : memref<640xf32, #tpu.memory_space<vmem>>, vector<16xf32>,
    %swap3A_130 = arith.constant 384 : index
    %swap3A_131 = tpu.vector_load %arg6[%swap3A_130] {strides = array<i32>} : memref<640xf32, #tpu.memory_space<vmem>>, vector<16xf32>,
    %swap3A_132 = vector.shape_cast %swap3A_131 : vector<16xf32> to vector<16xf32>
    %swap3A_133 = vector.shape_cast %broadcast_in_dim3A_2 : vector<16xf32> to vector<16xf32>
    tpu.vector_store %arg6[%swap3A_130], %swap3A_133 {strides = array<i32>} : memref<640xf32, #tpu.memory_space<vmem>>, vector<16xf32>,
    %swap3A_134 = arith.constant 400 : index
    %swap3A_135 = tpu.vector_load %arg6[%swap3A_134] {strides = array<i32>} : memref<640xf32, #tpu.memory_space<vmem>>, vector<16xf32>,
    %swap3A_136 = vector.shape_cast %swap3A_135 : vector<16xf32> to vector<16xf32>
    %swap3A_137 = vector.shape_cast %broadcast_in_dim3A_2 : vector<16xf32> to vector<16xf32>
    tpu.vector_store %arg6[%swap3A_134], %swap3A_137 {strides = array<i32>} : memref<640xf32, #tpu.memory_space<vmem>>, vector<16xf32>,
    %swap3A_138 = arith.constant 416 : index
    %swap3A_139 = tpu.vector_load %arg6[%swap3A_138] {strides = array<i32>} : memref<640xf32, #tpu.memory_space<vmem>>, vector<16xf32>,
    %swap3A_140 = vector.shape_cast %swap3A_139 : vector<16xf32> to vector<16xf32>
    %swap3A_141 = vector.shape_cast %broadcast_in_dim3A_2 : vector<16xf32> to vector<16xf32>
    tpu.vector_store %arg6[%swap3A_138], %swap3A_141 {strides = array<i32>} : memref<640xf32, #tpu.memory_space<vmem>>, vector<16xf32>,
    %swap3A_142 = arith.constant 432 : index
    %swap3A_143 = tpu.vector_load %arg6[%swap3A_142] {strides = array<i32>} : memref<640xf32, #tpu.memory_space<vmem>>, vector<16xf32>,
    %swap3A_144 = vector.shape_cast %swap3A_143 : vector<16xf32> to vector<16xf32>
    %swap3A_145 = vector.shape_cast %broadcast_in_dim3A_2 : vector<16xf32> to vector<16xf32>
    tpu.vector_store %arg6[%swap3A_142], %swap3A_145 {strides = array<i32>} : memref<640xf32, #tpu.memory_space<vmem>>, vector<16xf32>,
    %swap3A_146 = arith.constant 448 : index
    %swap3A_147 = tpu.vector_load %arg6[%swap3A_146] {strides = array<i32>} : memref<640xf32, #tpu.memory_space<vmem>>, vector<16xf32>,
    %swap3A_148 = vector.shape_cast %swap3A_147 : vector<16xf32> to vector<16xf32>
    %swap3A_149 = vector.shape_cast %broadcast_in_dim3A_2 : vector<16xf32> to vector<16xf32>
    tpu.vector_store %arg6[%swap3A_146], %swap3A_149 {strides = array<i32>} : memref<640xf32, #tpu.memory_space<vmem>>, vector<16xf32>,
    %swap3A_150 = arith.constant 464 : index
    %swap3A_151 = tpu.vector_load %arg6[%swap3A_150] {strides = array<i32>} : memref<640xf32, #tpu.memory_space<vmem>>, vector<16xf32>,
    %swap3A_152 = vector.shape_cast %swap3A_151 : vector<16xf32> to vector<16xf32>
    %swap3A_153 = vector.shape_cast %broadcast_in_dim3A_2 : vector<16xf32> to vector<16xf32>
    tpu.vector_store %arg6[%swap3A_150], %swap3A_153 {strides = array<i32>} : memref<640xf32, #tpu.memory_space<vmem>>, vector<16xf32>,
    %swap3A_154 = arith.constant 480 : index
    %swap3A_155 = tpu.vector_load %arg6[%swap3A_154] {strides = array<i32>} : memref<640xf32, #tpu.memory_space<vmem>>, vector<16xf32>,
    %swap3A_156 = vector.shape_cast %swap3A_155 : vector<16xf32> to vector<16xf32>
    %swap3A_157 = vector.shape_cast %broadcast_in_dim3A_2 : vector<16xf32> to vector<16xf32>
    tpu.vector_store %arg6[%swap3A_154], %swap3A_157 {strides = array<i32>} : memref<640xf32, #tpu.memory_space<vmem>>, vector<16xf32>,
    %swap3A_158 = arith.constant 496 : index
    %swap3A_159 = tpu.vector_load %arg6[%swap3A_158] {strides = array<i32>} : memref<640xf32, #tpu.memory_space<vmem>>, vector<16xf32>,
    %swap3A_160 = vector.shape_cast %swap3A_159 : vector<16xf32> to vector<16xf32>
    %swap3A_161 = vector.shape_cast %broadcast_in_dim3A_2 : vector<16xf32> to vector<16xf32>
    tpu.vector_store %arg6[%swap3A_158], %swap3A_161 {strides = array<i32>} : memref<640xf32, #tpu.memory_space<vmem>>, vector<16xf32>,
    %swap3A_162 = arith.constant 512 : index
    %swap3A_163 = tpu.vector_load %arg6[%swap3A_162] {strides = array<i32>} : memref<640xf32, #tpu.memory_space<vmem>>, vector<16xf32>,
    %swap3A_164 = vector.shape_cast %swap3A_163 : vector<16xf32> to vector<16xf32>
    %swap3A_165 = vector.shape_cast %broadcast_in_dim3A_2 : vector<16xf32> to vector<16xf32>
    tpu.vector_store %arg6[%swap3A_162], %swap3A_165 {strides = array<i32>} : memref<640xf32, #tpu.memory_space<vmem>>, vector<16xf32>,
    %swap3A_166 = arith.constant 528 : index
    %swap3A_167 = tpu.vector_load %arg6[%swap3A_166] {strides = array<i32>} : memref<640xf32, #tpu.memory_space<vmem>>, vector<16xf32>,
    %swap3A_168 = vector.shape_cast %swap3A_167 : vector<16xf32> to vector<16xf32>
    %swap3A_169 = vector.shape_cast %broadcast_in_dim3A_2 : vector<16xf32> to vector<16xf32>
    tpu.vector_store %arg6[%swap3A_166], %swap3A_169 {strides = array<i32>} : memref<640xf32, #tpu.memory_space<vmem>>, vector<16xf32>,
    %swap3A_170 = arith.constant 544 : index
    %swap3A_171 = tpu.vector_load %arg6[%swap3A_170] {strides = array<i32>} : memref<640xf32, #tpu.memory_space<vmem>>, vector<16xf32>,
    %swap3A_172 = vector.shape_cast %swap3A_171 : vector<16xf32> to vector<16xf32>
    %swap3A_173 = vector.shape_cast %broadcast_in_dim3A_2 : vector<16xf32> to vector<16xf32>
    tpu.vector_store %arg6[%swap3A_170], %swap3A_173 {strides = array<i32>} : memref<640xf32, #tpu.memory_space<vmem>>, vector<16xf32>,
    %swap3A_174 = arith.constant 560 : index
    %swap3A_175 = tpu.vector_load %arg6[%swap3A_174] {strides = array<i32>} : memref<640xf32, #tpu.memory_space<vmem>>, vector<16xf32>,
    %swap3A_176 = vector.shape_cast %swap3A_175 : vector<16xf32> to vector<16xf32>
    %swap3A_177 = vector.shape_cast %broadcast_in_dim3A_2 : vector<16xf32> to vector<16xf32>
    tpu.vector_store %arg6[%swap3A_174], %swap3A_177 {strides = array<i32>} : memref<640xf32, #tpu.memory_space<vmem>>, vector<16xf32>,
    %swap3A_178 = arith.constant 576 : index
    %swap3A_179 = tpu.vector_load %arg6[%swap3A_178] {strides = array<i32>} : memref<640xf32, #tpu.memory_space<vmem>>, vector<16xf32>,
    %swap3A_180 = vector.shape_cast %swap3A_179 : vector<16xf32> to vector<16xf32>
    %swap3A_181 = vector.shape_cast %broadcast_in_dim3A_2 : vector<16xf32> to vector<16xf32>
    tpu.vector_store %arg6[%swap3A_178], %swap3A_181 {strides = array<i32>} : memref<640xf32, #tpu.memory_space<vmem>>, vector<16xf32>,
    %swap3A_182 = arith.constant 592 : index
    %swap3A_183 = tpu.vector_load %arg6[%swap3A_182] {strides = array<i32>} : memref<640xf32, #tpu.memory_space<vmem>>, vector<16xf32>,
    %swap3A_184 = vector.shape_cast %swap3A_183 : vector<16xf32> to vector<16xf32>
    %swap3A_185 = vector.shape_cast %broadcast_in_dim3A_2 : vector<16xf32> to vector<16xf32>
    tpu.vector_store %arg6[%swap3A_182], %swap3A_185 {strides = array<i32>} : memref<640xf32, #tpu.memory_space<vmem>>, vector<16xf32>,
    %swap3A_186 = arith.constant 608 : index
    %swap3A_187 = tpu.vector_load %arg6[%swap3A_186] {strides = array<i32>} : memref<640xf32, #tpu.memory_space<vmem>>, vector<16xf32>,
    %swap3A_188 = vector.shape_cast %swap3A_187 : vector<16xf32> to vector<16xf32>
    %swap3A_189 = vector.shape_cast %broadcast_in_dim3A_2 : vector<16xf32> to vector<16xf32>
    tpu.vector_store %arg6[%swap3A_186], %swap3A_189 {strides = array<i32>} : memref<640xf32, #tpu.memory_space<vmem>>, vector<16xf32>,
    %swap3A_190 = arith.constant 624 : index
    %swap3A_191 = tpu.vector_load %arg6[%swap3A_190] {strides = array<i32>} : memref<640xf32, #tpu.memory_space<vmem>>, vector<16xf32>,
    %swap3A_192 = vector.shape_cast %swap3A_191 : vector<16xf32> to vector<16xf32>
    %swap3A_193 = vector.shape_cast %broadcast_in_dim3A_2 : vector<16xf32> to vector<16xf32>
    tpu.vector_store %arg6[%swap3A_190], %swap3A_193 {strides = array<i32>} : memref<640xf32, #tpu.memory_space<vmem>>, vector<16xf32>,
    %mul3A = arith.constant 640 : i32
    %mul3A_194 = arith.muli %arg1, %mul3A : i32
    "tpu.region"() ({
      %run_scoped3A = tpu.sem_alloc : memref<!tpu.dma_semaphore, #tpu.memory_space<semaphore_mem>>
      %dma_start3A_546 = tpu.memref_slice %arg15[%mul3A_194] : memref<10240xf32, #tpu.memory_space<vmem_shared>> -> memref<640xf32, #tpu.memory_space<vmem_shared>>
      %dma_start3A_547 = tpu.memref_slice %arg15[%mul3A_194] : memref<10240xf32, #tpu.memory_space<vmem_shared>> -> memref<640xf32, #tpu.memory_space<vmem_shared>>
      tpu.enqueue_dma source(%arg6 : memref<640xf32, #tpu.memory_space<vmem>>) target(%dma_start3A_547 : memref<640xf32, #tpu.memory_space<vmem_shared>>) target_semaphore(%run_scoped3A : memref<!tpu.dma_semaphore, #tpu.memory_space<semaphore_mem>>)
      %dma_wait3A_548 = tpu.memref_slice %arg15[%mul3A_194] : memref<10240xf32, #tpu.memory_space<vmem_shared>> -> memref<640xf32, #tpu.memory_space<vmem_shared>>
      %dma_wait3A_549 = tpu.memref_slice %arg15[%mul3A_194] : memref<10240xf32, #tpu.memory_space<vmem_shared>> -> memref<640xf32, #tpu.memory_space<vmem_shared>>
      tpu.wait_dma2 semaphore(%run_scoped3A : memref<!tpu.dma_semaphore, #tpu.memory_space<semaphore_mem>>) src(%arg6 : memref<640xf32, #tpu.memory_space<vmem>>) dst(%dma_wait3A_549 : memref<640xf32, #tpu.memory_space<vmem_shared>>)
      tpu.yield
    }) : () -> ()
    %barrier3A = arith.constant 0 : index
    tpu.barrier barrier_id(%barrier3A)
    %mul3A_195 = arith.constant 16 : i32
    %mul3A_196 = arith.muli %arg0, %mul3A_195 : i32
    %add3A = arith.addi %mul3A_196, %arg1 : i32
    %mul3A_197 = arith.constant 80 : i32
    %mul3A_198 = arith.muli %add3A, %mul3A_197 : i32
    %add3A_199 = arith.constant 0 : i32
    %add3A_200 = arith.addi %mul3A_198, %add3A_199 : i32
    %dma_start3A = arith.constant 1 : i32
    %dma_start3A_201 = arith.constant 0 : i32
    %dma_start3A_202 = arith.constant 0 : i32
    %dma_start3A_203 = tpu.memref_slice %arg4[%dma_start3A_201, %dma_start3A_202] : memref<4x128xi32, #tpu.memory_space<vmem>> -> memref<1x128xi32, #tpu.memory_space<vmem>>
    %dma_start3A_204 = tpu.memref_squeeze %dma_start3A_203 : memref<1x128xi32, #tpu.memory_space<vmem>> -> memref<128xi32, #tpu.memory_space<vmem>>
    %dma_start3A_205 = arith.constant 0 : i32
    %dma_start3A_206 = tpu.memref_slice %arg2[%add3A_200, %dma_start3A, %dma_start3A_205] : memref<2560x2x128xi32, #tpu.memory_space<hbm>> -> memref<1x1x128xi32, #tpu.memory_space<hbm>>
    %dma_start3A_207 = tpu.memref_squeeze %dma_start3A_206 : memref<1x1x128xi32, #tpu.memory_space<hbm>> -> memref<128xi32, #tpu.memory_space<hbm>>
    %dma_start3A_208 = arith.constant 0 : i32
    %dma_start3A_209 = tpu.memref_slice %arg4[%dma_start3A_201, %dma_start3A_208] : memref<4x128xi32, #tpu.memory_space<vmem>> -> memref<1x128xi32, #tpu.memory_space<vmem>>
    %dma_start3A_210 = tpu.memref_squeeze %dma_start3A_209 : memref<1x128xi32, #tpu.memory_space<vmem>> -> memref<128xi32, #tpu.memory_space<vmem>>
    %dma_start3A_211 = arith.constant 0 : i32
    %dma_start3A_212 = tpu.memref_slice %arg2[%add3A_200, %dma_start3A, %dma_start3A_211] : memref<2560x2x128xi32, #tpu.memory_space<hbm>> -> memref<1x1x128xi32, #tpu.memory_space<hbm>>
    %dma_start3A_213 = tpu.memref_squeeze %dma_start3A_212 : memref<1x1x128xi32, #tpu.memory_space<hbm>> -> memref<128xi32, #tpu.memory_space<hbm>>
    tpu.enqueue_dma source(%dma_start3A_213 : memref<128xi32, #tpu.memory_space<hbm>>) target(%dma_start3A_210 : memref<128xi32, #tpu.memory_space<vmem>>) target_semaphore(%arg7 : memref<!tpu.dma_semaphore, #tpu.memory_space<semaphore_mem>>)
    %add3A_214 = arith.constant 1 : i32
    %add3A_215 = arith.addi %mul3A_198, %add3A_214 : i32
    %dma_start3A_216 = arith.constant 1 : i32
    %dma_start3A_217 = arith.constant 1 : i32
    %dma_start3A_218 = arith.constant 0 : i32
    %dma_start3A_219 = tpu.memref_slice %arg4[%dma_start3A_217, %dma_start3A_218] : memref<4x128xi32, #tpu.memory_space<vmem>> -> memref<1x128xi32, #tpu.memory_space<vmem>>
    %dma_start3A_220 = tpu.memref_squeeze %dma_start3A_219 : memref<1x128xi32, #tpu.memory_space<vmem>> -> memref<128xi32, #tpu.memory_space<vmem>>
    %dma_start3A_221 = arith.constant 0 : i32
    %dma_start3A_222 = tpu.memref_slice %arg2[%add3A_215, %dma_start3A_216, %dma_start3A_221] : memref<2560x2x128xi32, #tpu.memory_space<hbm>> -> memref<1x1x128xi32, #tpu.memory_space<hbm>>
    %dma_start3A_223 = tpu.memref_squeeze %dma_start3A_222 : memref<1x1x128xi32, #tpu.memory_space<hbm>> -> memref<128xi32, #tpu.memory_space<hbm>>
    %dma_start3A_224 = arith.constant 0 : i32
    %dma_start3A_225 = tpu.memref_slice %arg4[%dma_start3A_217, %dma_start3A_224] : memref<4x128xi32, #tpu.memory_space<vmem>> -> memref<1x128xi32, #tpu.memory_space<vmem>>
    %dma_start3A_226 = tpu.memref_squeeze %dma_start3A_225 : memref<1x128xi32, #tpu.memory_space<vmem>> -> memref<128xi32, #tpu.memory_space<vmem>>
    %dma_start3A_227 = arith.constant 0 : i32
    %dma_start3A_228 = tpu.memref_slice %arg2[%add3A_215, %dma_start3A_216, %dma_start3A_227] : memref<2560x2x128xi32, #tpu.memory_space<hbm>> -> memref<1x1x128xi32, #tpu.memory_space<hbm>>
    %dma_start3A_229 = tpu.memref_squeeze %dma_start3A_228 : memref<1x1x128xi32, #tpu.memory_space<hbm>> -> memref<128xi32, #tpu.memory_space<hbm>>
    tpu.enqueue_dma source(%dma_start3A_229 : memref<128xi32, #tpu.memory_space<hbm>>) target(%dma_start3A_226 : memref<128xi32, #tpu.memory_space<vmem>>) target_semaphore(%arg8 : memref<!tpu.dma_semaphore, #tpu.memory_space<semaphore_mem>>)
    %dma_wait3A = arith.constant 1 : i32
    %dma_wait3A_230 = arith.constant 0 : i32
    %dma_wait3A_231 = arith.constant 0 : i32
    %dma_wait3A_232 = tpu.memref_slice %arg4[%dma_wait3A_230, %dma_wait3A_231] : memref<4x128xi32, #tpu.memory_space<vmem>> -> memref<1x128xi32, #tpu.memory_space<vmem>>
    %dma_wait3A_233 = tpu.memref_squeeze %dma_wait3A_232 : memref<1x128xi32, #tpu.memory_space<vmem>> -> memref<128xi32, #tpu.memory_space<vmem>>
    %dma_wait3A_234 = arith.constant 0 : i32
    %dma_wait3A_235 = tpu.memref_slice %arg2[%mul3A_198, %dma_wait3A, %dma_wait3A_234] : memref<2560x2x128xi32, #tpu.memory_space<hbm>> -> memref<1x1x128xi32, #tpu.memory_space<hbm>>
    %dma_wait3A_236 = tpu.memref_squeeze %dma_wait3A_235 : memref<1x1x128xi32, #tpu.memory_space<hbm>> -> memref<128xi32, #tpu.memory_space<hbm>>
    %dma_wait3A_237 = arith.constant 0 : i32
    %dma_wait3A_238 = tpu.memref_slice %arg4[%dma_wait3A_230, %dma_wait3A_237] : memref<4x128xi32, #tpu.memory_space<vmem>> -> memref<1x128xi32, #tpu.memory_space<vmem>>
    %dma_wait3A_239 = tpu.memref_squeeze %dma_wait3A_238 : memref<1x128xi32, #tpu.memory_space<vmem>> -> memref<128xi32, #tpu.memory_space<vmem>>
    %dma_wait3A_240 = arith.constant 0 : i32
    %dma_wait3A_241 = tpu.memref_slice %arg2[%mul3A_198, %dma_wait3A, %dma_wait3A_240] : memref<2560x2x128xi32, #tpu.memory_space<hbm>> -> memref<1x1x128xi32, #tpu.memory_space<hbm>>
    %dma_wait3A_242 = tpu.memref_squeeze %dma_wait3A_241 : memref<1x1x128xi32, #tpu.memory_space<hbm>> -> memref<128xi32, #tpu.memory_space<hbm>>
    tpu.wait_dma2 semaphore(%arg7 : memref<!tpu.dma_semaphore, #tpu.memory_space<semaphore_mem>>) src(%dma_wait3A_242 : memref<128xi32, #tpu.memory_space<hbm>>) dst(%dma_wait3A_239 : memref<128xi32, #tpu.memory_space<vmem>>)
    %dma_start3A_243 = arith.constant 0 : i32
    %dma_start3A_244 = arith.constant 0 : i32
    %dma_start3A_245 = tpu.memref_slice %arg4[%dma_start3A_243, %dma_start3A_244] : memref<4x128xi32, #tpu.memory_space<vmem>> -> memref<1x128xi32, #tpu.memory_space<vmem>>
    %dma_start3A_246 = tpu.memref_squeeze %dma_start3A_245 : memref<1x128xi32, #tpu.memory_space<vmem>> -> memref<128xi32, #tpu.memory_space<vmem>>
    %dma_start3A_247 = arith.constant 0 : i32
    %dma_start3A_248 = tpu.memref_slice %arg15[%dma_start3A_247] : memref<10240xf32, #tpu.memory_space<vmem_shared>> -> memref<10240xf32, #tpu.memory_space<vmem_shared>>
    tpu.enqueue_indirect_dma source(%arg5 : memref<128xf32, #tpu.memory_space<vmem>>) target(%dma_start3A_248 : memref<10240xf32, #tpu.memory_space<vmem_shared>>) offsets(%dma_start3A_246 : memref<128xi32, #tpu.memory_space<vmem>>) semaphore(%arg11 : memref<!tpu.dma_semaphore, #tpu.memory_space<semaphore_mem>>) {add = true}
    %add3A_249 = arith.constant 2 : i32
    %add3A_250 = arith.addi %mul3A_198, %add3A_249 : i32
    %dma_start3A_251 = arith.constant 1 : i32
    %dma_start3A_252 = arith.constant 2 : i32
    %dma_start3A_253 = arith.constant 0 : i32
    %dma_start3A_254 = tpu.memref_slice %arg4[%dma_start3A_252, %dma_start3A_253] : memref<4x128xi32, #tpu.memory_space<vmem>> -> memref<1x128xi32, #tpu.memory_space<vmem>>
    %dma_start3A_255 = tpu.memref_squeeze %dma_start3A_254 : memref<1x128xi32, #tpu.memory_space<vmem>> -> memref<128xi32, #tpu.memory_space<vmem>>
    %dma_start3A_256 = arith.constant 0 : i32
    %dma_start3A_257 = tpu.memref_slice %arg2[%add3A_250, %dma_start3A_251, %dma_start3A_256] : memref<2560x2x128xi32, #tpu.memory_space<hbm>> -> memref<1x1x128xi32, #tpu.memory_space<hbm>>
    %dma_start3A_258 = tpu.memref_squeeze %dma_start3A_257 : memref<1x1x128xi32, #tpu.memory_space<hbm>> -> memref<128xi32, #tpu.memory_space<hbm>>
    %dma_start3A_259 = arith.constant 0 : i32
    %dma_start3A_260 = tpu.memref_slice %arg4[%dma_start3A_252, %dma_start3A_259] : memref<4x128xi32, #tpu.memory_space<vmem>> -> memref<1x128xi32, #tpu.memory_space<vmem>>
    %dma_start3A_261 = tpu.memref_squeeze %dma_start3A_260 : memref<1x128xi32, #tpu.memory_space<vmem>> -> memref<128xi32, #tpu.memory_space<vmem>>
    %dma_start3A_262 = arith.constant 0 : i32
    %dma_start3A_263 = tpu.memref_slice %arg2[%add3A_250, %dma_start3A_251, %dma_start3A_262] : memref<2560x2x128xi32, #tpu.memory_space<hbm>> -> memref<1x1x128xi32, #tpu.memory_space<hbm>>
    %dma_start3A_264 = tpu.memref_squeeze %dma_start3A_263 : memref<1x1x128xi32, #tpu.memory_space<hbm>> -> memref<128xi32, #tpu.memory_space<hbm>>
    tpu.enqueue_dma source(%dma_start3A_264 : memref<128xi32, #tpu.memory_space<hbm>>) target(%dma_start3A_261 : memref<128xi32, #tpu.memory_space<vmem>>) target_semaphore(%arg9 : memref<!tpu.dma_semaphore, #tpu.memory_space<semaphore_mem>>)
    %dma_wait3A_265 = arith.constant 1 : i32
    %dma_wait3A_266 = arith.constant 1 : i32
    %dma_wait3A_267 = arith.constant 0 : i32
    %dma_wait3A_268 = tpu.memref_slice %arg4[%dma_wait3A_266, %dma_wait3A_267] : memref<4x128xi32, #tpu.memory_space<vmem>> -> memref<1x128xi32, #tpu.memory_space<vmem>>
    %dma_wait3A_269 = tpu.memref_squeeze %dma_wait3A_268 : memref<1x128xi32, #tpu.memory_space<vmem>> -> memref<128xi32, #tpu.memory_space<vmem>>
    %dma_wait3A_270 = arith.constant 0 : i32
    %dma_wait3A_271 = tpu.memref_slice %arg2[%mul3A_198, %dma_wait3A_265, %dma_wait3A_270] : memref<2560x2x128xi32, #tpu.memory_space<hbm>> -> memref<1x1x128xi32, #tpu.memory_space<hbm>>
    %dma_wait3A_272 = tpu.memref_squeeze %dma_wait3A_271 : memref<1x1x128xi32, #tpu.memory_space<hbm>> -> memref<128xi32, #tpu.memory_space<hbm>>
    %dma_wait3A_273 = arith.constant 0 : i32
    %dma_wait3A_274 = tpu.memref_slice %arg4[%dma_wait3A_266, %dma_wait3A_273] : memref<4x128xi32, #tpu.memory_space<vmem>> -> memref<1x128xi32, #tpu.memory_space<vmem>>
    %dma_wait3A_275 = tpu.memref_squeeze %dma_wait3A_274 : memref<1x128xi32, #tpu.memory_space<vmem>> -> memref<128xi32, #tpu.memory_space<vmem>>
    %dma_wait3A_276 = arith.constant 0 : i32
    %dma_wait3A_277 = tpu.memref_slice %arg2[%mul3A_198, %dma_wait3A_265, %dma_wait3A_276] : memref<2560x2x128xi32, #tpu.memory_space<hbm>> -> memref<1x1x128xi32, #tpu.memory_space<hbm>>
    %dma_wait3A_278 = tpu.memref_squeeze %dma_wait3A_277 : memref<1x1x128xi32, #tpu.memory_space<hbm>> -> memref<128xi32, #tpu.memory_space<hbm>>
    tpu.wait_dma2 semaphore(%arg8 : memref<!tpu.dma_semaphore, #tpu.memory_space<semaphore_mem>>) src(%dma_wait3A_278 : memref<128xi32, #tpu.memory_space<hbm>>) dst(%dma_wait3A_275 : memref<128xi32, #tpu.memory_space<vmem>>)
    %dma_wait3A_279 = arith.constant 0 : i32
    %dma_wait3A_280 = arith.constant 0 : i32
    %dma_wait3A_281 = tpu.memref_slice %arg4[%dma_wait3A_279, %dma_wait3A_280] : memref<4x128xi32, #tpu.memory_space<vmem>> -> memref<1x128xi32, #tpu.memory_space<vmem>>
    %dma_wait3A_282 = tpu.memref_squeeze %dma_wait3A_281 : memref<1x128xi32, #tpu.memory_space<vmem>> -> memref<128xi32, #tpu.memory_space<vmem>>
    %dma_wait3A_283 = arith.constant 0 : i32
    %dma_wait3A_284 = tpu.memref_slice %arg15[%dma_wait3A_283] : memref<10240xf32, #tpu.memory_space<vmem_shared>> -> memref<10240xf32, #tpu.memory_space<vmem_shared>>
    tpu.wait_indirect_dma semaphore(%arg11 : memref<!tpu.dma_semaphore, #tpu.memory_space<semaphore_mem>>) src(%arg5 : memref<128xf32, #tpu.memory_space<vmem>>) dst(%dma_wait3A_284 : memref<10240xf32, #tpu.memory_space<vmem_shared>>)
    %dma_start3A_285 = arith.constant 1 : i32
    %dma_start3A_286 = arith.constant 0 : i32
    %dma_start3A_287 = tpu.memref_slice %arg4[%dma_start3A_285, %dma_start3A_286] : memref<4x128xi32, #tpu.memory_space<vmem>> -> memref<1x128xi32, #tpu.memory_space<vmem>>
    %dma_start3A_288 = tpu.memref_squeeze %dma_start3A_287 : memref<1x128xi32, #tpu.memory_space<vmem>> -> memref<128xi32, #tpu.memory_space<vmem>>
    %dma_start3A_289 = arith.constant 0 : i32
    %dma_start3A_290 = tpu.memref_slice %arg15[%dma_start3A_289] : memref<10240xf32, #tpu.memory_space<vmem_shared>> -> memref<10240xf32, #tpu.memory_space<vmem_shared>>
    tpu.enqueue_indirect_dma source(%arg5 : memref<128xf32, #tpu.memory_space<vmem>>) target(%dma_start3A_290 : memref<10240xf32, #tpu.memory_space<vmem_shared>>) offsets(%dma_start3A_288 : memref<128xi32, #tpu.memory_space<vmem>>) semaphore(%arg12 : memref<!tpu.dma_semaphore, #tpu.memory_space<semaphore_mem>>) {add = true}
    %add3A_291 = arith.constant 3 : i32
    %add3A_292 = arith.addi %mul3A_198, %add3A_291 : i32
    %dma_start3A_293 = arith.constant 1 : i32
    %dma_start3A_294 = arith.constant 3 : i32
    %dma_start3A_295 = arith.constant 0 : i32
    %dma_start3A_296 = tpu.memref_slice %arg4[%dma_start3A_294, %dma_start3A_295] : memref<4x128xi32, #tpu.memory_space<vmem>> -> memref<1x128xi32, #tpu.memory_space<vmem>>
    %dma_start3A_297 = tpu.memref_squeeze %dma_start3A_296 : memref<1x128xi32, #tpu.memory_space<vmem>> -> memref<128xi32, #tpu.memory_space<vmem>>
    %dma_start3A_298 = arith.constant 0 : i32
    %dma_start3A_299 = tpu.memref_slice %arg2[%add3A_292, %dma_start3A_293, %dma_start3A_298] : memref<2560x2x128xi32, #tpu.memory_space<hbm>> -> memref<1x1x128xi32, #tpu.memory_space<hbm>>
    %dma_start3A_300 = tpu.memref_squeeze %dma_start3A_299 : memref<1x1x128xi32, #tpu.memory_space<hbm>> -> memref<128xi32, #tpu.memory_space<hbm>>
    %dma_start3A_301 = arith.constant 0 : i32
    %dma_start3A_302 = tpu.memref_slice %arg4[%dma_start3A_294, %dma_start3A_301] : memref<4x128xi32, #tpu.memory_space<vmem>> -> memref<1x128xi32, #tpu.memory_space<vmem>>
    %dma_start3A_303 = tpu.memref_squeeze %dma_start3A_302 : memref<1x128xi32, #tpu.memory_space<vmem>> -> memref<128xi32, #tpu.memory_space<vmem>>
    %dma_start3A_304 = arith.constant 0 : i32
    %dma_start3A_305 = tpu.memref_slice %arg2[%add3A_292, %dma_start3A_293, %dma_start3A_304] : memref<2560x2x128xi32, #tpu.memory_space<hbm>> -> memref<1x1x128xi32, #tpu.memory_space<hbm>>
    %dma_start3A_306 = tpu.memref_squeeze %dma_start3A_305 : memref<1x1x128xi32, #tpu.memory_space<hbm>> -> memref<128xi32, #tpu.memory_space<hbm>>
    tpu.enqueue_dma source(%dma_start3A_306 : memref<128xi32, #tpu.memory_space<hbm>>) target(%dma_start3A_303 : memref<128xi32, #tpu.memory_space<vmem>>) target_semaphore(%arg10 : memref<!tpu.dma_semaphore, #tpu.memory_space<semaphore_mem>>)
    %dma_wait3A_307 = arith.constant 1 : i32
    %dma_wait3A_308 = arith.constant 2 : i32
    %dma_wait3A_309 = arith.constant 0 : i32
    %dma_wait3A_310 = tpu.memref_slice %arg4[%dma_wait3A_308, %dma_wait3A_309] : memref<4x128xi32, #tpu.memory_space<vmem>> -> memref<1x128xi32, #tpu.memory_space<vmem>>
    %dma_wait3A_311 = tpu.memref_squeeze %dma_wait3A_310 : memref<1x128xi32, #tpu.memory_space<vmem>> -> memref<128xi32, #tpu.memory_space<vmem>>
    %dma_wait3A_312 = arith.constant 0 : i32
    %dma_wait3A_313 = tpu.memref_slice %arg2[%mul3A_198, %dma_wait3A_307, %dma_wait3A_312] : memref<2560x2x128xi32, #tpu.memory_space<hbm>> -> memref<1x1x128xi32, #tpu.memory_space<hbm>>
    %dma_wait3A_314 = tpu.memref_squeeze %dma_wait3A_313 : memref<1x1x128xi32, #tpu.memory_space<hbm>> -> memref<128xi32, #tpu.memory_space<hbm>>
    %dma_wait3A_315 = arith.constant 0 : i32
    %dma_wait3A_316 = tpu.memref_slice %arg4[%dma_wait3A_308, %dma_wait3A_315] : memref<4x128xi32, #tpu.memory_space<vmem>> -> memref<1x128xi32, #tpu.memory_space<vmem>>
    %dma_wait3A_317 = tpu.memref_squeeze %dma_wait3A_316 : memref<1x128xi32, #tpu.memory_space<vmem>> -> memref<128xi32, #tpu.memory_space<vmem>>
    %dma_wait3A_318 = arith.constant 0 : i32
    %dma_wait3A_319 = tpu.memref_slice %arg2[%mul3A_198, %dma_wait3A_307, %dma_wait3A_318] : memref<2560x2x128xi32, #tpu.memory_space<hbm>> -> memref<1x1x128xi32, #tpu.memory_space<hbm>>
    %dma_wait3A_320 = tpu.memref_squeeze %dma_wait3A_319 : memref<1x1x128xi32, #tpu.memory_space<hbm>> -> memref<128xi32, #tpu.memory_space<hbm>>
    tpu.wait_dma2 semaphore(%arg9 : memref<!tpu.dma_semaphore, #tpu.memory_space<semaphore_mem>>) src(%dma_wait3A_320 : memref<128xi32, #tpu.memory_space<hbm>>) dst(%dma_wait3A_317 : memref<128xi32, #tpu.memory_space<vmem>>)
    %dma_wait3A_321 = arith.constant 1 : i32
    %dma_wait3A_322 = arith.constant 0 : i32
    %dma_wait3A_323 = tpu.memref_slice %arg4[%dma_wait3A_321, %dma_wait3A_322] : memref<4x128xi32, #tpu.memory_space<vmem>> -> memref<1x128xi32, #tpu.memory_space<vmem>>
    %dma_wait3A_324 = tpu.memref_squeeze %dma_wait3A_323 : memref<1x128xi32, #tpu.memory_space<vmem>> -> memref<128xi32, #tpu.memory_space<vmem>>
    %dma_wait3A_325 = arith.constant 0 : i32
    %dma_wait3A_326 = tpu.memref_slice %arg15[%dma_wait3A_325] : memref<10240xf32, #tpu.memory_space<vmem_shared>> -> memref<10240xf32, #tpu.memory_space<vmem_shared>>
    tpu.wait_indirect_dma semaphore(%arg12 : memref<!tpu.dma_semaphore, #tpu.memory_space<semaphore_mem>>) src(%arg5 : memref<128xf32, #tpu.memory_space<vmem>>) dst(%dma_wait3A_326 : memref<10240xf32, #tpu.memory_space<vmem_shared>>)
    %dma_start3A_327 = arith.constant 2 : i32
    %dma_start3A_328 = arith.constant 0 : i32
    %dma_start3A_329 = tpu.memref_slice %arg4[%dma_start3A_327, %dma_start3A_328] : memref<4x128xi32, #tpu.memory_space<vmem>> -> memref<1x128xi32, #tpu.memory_space<vmem>>
    %dma_start3A_330 = tpu.memref_squeeze %dma_start3A_329 : memref<1x128xi32, #tpu.memory_space<vmem>> -> memref<128xi32, #tpu.memory_space<vmem>>
    %dma_start3A_331 = arith.constant 0 : i32
    %dma_start3A_332 = tpu.memref_slice %arg15[%dma_start3A_331] : memref<10240xf32, #tpu.memory_space<vmem_shared>> -> memref<10240xf32, #tpu.memory_space<vmem_shared>>
    tpu.enqueue_indirect_dma source(%arg5 : memref<128xf32, #tpu.memory_space<vmem>>) target(%dma_start3A_332 : memref<10240xf32, #tpu.memory_space<vmem_shared>>) offsets(%dma_start3A_330 : memref<128xi32, #tpu.memory_space<vmem>>) semaphore(%arg13 : memref<!tpu.dma_semaphore, #tpu.memory_space<semaphore_mem>>) {add = true}
    %add3A_333 = arith.constant 4 : i32
    %add3A_334 = arith.addi %mul3A_198, %add3A_333 : i32
    %dma_start3A_335 = arith.constant 1 : i32
    %dma_start3A_336 = arith.constant 0 : i32
    %dma_start3A_337 = arith.constant 0 : i32
    %dma_start3A_338 = tpu.memref_slice %arg4[%dma_start3A_336, %dma_start3A_337] : memref<4x128xi32, #tpu.memory_space<vmem>> -> memref<1x128xi32, #tpu.memory_space<vmem>>
    %dma_start3A_339 = tpu.memref_squeeze %dma_start3A_338 : memref<1x128xi32, #tpu.memory_space<vmem>> -> memref<128xi32, #tpu.memory_space<vmem>>
    %dma_start3A_340 = arith.constant 0 : i32
    %dma_start3A_341 = tpu.memref_slice %arg2[%add3A_334, %dma_start3A_335, %dma_start3A_340] : memref<2560x2x128xi32, #tpu.memory_space<hbm>> -> memref<1x1x128xi32, #tpu.memory_space<hbm>>
    %dma_start3A_342 = tpu.memref_squeeze %dma_start3A_341 : memref<1x1x128xi32, #tpu.memory_space<hbm>> -> memref<128xi32, #tpu.memory_space<hbm>>
    %dma_start3A_343 = arith.constant 0 : i32
    %dma_start3A_344 = tpu.memref_slice %arg4[%dma_start3A_336, %dma_start3A_343] : memref<4x128xi32, #tpu.memory_space<vmem>> -> memref<1x128xi32, #tpu.memory_space<vmem>>
    %dma_start3A_345 = tpu.memref_squeeze %dma_start3A_344 : memref<1x128xi32, #tpu.memory_space<vmem>> -> memref<128xi32, #tpu.memory_space<vmem>>
    %dma_start3A_346 = arith.constant 0 : i32
    %dma_start3A_347 = tpu.memref_slice %arg2[%add3A_334, %dma_start3A_335, %dma_start3A_346] : memref<2560x2x128xi32, #tpu.memory_space<hbm>> -> memref<1x1x128xi32, #tpu.memory_space<hbm>>
    %dma_start3A_348 = tpu.memref_squeeze %dma_start3A_347 : memref<1x1x128xi32, #tpu.memory_space<hbm>> -> memref<128xi32, #tpu.memory_space<hbm>>
    tpu.enqueue_dma source(%dma_start3A_348 : memref<128xi32, #tpu.memory_space<hbm>>) target(%dma_start3A_345 : memref<128xi32, #tpu.memory_space<vmem>>) target_semaphore(%arg7 : memref<!tpu.dma_semaphore, #tpu.memory_space<semaphore_mem>>)
    %dma_wait3A_349 = arith.constant 1 : i32
    %dma_wait3A_350 = arith.constant 3 : i32
    %dma_wait3A_351 = arith.constant 0 : i32
    %dma_wait3A_352 = tpu.memref_slice %arg4[%dma_wait3A_350, %dma_wait3A_351] : memref<4x128xi32, #tpu.memory_space<vmem>> -> memref<1x128xi32, #tpu.memory_space<vmem>>
    %dma_wait3A_353 = tpu.memref_squeeze %dma_wait3A_352 : memref<1x128xi32, #tpu.memory_space<vmem>> -> memref<128xi32, #tpu.memory_space<vmem>>
    %dma_wait3A_354 = arith.constant 0 : i32
    %dma_wait3A_355 = tpu.memref_slice %arg2[%mul3A_198, %dma_wait3A_349, %dma_wait3A_354] : memref<2560x2x128xi32, #tpu.memory_space<hbm>> -> memref<1x1x128xi32, #tpu.memory_space<hbm>>
    %dma_wait3A_356 = tpu.memref_squeeze %dma_wait3A_355 : memref<1x1x128xi32, #tpu.memory_space<hbm>> -> memref<128xi32, #tpu.memory_space<hbm>>
    %dma_wait3A_357 = arith.constant 0 : i32
    %dma_wait3A_358 = tpu.memref_slice %arg4[%dma_wait3A_350, %dma_wait3A_357] : memref<4x128xi32, #tpu.memory_space<vmem>> -> memref<1x128xi32, #tpu.memory_space<vmem>>
    %dma_wait3A_359 = tpu.memref_squeeze %dma_wait3A_358 : memref<1x128xi32, #tpu.memory_space<vmem>> -> memref<128xi32, #tpu.memory_space<vmem>>
    %dma_wait3A_360 = arith.constant 0 : i32
    %dma_wait3A_361 = tpu.memref_slice %arg2[%mul3A_198, %dma_wait3A_349, %dma_wait3A_360] : memref<2560x2x128xi32, #tpu.memory_space<hbm>> -> memref<1x1x128xi32, #tpu.memory_space<hbm>>
    %dma_wait3A_362 = tpu.memref_squeeze %dma_wait3A_361 : memref<1x1x128xi32, #tpu.memory_space<hbm>> -> memref<128xi32, #tpu.memory_space<hbm>>
    tpu.wait_dma2 semaphore(%arg10 : memref<!tpu.dma_semaphore, #tpu.memory_space<semaphore_mem>>) src(%dma_wait3A_362 : memref<128xi32, #tpu.memory_space<hbm>>) dst(%dma_wait3A_359 : memref<128xi32, #tpu.memory_space<vmem>>)
    %dma_wait3A_363 = arith.constant 2 : i32
    %dma_wait3A_364 = arith.constant 0 : i32
    %dma_wait3A_365 = tpu.memref_slice %arg4[%dma_wait3A_363, %dma_wait3A_364] : memref<4x128xi32, #tpu.memory_space<vmem>> -> memref<1x128xi32, #tpu.memory_space<vmem>>
    %dma_wait3A_366 = tpu.memref_squeeze %dma_wait3A_365 : memref<1x128xi32, #tpu.memory_space<vmem>> -> memref<128xi32, #tpu.memory_space<vmem>>
    %dma_wait3A_367 = arith.constant 0 : i32
    %dma_wait3A_368 = tpu.memref_slice %arg15[%dma_wait3A_367] : memref<10240xf32, #tpu.memory_space<vmem_shared>> -> memref<10240xf32, #tpu.memory_space<vmem_shared>>
    tpu.wait_indirect_dma semaphore(%arg13 : memref<!tpu.dma_semaphore, #tpu.memory_space<semaphore_mem>>) src(%arg5 : memref<128xf32, #tpu.memory_space<vmem>>) dst(%dma_wait3A_368 : memref<10240xf32, #tpu.memory_space<vmem_shared>>)
    %dma_start3A_369 = arith.constant 3 : i32
    %dma_start3A_370 = arith.constant 0 : i32
    %dma_start3A_371 = tpu.memref_slice %arg4[%dma_start3A_369, %dma_start3A_370] : memref<4x128xi32, #tpu.memory_space<vmem>> -> memref<1x128xi32, #tpu.memory_space<vmem>>
    %dma_start3A_372 = tpu.memref_squeeze %dma_start3A_371 : memref<1x128xi32, #tpu.memory_space<vmem>> -> memref<128xi32, #tpu.memory_space<vmem>>
    %dma_start3A_373 = arith.constant 0 : i32
    %dma_start3A_374 = tpu.memref_slice %arg15[%dma_start3A_373] : memref<10240xf32, #tpu.memory_space<vmem_shared>> -> memref<10240xf32, #tpu.memory_space<vmem_shared>>
    tpu.enqueue_indirect_dma source(%arg5 : memref<128xf32, #tpu.memory_space<vmem>>) target(%dma_start3A_374 : memref<10240xf32, #tpu.memory_space<vmem_shared>>) offsets(%dma_start3A_372 : memref<128xi32, #tpu.memory_space<vmem>>) semaphore(%arg14 : memref<!tpu.dma_semaphore, #tpu.memory_space<semaphore_mem>>) {add = true}
    %add3A_375 = arith.constant 5 : i32
    %add3A_376 = arith.addi %mul3A_198, %add3A_375 : i32
    %dma_start3A_377 = arith.constant 1 : i32
    %dma_start3A_378 = arith.constant 1 : i32
    %dma_start3A_379 = arith.constant 0 : i32
    %dma_start3A_380 = tpu.memref_slice %arg4[%dma_start3A_378, %dma_start3A_379] : memref<4x128xi32, #tpu.memory_space<vmem>> -> memref<1x128xi32, #tpu.memory_space<vmem>>
    %dma_start3A_381 = tpu.memref_squeeze %dma_start3A_380 : memref<1x128xi32, #tpu.memory_space<vmem>> -> memref<128xi32, #tpu.memory_space<vmem>>
    %dma_start3A_382 = arith.constant 0 : i32
    %dma_start3A_383 = tpu.memref_slice %arg2[%add3A_376, %dma_start3A_377, %dma_start3A_382] : memref<2560x2x128xi32, #tpu.memory_space<hbm>> -> memref<1x1x128xi32, #tpu.memory_space<hbm>>
    %dma_start3A_384 = tpu.memref_squeeze %dma_start3A_383 : memref<1x1x128xi32, #tpu.memory_space<hbm>> -> memref<128xi32, #tpu.memory_space<hbm>>
    %dma_start3A_385 = arith.constant 0 : i32
    %dma_start3A_386 = tpu.memref_slice %arg4[%dma_start3A_378, %dma_start3A_385] : memref<4x128xi32, #tpu.memory_space<vmem>> -> memref<1x128xi32, #tpu.memory_space<vmem>>
    %dma_start3A_387 = tpu.memref_squeeze %dma_start3A_386 : memref<1x128xi32, #tpu.memory_space<vmem>> -> memref<128xi32, #tpu.memory_space<vmem>>
    %dma_start3A_388 = arith.constant 0 : i32
    %dma_start3A_389 = tpu.memref_slice %arg2[%add3A_376, %dma_start3A_377, %dma_start3A_388] : memref<2560x2x128xi32, #tpu.memory_space<hbm>> -> memref<1x1x128xi32, #tpu.memory_space<hbm>>
    %dma_start3A_390 = tpu.memref_squeeze %dma_start3A_389 : memref<1x1x128xi32, #tpu.memory_space<hbm>> -> memref<128xi32, #tpu.memory_space<hbm>>
    tpu.enqueue_dma source(%dma_start3A_390 : memref<128xi32, #tpu.memory_space<hbm>>) target(%dma_start3A_387 : memref<128xi32, #tpu.memory_space<vmem>>) target_semaphore(%arg8 : memref<!tpu.dma_semaphore, #tpu.memory_space<semaphore_mem>>)
    %scan3A = arith.constant 0 : i32
    %scan3A_391 = arith.constant 0 : i32
    %scan3A_392 = arith.constant 18 : i32
    %scan3A_393 = arith.addi %scan3A_391, %scan3A_392 : i32
    %scan3A_394 = arith.constant 1 : i32
    scf.for %scan3A_546 = %scan3A_391 to %scan3A_393 step %scan3A_394  : i32 {
      %mul3A_547 = arith.constant 4 : i32
      %mul3A_548 = arith.muli %scan3A_546, %mul3A_547 : i32
      %add3A_549 = arith.constant 4 : i32
      %add3A_550 = arith.addi %add3A_549, %mul3A_548 : i32
      %add3A_551 = arith.constant 0 : i32
      %add3A_552 = arith.addi %add3A_550, %add3A_551 : i32
      %dma_wait3A_553 = arith.constant 1 : i32
      %dma_wait3A_554 = arith.constant 0 : i32
      %dma_wait3A_555 = arith.constant 0 : i32
      %dma_wait3A_556 = tpu.memref_slice %arg4[%dma_wait3A_554, %dma_wait3A_555] : memref<4x128xi32, #tpu.memory_space<vmem>> -> memref<1x128xi32, #tpu.memory_space<vmem>>
      %dma_wait3A_557 = tpu.memref_squeeze %dma_wait3A_556 : memref<1x128xi32, #tpu.memory_space<vmem>> -> memref<128xi32, #tpu.memory_space<vmem>>
      %dma_wait3A_558 = arith.constant 0 : i32
      %dma_wait3A_559 = tpu.memref_slice %arg2[%mul3A_198, %dma_wait3A_553, %dma_wait3A_558] : memref<2560x2x128xi32, #tpu.memory_space<hbm>> -> memref<1x1x128xi32, #tpu.memory_space<hbm>>
      %dma_wait3A_560 = tpu.memref_squeeze %dma_wait3A_559 : memref<1x1x128xi32, #tpu.memory_space<hbm>> -> memref<128xi32, #tpu.memory_space<hbm>>
      %dma_wait3A_561 = arith.constant 0 : i32
      %dma_wait3A_562 = tpu.memref_slice %arg4[%dma_wait3A_554, %dma_wait3A_561] : memref<4x128xi32, #tpu.memory_space<vmem>> -> memref<1x128xi32, #tpu.memory_space<vmem>>
      %dma_wait3A_563 = tpu.memref_squeeze %dma_wait3A_562 : memref<1x128xi32, #tpu.memory_space<vmem>> -> memref<128xi32, #tpu.memory_space<vmem>>
      %dma_wait3A_564 = arith.constant 0 : i32
      %dma_wait3A_565 = tpu.memref_slice %arg2[%mul3A_198, %dma_wait3A_553, %dma_wait3A_564] : memref<2560x2x128xi32, #tpu.memory_space<hbm>> -> memref<1x1x128xi32, #tpu.memory_space<hbm>>
      %dma_wait3A_566 = tpu.memref_squeeze %dma_wait3A_565 : memref<1x1x128xi32, #tpu.memory_space<hbm>> -> memref<128xi32, #tpu.memory_space<hbm>>
      tpu.wait_dma2 semaphore(%arg7 : memref<!tpu.dma_semaphore, #tpu.memory_space<semaphore_mem>>) src(%dma_wait3A_566 : memref<128xi32, #tpu.memory_space<hbm>>) dst(%dma_wait3A_563 : memref<128xi32, #tpu.memory_space<vmem>>)
      %dma_wait3A_567 = arith.constant 3 : i32
      %dma_wait3A_568 = arith.constant 0 : i32
      %dma_wait3A_569 = tpu.memref_slice %arg4[%dma_wait3A_567, %dma_wait3A_568] : memref<4x128xi32, #tpu.memory_space<vmem>> -> memref<1x128xi32, #tpu.memory_space<vmem>>
      %dma_wait3A_570 = tpu.memref_squeeze %dma_wait3A_569 : memref<1x128xi32, #tpu.memory_space<vmem>> -> memref<128xi32, #tpu.memory_space<vmem>>
      %dma_wait3A_571 = arith.constant 0 : i32
      %dma_wait3A_572 = tpu.memref_slice %arg15[%dma_wait3A_571] : memref<10240xf32, #tpu.memory_space<vmem_shared>> -> memref<10240xf32, #tpu.memory_space<vmem_shared>>
      tpu.wait_indirect_dma semaphore(%arg14 : memref<!tpu.dma_semaphore, #tpu.memory_space<semaphore_mem>>) src(%arg5 : memref<128xf32, #tpu.memory_space<vmem>>) dst(%dma_wait3A_572 : memref<10240xf32, #tpu.memory_space<vmem_shared>>)
      %dma_start3A_573 = arith.constant 0 : i32
      %dma_start3A_574 = arith.constant 0 : i32
      %dma_start3A_575 = tpu.memref_slice %arg4[%dma_start3A_573, %dma_start3A_574] : memref<4x128xi32, #tpu.memory_space<vmem>> -> memref<1x128xi32, #tpu.memory_space<vmem>>
      %dma_start3A_576 = tpu.memref_squeeze %dma_start3A_575 : memref<1x128xi32, #tpu.memory_space<vmem>> -> memref<128xi32, #tpu.memory_space<vmem>>
      %dma_start3A_577 = arith.constant 0 : i32
      %dma_start3A_578 = tpu.memref_slice %arg15[%dma_start3A_577] : memref<10240xf32, #tpu.memory_space<vmem_shared>> -> memref<10240xf32, #tpu.memory_space<vmem_shared>>
      tpu.enqueue_indirect_dma source(%arg5 : memref<128xf32, #tpu.memory_space<vmem>>) target(%dma_start3A_578 : memref<10240xf32, #tpu.memory_space<vmem_shared>>) offsets(%dma_start3A_576 : memref<128xi32, #tpu.memory_space<vmem>>) semaphore(%arg11 : memref<!tpu.dma_semaphore, #tpu.memory_space<semaphore_mem>>) {add = true}
      %add3A_579 = arith.constant 2 : i32
      %add3A_580 = arith.addi %add3A_552, %add3A_579 : i32
      %add3A_581 = arith.addi %mul3A_198, %add3A_580 : i32
      %dma_start3A_582 = arith.constant 1 : i32
      %dma_start3A_583 = arith.constant 2 : i32
      %dma_start3A_584 = arith.constant 0 : i32
      %dma_start3A_585 = tpu.memref_slice %arg4[%dma_start3A_583, %dma_start3A_584] : memref<4x128xi32, #tpu.memory_space<vmem>> -> memref<1x128xi32, #tpu.memory_space<vmem>>
      %dma_start3A_586 = tpu.memref_squeeze %dma_start3A_585 : memref<1x128xi32, #tpu.memory_space<vmem>> -> memref<128xi32, #tpu.memory_space<vmem>>
      %dma_start3A_587 = arith.constant 0 : i32
      %dma_start3A_588 = tpu.memref_slice %arg2[%add3A_581, %dma_start3A_582, %dma_start3A_587] : memref<2560x2x128xi32, #tpu.memory_space<hbm>> -> memref<1x1x128xi32, #tpu.memory_space<hbm>>
      %dma_start3A_589 = tpu.memref_squeeze %dma_start3A_588 : memref<1x1x128xi32, #tpu.memory_space<hbm>> -> memref<128xi32, #tpu.memory_space<hbm>>
      %dma_start3A_590 = arith.constant 0 : i32
      %dma_start3A_591 = tpu.memref_slice %arg4[%dma_start3A_583, %dma_start3A_590] : memref<4x128xi32, #tpu.memory_space<vmem>> -> memref<1x128xi32, #tpu.memory_space<vmem>>
      %dma_start3A_592 = tpu.memref_squeeze %dma_start3A_591 : memref<1x128xi32, #tpu.memory_space<vmem>> -> memref<128xi32, #tpu.memory_space<vmem>>
      %dma_start3A_593 = arith.constant 0 : i32
      %dma_start3A_594 = tpu.memref_slice %arg2[%add3A_581, %dma_start3A_582, %dma_start3A_593] : memref<2560x2x128xi32, #tpu.memory_space<hbm>> -> memref<1x1x128xi32, #tpu.memory_space<hbm>>
      %dma_start3A_595 = tpu.memref_squeeze %dma_start3A_594 : memref<1x1x128xi32, #tpu.memory_space<hbm>> -> memref<128xi32, #tpu.memory_space<hbm>>
      tpu.enqueue_dma source(%dma_start3A_595 : memref<128xi32, #tpu.memory_space<hbm>>) target(%dma_start3A_592 : memref<128xi32, #tpu.memory_space<vmem>>) target_semaphore(%arg9 : memref<!tpu.dma_semaphore, #tpu.memory_space<semaphore_mem>>)
      %add3A_596 = arith.constant 1 : i32
      %add3A_597 = arith.addi %add3A_550, %add3A_596 : i32
      %dma_wait3A_598 = arith.constant 1 : i32
      %dma_wait3A_599 = arith.constant 1 : i32
      %dma_wait3A_600 = arith.constant 0 : i32
      %dma_wait3A_601 = tpu.memref_slice %arg4[%dma_wait3A_599, %dma_wait3A_600] : memref<4x128xi32, #tpu.memory_space<vmem>> -> memref<1x128xi32, #tpu.memory_space<vmem>>
      %dma_wait3A_602 = tpu.memref_squeeze %dma_wait3A_601 : memref<1x128xi32, #tpu.memory_space<vmem>> -> memref<128xi32, #tpu.memory_space<vmem>>
      %dma_wait3A_603 = arith.constant 0 : i32
      %dma_wait3A_604 = tpu.memref_slice %arg2[%mul3A_198, %dma_wait3A_598, %dma_wait3A_603] : memref<2560x2x128xi32, #tpu.memory_space<hbm>> -> memref<1x1x128xi32, #tpu.memory_space<hbm>>
      %dma_wait3A_605 = tpu.memref_squeeze %dma_wait3A_604 : memref<1x1x128xi32, #tpu.memory_space<hbm>> -> memref<128xi32, #tpu.memory_space<hbm>>
      %dma_wait3A_606 = arith.constant 0 : i32
      %dma_wait3A_607 = tpu.memref_slice %arg4[%dma_wait3A_599, %dma_wait3A_606] : memref<4x128xi32, #tpu.memory_space<vmem>> -> memref<1x128xi32, #tpu.memory_space<vmem>>
      %dma_wait3A_608 = tpu.memref_squeeze %dma_wait3A_607 : memref<1x128xi32, #tpu.memory_space<vmem>> -> memref<128xi32, #tpu.memory_space<vmem>>
      %dma_wait3A_609 = arith.constant 0 : i32
      %dma_wait3A_610 = tpu.memref_slice %arg2[%mul3A_198, %dma_wait3A_598, %dma_wait3A_609] : memref<2560x2x128xi32, #tpu.memory_space<hbm>> -> memref<1x1x128xi32, #tpu.memory_space<hbm>>
      %dma_wait3A_611 = tpu.memref_squeeze %dma_wait3A_610 : memref<1x1x128xi32, #tpu.memory_space<hbm>> -> memref<128xi32, #tpu.memory_space<hbm>>
      tpu.wait_dma2 semaphore(%arg8 : memref<!tpu.dma_semaphore, #tpu.memory_space<semaphore_mem>>) src(%dma_wait3A_611 : memref<128xi32, #tpu.memory_space<hbm>>) dst(%dma_wait3A_608 : memref<128xi32, #tpu.memory_space<vmem>>)
      %dma_wait3A_612 = arith.constant 0 : i32
      %dma_wait3A_613 = arith.constant 0 : i32
      %dma_wait3A_614 = tpu.memref_slice %arg4[%dma_wait3A_612, %dma_wait3A_613] : memref<4x128xi32, #tpu.memory_space<vmem>> -> memref<1x128xi32, #tpu.memory_space<vmem>>
      %dma_wait3A_615 = tpu.memref_squeeze %dma_wait3A_614 : memref<1x128xi32, #tpu.memory_space<vmem>> -> memref<128xi32, #tpu.memory_space<vmem>>
      %dma_wait3A_616 = arith.constant 0 : i32
      %dma_wait3A_617 = tpu.memref_slice %arg15[%dma_wait3A_616] : memref<10240xf32, #tpu.memory_space<vmem_shared>> -> memref<10240xf32, #tpu.memory_space<vmem_shared>>
      tpu.wait_indirect_dma semaphore(%arg11 : memref<!tpu.dma_semaphore, #tpu.memory_space<semaphore_mem>>) src(%arg5 : memref<128xf32, #tpu.memory_space<vmem>>) dst(%dma_wait3A_617 : memref<10240xf32, #tpu.memory_space<vmem_shared>>)
      %dma_start3A_618 = arith.constant 1 : i32
      %dma_start3A_619 = arith.constant 0 : i32
      %dma_start3A_620 = tpu.memref_slice %arg4[%dma_start3A_618, %dma_start3A_619] : memref<4x128xi32, #tpu.memory_space<vmem>> -> memref<1x128xi32, #tpu.memory_space<vmem>>
      %dma_start3A_621 = tpu.memref_squeeze %dma_start3A_620 : memref<1x128xi32, #tpu.memory_space<vmem>> -> memref<128xi32, #tpu.memory_space<vmem>>
      %dma_start3A_622 = arith.constant 0 : i32
      %dma_start3A_623 = tpu.memref_slice %arg15[%dma_start3A_622] : memref<10240xf32, #tpu.memory_space<vmem_shared>> -> memref<10240xf32, #tpu.memory_space<vmem_shared>>
      tpu.enqueue_indirect_dma source(%arg5 : memref<128xf32, #tpu.memory_space<vmem>>) target(%dma_start3A_623 : memref<10240xf32, #tpu.memory_space<vmem_shared>>) offsets(%dma_start3A_621 : memref<128xi32, #tpu.memory_space<vmem>>) semaphore(%arg12 : memref<!tpu.dma_semaphore, #tpu.memory_space<semaphore_mem>>) {add = true}
      %add3A_624 = arith.constant 2 : i32
      %add3A_625 = arith.addi %add3A_597, %add3A_624 : i32
      %add3A_626 = arith.addi %mul3A_198, %add3A_625 : i32
      %dma_start3A_627 = arith.constant 1 : i32
      %dma_start3A_628 = arith.constant 3 : i32
      %dma_start3A_629 = arith.constant 0 : i32
      %dma_start3A_630 = tpu.memref_slice %arg4[%dma_start3A_628, %dma_start3A_629] : memref<4x128xi32, #tpu.memory_space<vmem>> -> memref<1x128xi32, #tpu.memory_space<vmem>>
      %dma_start3A_631 = tpu.memref_squeeze %dma_start3A_630 : memref<1x128xi32, #tpu.memory_space<vmem>> -> memref<128xi32, #tpu.memory_space<vmem>>
      %dma_start3A_632 = arith.constant 0 : i32
      %dma_start3A_633 = tpu.memref_slice %arg2[%add3A_626, %dma_start3A_627, %dma_start3A_632] : memref<2560x2x128xi32, #tpu.memory_space<hbm>> -> memref<1x1x128xi32, #tpu.memory_space<hbm>>
      %dma_start3A_634 = tpu.memref_squeeze %dma_start3A_633 : memref<1x1x128xi32, #tpu.memory_space<hbm>> -> memref<128xi32, #tpu.memory_space<hbm>>
      %dma_start3A_635 = arith.constant 0 : i32
      %dma_start3A_636 = tpu.memref_slice %arg4[%dma_start3A_628, %dma_start3A_635] : memref<4x128xi32, #tpu.memory_space<vmem>> -> memref<1x128xi32, #tpu.memory_space<vmem>>
      %dma_start3A_637 = tpu.memref_squeeze %dma_start3A_636 : memref<1x128xi32, #tpu.memory_space<vmem>> -> memref<128xi32, #tpu.memory_space<vmem>>
      %dma_start3A_638 = arith.constant 0 : i32
      %dma_start3A_639 = tpu.memref_slice %arg2[%add3A_626, %dma_start3A_627, %dma_start3A_638] : memref<2560x2x128xi32, #tpu.memory_space<hbm>> -> memref<1x1x128xi32, #tpu.memory_space<hbm>>
      %dma_start3A_640 = tpu.memref_squeeze %dma_start3A_639 : memref<1x1x128xi32, #tpu.memory_space<hbm>> -> memref<128xi32, #tpu.memory_space<hbm>>
      tpu.enqueue_dma source(%dma_start3A_640 : memref<128xi32, #tpu.memory_space<hbm>>) target(%dma_start3A_637 : memref<128xi32, #tpu.memory_space<vmem>>) target_semaphore(%arg10 : memref<!tpu.dma_semaphore, #tpu.memory_space<semaphore_mem>>)
      %add3A_641 = arith.constant 2 : i32
      %add3A_642 = arith.addi %add3A_550, %add3A_641 : i32
      %dma_wait3A_643 = arith.constant 1 : i32
      %dma_wait3A_644 = arith.constant 2 : i32
      %dma_wait3A_645 = arith.constant 0 : i32
      %dma_wait3A_646 = tpu.memref_slice %arg4[%dma_wait3A_644, %dma_wait3A_645] : memref<4x128xi32, #tpu.memory_space<vmem>> -> memref<1x128xi32, #tpu.memory_space<vmem>>
      %dma_wait3A_647 = tpu.memref_squeeze %dma_wait3A_646 : memref<1x128xi32, #tpu.memory_space<vmem>> -> memref<128xi32, #tpu.memory_space<vmem>>
      %dma_wait3A_648 = arith.constant 0 : i32
      %dma_wait3A_649 = tpu.memref_slice %arg2[%mul3A_198, %dma_wait3A_643, %dma_wait3A_648] : memref<2560x2x128xi32, #tpu.memory_space<hbm>> -> memref<1x1x128xi32, #tpu.memory_space<hbm>>
      %dma_wait3A_650 = tpu.memref_squeeze %dma_wait3A_649 : memref<1x1x128xi32, #tpu.memory_space<hbm>> -> memref<128xi32, #tpu.memory_space<hbm>>
      %dma_wait3A_651 = arith.constant 0 : i32
      %dma_wait3A_652 = tpu.memref_slice %arg4[%dma_wait3A_644, %dma_wait3A_651] : memref<4x128xi32, #tpu.memory_space<vmem>> -> memref<1x128xi32, #tpu.memory_space<vmem>>
      %dma_wait3A_653 = tpu.memref_squeeze %dma_wait3A_652 : memref<1x128xi32, #tpu.memory_space<vmem>> -> memref<128xi32, #tpu.memory_space<vmem>>
      %dma_wait3A_654 = arith.constant 0 : i32
      %dma_wait3A_655 = tpu.memref_slice %arg2[%mul3A_198, %dma_wait3A_643, %dma_wait3A_654] : memref<2560x2x128xi32, #tpu.memory_space<hbm>> -> memref<1x1x128xi32, #tpu.memory_space<hbm>>
      %dma_wait3A_656 = tpu.memref_squeeze %dma_wait3A_655 : memref<1x1x128xi32, #tpu.memory_space<hbm>> -> memref<128xi32, #tpu.memory_space<hbm>>
      tpu.wait_dma2 semaphore(%arg9 : memref<!tpu.dma_semaphore, #tpu.memory_space<semaphore_mem>>) src(%dma_wait3A_656 : memref<128xi32, #tpu.memory_space<hbm>>) dst(%dma_wait3A_653 : memref<128xi32, #tpu.memory_space<vmem>>)
      %dma_wait3A_657 = arith.constant 1 : i32
      %dma_wait3A_658 = arith.constant 0 : i32
      %dma_wait3A_659 = tpu.memref_slice %arg4[%dma_wait3A_657, %dma_wait3A_658] : memref<4x128xi32, #tpu.memory_space<vmem>> -> memref<1x128xi32, #tpu.memory_space<vmem>>
      %dma_wait3A_660 = tpu.memref_squeeze %dma_wait3A_659 : memref<1x128xi32, #tpu.memory_space<vmem>> -> memref<128xi32, #tpu.memory_space<vmem>>
      %dma_wait3A_661 = arith.constant 0 : i32
      %dma_wait3A_662 = tpu.memref_slice %arg15[%dma_wait3A_661] : memref<10240xf32, #tpu.memory_space<vmem_shared>> -> memref<10240xf32, #tpu.memory_space<vmem_shared>>
      tpu.wait_indirect_dma semaphore(%arg12 : memref<!tpu.dma_semaphore, #tpu.memory_space<semaphore_mem>>) src(%arg5 : memref<128xf32, #tpu.memory_space<vmem>>) dst(%dma_wait3A_662 : memref<10240xf32, #tpu.memory_space<vmem_shared>>)
      %dma_start3A_663 = arith.constant 2 : i32
      %dma_start3A_664 = arith.constant 0 : i32
      %dma_start3A_665 = tpu.memref_slice %arg4[%dma_start3A_663, %dma_start3A_664] : memref<4x128xi32, #tpu.memory_space<vmem>> -> memref<1x128xi32, #tpu.memory_space<vmem>>
      %dma_start3A_666 = tpu.memref_squeeze %dma_start3A_665 : memref<1x128xi32, #tpu.memory_space<vmem>> -> memref<128xi32, #tpu.memory_space<vmem>>
      %dma_start3A_667 = arith.constant 0 : i32
      %dma_start3A_668 = tpu.memref_slice %arg15[%dma_start3A_667] : memref<10240xf32, #tpu.memory_space<vmem_shared>> -> memref<10240xf32, #tpu.memory_space<vmem_shared>>
      tpu.enqueue_indirect_dma source(%arg5 : memref<128xf32, #tpu.memory_space<vmem>>) target(%dma_start3A_668 : memref<10240xf32, #tpu.memory_space<vmem_shared>>) offsets(%dma_start3A_666 : memref<128xi32, #tpu.memory_space<vmem>>) semaphore(%arg13 : memref<!tpu.dma_semaphore, #tpu.memory_space<semaphore_mem>>) {add = true}
      %add3A_669 = arith.constant 2 : i32
      %add3A_670 = arith.addi %add3A_642, %add3A_669 : i32
      %add3A_671 = arith.addi %mul3A_198, %add3A_670 : i32
      %dma_start3A_672 = arith.constant 1 : i32
      %dma_start3A_673 = arith.constant 0 : i32
      %dma_start3A_674 = arith.constant 0 : i32
      %dma_start3A_675 = tpu.memref_slice %arg4[%dma_start3A_673, %dma_start3A_674] : memref<4x128xi32, #tpu.memory_space<vmem>> -> memref<1x128xi32, #tpu.memory_space<vmem>>
      %dma_start3A_676 = tpu.memref_squeeze %dma_start3A_675 : memref<1x128xi32, #tpu.memory_space<vmem>> -> memref<128xi32, #tpu.memory_space<vmem>>
      %dma_start3A_677 = arith.constant 0 : i32
      %dma_start3A_678 = tpu.memref_slice %arg2[%add3A_671, %dma_start3A_672, %dma_start3A_677] : memref<2560x2x128xi32, #tpu.memory_space<hbm>> -> memref<1x1x128xi32, #tpu.memory_space<hbm>>
      %dma_start3A_679 = tpu.memref_squeeze %dma_start3A_678 : memref<1x1x128xi32, #tpu.memory_space<hbm>> -> memref<128xi32, #tpu.memory_space<hbm>>
      %dma_start3A_680 = arith.constant 0 : i32
      %dma_start3A_681 = tpu.memref_slice %arg4[%dma_start3A_673, %dma_start3A_680] : memref<4x128xi32, #tpu.memory_space<vmem>> -> memref<1x128xi32, #tpu.memory_space<vmem>>
      %dma_start3A_682 = tpu.memref_squeeze %dma_start3A_681 : memref<1x128xi32, #tpu.memory_space<vmem>> -> memref<128xi32, #tpu.memory_space<vmem>>
      %dma_start3A_683 = arith.constant 0 : i32
      %dma_start3A_684 = tpu.memref_slice %arg2[%add3A_671, %dma_start3A_672, %dma_start3A_683] : memref<2560x2x128xi32, #tpu.memory_space<hbm>> -> memref<1x1x128xi32, #tpu.memory_space<hbm>>
      %dma_start3A_685 = tpu.memref_squeeze %dma_start3A_684 : memref<1x1x128xi32, #tpu.memory_space<hbm>> -> memref<128xi32, #tpu.memory_space<hbm>>
      tpu.enqueue_dma source(%dma_start3A_685 : memref<128xi32, #tpu.memory_space<hbm>>) target(%dma_start3A_682 : memref<128xi32, #tpu.memory_space<vmem>>) target_semaphore(%arg7 : memref<!tpu.dma_semaphore, #tpu.memory_space<semaphore_mem>>)
      %add3A_686 = arith.constant 3 : i32
      %add3A_687 = arith.addi %add3A_550, %add3A_686 : i32
      %dma_wait3A_688 = arith.constant 1 : i32
      %dma_wait3A_689 = arith.constant 3 : i32
      %dma_wait3A_690 = arith.constant 0 : i32
      %dma_wait3A_691 = tpu.memref_slice %arg4[%dma_wait3A_689, %dma_wait3A_690] : memref<4x128xi32, #tpu.memory_space<vmem>> -> memref<1x128xi32, #tpu.memory_space<vmem>>
      %dma_wait3A_692 = tpu.memref_squeeze %dma_wait3A_691 : memref<1x128xi32, #tpu.memory_space<vmem>> -> memref<128xi32, #tpu.memory_space<vmem>>
      %dma_wait3A_693 = arith.constant 0 : i32
      %dma_wait3A_694 = tpu.memref_slice %arg2[%mul3A_198, %dma_wait3A_688, %dma_wait3A_693] : memref<2560x2x128xi32, #tpu.memory_space<hbm>> -> memref<1x1x128xi32, #tpu.memory_space<hbm>>
      %dma_wait3A_695 = tpu.memref_squeeze %dma_wait3A_694 : memref<1x1x128xi32, #tpu.memory_space<hbm>> -> memref<128xi32, #tpu.memory_space<hbm>>
      %dma_wait3A_696 = arith.constant 0 : i32
      %dma_wait3A_697 = tpu.memref_slice %arg4[%dma_wait3A_689, %dma_wait3A_696] : memref<4x128xi32, #tpu.memory_space<vmem>> -> memref<1x128xi32, #tpu.memory_space<vmem>>
      %dma_wait3A_698 = tpu.memref_squeeze %dma_wait3A_697 : memref<1x128xi32, #tpu.memory_space<vmem>> -> memref<128xi32, #tpu.memory_space<vmem>>
      %dma_wait3A_699 = arith.constant 0 : i32
      %dma_wait3A_700 = tpu.memref_slice %arg2[%mul3A_198, %dma_wait3A_688, %dma_wait3A_699] : memref<2560x2x128xi32, #tpu.memory_space<hbm>> -> memref<1x1x128xi32, #tpu.memory_space<hbm>>
      %dma_wait3A_701 = tpu.memref_squeeze %dma_wait3A_700 : memref<1x1x128xi32, #tpu.memory_space<hbm>> -> memref<128xi32, #tpu.memory_space<hbm>>
      tpu.wait_dma2 semaphore(%arg10 : memref<!tpu.dma_semaphore, #tpu.memory_space<semaphore_mem>>) src(%dma_wait3A_701 : memref<128xi32, #tpu.memory_space<hbm>>) dst(%dma_wait3A_698 : memref<128xi32, #tpu.memory_space<vmem>>)
      %dma_wait3A_702 = arith.constant 2 : i32
      %dma_wait3A_703 = arith.constant 0 : i32
      %dma_wait3A_704 = tpu.memref_slice %arg4[%dma_wait3A_702, %dma_wait3A_703] : memref<4x128xi32, #tpu.memory_space<vmem>> -> memref<1x128xi32, #tpu.memory_space<vmem>>
      %dma_wait3A_705 = tpu.memref_squeeze %dma_wait3A_704 : memref<1x128xi32, #tpu.memory_space<vmem>> -> memref<128xi32, #tpu.memory_space<vmem>>
      %dma_wait3A_706 = arith.constant 0 : i32
      %dma_wait3A_707 = tpu.memref_slice %arg15[%dma_wait3A_706] : memref<10240xf32, #tpu.memory_space<vmem_shared>> -> memref<10240xf32, #tpu.memory_space<vmem_shared>>
      tpu.wait_indirect_dma semaphore(%arg13 : memref<!tpu.dma_semaphore, #tpu.memory_space<semaphore_mem>>) src(%arg5 : memref<128xf32, #tpu.memory_space<vmem>>) dst(%dma_wait3A_707 : memref<10240xf32, #tpu.memory_space<vmem_shared>>)
      %dma_start3A_708 = arith.constant 3 : i32
      %dma_start3A_709 = arith.constant 0 : i32
      %dma_start3A_710 = tpu.memref_slice %arg4[%dma_start3A_708, %dma_start3A_709] : memref<4x128xi32, #tpu.memory_space<vmem>> -> memref<1x128xi32, #tpu.memory_space<vmem>>
      %dma_start3A_711 = tpu.memref_squeeze %dma_start3A_710 : memref<1x128xi32, #tpu.memory_space<vmem>> -> memref<128xi32, #tpu.memory_space<vmem>>
      %dma_start3A_712 = arith.constant 0 : i32
      %dma_start3A_713 = tpu.memref_slice %arg15[%dma_start3A_712] : memref<10240xf32, #tpu.memory_space<vmem_shared>> -> memref<10240xf32, #tpu.memory_space<vmem_shared>>
      tpu.enqueue_indirect_dma source(%arg5 : memref<128xf32, #tpu.memory_space<vmem>>) target(%dma_start3A_713 : memref<10240xf32, #tpu.memory_space<vmem_shared>>) offsets(%dma_start3A_711 : memref<128xi32, #tpu.memory_space<vmem>>) semaphore(%arg14 : memref<!tpu.dma_semaphore, #tpu.memory_space<semaphore_mem>>) {add = true}
      %add3A_714 = arith.constant 2 : i32
      %add3A_715 = arith.addi %add3A_687, %add3A_714 : i32
      %add3A_716 = arith.addi %mul3A_198, %add3A_715 : i32
      %dma_start3A_717 = arith.constant 1 : i32
      %dma_start3A_718 = arith.constant 1 : i32
      %dma_start3A_719 = arith.constant 0 : i32
      %dma_start3A_720 = tpu.memref_slice %arg4[%dma_start3A_718, %dma_start3A_719] : memref<4x128xi32, #tpu.memory_space<vmem>> -> memref<1x128xi32, #tpu.memory_space<vmem>>
      %dma_start3A_721 = tpu.memref_squeeze %dma_start3A_720 : memref<1x128xi32, #tpu.memory_space<vmem>> -> memref<128xi32, #tpu.memory_space<vmem>>
      %dma_start3A_722 = arith.constant 0 : i32
      %dma_start3A_723 = tpu.memref_slice %arg2[%add3A_716, %dma_start3A_717, %dma_start3A_722] : memref<2560x2x128xi32, #tpu.memory_space<hbm>> -> memref<1x1x128xi32, #tpu.memory_space<hbm>>
      %dma_start3A_724 = tpu.memref_squeeze %dma_start3A_723 : memref<1x1x128xi32, #tpu.memory_space<hbm>> -> memref<128xi32, #tpu.memory_space<hbm>>
      %dma_start3A_725 = arith.constant 0 : i32
      %dma_start3A_726 = tpu.memref_slice %arg4[%dma_start3A_718, %dma_start3A_725] : memref<4x128xi32, #tpu.memory_space<vmem>> -> memref<1x128xi32, #tpu.memory_space<vmem>>
      %dma_start3A_727 = tpu.memref_squeeze %dma_start3A_726 : memref<1x128xi32, #tpu.memory_space<vmem>> -> memref<128xi32, #tpu.memory_space<vmem>>
      %dma_start3A_728 = arith.constant 0 : i32
      %dma_start3A_729 = tpu.memref_slice %arg2[%add3A_716, %dma_start3A_717, %dma_start3A_728] : memref<2560x2x128xi32, #tpu.memory_space<hbm>> -> memref<1x1x128xi32, #tpu.memory_space<hbm>>
      %dma_start3A_730 = tpu.memref_squeeze %dma_start3A_729 : memref<1x1x128xi32, #tpu.memory_space<hbm>> -> memref<128xi32, #tpu.memory_space<hbm>>
      tpu.enqueue_dma source(%dma_start3A_730 : memref<128xi32, #tpu.memory_space<hbm>>) target(%dma_start3A_727 : memref<128xi32, #tpu.memory_space<vmem>>) target_semaphore(%arg8 : memref<!tpu.dma_semaphore, #tpu.memory_space<semaphore_mem>>)
    }
    %scan3A_395 = arith.constant 18 : i32
    %dma_wait3A_396 = arith.constant 1 : i32
    %dma_wait3A_397 = arith.constant 0 : i32
    %dma_wait3A_398 = arith.constant 0 : i32
    %dma_wait3A_399 = tpu.memref_slice %arg4[%dma_wait3A_397, %dma_wait3A_398] : memref<4x128xi32, #tpu.memory_space<vmem>> -> memref<1x128xi32, #tpu.memory_space<vmem>>
    %dma_wait3A_400 = tpu.memref_squeeze %dma_wait3A_399 : memref<1x128xi32, #tpu.memory_space<vmem>> -> memref<128xi32, #tpu.memory_space<vmem>>
    %dma_wait3A_401 = arith.constant 0 : i32
    %dma_wait3A_402 = tpu.memref_slice %arg2[%mul3A_198, %dma_wait3A_396, %dma_wait3A_401] : memref<2560x2x128xi32, #tpu.memory_space<hbm>> -> memref<1x1x128xi32, #tpu.memory_space<hbm>>
    %dma_wait3A_403 = tpu.memref_squeeze %dma_wait3A_402 : memref<1x1x128xi32, #tpu.memory_space<hbm>> -> memref<128xi32, #tpu.memory_space<hbm>>
    %dma_wait3A_404 = arith.constant 0 : i32
    %dma_wait3A_405 = tpu.memref_slice %arg4[%dma_wait3A_397, %dma_wait3A_404] : memref<4x128xi32, #tpu.memory_space<vmem>> -> memref<1x128xi32, #tpu.memory_space<vmem>>
    %dma_wait3A_406 = tpu.memref_squeeze %dma_wait3A_405 : memref<1x128xi32, #tpu.memory_space<vmem>> -> memref<128xi32, #tpu.memory_space<vmem>>
    %dma_wait3A_407 = arith.constant 0 : i32
    %dma_wait3A_408 = tpu.memref_slice %arg2[%mul3A_198, %dma_wait3A_396, %dma_wait3A_407] : memref<2560x2x128xi32, #tpu.memory_space<hbm>> -> memref<1x1x128xi32, #tpu.memory_space<hbm>>
    %dma_wait3A_409 = tpu.memref_squeeze %dma_wait3A_408 : memref<1x1x128xi32, #tpu.memory_space<hbm>> -> memref<128xi32, #tpu.memory_space<hbm>>
    tpu.wait_dma2 semaphore(%arg7 : memref<!tpu.dma_semaphore, #tpu.memory_space<semaphore_mem>>) src(%dma_wait3A_409 : memref<128xi32, #tpu.memory_space<hbm>>) dst(%dma_wait3A_406 : memref<128xi32, #tpu.memory_space<vmem>>)
    %dma_wait3A_410 = arith.constant 3 : i32
    %dma_wait3A_411 = arith.constant 0 : i32
    %dma_wait3A_412 = tpu.memref_slice %arg4[%dma_wait3A_410, %dma_wait3A_411] : memref<4x128xi32, #tpu.memory_space<vmem>> -> memref<1x128xi32, #tpu.memory_space<vmem>>
    %dma_wait3A_413 = tpu.memref_squeeze %dma_wait3A_412 : memref<1x128xi32, #tpu.memory_space<vmem>> -> memref<128xi32, #tpu.memory_space<vmem>>
    %dma_wait3A_414 = arith.constant 0 : i32
    %dma_wait3A_415 = tpu.memref_slice %arg15[%dma_wait3A_414] : memref<10240xf32, #tpu.memory_space<vmem_shared>> -> memref<10240xf32, #tpu.memory_space<vmem_shared>>
    tpu.wait_indirect_dma semaphore(%arg14 : memref<!tpu.dma_semaphore, #tpu.memory_space<semaphore_mem>>) src(%arg5 : memref<128xf32, #tpu.memory_space<vmem>>) dst(%dma_wait3A_415 : memref<10240xf32, #tpu.memory_space<vmem_shared>>)
    %dma_start3A_416 = arith.constant 0 : i32
    %dma_start3A_417 = arith.constant 0 : i32
    %dma_start3A_418 = tpu.memref_slice %arg4[%dma_start3A_416, %dma_start3A_417] : memref<4x128xi32, #tpu.memory_space<vmem>> -> memref<1x128xi32, #tpu.memory_space<vmem>>
    %dma_start3A_419 = tpu.memref_squeeze %dma_start3A_418 : memref<1x128xi32, #tpu.memory_space<vmem>> -> memref<128xi32, #tpu.memory_space<vmem>>
    %dma_start3A_420 = arith.constant 0 : i32
    %dma_start3A_421 = tpu.memref_slice %arg15[%dma_start3A_420] : memref<10240xf32, #tpu.memory_space<vmem_shared>> -> memref<10240xf32, #tpu.memory_space<vmem_shared>>
    tpu.enqueue_indirect_dma source(%arg5 : memref<128xf32, #tpu.memory_space<vmem>>) target(%dma_start3A_421 : memref<10240xf32, #tpu.memory_space<vmem_shared>>) offsets(%dma_start3A_419 : memref<128xi32, #tpu.memory_space<vmem>>) semaphore(%arg11 : memref<!tpu.dma_semaphore, #tpu.memory_space<semaphore_mem>>) {add = true}
    %add3A_422 = arith.constant 78 : i32
    %add3A_423 = arith.addi %mul3A_198, %add3A_422 : i32
    %dma_start3A_424 = arith.constant 1 : i32
    %dma_start3A_425 = arith.constant 2 : i32
    %dma_start3A_426 = arith.constant 0 : i32
    %dma_start3A_427 = tpu.memref_slice %arg4[%dma_start3A_425, %dma_start3A_426] : memref<4x128xi32, #tpu.memory_space<vmem>> -> memref<1x128xi32, #tpu.memory_space<vmem>>
    %dma_start3A_428 = tpu.memref_squeeze %dma_start3A_427 : memref<1x128xi32, #tpu.memory_space<vmem>> -> memref<128xi32, #tpu.memory_space<vmem>>
    %dma_start3A_429 = arith.constant 0 : i32
    %dma_start3A_430 = tpu.memref_slice %arg2[%add3A_423, %dma_start3A_424, %dma_start3A_429] : memref<2560x2x128xi32, #tpu.memory_space<hbm>> -> memref<1x1x128xi32, #tpu.memory_space<hbm>>
    %dma_start3A_431 = tpu.memref_squeeze %dma_start3A_430 : memref<1x1x128xi32, #tpu.memory_space<hbm>> -> memref<128xi32, #tpu.memory_space<hbm>>
    %dma_start3A_432 = arith.constant 0 : i32
    %dma_start3A_433 = tpu.memref_slice %arg4[%dma_start3A_425, %dma_start3A_432] : memref<4x128xi32, #tpu.memory_space<vmem>> -> memref<1x128xi32, #tpu.memory_space<vmem>>
    %dma_start3A_434 = tpu.memref_squeeze %dma_start3A_433 : memref<1x128xi32, #tpu.memory_space<vmem>> -> memref<128xi32, #tpu.memory_space<vmem>>
    %dma_start3A_435 = arith.constant 0 : i32
    %dma_start3A_436 = tpu.memref_slice %arg2[%add3A_423, %dma_start3A_424, %dma_start3A_435] : memref<2560x2x128xi32, #tpu.memory_space<hbm>> -> memref<1x1x128xi32, #tpu.memory_space<hbm>>
    %dma_start3A_437 = tpu.memref_squeeze %dma_start3A_436 : memref<1x1x128xi32, #tpu.memory_space<hbm>> -> memref<128xi32, #tpu.memory_space<hbm>>
    tpu.enqueue_dma source(%dma_start3A_437 : memref<128xi32, #tpu.memory_space<hbm>>) target(%dma_start3A_434 : memref<128xi32, #tpu.memory_space<vmem>>) target_semaphore(%arg9 : memref<!tpu.dma_semaphore, #tpu.memory_space<semaphore_mem>>)
    %dma_wait3A_438 = arith.constant 1 : i32
    %dma_wait3A_439 = arith.constant 1 : i32
    %dma_wait3A_440 = arith.constant 0 : i32
    %dma_wait3A_441 = tpu.memref_slice %arg4[%dma_wait3A_439, %dma_wait3A_440] : memref<4x128xi32, #tpu.memory_space<vmem>> -> memref<1x128xi32, #tpu.memory_space<vmem>>
    %dma_wait3A_442 = tpu.memref_squeeze %dma_wait3A_441 : memref<1x128xi32, #tpu.memory_space<vmem>> -> memref<128xi32, #tpu.memory_space<vmem>>
    %dma_wait3A_443 = arith.constant 0 : i32
    %dma_wait3A_444 = tpu.memref_slice %arg2[%mul3A_198, %dma_wait3A_438, %dma_wait3A_443] : memref<2560x2x128xi32, #tpu.memory_space<hbm>> -> memref<1x1x128xi32, #tpu.memory_space<hbm>>
    %dma_wait3A_445 = tpu.memref_squeeze %dma_wait3A_444 : memref<1x1x128xi32, #tpu.memory_space<hbm>> -> memref<128xi32, #tpu.memory_space<hbm>>
    %dma_wait3A_446 = arith.constant 0 : i32
    %dma_wait3A_447 = tpu.memref_slice %arg4[%dma_wait3A_439, %dma_wait3A_446] : memref<4x128xi32, #tpu.memory_space<vmem>> -> memref<1x128xi32, #tpu.memory_space<vmem>>
    %dma_wait3A_448 = tpu.memref_squeeze %dma_wait3A_447 : memref<1x128xi32, #tpu.memory_space<vmem>> -> memref<128xi32, #tpu.memory_space<vmem>>
    %dma_wait3A_449 = arith.constant 0 : i32
    %dma_wait3A_450 = tpu.memref_slice %arg2[%mul3A_198, %dma_wait3A_438, %dma_wait3A_449] : memref<2560x2x128xi32, #tpu.memory_space<hbm>> -> memref<1x1x128xi32, #tpu.memory_space<hbm>>
    %dma_wait3A_451 = tpu.memref_squeeze %dma_wait3A_450 : memref<1x1x128xi32, #tpu.memory_space<hbm>> -> memref<128xi32, #tpu.memory_space<hbm>>
    tpu.wait_dma2 semaphore(%arg8 : memref<!tpu.dma_semaphore, #tpu.memory_space<semaphore_mem>>) src(%dma_wait3A_451 : memref<128xi32, #tpu.memory_space<hbm>>) dst(%dma_wait3A_448 : memref<128xi32, #tpu.memory_space<vmem>>)
    %dma_wait3A_452 = arith.constant 0 : i32
    %dma_wait3A_453 = arith.constant 0 : i32
    %dma_wait3A_454 = tpu.memref_slice %arg4[%dma_wait3A_452, %dma_wait3A_453] : memref<4x128xi32, #tpu.memory_space<vmem>> -> memref<1x128xi32, #tpu.memory_space<vmem>>
    %dma_wait3A_455 = tpu.memref_squeeze %dma_wait3A_454 : memref<1x128xi32, #tpu.memory_space<vmem>> -> memref<128xi32, #tpu.memory_space<vmem>>
    %dma_wait3A_456 = arith.constant 0 : i32
    %dma_wait3A_457 = tpu.memref_slice %arg15[%dma_wait3A_456] : memref<10240xf32, #tpu.memory_space<vmem_shared>> -> memref<10240xf32, #tpu.memory_space<vmem_shared>>
    tpu.wait_indirect_dma semaphore(%arg11 : memref<!tpu.dma_semaphore, #tpu.memory_space<semaphore_mem>>) src(%arg5 : memref<128xf32, #tpu.memory_space<vmem>>) dst(%dma_wait3A_457 : memref<10240xf32, #tpu.memory_space<vmem_shared>>)
    %dma_start3A_458 = arith.constant 1 : i32
    %dma_start3A_459 = arith.constant 0 : i32
    %dma_start3A_460 = tpu.memref_slice %arg4[%dma_start3A_458, %dma_start3A_459] : memref<4x128xi32, #tpu.memory_space<vmem>> -> memref<1x128xi32, #tpu.memory_space<vmem>>
    %dma_start3A_461 = tpu.memref_squeeze %dma_start3A_460 : memref<1x128xi32, #tpu.memory_space<vmem>> -> memref<128xi32, #tpu.memory_space<vmem>>
    %dma_start3A_462 = arith.constant 0 : i32
    %dma_start3A_463 = tpu.memref_slice %arg15[%dma_start3A_462] : memref<10240xf32, #tpu.memory_space<vmem_shared>> -> memref<10240xf32, #tpu.memory_space<vmem_shared>>
    tpu.enqueue_indirect_dma source(%arg5 : memref<128xf32, #tpu.memory_space<vmem>>) target(%dma_start3A_463 : memref<10240xf32, #tpu.memory_space<vmem_shared>>) offsets(%dma_start3A_461 : memref<128xi32, #tpu.memory_space<vmem>>) semaphore(%arg12 : memref<!tpu.dma_semaphore, #tpu.memory_space<semaphore_mem>>) {add = true}
    %add3A_464 = arith.constant 79 : i32
    %add3A_465 = arith.addi %mul3A_198, %add3A_464 : i32
    %dma_start3A_466 = arith.constant 1 : i32
    %dma_start3A_467 = arith.constant 3 : i32
    %dma_start3A_468 = arith.constant 0 : i32
    %dma_start3A_469 = tpu.memref_slice %arg4[%dma_start3A_467, %dma_start3A_468] : memref<4x128xi32, #tpu.memory_space<vmem>> -> memref<1x128xi32, #tpu.memory_space<vmem>>
    %dma_start3A_470 = tpu.memref_squeeze %dma_start3A_469 : memref<1x128xi32, #tpu.memory_space<vmem>> -> memref<128xi32, #tpu.memory_space<vmem>>
    %dma_start3A_471 = arith.constant 0 : i32
    %dma_start3A_472 = tpu.memref_slice %arg2[%add3A_465, %dma_start3A_466, %dma_start3A_471] : memref<2560x2x128xi32, #tpu.memory_space<hbm>> -> memref<1x1x128xi32, #tpu.memory_space<hbm>>
    %dma_start3A_473 = tpu.memref_squeeze %dma_start3A_472 : memref<1x1x128xi32, #tpu.memory_space<hbm>> -> memref<128xi32, #tpu.memory_space<hbm>>
    %dma_start3A_474 = arith.constant 0 : i32
    %dma_start3A_475 = tpu.memref_slice %arg4[%dma_start3A_467, %dma_start3A_474] : memref<4x128xi32, #tpu.memory_space<vmem>> -> memref<1x128xi32, #tpu.memory_space<vmem>>
    %dma_start3A_476 = tpu.memref_squeeze %dma_start3A_475 : memref<1x128xi32, #tpu.memory_space<vmem>> -> memref<128xi32, #tpu.memory_space<vmem>>
    %dma_start3A_477 = arith.constant 0 : i32
    %dma_start3A_478 = tpu.memref_slice %arg2[%add3A_465, %dma_start3A_466, %dma_start3A_477] : memref<2560x2x128xi32, #tpu.memory_space<hbm>> -> memref<1x1x128xi32, #tpu.memory_space<hbm>>
    %dma_start3A_479 = tpu.memref_squeeze %dma_start3A_478 : memref<1x1x128xi32, #tpu.memory_space<hbm>> -> memref<128xi32, #tpu.memory_space<hbm>>
    tpu.enqueue_dma source(%dma_start3A_479 : memref<128xi32, #tpu.memory_space<hbm>>) target(%dma_start3A_476 : memref<128xi32, #tpu.memory_space<vmem>>) target_semaphore(%arg10 : memref<!tpu.dma_semaphore, #tpu.memory_space<semaphore_mem>>)
    %dma_wait3A_480 = arith.constant 1 : i32
    %dma_wait3A_481 = arith.constant 2 : i32
    %dma_wait3A_482 = arith.constant 0 : i32
    %dma_wait3A_483 = tpu.memref_slice %arg4[%dma_wait3A_481, %dma_wait3A_482] : memref<4x128xi32, #tpu.memory_space<vmem>> -> memref<1x128xi32, #tpu.memory_space<vmem>>
    %dma_wait3A_484 = tpu.memref_squeeze %dma_wait3A_483 : memref<1x128xi32, #tpu.memory_space<vmem>> -> memref<128xi32, #tpu.memory_space<vmem>>
    %dma_wait3A_485 = arith.constant 0 : i32
    %dma_wait3A_486 = tpu.memref_slice %arg2[%mul3A_198, %dma_wait3A_480, %dma_wait3A_485] : memref<2560x2x128xi32, #tpu.memory_space<hbm>> -> memref<1x1x128xi32, #tpu.memory_space<hbm>>
    %dma_wait3A_487 = tpu.memref_squeeze %dma_wait3A_486 : memref<1x1x128xi32, #tpu.memory_space<hbm>> -> memref<128xi32, #tpu.memory_space<hbm>>
    %dma_wait3A_488 = arith.constant 0 : i32
    %dma_wait3A_489 = tpu.memref_slice %arg4[%dma_wait3A_481, %dma_wait3A_488] : memref<4x128xi32, #tpu.memory_space<vmem>> -> memref<1x128xi32, #tpu.memory_space<vmem>>
    %dma_wait3A_490 = tpu.memref_squeeze %dma_wait3A_489 : memref<1x128xi32, #tpu.memory_space<vmem>> -> memref<128xi32, #tpu.memory_space<vmem>>
    %dma_wait3A_491 = arith.constant 0 : i32
    %dma_wait3A_492 = tpu.memref_slice %arg2[%mul3A_198, %dma_wait3A_480, %dma_wait3A_491] : memref<2560x2x128xi32, #tpu.memory_space<hbm>> -> memref<1x1x128xi32, #tpu.memory_space<hbm>>
    %dma_wait3A_493 = tpu.memref_squeeze %dma_wait3A_492 : memref<1x1x128xi32, #tpu.memory_space<hbm>> -> memref<128xi32, #tpu.memory_space<hbm>>
    tpu.wait_dma2 semaphore(%arg9 : memref<!tpu.dma_semaphore, #tpu.memory_space<semaphore_mem>>) src(%dma_wait3A_493 : memref<128xi32, #tpu.memory_space<hbm>>) dst(%dma_wait3A_490 : memref<128xi32, #tpu.memory_space<vmem>>)
    %dma_wait3A_494 = arith.constant 1 : i32
    %dma_wait3A_495 = arith.constant 0 : i32
    %dma_wait3A_496 = tpu.memref_slice %arg4[%dma_wait3A_494, %dma_wait3A_495] : memref<4x128xi32, #tpu.memory_space<vmem>> -> memref<1x128xi32, #tpu.memory_space<vmem>>
    %dma_wait3A_497 = tpu.memref_squeeze %dma_wait3A_496 : memref<1x128xi32, #tpu.memory_space<vmem>> -> memref<128xi32, #tpu.memory_space<vmem>>
    %dma_wait3A_498 = arith.constant 0 : i32
    %dma_wait3A_499 = tpu.memref_slice %arg15[%dma_wait3A_498] : memref<10240xf32, #tpu.memory_space<vmem_shared>> -> memref<10240xf32, #tpu.memory_space<vmem_shared>>
    tpu.wait_indirect_dma semaphore(%arg12 : memref<!tpu.dma_semaphore, #tpu.memory_space<semaphore_mem>>) src(%arg5 : memref<128xf32, #tpu.memory_space<vmem>>) dst(%dma_wait3A_499 : memref<10240xf32, #tpu.memory_space<vmem_shared>>)
    %dma_start3A_500 = arith.constant 2 : i32
    %dma_start3A_501 = arith.constant 0 : i32
    %dma_start3A_502 = tpu.memref_slice %arg4[%dma_start3A_500, %dma_start3A_501] : memref<4x128xi32, #tpu.memory_space<vmem>> -> memref<1x128xi32, #tpu.memory_space<vmem>>
    %dma_start3A_503 = tpu.memref_squeeze %dma_start3A_502 : memref<1x128xi32, #tpu.memory_space<vmem>> -> memref<128xi32, #tpu.memory_space<vmem>>
    %dma_start3A_504 = arith.constant 0 : i32
    %dma_start3A_505 = tpu.memref_slice %arg15[%dma_start3A_504] : memref<10240xf32, #tpu.memory_space<vmem_shared>> -> memref<10240xf32, #tpu.memory_space<vmem_shared>>
    tpu.enqueue_indirect_dma source(%arg5 : memref<128xf32, #tpu.memory_space<vmem>>) target(%dma_start3A_505 : memref<10240xf32, #tpu.memory_space<vmem_shared>>) offsets(%dma_start3A_503 : memref<128xi32, #tpu.memory_space<vmem>>) semaphore(%arg13 : memref<!tpu.dma_semaphore, #tpu.memory_space<semaphore_mem>>) {add = true}
    %dma_wait3A_506 = arith.constant 1 : i32
    %dma_wait3A_507 = arith.constant 3 : i32
    %dma_wait3A_508 = arith.constant 0 : i32
    %dma_wait3A_509 = tpu.memref_slice %arg4[%dma_wait3A_507, %dma_wait3A_508] : memref<4x128xi32, #tpu.memory_space<vmem>> -> memref<1x128xi32, #tpu.memory_space<vmem>>
    %dma_wait3A_510 = tpu.memref_squeeze %dma_wait3A_509 : memref<1x128xi32, #tpu.memory_space<vmem>> -> memref<128xi32, #tpu.memory_space<vmem>>
    %dma_wait3A_511 = arith.constant 0 : i32
    %dma_wait3A_512 = tpu.memref_slice %arg2[%mul3A_198, %dma_wait3A_506, %dma_wait3A_511] : memref<2560x2x128xi32, #tpu.memory_space<hbm>> -> memref<1x1x128xi32, #tpu.memory_space<hbm>>
    %dma_wait3A_513 = tpu.memref_squeeze %dma_wait3A_512 : memref<1x1x128xi32, #tpu.memory_space<hbm>> -> memref<128xi32, #tpu.memory_space<hbm>>
    %dma_wait3A_514 = arith.constant 0 : i32
    %dma_wait3A_515 = tpu.memref_slice %arg4[%dma_wait3A_507, %dma_wait3A_514] : memref<4x128xi32, #tpu.memory_space<vmem>> -> memref<1x128xi32, #tpu.memory_space<vmem>>
    %dma_wait3A_516 = tpu.memref_squeeze %dma_wait3A_515 : memref<1x128xi32, #tpu.memory_space<vmem>> -> memref<128xi32, #tpu.memory_space<vmem>>
    %dma_wait3A_517 = arith.constant 0 : i32
    %dma_wait3A_518 = tpu.memref_slice %arg2[%mul3A_198, %dma_wait3A_506, %dma_wait3A_517] : memref<2560x2x128xi32, #tpu.memory_space<hbm>> -> memref<1x1x128xi32, #tpu.memory_space<hbm>>
    %dma_wait3A_519 = tpu.memref_squeeze %dma_wait3A_518 : memref<1x1x128xi32, #tpu.memory_space<hbm>> -> memref<128xi32, #tpu.memory_space<hbm>>
    tpu.wait_dma2 semaphore(%arg10 : memref<!tpu.dma_semaphore, #tpu.memory_space<semaphore_mem>>) src(%dma_wait3A_519 : memref<128xi32, #tpu.memory_space<hbm>>) dst(%dma_wait3A_516 : memref<128xi32, #tpu.memory_space<vmem>>)
    %dma_wait3A_520 = arith.constant 2 : i32
    %dma_wait3A_521 = arith.constant 0 : i32
    %dma_wait3A_522 = tpu.memref_slice %arg4[%dma_wait3A_520, %dma_wait3A_521] : memref<4x128xi32, #tpu.memory_space<vmem>> -> memref<1x128xi32, #tpu.memory_space<vmem>>
    %dma_wait3A_523 = tpu.memref_squeeze %dma_wait3A_522 : memref<1x128xi32, #tpu.memory_space<vmem>> -> memref<128xi32, #tpu.memory_space<vmem>>
    %dma_wait3A_524 = arith.constant 0 : i32
    %dma_wait3A_525 = tpu.memref_slice %arg15[%dma_wait3A_524] : memref<10240xf32, #tpu.memory_space<vmem_shared>> -> memref<10240xf32, #tpu.memory_space<vmem_shared>>
    tpu.wait_indirect_dma semaphore(%arg13 : memref<!tpu.dma_semaphore, #tpu.memory_space<semaphore_mem>>) src(%arg5 : memref<128xf32, #tpu.memory_space<vmem>>) dst(%dma_wait3A_525 : memref<10240xf32, #tpu.memory_space<vmem_shared>>)
    %dma_start3A_526 = arith.constant 3 : i32
    %dma_start3A_527 = arith.constant 0 : i32
    %dma_start3A_528 = tpu.memref_slice %arg4[%dma_start3A_526, %dma_start3A_527] : memref<4x128xi32, #tpu.memory_space<vmem>> -> memref<1x128xi32, #tpu.memory_space<vmem>>
    %dma_start3A_529 = tpu.memref_squeeze %dma_start3A_528 : memref<1x128xi32, #tpu.memory_space<vmem>> -> memref<128xi32, #tpu.memory_space<vmem>>
    %dma_start3A_530 = arith.constant 0 : i32
    %dma_start3A_531 = tpu.memref_slice %arg15[%dma_start3A_530] : memref<10240xf32, #tpu.memory_space<vmem_shared>> -> memref<10240xf32, #tpu.memory_space<vmem_shared>>
    tpu.enqueue_indirect_dma source(%arg5 : memref<128xf32, #tpu.memory_space<vmem>>) target(%dma_start3A_531 : memref<10240xf32, #tpu.memory_space<vmem_shared>>) offsets(%dma_start3A_529 : memref<128xi32, #tpu.memory_space<vmem>>) semaphore(%arg14 : memref<!tpu.dma_semaphore, #tpu.memory_space<semaphore_mem>>) {add = true}
    %dma_wait3A_532 = arith.constant 3 : i32
    %dma_wait3A_533 = arith.constant 0 : i32
    %dma_wait3A_534 = tpu.memref_slice %arg4[%dma_wait3A_532, %dma_wait3A_533] : memref<4x128xi32, #tpu.memory_space<vmem>> -> memref<1x128xi32, #tpu.memory_space<vmem>>
    %dma_wait3A_535 = tpu.memref_squeeze %dma_wait3A_534 : memref<1x128xi32, #tpu.memory_space<vmem>> -> memref<128xi32, #tpu.memory_space<vmem>>
    %dma_wait3A_536 = arith.constant 0 : i32
    %dma_wait3A_537 = tpu.memref_slice %arg15[%dma_wait3A_536] : memref<10240xf32, #tpu.memory_space<vmem_shared>> -> memref<10240xf32, #tpu.memory_space<vmem_shared>>
    tpu.wait_indirect_dma semaphore(%arg14 : memref<!tpu.dma_semaphore, #tpu.memory_space<semaphore_mem>>) src(%arg5 : memref<128xf32, #tpu.memory_space<vmem>>) dst(%dma_wait3A_537 : memref<10240xf32, #tpu.memory_space<vmem_shared>>)
    %barrier3A_538 = arith.constant 0 : index
    tpu.barrier barrier_id(%barrier3A_538)
    %mul3A_539 = arith.constant 640 : i32
    %mul3A_540 = arith.muli %arg1, %mul3A_539 : i32
    %mul3A_541 = arith.constant 10240 : i32
    %mul3A_542 = arith.muli %arg0, %mul3A_541 : i32
    %mul3A_543 = arith.constant 640 : i32
    %mul3A_544 = arith.muli %arg1, %mul3A_543 : i32
    %add3A_545 = arith.addi %mul3A_542, %mul3A_544 : i32
    "tpu.region"() ({
      %run_scoped3A = tpu.sem_alloc : memref<!tpu.dma_semaphore, #tpu.memory_space<semaphore_mem>>
      %dma_start3A_546 = tpu.memref_slice %arg3[%add3A_545] : memref<20480xf32, #tpu.memory_space<hbm>> -> memref<640xf32, #tpu.memory_space<hbm>>
      %dma_start3A_547 = tpu.memref_slice %arg15[%mul3A_540] : memref<10240xf32, #tpu.memory_space<vmem_shared>> -> memref<640xf32, #tpu.memory_space<vmem_shared>>
      tpu.enqueue_dma source(%dma_start3A_547 : memref<640xf32, #tpu.memory_space<vmem_shared>>) target(%dma_start3A_546 : memref<640xf32, #tpu.memory_space<hbm>>) target_semaphore(%run_scoped3A : memref<!tpu.dma_semaphore, #tpu.memory_space<semaphore_mem>>)
      %dma_wait3A_548 = tpu.memref_slice %arg3[%add3A_545] : memref<20480xf32, #tpu.memory_space<hbm>> -> memref<640xf32, #tpu.memory_space<hbm>>
      %dma_wait3A_549 = tpu.memref_slice %arg15[%mul3A_540] : memref<10240xf32, #tpu.memory_space<vmem_shared>> -> memref<640xf32, #tpu.memory_space<vmem_shared>>
      tpu.wait_dma2 semaphore(%run_scoped3A : memref<!tpu.dma_semaphore, #tpu.memory_space<semaphore_mem>>) src(%dma_wait3A_549 : memref<640xf32, #tpu.memory_space<vmem_shared>>) dst(%dma_wait3A_548 : memref<640xf32, #tpu.memory_space<hbm>>)
      tpu.yield
    }) : () -> ()
    return
  }
}

#map = affine_map<(d0, d1) -> (0, 0, 0)>
#map1 = affine_map<(d0, d1) -> (0, 0)>
module attributes {stable_mosaic.version = 14 : i64} {
  func.func @body(%arg0: i32, %arg1: i32, %arg2: memref<2560x2x128xi32, #tpu.memory_space<hbm>>, %arg3: memref<10000x128xf32, #tpu.memory_space<hbm>>, %arg4: memref<20480x128xf32, #tpu.memory_space<hbm>>, %arg5: memref<4x2x128xi32, #tpu.memory_space<vmem>>, %arg6: memref<128x128xf32, #tpu.memory_space<vmem>>, %arg7: memref<128x128xf32, #tpu.memory_space<vmem>>, %arg8: memref<16x128xf32, #tpu.memory_space<vmem>>, %arg9: memref<!tpu.dma_semaphore, #tpu.memory_space<semaphore_mem>>, %arg10: memref<!tpu.dma_semaphore, #tpu.memory_space<semaphore_mem>>, %arg11: memref<!tpu.dma_semaphore, #tpu.memory_space<semaphore_mem>>, %arg12: memref<!tpu.dma_semaphore, #tpu.memory_space<semaphore_mem>>, %arg13: memref<!tpu.dma_semaphore, #tpu.memory_space<semaphore_mem>>, %arg14: memref<!tpu.dma_semaphore, #tpu.memory_space<semaphore_mem>>, %arg15: memref<!tpu.dma_semaphore, #tpu.memory_space<semaphore_mem>>, %arg16: memref<!tpu.dma_semaphore, #tpu.memory_space<semaphore_mem>>, %arg17: memref<10240x128xf32, #tpu.memory_space<vmem_shared>>) attributes {dimension_semantics = [#tpu.dimension_semantics<core_parallel>, #tpu.dimension_semantics<subcore_parallel>], iteration_bounds = array<i64: 2, 16>, scalar_prefetch = 0 : i64, scratch_operands = 13 : i64, tpu.core_type = #tpu.core_type<sc_vector_subcore>, window_params = [{transform_indices = #map}, {transform_indices = #map1}, {transform_indices = #map1}]} {
    %broadcast_in_dim3A = arith.constant 0.000000e+00 : f32
    %broadcast_in_dim3A_0 = vector.broadcast %broadcast_in_dim3A : f32 to vector<16xf32>
    %swap3A = arith.constant 0 : i32
    %swap3A_1 = arith.index_cast %swap3A : i32 to index
    %swap3A_2 = arith.constant 0 : index
    %swap3A_3 = tpu.vector_load %arg8[%swap3A_1, %swap3A_2] {strides = array<i32>} : memref<16x128xf32, #tpu.memory_space<vmem>>, vector<1x16xf32>,
    %swap3A_4 = vector.shape_cast %swap3A_3 : vector<1x16xf32> to vector<16xf32>
    %swap3A_5 = vector.shape_cast %broadcast_in_dim3A_0 : vector<16xf32> to vector<1x16xf32>
    tpu.vector_store %arg8[%swap3A_1, %swap3A_2], %swap3A_5 {strides = array<i32>} : memref<16x128xf32, #tpu.memory_space<vmem>>, vector<1x16xf32>,
    %swap3A_6 = arith.constant 0 : i32
    %swap3A_7 = arith.index_cast %swap3A_6 : i32 to index
    %swap3A_8 = arith.constant 16 : index
    %swap3A_9 = tpu.vector_load %arg8[%swap3A_7, %swap3A_8] {strides = array<i32>} : memref<16x128xf32, #tpu.memory_space<vmem>>, vector<1x16xf32>,
    %swap3A_10 = vector.shape_cast %swap3A_9 : vector<1x16xf32> to vector<16xf32>
    %swap3A_11 = vector.shape_cast %broadcast_in_dim3A_0 : vector<16xf32> to vector<1x16xf32>
    tpu.vector_store %arg8[%swap3A_7, %swap3A_8], %swap3A_11 {strides = array<i32>} : memref<16x128xf32, #tpu.memory_space<vmem>>, vector<1x16xf32>,
    %swap3A_12 = arith.constant 0 : i32
    %swap3A_13 = arith.index_cast %swap3A_12 : i32 to index
    %swap3A_14 = arith.constant 32 : index
    %swap3A_15 = tpu.vector_load %arg8[%swap3A_13, %swap3A_14] {strides = array<i32>} : memref<16x128xf32, #tpu.memory_space<vmem>>, vector<1x16xf32>,
    %swap3A_16 = vector.shape_cast %swap3A_15 : vector<1x16xf32> to vector<16xf32>
    %swap3A_17 = vector.shape_cast %broadcast_in_dim3A_0 : vector<16xf32> to vector<1x16xf32>
    tpu.vector_store %arg8[%swap3A_13, %swap3A_14], %swap3A_17 {strides = array<i32>} : memref<16x128xf32, #tpu.memory_space<vmem>>, vector<1x16xf32>,
    %swap3A_18 = arith.constant 0 : i32
    %swap3A_19 = arith.index_cast %swap3A_18 : i32 to index
    %swap3A_20 = arith.constant 48 : index
    %swap3A_21 = tpu.vector_load %arg8[%swap3A_19, %swap3A_20] {strides = array<i32>} : memref<16x128xf32, #tpu.memory_space<vmem>>, vector<1x16xf32>,
    %swap3A_22 = vector.shape_cast %swap3A_21 : vector<1x16xf32> to vector<16xf32>
    %swap3A_23 = vector.shape_cast %broadcast_in_dim3A_0 : vector<16xf32> to vector<1x16xf32>
    tpu.vector_store %arg8[%swap3A_19, %swap3A_20], %swap3A_23 {strides = array<i32>} : memref<16x128xf32, #tpu.memory_space<vmem>>, vector<1x16xf32>,
    %swap3A_24 = arith.constant 0 : i32
    %swap3A_25 = arith.index_cast %swap3A_24 : i32 to index
    %swap3A_26 = arith.constant 64 : index
    %swap3A_27 = tpu.vector_load %arg8[%swap3A_25, %swap3A_26] {strides = array<i32>} : memref<16x128xf32, #tpu.memory_space<vmem>>, vector<1x16xf32>,
    %swap3A_28 = vector.shape_cast %swap3A_27 : vector<1x16xf32> to vector<16xf32>
    %swap3A_29 = vector.shape_cast %broadcast_in_dim3A_0 : vector<16xf32> to vector<1x16xf32>
    tpu.vector_store %arg8[%swap3A_25, %swap3A_26], %swap3A_29 {strides = array<i32>} : memref<16x128xf32, #tpu.memory_space<vmem>>, vector<1x16xf32>,
    %swap3A_30 = arith.constant 0 : i32
    %swap3A_31 = arith.index_cast %swap3A_30 : i32 to index
    %swap3A_32 = arith.constant 80 : index
    %swap3A_33 = tpu.vector_load %arg8[%swap3A_31, %swap3A_32] {strides = array<i32>} : memref<16x128xf32, #tpu.memory_space<vmem>>, vector<1x16xf32>,
    %swap3A_34 = vector.shape_cast %swap3A_33 : vector<1x16xf32> to vector<16xf32>
    %swap3A_35 = vector.shape_cast %broadcast_in_dim3A_0 : vector<16xf32> to vector<1x16xf32>
    tpu.vector_store %arg8[%swap3A_31, %swap3A_32], %swap3A_35 {strides = array<i32>} : memref<16x128xf32, #tpu.memory_space<vmem>>, vector<1x16xf32>,
    %swap3A_36 = arith.constant 0 : i32
    %swap3A_37 = arith.index_cast %swap3A_36 : i32 to index
    %swap3A_38 = arith.constant 96 : index
    %swap3A_39 = tpu.vector_load %arg8[%swap3A_37, %swap3A_38] {strides = array<i32>} : memref<16x128xf32, #tpu.memory_space<vmem>>, vector<1x16xf32>,
    %swap3A_40 = vector.shape_cast %swap3A_39 : vector<1x16xf32> to vector<16xf32>
    %swap3A_41 = vector.shape_cast %broadcast_in_dim3A_0 : vector<16xf32> to vector<1x16xf32>
    tpu.vector_store %arg8[%swap3A_37, %swap3A_38], %swap3A_41 {strides = array<i32>} : memref<16x128xf32, #tpu.memory_space<vmem>>, vector<1x16xf32>,
    %swap3A_42 = arith.constant 0 : i32
    %swap3A_43 = arith.index_cast %swap3A_42 : i32 to index
    %swap3A_44 = arith.constant 112 : index
    %swap3A_45 = tpu.vector_load %arg8[%swap3A_43, %swap3A_44] {strides = array<i32>} : memref<16x128xf32, #tpu.memory_space<vmem>>, vector<1x16xf32>,
    %swap3A_46 = vector.shape_cast %swap3A_45 : vector<1x16xf32> to vector<16xf32>
    %swap3A_47 = vector.shape_cast %broadcast_in_dim3A_0 : vector<16xf32> to vector<1x16xf32>
    tpu.vector_store %arg8[%swap3A_43, %swap3A_44], %swap3A_47 {strides = array<i32>} : memref<16x128xf32, #tpu.memory_space<vmem>>, vector<1x16xf32>,
    %swap3A_48 = arith.constant 1 : i32
    %swap3A_49 = arith.index_cast %swap3A_48 : i32 to index
    %swap3A_50 = arith.constant 0 : index
    %swap3A_51 = tpu.vector_load %arg8[%swap3A_49, %swap3A_50] {strides = array<i32>} : memref<16x128xf32, #tpu.memory_space<vmem>>, vector<1x16xf32>,
    %swap3A_52 = vector.shape_cast %swap3A_51 : vector<1x16xf32> to vector<16xf32>
    %swap3A_53 = vector.shape_cast %broadcast_in_dim3A_0 : vector<16xf32> to vector<1x16xf32>
    tpu.vector_store %arg8[%swap3A_49, %swap3A_50], %swap3A_53 {strides = array<i32>} : memref<16x128xf32, #tpu.memory_space<vmem>>, vector<1x16xf32>,
    %swap3A_54 = arith.constant 1 : i32
    %swap3A_55 = arith.index_cast %swap3A_54 : i32 to index
    %swap3A_56 = arith.constant 16 : index
    %swap3A_57 = tpu.vector_load %arg8[%swap3A_55, %swap3A_56] {strides = array<i32>} : memref<16x128xf32, #tpu.memory_space<vmem>>, vector<1x16xf32>,
    %swap3A_58 = vector.shape_cast %swap3A_57 : vector<1x16xf32> to vector<16xf32>
    %swap3A_59 = vector.shape_cast %broadcast_in_dim3A_0 : vector<16xf32> to vector<1x16xf32>
    tpu.vector_store %arg8[%swap3A_55, %swap3A_56], %swap3A_59 {strides = array<i32>} : memref<16x128xf32, #tpu.memory_space<vmem>>, vector<1x16xf32>,
    %swap3A_60 = arith.constant 1 : i32
    %swap3A_61 = arith.index_cast %swap3A_60 : i32 to index
    %swap3A_62 = arith.constant 32 : index
    %swap3A_63 = tpu.vector_load %arg8[%swap3A_61, %swap3A_62] {strides = array<i32>} : memref<16x128xf32, #tpu.memory_space<vmem>>, vector<1x16xf32>,
    %swap3A_64 = vector.shape_cast %swap3A_63 : vector<1x16xf32> to vector<16xf32>
    %swap3A_65 = vector.shape_cast %broadcast_in_dim3A_0 : vector<16xf32> to vector<1x16xf32>
    tpu.vector_store %arg8[%swap3A_61, %swap3A_62], %swap3A_65 {strides = array<i32>} : memref<16x128xf32, #tpu.memory_space<vmem>>, vector<1x16xf32>,
    %swap3A_66 = arith.constant 1 : i32
    %swap3A_67 = arith.index_cast %swap3A_66 : i32 to index
    %swap3A_68 = arith.constant 48 : index
    %swap3A_69 = tpu.vector_load %arg8[%swap3A_67, %swap3A_68] {strides = array<i32>} : memref<16x128xf32, #tpu.memory_space<vmem>>, vector<1x16xf32>,
    %swap3A_70 = vector.shape_cast %swap3A_69 : vector<1x16xf32> to vector<16xf32>
    %swap3A_71 = vector.shape_cast %broadcast_in_dim3A_0 : vector<16xf32> to vector<1x16xf32>
    tpu.vector_store %arg8[%swap3A_67, %swap3A_68], %swap3A_71 {strides = array<i32>} : memref<16x128xf32, #tpu.memory_space<vmem>>, vector<1x16xf32>,
    %swap3A_72 = arith.constant 1 : i32
    %swap3A_73 = arith.index_cast %swap3A_72 : i32 to index
    %swap3A_74 = arith.constant 64 : index
    %swap3A_75 = tpu.vector_load %arg8[%swap3A_73, %swap3A_74] {strides = array<i32>} : memref<16x128xf32, #tpu.memory_space<vmem>>, vector<1x16xf32>,
    %swap3A_76 = vector.shape_cast %swap3A_75 : vector<1x16xf32> to vector<16xf32>
    %swap3A_77 = vector.shape_cast %broadcast_in_dim3A_0 : vector<16xf32> to vector<1x16xf32>
    tpu.vector_store %arg8[%swap3A_73, %swap3A_74], %swap3A_77 {strides = array<i32>} : memref<16x128xf32, #tpu.memory_space<vmem>>, vector<1x16xf32>,
    %swap3A_78 = arith.constant 1 : i32
    %swap3A_79 = arith.index_cast %swap3A_78 : i32 to index
    %swap3A_80 = arith.constant 80 : index
    %swap3A_81 = tpu.vector_load %arg8[%swap3A_79, %swap3A_80] {strides = array<i32>} : memref<16x128xf32, #tpu.memory_space<vmem>>, vector<1x16xf32>,
    %swap3A_82 = vector.shape_cast %swap3A_81 : vector<1x16xf32> to vector<16xf32>
    %swap3A_83 = vector.shape_cast %broadcast_in_dim3A_0 : vector<16xf32> to vector<1x16xf32>
    tpu.vector_store %arg8[%swap3A_79, %swap3A_80], %swap3A_83 {strides = array<i32>} : memref<16x128xf32, #tpu.memory_space<vmem>>, vector<1x16xf32>,
    %swap3A_84 = arith.constant 1 : i32
    %swap3A_85 = arith.index_cast %swap3A_84 : i32 to index
    %swap3A_86 = arith.constant 96 : index
    %swap3A_87 = tpu.vector_load %arg8[%swap3A_85, %swap3A_86] {strides = array<i32>} : memref<16x128xf32, #tpu.memory_space<vmem>>, vector<1x16xf32>,
    %swap3A_88 = vector.shape_cast %swap3A_87 : vector<1x16xf32> to vector<16xf32>
    %swap3A_89 = vector.shape_cast %broadcast_in_dim3A_0 : vector<16xf32> to vector<1x16xf32>
    tpu.vector_store %arg8[%swap3A_85, %swap3A_86], %swap3A_89 {strides = array<i32>} : memref<16x128xf32, #tpu.memory_space<vmem>>, vector<1x16xf32>,
    %swap3A_90 = arith.constant 1 : i32
    %swap3A_91 = arith.index_cast %swap3A_90 : i32 to index
    %swap3A_92 = arith.constant 112 : index
    %swap3A_93 = tpu.vector_load %arg8[%swap3A_91, %swap3A_92] {strides = array<i32>} : memref<16x128xf32, #tpu.memory_space<vmem>>, vector<1x16xf32>,
    %swap3A_94 = vector.shape_cast %swap3A_93 : vector<1x16xf32> to vector<16xf32>
    %swap3A_95 = vector.shape_cast %broadcast_in_dim3A_0 : vector<16xf32> to vector<1x16xf32>
    tpu.vector_store %arg8[%swap3A_91, %swap3A_92], %swap3A_95 {strides = array<i32>} : memref<16x128xf32, #tpu.memory_space<vmem>>, vector<1x16xf32>,
    %swap3A_96 = arith.constant 2 : i32
    %swap3A_97 = arith.index_cast %swap3A_96 : i32 to index
    %swap3A_98 = arith.constant 0 : index
    %swap3A_99 = tpu.vector_load %arg8[%swap3A_97, %swap3A_98] {strides = array<i32>} : memref<16x128xf32, #tpu.memory_space<vmem>>, vector<1x16xf32>,
    %swap3A_100 = vector.shape_cast %swap3A_99 : vector<1x16xf32> to vector<16xf32>
    %swap3A_101 = vector.shape_cast %broadcast_in_dim3A_0 : vector<16xf32> to vector<1x16xf32>
    tpu.vector_store %arg8[%swap3A_97, %swap3A_98], %swap3A_101 {strides = array<i32>} : memref<16x128xf32, #tpu.memory_space<vmem>>, vector<1x16xf32>,
    %swap3A_102 = arith.constant 2 : i32
    %swap3A_103 = arith.index_cast %swap3A_102 : i32 to index
    %swap3A_104 = arith.constant 16 : index
    %swap3A_105 = tpu.vector_load %arg8[%swap3A_103, %swap3A_104] {strides = array<i32>} : memref<16x128xf32, #tpu.memory_space<vmem>>, vector<1x16xf32>,
    %swap3A_106 = vector.shape_cast %swap3A_105 : vector<1x16xf32> to vector<16xf32>
    %swap3A_107 = vector.shape_cast %broadcast_in_dim3A_0 : vector<16xf32> to vector<1x16xf32>
    tpu.vector_store %arg8[%swap3A_103, %swap3A_104], %swap3A_107 {strides = array<i32>} : memref<16x128xf32, #tpu.memory_space<vmem>>, vector<1x16xf32>,
    %swap3A_108 = arith.constant 2 : i32
    %swap3A_109 = arith.index_cast %swap3A_108 : i32 to index
    %swap3A_110 = arith.constant 32 : index
    %swap3A_111 = tpu.vector_load %arg8[%swap3A_109, %swap3A_110] {strides = array<i32>} : memref<16x128xf32, #tpu.memory_space<vmem>>, vector<1x16xf32>,
    %swap3A_112 = vector.shape_cast %swap3A_111 : vector<1x16xf32> to vector<16xf32>
    %swap3A_113 = vector.shape_cast %broadcast_in_dim3A_0 : vector<16xf32> to vector<1x16xf32>
    tpu.vector_store %arg8[%swap3A_109, %swap3A_110], %swap3A_113 {strides = array<i32>} : memref<16x128xf32, #tpu.memory_space<vmem>>, vector<1x16xf32>,
    %swap3A_114 = arith.constant 2 : i32
    %swap3A_115 = arith.index_cast %swap3A_114 : i32 to index
    %swap3A_116 = arith.constant 48 : index
    %swap3A_117 = tpu.vector_load %arg8[%swap3A_115, %swap3A_116] {strides = array<i32>} : memref<16x128xf32, #tpu.memory_space<vmem>>, vector<1x16xf32>,
    %swap3A_118 = vector.shape_cast %swap3A_117 : vector<1x16xf32> to vector<16xf32>
    %swap3A_119 = vector.shape_cast %broadcast_in_dim3A_0 : vector<16xf32> to vector<1x16xf32>
    tpu.vector_store %arg8[%swap3A_115, %swap3A_116], %swap3A_119 {strides = array<i32>} : memref<16x128xf32, #tpu.memory_space<vmem>>, vector<1x16xf32>,
    %swap3A_120 = arith.constant 2 : i32
    %swap3A_121 = arith.index_cast %swap3A_120 : i32 to index
    %swap3A_122 = arith.constant 64 : index
    %swap3A_123 = tpu.vector_load %arg8[%swap3A_121, %swap3A_122] {strides = array<i32>} : memref<16x128xf32, #tpu.memory_space<vmem>>, vector<1x16xf32>,
    %swap3A_124 = vector.shape_cast %swap3A_123 : vector<1x16xf32> to vector<16xf32>
    %swap3A_125 = vector.shape_cast %broadcast_in_dim3A_0 : vector<16xf32> to vector<1x16xf32>
    tpu.vector_store %arg8[%swap3A_121, %swap3A_122], %swap3A_125 {strides = array<i32>} : memref<16x128xf32, #tpu.memory_space<vmem>>, vector<1x16xf32>,
    %swap3A_126 = arith.constant 2 : i32
    %swap3A_127 = arith.index_cast %swap3A_126 : i32 to index
    %swap3A_128 = arith.constant 80 : index
    %swap3A_129 = tpu.vector_load %arg8[%swap3A_127, %swap3A_128] {strides = array<i32>} : memref<16x128xf32, #tpu.memory_space<vmem>>, vector<1x16xf32>,
    %swap3A_130 = vector.shape_cast %swap3A_129 : vector<1x16xf32> to vector<16xf32>
    %swap3A_131 = vector.shape_cast %broadcast_in_dim3A_0 : vector<16xf32> to vector<1x16xf32>
    tpu.vector_store %arg8[%swap3A_127, %swap3A_128], %swap3A_131 {strides = array<i32>} : memref<16x128xf32, #tpu.memory_space<vmem>>, vector<1x16xf32>,
    %swap3A_132 = arith.constant 2 : i32
    %swap3A_133 = arith.index_cast %swap3A_132 : i32 to index
    %swap3A_134 = arith.constant 96 : index
    %swap3A_135 = tpu.vector_load %arg8[%swap3A_133, %swap3A_134] {strides = array<i32>} : memref<16x128xf32, #tpu.memory_space<vmem>>, vector<1x16xf32>,
    %swap3A_136 = vector.shape_cast %swap3A_135 : vector<1x16xf32> to vector<16xf32>
    %swap3A_137 = vector.shape_cast %broadcast_in_dim3A_0 : vector<16xf32> to vector<1x16xf32>
    tpu.vector_store %arg8[%swap3A_133, %swap3A_134], %swap3A_137 {strides = array<i32>} : memref<16x128xf32, #tpu.memory_space<vmem>>, vector<1x16xf32>,
    %swap3A_138 = arith.constant 2 : i32
    %swap3A_139 = arith.index_cast %swap3A_138 : i32 to index
    %swap3A_140 = arith.constant 112 : index
    %swap3A_141 = tpu.vector_load %arg8[%swap3A_139, %swap3A_140] {strides = array<i32>} : memref<16x128xf32, #tpu.memory_space<vmem>>, vector<1x16xf32>,
    %swap3A_142 = vector.shape_cast %swap3A_141 : vector<1x16xf32> to vector<16xf32>
    %swap3A_143 = vector.shape_cast %broadcast_in_dim3A_0 : vector<16xf32> to vector<1x16xf32>
    tpu.vector_store %arg8[%swap3A_139, %swap3A_140], %swap3A_143 {strides = array<i32>} : memref<16x128xf32, #tpu.memory_space<vmem>>, vector<1x16xf32>,
    %swap3A_144 = arith.constant 3 : i32
    %swap3A_145 = arith.index_cast %swap3A_144 : i32 to index
    %swap3A_146 = arith.constant 0 : index
    %swap3A_147 = tpu.vector_load %arg8[%swap3A_145, %swap3A_146] {strides = array<i32>} : memref<16x128xf32, #tpu.memory_space<vmem>>, vector<1x16xf32>,
    %swap3A_148 = vector.shape_cast %swap3A_147 : vector<1x16xf32> to vector<16xf32>
    %swap3A_149 = vector.shape_cast %broadcast_in_dim3A_0 : vector<16xf32> to vector<1x16xf32>
    tpu.vector_store %arg8[%swap3A_145, %swap3A_146], %swap3A_149 {strides = array<i32>} : memref<16x128xf32, #tpu.memory_space<vmem>>, vector<1x16xf32>,
    %swap3A_150 = arith.constant 3 : i32
    %swap3A_151 = arith.index_cast %swap3A_150 : i32 to index
    %swap3A_152 = arith.constant 16 : index
    %swap3A_153 = tpu.vector_load %arg8[%swap3A_151, %swap3A_152] {strides = array<i32>} : memref<16x128xf32, #tpu.memory_space<vmem>>, vector<1x16xf32>,
    %swap3A_154 = vector.shape_cast %swap3A_153 : vector<1x16xf32> to vector<16xf32>
    %swap3A_155 = vector.shape_cast %broadcast_in_dim3A_0 : vector<16xf32> to vector<1x16xf32>
    tpu.vector_store %arg8[%swap3A_151, %swap3A_152], %swap3A_155 {strides = array<i32>} : memref<16x128xf32, #tpu.memory_space<vmem>>, vector<1x16xf32>,
    %swap3A_156 = arith.constant 3 : i32
    %swap3A_157 = arith.index_cast %swap3A_156 : i32 to index
    %swap3A_158 = arith.constant 32 : index
    %swap3A_159 = tpu.vector_load %arg8[%swap3A_157, %swap3A_158] {strides = array<i32>} : memref<16x128xf32, #tpu.memory_space<vmem>>, vector<1x16xf32>,
    %swap3A_160 = vector.shape_cast %swap3A_159 : vector<1x16xf32> to vector<16xf32>
    %swap3A_161 = vector.shape_cast %broadcast_in_dim3A_0 : vector<16xf32> to vector<1x16xf32>
    tpu.vector_store %arg8[%swap3A_157, %swap3A_158], %swap3A_161 {strides = array<i32>} : memref<16x128xf32, #tpu.memory_space<vmem>>, vector<1x16xf32>,
    %swap3A_162 = arith.constant 3 : i32
    %swap3A_163 = arith.index_cast %swap3A_162 : i32 to index
    %swap3A_164 = arith.constant 48 : index
    %swap3A_165 = tpu.vector_load %arg8[%swap3A_163, %swap3A_164] {strides = array<i32>} : memref<16x128xf32, #tpu.memory_space<vmem>>, vector<1x16xf32>,
    %swap3A_166 = vector.shape_cast %swap3A_165 : vector<1x16xf32> to vector<16xf32>
    %swap3A_167 = vector.shape_cast %broadcast_in_dim3A_0 : vector<16xf32> to vector<1x16xf32>
    tpu.vector_store %arg8[%swap3A_163, %swap3A_164], %swap3A_167 {strides = array<i32>} : memref<16x128xf32, #tpu.memory_space<vmem>>, vector<1x16xf32>,
    %swap3A_168 = arith.constant 3 : i32
    %swap3A_169 = arith.index_cast %swap3A_168 : i32 to index
    %swap3A_170 = arith.constant 64 : index
    %swap3A_171 = tpu.vector_load %arg8[%swap3A_169, %swap3A_170] {strides = array<i32>} : memref<16x128xf32, #tpu.memory_space<vmem>>, vector<1x16xf32>,
    %swap3A_172 = vector.shape_cast %swap3A_171 : vector<1x16xf32> to vector<16xf32>
    %swap3A_173 = vector.shape_cast %broadcast_in_dim3A_0 : vector<16xf32> to vector<1x16xf32>
    tpu.vector_store %arg8[%swap3A_169, %swap3A_170], %swap3A_173 {strides = array<i32>} : memref<16x128xf32, #tpu.memory_space<vmem>>, vector<1x16xf32>,
    %swap3A_174 = arith.constant 3 : i32
    %swap3A_175 = arith.index_cast %swap3A_174 : i32 to index
    %swap3A_176 = arith.constant 80 : index
    %swap3A_177 = tpu.vector_load %arg8[%swap3A_175, %swap3A_176] {strides = array<i32>} : memref<16x128xf32, #tpu.memory_space<vmem>>, vector<1x16xf32>,
    %swap3A_178 = vector.shape_cast %swap3A_177 : vector<1x16xf32> to vector<16xf32>
    %swap3A_179 = vector.shape_cast %broadcast_in_dim3A_0 : vector<16xf32> to vector<1x16xf32>
    tpu.vector_store %arg8[%swap3A_175, %swap3A_176], %swap3A_179 {strides = array<i32>} : memref<16x128xf32, #tpu.memory_space<vmem>>, vector<1x16xf32>,
    %swap3A_180 = arith.constant 3 : i32
    %swap3A_181 = arith.index_cast %swap3A_180 : i32 to index
    %swap3A_182 = arith.constant 96 : index
    %swap3A_183 = tpu.vector_load %arg8[%swap3A_181, %swap3A_182] {strides = array<i32>} : memref<16x128xf32, #tpu.memory_space<vmem>>, vector<1x16xf32>,
    %swap3A_184 = vector.shape_cast %swap3A_183 : vector<1x16xf32> to vector<16xf32>
    %swap3A_185 = vector.shape_cast %broadcast_in_dim3A_0 : vector<16xf32> to vector<1x16xf32>
    tpu.vector_store %arg8[%swap3A_181, %swap3A_182], %swap3A_185 {strides = array<i32>} : memref<16x128xf32, #tpu.memory_space<vmem>>, vector<1x16xf32>,
    %swap3A_186 = arith.constant 3 : i32
    %swap3A_187 = arith.index_cast %swap3A_186 : i32 to index
    %swap3A_188 = arith.constant 112 : index
    %swap3A_189 = tpu.vector_load %arg8[%swap3A_187, %swap3A_188] {strides = array<i32>} : memref<16x128xf32, #tpu.memory_space<vmem>>, vector<1x16xf32>,
    %swap3A_190 = vector.shape_cast %swap3A_189 : vector<1x16xf32> to vector<16xf32>
    %swap3A_191 = vector.shape_cast %broadcast_in_dim3A_0 : vector<16xf32> to vector<1x16xf32>
    tpu.vector_store %arg8[%swap3A_187, %swap3A_188], %swap3A_191 {strides = array<i32>} : memref<16x128xf32, #tpu.memory_space<vmem>>, vector<1x16xf32>,
    %swap3A_192 = arith.constant 4 : i32
    %swap3A_193 = arith.index_cast %swap3A_192 : i32 to index
    %swap3A_194 = arith.constant 0 : index
    %swap3A_195 = tpu.vector_load %arg8[%swap3A_193, %swap3A_194] {strides = array<i32>} : memref<16x128xf32, #tpu.memory_space<vmem>>, vector<1x16xf32>,
    %swap3A_196 = vector.shape_cast %swap3A_195 : vector<1x16xf32> to vector<16xf32>
    %swap3A_197 = vector.shape_cast %broadcast_in_dim3A_0 : vector<16xf32> to vector<1x16xf32>
    tpu.vector_store %arg8[%swap3A_193, %swap3A_194], %swap3A_197 {strides = array<i32>} : memref<16x128xf32, #tpu.memory_space<vmem>>, vector<1x16xf32>,
    %swap3A_198 = arith.constant 4 : i32
    %swap3A_199 = arith.index_cast %swap3A_198 : i32 to index
    %swap3A_200 = arith.constant 16 : index
    %swap3A_201 = tpu.vector_load %arg8[%swap3A_199, %swap3A_200] {strides = array<i32>} : memref<16x128xf32, #tpu.memory_space<vmem>>, vector<1x16xf32>,
    %swap3A_202 = vector.shape_cast %swap3A_201 : vector<1x16xf32> to vector<16xf32>
    %swap3A_203 = vector.shape_cast %broadcast_in_dim3A_0 : vector<16xf32> to vector<1x16xf32>
    tpu.vector_store %arg8[%swap3A_199, %swap3A_200], %swap3A_203 {strides = array<i32>} : memref<16x128xf32, #tpu.memory_space<vmem>>, vector<1x16xf32>,
    %swap3A_204 = arith.constant 4 : i32
    %swap3A_205 = arith.index_cast %swap3A_204 : i32 to index
    %swap3A_206 = arith.constant 32 : index
    %swap3A_207 = tpu.vector_load %arg8[%swap3A_205, %swap3A_206] {strides = array<i32>} : memref<16x128xf32, #tpu.memory_space<vmem>>, vector<1x16xf32>,
    %swap3A_208 = vector.shape_cast %swap3A_207 : vector<1x16xf32> to vector<16xf32>
    %swap3A_209 = vector.shape_cast %broadcast_in_dim3A_0 : vector<16xf32> to vector<1x16xf32>
    tpu.vector_store %arg8[%swap3A_205, %swap3A_206], %swap3A_209 {strides = array<i32>} : memref<16x128xf32, #tpu.memory_space<vmem>>, vector<1x16xf32>,
    %swap3A_210 = arith.constant 4 : i32
    %swap3A_211 = arith.index_cast %swap3A_210 : i32 to index
    %swap3A_212 = arith.constant 48 : index
    %swap3A_213 = tpu.vector_load %arg8[%swap3A_211, %swap3A_212] {strides = array<i32>} : memref<16x128xf32, #tpu.memory_space<vmem>>, vector<1x16xf32>,
    %swap3A_214 = vector.shape_cast %swap3A_213 : vector<1x16xf32> to vector<16xf32>
    %swap3A_215 = vector.shape_cast %broadcast_in_dim3A_0 : vector<16xf32> to vector<1x16xf32>
    tpu.vector_store %arg8[%swap3A_211, %swap3A_212], %swap3A_215 {strides = array<i32>} : memref<16x128xf32, #tpu.memory_space<vmem>>, vector<1x16xf32>,
    %swap3A_216 = arith.constant 4 : i32
    %swap3A_217 = arith.index_cast %swap3A_216 : i32 to index
    %swap3A_218 = arith.constant 64 : index
    %swap3A_219 = tpu.vector_load %arg8[%swap3A_217, %swap3A_218] {strides = array<i32>} : memref<16x128xf32, #tpu.memory_space<vmem>>, vector<1x16xf32>,
    %swap3A_220 = vector.shape_cast %swap3A_219 : vector<1x16xf32> to vector<16xf32>
    %swap3A_221 = vector.shape_cast %broadcast_in_dim3A_0 : vector<16xf32> to vector<1x16xf32>
    tpu.vector_store %arg8[%swap3A_217, %swap3A_218], %swap3A_221 {strides = array<i32>} : memref<16x128xf32, #tpu.memory_space<vmem>>, vector<1x16xf32>,
    %swap3A_222 = arith.constant 4 : i32
    %swap3A_223 = arith.index_cast %swap3A_222 : i32 to index
    %swap3A_224 = arith.constant 80 : index
    %swap3A_225 = tpu.vector_load %arg8[%swap3A_223, %swap3A_224] {strides = array<i32>} : memref<16x128xf32, #tpu.memory_space<vmem>>, vector<1x16xf32>,
    %swap3A_226 = vector.shape_cast %swap3A_225 : vector<1x16xf32> to vector<16xf32>
    %swap3A_227 = vector.shape_cast %broadcast_in_dim3A_0 : vector<16xf32> to vector<1x16xf32>
    tpu.vector_store %arg8[%swap3A_223, %swap3A_224], %swap3A_227 {strides = array<i32>} : memref<16x128xf32, #tpu.memory_space<vmem>>, vector<1x16xf32>,
    %swap3A_228 = arith.constant 4 : i32
    %swap3A_229 = arith.index_cast %swap3A_228 : i32 to index
    %swap3A_230 = arith.constant 96 : index
    %swap3A_231 = tpu.vector_load %arg8[%swap3A_229, %swap3A_230] {strides = array<i32>} : memref<16x128xf32, #tpu.memory_space<vmem>>, vector<1x16xf32>,
    %swap3A_232 = vector.shape_cast %swap3A_231 : vector<1x16xf32> to vector<16xf32>
    %swap3A_233 = vector.shape_cast %broadcast_in_dim3A_0 : vector<16xf32> to vector<1x16xf32>
    tpu.vector_store %arg8[%swap3A_229, %swap3A_230], %swap3A_233 {strides = array<i32>} : memref<16x128xf32, #tpu.memory_space<vmem>>, vector<1x16xf32>,
    %swap3A_234 = arith.constant 4 : i32
    %swap3A_235 = arith.index_cast %swap3A_234 : i32 to index
    %swap3A_236 = arith.constant 112 : index
    %swap3A_237 = tpu.vector_load %arg8[%swap3A_235, %swap3A_236] {strides = array<i32>} : memref<16x128xf32, #tpu.memory_space<vmem>>, vector<1x16xf32>,
    %swap3A_238 = vector.shape_cast %swap3A_237 : vector<1x16xf32> to vector<16xf32>
    %swap3A_239 = vector.shape_cast %broadcast_in_dim3A_0 : vector<16xf32> to vector<1x16xf32>
    tpu.vector_store %arg8[%swap3A_235, %swap3A_236], %swap3A_239 {strides = array<i32>} : memref<16x128xf32, #tpu.memory_space<vmem>>, vector<1x16xf32>,
    %swap3A_240 = arith.constant 5 : i32
    %swap3A_241 = arith.index_cast %swap3A_240 : i32 to index
    %swap3A_242 = arith.constant 0 : index
    %swap3A_243 = tpu.vector_load %arg8[%swap3A_241, %swap3A_242] {strides = array<i32>} : memref<16x128xf32, #tpu.memory_space<vmem>>, vector<1x16xf32>,
    %swap3A_244 = vector.shape_cast %swap3A_243 : vector<1x16xf32> to vector<16xf32>
    %swap3A_245 = vector.shape_cast %broadcast_in_dim3A_0 : vector<16xf32> to vector<1x16xf32>
    tpu.vector_store %arg8[%swap3A_241, %swap3A_242], %swap3A_245 {strides = array<i32>} : memref<16x128xf32, #tpu.memory_space<vmem>>, vector<1x16xf32>,
    %swap3A_246 = arith.constant 5 : i32
    %swap3A_247 = arith.index_cast %swap3A_246 : i32 to index
    %swap3A_248 = arith.constant 16 : index
    %swap3A_249 = tpu.vector_load %arg8[%swap3A_247, %swap3A_248] {strides = array<i32>} : memref<16x128xf32, #tpu.memory_space<vmem>>, vector<1x16xf32>,
    %swap3A_250 = vector.shape_cast %swap3A_249 : vector<1x16xf32> to vector<16xf32>
    %swap3A_251 = vector.shape_cast %broadcast_in_dim3A_0 : vector<16xf32> to vector<1x16xf32>
    tpu.vector_store %arg8[%swap3A_247, %swap3A_248], %swap3A_251 {strides = array<i32>} : memref<16x128xf32, #tpu.memory_space<vmem>>, vector<1x16xf32>,
    %swap3A_252 = arith.constant 5 : i32
    %swap3A_253 = arith.index_cast %swap3A_252 : i32 to index
    %swap3A_254 = arith.constant 32 : index
    %swap3A_255 = tpu.vector_load %arg8[%swap3A_253, %swap3A_254] {strides = array<i32>} : memref<16x128xf32, #tpu.memory_space<vmem>>, vector<1x16xf32>,
    %swap3A_256 = vector.shape_cast %swap3A_255 : vector<1x16xf32> to vector<16xf32>
    %swap3A_257 = vector.shape_cast %broadcast_in_dim3A_0 : vector<16xf32> to vector<1x16xf32>
    tpu.vector_store %arg8[%swap3A_253, %swap3A_254], %swap3A_257 {strides = array<i32>} : memref<16x128xf32, #tpu.memory_space<vmem>>, vector<1x16xf32>,
    %swap3A_258 = arith.constant 5 : i32
    %swap3A_259 = arith.index_cast %swap3A_258 : i32 to index
    %swap3A_260 = arith.constant 48 : index
    %swap3A_261 = tpu.vector_load %arg8[%swap3A_259, %swap3A_260] {strides = array<i32>} : memref<16x128xf32, #tpu.memory_space<vmem>>, vector<1x16xf32>,
    %swap3A_262 = vector.shape_cast %swap3A_261 : vector<1x16xf32> to vector<16xf32>
    %swap3A_263 = vector.shape_cast %broadcast_in_dim3A_0 : vector<16xf32> to vector<1x16xf32>
    tpu.vector_store %arg8[%swap3A_259, %swap3A_260], %swap3A_263 {strides = array<i32>} : memref<16x128xf32, #tpu.memory_space<vmem>>, vector<1x16xf32>,
    %swap3A_264 = arith.constant 5 : i32
    %swap3A_265 = arith.index_cast %swap3A_264 : i32 to index
    %swap3A_266 = arith.constant 64 : index
    %swap3A_267 = tpu.vector_load %arg8[%swap3A_265, %swap3A_266] {strides = array<i32>} : memref<16x128xf32, #tpu.memory_space<vmem>>, vector<1x16xf32>,
    %swap3A_268 = vector.shape_cast %swap3A_267 : vector<1x16xf32> to vector<16xf32>
    %swap3A_269 = vector.shape_cast %broadcast_in_dim3A_0 : vector<16xf32> to vector<1x16xf32>
    tpu.vector_store %arg8[%swap3A_265, %swap3A_266], %swap3A_269 {strides = array<i32>} : memref<16x128xf32, #tpu.memory_space<vmem>>, vector<1x16xf32>,
    %swap3A_270 = arith.constant 5 : i32
    %swap3A_271 = arith.index_cast %swap3A_270 : i32 to index
    %swap3A_272 = arith.constant 80 : index
    %swap3A_273 = tpu.vector_load %arg8[%swap3A_271, %swap3A_272] {strides = array<i32>} : memref<16x128xf32, #tpu.memory_space<vmem>>, vector<1x16xf32>,
    %swap3A_274 = vector.shape_cast %swap3A_273 : vector<1x16xf32> to vector<16xf32>
    %swap3A_275 = vector.shape_cast %broadcast_in_dim3A_0 : vector<16xf32> to vector<1x16xf32>
    tpu.vector_store %arg8[%swap3A_271, %swap3A_272], %swap3A_275 {strides = array<i32>} : memref<16x128xf32, #tpu.memory_space<vmem>>, vector<1x16xf32>,
    %swap3A_276 = arith.constant 5 : i32
    %swap3A_277 = arith.index_cast %swap3A_276 : i32 to index
    %swap3A_278 = arith.constant 96 : index
    %swap3A_279 = tpu.vector_load %arg8[%swap3A_277, %swap3A_278] {strides = array<i32>} : memref<16x128xf32, #tpu.memory_space<vmem>>, vector<1x16xf32>,
    %swap3A_280 = vector.shape_cast %swap3A_279 : vector<1x16xf32> to vector<16xf32>
    %swap3A_281 = vector.shape_cast %broadcast_in_dim3A_0 : vector<16xf32> to vector<1x16xf32>
    tpu.vector_store %arg8[%swap3A_277, %swap3A_278], %swap3A_281 {strides = array<i32>} : memref<16x128xf32, #tpu.memory_space<vmem>>, vector<1x16xf32>,
    %swap3A_282 = arith.constant 5 : i32
    %swap3A_283 = arith.index_cast %swap3A_282 : i32 to index
    %swap3A_284 = arith.constant 112 : index
    %swap3A_285 = tpu.vector_load %arg8[%swap3A_283, %swap3A_284] {strides = array<i32>} : memref<16x128xf32, #tpu.memory_space<vmem>>, vector<1x16xf32>,
    %swap3A_286 = vector.shape_cast %swap3A_285 : vector<1x16xf32> to vector<16xf32>
    %swap3A_287 = vector.shape_cast %broadcast_in_dim3A_0 : vector<16xf32> to vector<1x16xf32>
    tpu.vector_store %arg8[%swap3A_283, %swap3A_284], %swap3A_287 {strides = array<i32>} : memref<16x128xf32, #tpu.memory_space<vmem>>, vector<1x16xf32>,
    %swap3A_288 = arith.constant 6 : i32
    %swap3A_289 = arith.index_cast %swap3A_288 : i32 to index
    %swap3A_290 = arith.constant 0 : index
    %swap3A_291 = tpu.vector_load %arg8[%swap3A_289, %swap3A_290] {strides = array<i32>} : memref<16x128xf32, #tpu.memory_space<vmem>>, vector<1x16xf32>,
    %swap3A_292 = vector.shape_cast %swap3A_291 : vector<1x16xf32> to vector<16xf32>
    %swap3A_293 = vector.shape_cast %broadcast_in_dim3A_0 : vector<16xf32> to vector<1x16xf32>
    tpu.vector_store %arg8[%swap3A_289, %swap3A_290], %swap3A_293 {strides = array<i32>} : memref<16x128xf32, #tpu.memory_space<vmem>>, vector<1x16xf32>,
    %swap3A_294 = arith.constant 6 : i32
    %swap3A_295 = arith.index_cast %swap3A_294 : i32 to index
    %swap3A_296 = arith.constant 16 : index
    %swap3A_297 = tpu.vector_load %arg8[%swap3A_295, %swap3A_296] {strides = array<i32>} : memref<16x128xf32, #tpu.memory_space<vmem>>, vector<1x16xf32>,
    %swap3A_298 = vector.shape_cast %swap3A_297 : vector<1x16xf32> to vector<16xf32>
    %swap3A_299 = vector.shape_cast %broadcast_in_dim3A_0 : vector<16xf32> to vector<1x16xf32>
    tpu.vector_store %arg8[%swap3A_295, %swap3A_296], %swap3A_299 {strides = array<i32>} : memref<16x128xf32, #tpu.memory_space<vmem>>, vector<1x16xf32>,
    %swap3A_300 = arith.constant 6 : i32
    %swap3A_301 = arith.index_cast %swap3A_300 : i32 to index
    %swap3A_302 = arith.constant 32 : index
    %swap3A_303 = tpu.vector_load %arg8[%swap3A_301, %swap3A_302] {strides = array<i32>} : memref<16x128xf32, #tpu.memory_space<vmem>>, vector<1x16xf32>,
    %swap3A_304 = vector.shape_cast %swap3A_303 : vector<1x16xf32> to vector<16xf32>
    %swap3A_305 = vector.shape_cast %broadcast_in_dim3A_0 : vector<16xf32> to vector<1x16xf32>
    tpu.vector_store %arg8[%swap3A_301, %swap3A_302], %swap3A_305 {strides = array<i32>} : memref<16x128xf32, #tpu.memory_space<vmem>>, vector<1x16xf32>,
    %swap3A_306 = arith.constant 6 : i32
    %swap3A_307 = arith.index_cast %swap3A_306 : i32 to index
    %swap3A_308 = arith.constant 48 : index
    %swap3A_309 = tpu.vector_load %arg8[%swap3A_307, %swap3A_308] {strides = array<i32>} : memref<16x128xf32, #tpu.memory_space<vmem>>, vector<1x16xf32>,
    %swap3A_310 = vector.shape_cast %swap3A_309 : vector<1x16xf32> to vector<16xf32>
    %swap3A_311 = vector.shape_cast %broadcast_in_dim3A_0 : vector<16xf32> to vector<1x16xf32>
    tpu.vector_store %arg8[%swap3A_307, %swap3A_308], %swap3A_311 {strides = array<i32>} : memref<16x128xf32, #tpu.memory_space<vmem>>, vector<1x16xf32>,
    %swap3A_312 = arith.constant 6 : i32
    %swap3A_313 = arith.index_cast %swap3A_312 : i32 to index
    %swap3A_314 = arith.constant 64 : index
    %swap3A_315 = tpu.vector_load %arg8[%swap3A_313, %swap3A_314] {strides = array<i32>} : memref<16x128xf32, #tpu.memory_space<vmem>>, vector<1x16xf32>,
    %swap3A_316 = vector.shape_cast %swap3A_315 : vector<1x16xf32> to vector<16xf32>
    %swap3A_317 = vector.shape_cast %broadcast_in_dim3A_0 : vector<16xf32> to vector<1x16xf32>
    tpu.vector_store %arg8[%swap3A_313, %swap3A_314], %swap3A_317 {strides = array<i32>} : memref<16x128xf32, #tpu.memory_space<vmem>>, vector<1x16xf32>,
    %swap3A_318 = arith.constant 6 : i32
    %swap3A_319 = arith.index_cast %swap3A_318 : i32 to index
    %swap3A_320 = arith.constant 80 : index
    %swap3A_321 = tpu.vector_load %arg8[%swap3A_319, %swap3A_320] {strides = array<i32>} : memref<16x128xf32, #tpu.memory_space<vmem>>, vector<1x16xf32>,
    %swap3A_322 = vector.shape_cast %swap3A_321 : vector<1x16xf32> to vector<16xf32>
    %swap3A_323 = vector.shape_cast %broadcast_in_dim3A_0 : vector<16xf32> to vector<1x16xf32>
    tpu.vector_store %arg8[%swap3A_319, %swap3A_320], %swap3A_323 {strides = array<i32>} : memref<16x128xf32, #tpu.memory_space<vmem>>, vector<1x16xf32>,
    %swap3A_324 = arith.constant 6 : i32
    %swap3A_325 = arith.index_cast %swap3A_324 : i32 to index
    %swap3A_326 = arith.constant 96 : index
    %swap3A_327 = tpu.vector_load %arg8[%swap3A_325, %swap3A_326] {strides = array<i32>} : memref<16x128xf32, #tpu.memory_space<vmem>>, vector<1x16xf32>,
    %swap3A_328 = vector.shape_cast %swap3A_327 : vector<1x16xf32> to vector<16xf32>
    %swap3A_329 = vector.shape_cast %broadcast_in_dim3A_0 : vector<16xf32> to vector<1x16xf32>
    tpu.vector_store %arg8[%swap3A_325, %swap3A_326], %swap3A_329 {strides = array<i32>} : memref<16x128xf32, #tpu.memory_space<vmem>>, vector<1x16xf32>,
    %swap3A_330 = arith.constant 6 : i32
    %swap3A_331 = arith.index_cast %swap3A_330 : i32 to index
    %swap3A_332 = arith.constant 112 : index
    %swap3A_333 = tpu.vector_load %arg8[%swap3A_331, %swap3A_332] {strides = array<i32>} : memref<16x128xf32, #tpu.memory_space<vmem>>, vector<1x16xf32>,
    %swap3A_334 = vector.shape_cast %swap3A_333 : vector<1x16xf32> to vector<16xf32>
    %swap3A_335 = vector.shape_cast %broadcast_in_dim3A_0 : vector<16xf32> to vector<1x16xf32>
    tpu.vector_store %arg8[%swap3A_331, %swap3A_332], %swap3A_335 {strides = array<i32>} : memref<16x128xf32, #tpu.memory_space<vmem>>, vector<1x16xf32>,
    %swap3A_336 = arith.constant 7 : i32
    %swap3A_337 = arith.index_cast %swap3A_336 : i32 to index
    %swap3A_338 = arith.constant 0 : index
    %swap3A_339 = tpu.vector_load %arg8[%swap3A_337, %swap3A_338] {strides = array<i32>} : memref<16x128xf32, #tpu.memory_space<vmem>>, vector<1x16xf32>,
    %swap3A_340 = vector.shape_cast %swap3A_339 : vector<1x16xf32> to vector<16xf32>
    %swap3A_341 = vector.shape_cast %broadcast_in_dim3A_0 : vector<16xf32> to vector<1x16xf32>
    tpu.vector_store %arg8[%swap3A_337, %swap3A_338], %swap3A_341 {strides = array<i32>} : memref<16x128xf32, #tpu.memory_space<vmem>>, vector<1x16xf32>,
    %swap3A_342 = arith.constant 7 : i32
    %swap3A_343 = arith.index_cast %swap3A_342 : i32 to index
    %swap3A_344 = arith.constant 16 : index
    %swap3A_345 = tpu.vector_load %arg8[%swap3A_343, %swap3A_344] {strides = array<i32>} : memref<16x128xf32, #tpu.memory_space<vmem>>, vector<1x16xf32>,
    %swap3A_346 = vector.shape_cast %swap3A_345 : vector<1x16xf32> to vector<16xf32>
    %swap3A_347 = vector.shape_cast %broadcast_in_dim3A_0 : vector<16xf32> to vector<1x16xf32>
    tpu.vector_store %arg8[%swap3A_343, %swap3A_344], %swap3A_347 {strides = array<i32>} : memref<16x128xf32, #tpu.memory_space<vmem>>, vector<1x16xf32>,
    %swap3A_348 = arith.constant 7 : i32
    %swap3A_349 = arith.index_cast %swap3A_348 : i32 to index
    %swap3A_350 = arith.constant 32 : index
    %swap3A_351 = tpu.vector_load %arg8[%swap3A_349, %swap3A_350] {strides = array<i32>} : memref<16x128xf32, #tpu.memory_space<vmem>>, vector<1x16xf32>,
    %swap3A_352 = vector.shape_cast %swap3A_351 : vector<1x16xf32> to vector<16xf32>
    %swap3A_353 = vector.shape_cast %broadcast_in_dim3A_0 : vector<16xf32> to vector<1x16xf32>
    tpu.vector_store %arg8[%swap3A_349, %swap3A_350], %swap3A_353 {strides = array<i32>} : memref<16x128xf32, #tpu.memory_space<vmem>>, vector<1x16xf32>,
    %swap3A_354 = arith.constant 7 : i32
    %swap3A_355 = arith.index_cast %swap3A_354 : i32 to index
    %swap3A_356 = arith.constant 48 : index
    %swap3A_357 = tpu.vector_load %arg8[%swap3A_355, %swap3A_356] {strides = array<i32>} : memref<16x128xf32, #tpu.memory_space<vmem>>, vector<1x16xf32>,
    %swap3A_358 = vector.shape_cast %swap3A_357 : vector<1x16xf32> to vector<16xf32>
    %swap3A_359 = vector.shape_cast %broadcast_in_dim3A_0 : vector<16xf32> to vector<1x16xf32>
    tpu.vector_store %arg8[%swap3A_355, %swap3A_356], %swap3A_359 {strides = array<i32>} : memref<16x128xf32, #tpu.memory_space<vmem>>, vector<1x16xf32>,
    %swap3A_360 = arith.constant 7 : i32
    %swap3A_361 = arith.index_cast %swap3A_360 : i32 to index
    %swap3A_362 = arith.constant 64 : index
    %swap3A_363 = tpu.vector_load %arg8[%swap3A_361, %swap3A_362] {strides = array<i32>} : memref<16x128xf32, #tpu.memory_space<vmem>>, vector<1x16xf32>,
    %swap3A_364 = vector.shape_cast %swap3A_363 : vector<1x16xf32> to vector<16xf32>
    %swap3A_365 = vector.shape_cast %broadcast_in_dim3A_0 : vector<16xf32> to vector<1x16xf32>
    tpu.vector_store %arg8[%swap3A_361, %swap3A_362], %swap3A_365 {strides = array<i32>} : memref<16x128xf32, #tpu.memory_space<vmem>>, vector<1x16xf32>,
    %swap3A_366 = arith.constant 7 : i32
    %swap3A_367 = arith.index_cast %swap3A_366 : i32 to index
    %swap3A_368 = arith.constant 80 : index
    %swap3A_369 = tpu.vector_load %arg8[%swap3A_367, %swap3A_368] {strides = array<i32>} : memref<16x128xf32, #tpu.memory_space<vmem>>, vector<1x16xf32>,
    %swap3A_370 = vector.shape_cast %swap3A_369 : vector<1x16xf32> to vector<16xf32>
    %swap3A_371 = vector.shape_cast %broadcast_in_dim3A_0 : vector<16xf32> to vector<1x16xf32>
    tpu.vector_store %arg8[%swap3A_367, %swap3A_368], %swap3A_371 {strides = array<i32>} : memref<16x128xf32, #tpu.memory_space<vmem>>, vector<1x16xf32>,
    %swap3A_372 = arith.constant 7 : i32
    %swap3A_373 = arith.index_cast %swap3A_372 : i32 to index
    %swap3A_374 = arith.constant 96 : index
    %swap3A_375 = tpu.vector_load %arg8[%swap3A_373, %swap3A_374] {strides = array<i32>} : memref<16x128xf32, #tpu.memory_space<vmem>>, vector<1x16xf32>,
    %swap3A_376 = vector.shape_cast %swap3A_375 : vector<1x16xf32> to vector<16xf32>
    %swap3A_377 = vector.shape_cast %broadcast_in_dim3A_0 : vector<16xf32> to vector<1x16xf32>
    tpu.vector_store %arg8[%swap3A_373, %swap3A_374], %swap3A_377 {strides = array<i32>} : memref<16x128xf32, #tpu.memory_space<vmem>>, vector<1x16xf32>,
    %swap3A_378 = arith.constant 7 : i32
    %swap3A_379 = arith.index_cast %swap3A_378 : i32 to index
    %swap3A_380 = arith.constant 112 : index
    %swap3A_381 = tpu.vector_load %arg8[%swap3A_379, %swap3A_380] {strides = array<i32>} : memref<16x128xf32, #tpu.memory_space<vmem>>, vector<1x16xf32>,
    %swap3A_382 = vector.shape_cast %swap3A_381 : vector<1x16xf32> to vector<16xf32>
    %swap3A_383 = vector.shape_cast %broadcast_in_dim3A_0 : vector<16xf32> to vector<1x16xf32>
    tpu.vector_store %arg8[%swap3A_379, %swap3A_380], %swap3A_383 {strides = array<i32>} : memref<16x128xf32, #tpu.memory_space<vmem>>, vector<1x16xf32>,
    %swap3A_384 = arith.constant 8 : i32
    %swap3A_385 = arith.index_cast %swap3A_384 : i32 to index
    %swap3A_386 = arith.constant 0 : index
    %swap3A_387 = tpu.vector_load %arg8[%swap3A_385, %swap3A_386] {strides = array<i32>} : memref<16x128xf32, #tpu.memory_space<vmem>>, vector<1x16xf32>,
    %swap3A_388 = vector.shape_cast %swap3A_387 : vector<1x16xf32> to vector<16xf32>
    %swap3A_389 = vector.shape_cast %broadcast_in_dim3A_0 : vector<16xf32> to vector<1x16xf32>
    tpu.vector_store %arg8[%swap3A_385, %swap3A_386], %swap3A_389 {strides = array<i32>} : memref<16x128xf32, #tpu.memory_space<vmem>>, vector<1x16xf32>,
    %swap3A_390 = arith.constant 8 : i32
    %swap3A_391 = arith.index_cast %swap3A_390 : i32 to index
    %swap3A_392 = arith.constant 16 : index
    %swap3A_393 = tpu.vector_load %arg8[%swap3A_391, %swap3A_392] {strides = array<i32>} : memref<16x128xf32, #tpu.memory_space<vmem>>, vector<1x16xf32>,
    %swap3A_394 = vector.shape_cast %swap3A_393 : vector<1x16xf32> to vector<16xf32>
    %swap3A_395 = vector.shape_cast %broadcast_in_dim3A_0 : vector<16xf32> to vector<1x16xf32>
    tpu.vector_store %arg8[%swap3A_391, %swap3A_392], %swap3A_395 {strides = array<i32>} : memref<16x128xf32, #tpu.memory_space<vmem>>, vector<1x16xf32>,
    %swap3A_396 = arith.constant 8 : i32
    %swap3A_397 = arith.index_cast %swap3A_396 : i32 to index
    %swap3A_398 = arith.constant 32 : index
    %swap3A_399 = tpu.vector_load %arg8[%swap3A_397, %swap3A_398] {strides = array<i32>} : memref<16x128xf32, #tpu.memory_space<vmem>>, vector<1x16xf32>,
    %swap3A_400 = vector.shape_cast %swap3A_399 : vector<1x16xf32> to vector<16xf32>
    %swap3A_401 = vector.shape_cast %broadcast_in_dim3A_0 : vector<16xf32> to vector<1x16xf32>
    tpu.vector_store %arg8[%swap3A_397, %swap3A_398], %swap3A_401 {strides = array<i32>} : memref<16x128xf32, #tpu.memory_space<vmem>>, vector<1x16xf32>,
    %swap3A_402 = arith.constant 8 : i32
    %swap3A_403 = arith.index_cast %swap3A_402 : i32 to index
    %swap3A_404 = arith.constant 48 : index
    %swap3A_405 = tpu.vector_load %arg8[%swap3A_403, %swap3A_404] {strides = array<i32>} : memref<16x128xf32, #tpu.memory_space<vmem>>, vector<1x16xf32>,
    %swap3A_406 = vector.shape_cast %swap3A_405 : vector<1x16xf32> to vector<16xf32>
    %swap3A_407 = vector.shape_cast %broadcast_in_dim3A_0 : vector<16xf32> to vector<1x16xf32>
    tpu.vector_store %arg8[%swap3A_403, %swap3A_404], %swap3A_407 {strides = array<i32>} : memref<16x128xf32, #tpu.memory_space<vmem>>, vector<1x16xf32>,
    %swap3A_408 = arith.constant 8 : i32
    %swap3A_409 = arith.index_cast %swap3A_408 : i32 to index
    %swap3A_410 = arith.constant 64 : index
    %swap3A_411 = tpu.vector_load %arg8[%swap3A_409, %swap3A_410] {strides = array<i32>} : memref<16x128xf32, #tpu.memory_space<vmem>>, vector<1x16xf32>,
    %swap3A_412 = vector.shape_cast %swap3A_411 : vector<1x16xf32> to vector<16xf32>
    %swap3A_413 = vector.shape_cast %broadcast_in_dim3A_0 : vector<16xf32> to vector<1x16xf32>
    tpu.vector_store %arg8[%swap3A_409, %swap3A_410], %swap3A_413 {strides = array<i32>} : memref<16x128xf32, #tpu.memory_space<vmem>>, vector<1x16xf32>,
    %swap3A_414 = arith.constant 8 : i32
    %swap3A_415 = arith.index_cast %swap3A_414 : i32 to index
    %swap3A_416 = arith.constant 80 : index
    %swap3A_417 = tpu.vector_load %arg8[%swap3A_415, %swap3A_416] {strides = array<i32>} : memref<16x128xf32, #tpu.memory_space<vmem>>, vector<1x16xf32>,
    %swap3A_418 = vector.shape_cast %swap3A_417 : vector<1x16xf32> to vector<16xf32>
    %swap3A_419 = vector.shape_cast %broadcast_in_dim3A_0 : vector<16xf32> to vector<1x16xf32>
    tpu.vector_store %arg8[%swap3A_415, %swap3A_416], %swap3A_419 {strides = array<i32>} : memref<16x128xf32, #tpu.memory_space<vmem>>, vector<1x16xf32>,
    %swap3A_420 = arith.constant 8 : i32
    %swap3A_421 = arith.index_cast %swap3A_420 : i32 to index
    %swap3A_422 = arith.constant 96 : index
    %swap3A_423 = tpu.vector_load %arg8[%swap3A_421, %swap3A_422] {strides = array<i32>} : memref<16x128xf32, #tpu.memory_space<vmem>>, vector<1x16xf32>,
    %swap3A_424 = vector.shape_cast %swap3A_423 : vector<1x16xf32> to vector<16xf32>
    %swap3A_425 = vector.shape_cast %broadcast_in_dim3A_0 : vector<16xf32> to vector<1x16xf32>
    tpu.vector_store %arg8[%swap3A_421, %swap3A_422], %swap3A_425 {strides = array<i32>} : memref<16x128xf32, #tpu.memory_space<vmem>>, vector<1x16xf32>,
    %swap3A_426 = arith.constant 8 : i32
    %swap3A_427 = arith.index_cast %swap3A_426 : i32 to index
    %swap3A_428 = arith.constant 112 : index
    %swap3A_429 = tpu.vector_load %arg8[%swap3A_427, %swap3A_428] {strides = array<i32>} : memref<16x128xf32, #tpu.memory_space<vmem>>, vector<1x16xf32>,
    %swap3A_430 = vector.shape_cast %swap3A_429 : vector<1x16xf32> to vector<16xf32>
    %swap3A_431 = vector.shape_cast %broadcast_in_dim3A_0 : vector<16xf32> to vector<1x16xf32>
    tpu.vector_store %arg8[%swap3A_427, %swap3A_428], %swap3A_431 {strides = array<i32>} : memref<16x128xf32, #tpu.memory_space<vmem>>, vector<1x16xf32>,
    %swap3A_432 = arith.constant 9 : i32
    %swap3A_433 = arith.index_cast %swap3A_432 : i32 to index
    %swap3A_434 = arith.constant 0 : index
    %swap3A_435 = tpu.vector_load %arg8[%swap3A_433, %swap3A_434] {strides = array<i32>} : memref<16x128xf32, #tpu.memory_space<vmem>>, vector<1x16xf32>,
    %swap3A_436 = vector.shape_cast %swap3A_435 : vector<1x16xf32> to vector<16xf32>
    %swap3A_437 = vector.shape_cast %broadcast_in_dim3A_0 : vector<16xf32> to vector<1x16xf32>
    tpu.vector_store %arg8[%swap3A_433, %swap3A_434], %swap3A_437 {strides = array<i32>} : memref<16x128xf32, #tpu.memory_space<vmem>>, vector<1x16xf32>,
    %swap3A_438 = arith.constant 9 : i32
    %swap3A_439 = arith.index_cast %swap3A_438 : i32 to index
    %swap3A_440 = arith.constant 16 : index
    %swap3A_441 = tpu.vector_load %arg8[%swap3A_439, %swap3A_440] {strides = array<i32>} : memref<16x128xf32, #tpu.memory_space<vmem>>, vector<1x16xf32>,
    %swap3A_442 = vector.shape_cast %swap3A_441 : vector<1x16xf32> to vector<16xf32>
    %swap3A_443 = vector.shape_cast %broadcast_in_dim3A_0 : vector<16xf32> to vector<1x16xf32>
    tpu.vector_store %arg8[%swap3A_439, %swap3A_440], %swap3A_443 {strides = array<i32>} : memref<16x128xf32, #tpu.memory_space<vmem>>, vector<1x16xf32>,
    %swap3A_444 = arith.constant 9 : i32
    %swap3A_445 = arith.index_cast %swap3A_444 : i32 to index
    %swap3A_446 = arith.constant 32 : index
    %swap3A_447 = tpu.vector_load %arg8[%swap3A_445, %swap3A_446] {strides = array<i32>} : memref<16x128xf32, #tpu.memory_space<vmem>>, vector<1x16xf32>,
    %swap3A_448 = vector.shape_cast %swap3A_447 : vector<1x16xf32> to vector<16xf32>
    %swap3A_449 = vector.shape_cast %broadcast_in_dim3A_0 : vector<16xf32> to vector<1x16xf32>
    tpu.vector_store %arg8[%swap3A_445, %swap3A_446], %swap3A_449 {strides = array<i32>} : memref<16x128xf32, #tpu.memory_space<vmem>>, vector<1x16xf32>,
    %swap3A_450 = arith.constant 9 : i32
    %swap3A_451 = arith.index_cast %swap3A_450 : i32 to index
    %swap3A_452 = arith.constant 48 : index
    %swap3A_453 = tpu.vector_load %arg8[%swap3A_451, %swap3A_452] {strides = array<i32>} : memref<16x128xf32, #tpu.memory_space<vmem>>, vector<1x16xf32>,
    %swap3A_454 = vector.shape_cast %swap3A_453 : vector<1x16xf32> to vector<16xf32>
    %swap3A_455 = vector.shape_cast %broadcast_in_dim3A_0 : vector<16xf32> to vector<1x16xf32>
    tpu.vector_store %arg8[%swap3A_451, %swap3A_452], %swap3A_455 {strides = array<i32>} : memref<16x128xf32, #tpu.memory_space<vmem>>, vector<1x16xf32>,
    %swap3A_456 = arith.constant 9 : i32
    %swap3A_457 = arith.index_cast %swap3A_456 : i32 to index
    %swap3A_458 = arith.constant 64 : index
    %swap3A_459 = tpu.vector_load %arg8[%swap3A_457, %swap3A_458] {strides = array<i32>} : memref<16x128xf32, #tpu.memory_space<vmem>>, vector<1x16xf32>,
    %swap3A_460 = vector.shape_cast %swap3A_459 : vector<1x16xf32> to vector<16xf32>
    %swap3A_461 = vector.shape_cast %broadcast_in_dim3A_0 : vector<16xf32> to vector<1x16xf32>
    tpu.vector_store %arg8[%swap3A_457, %swap3A_458], %swap3A_461 {strides = array<i32>} : memref<16x128xf32, #tpu.memory_space<vmem>>, vector<1x16xf32>,
    %swap3A_462 = arith.constant 9 : i32
    %swap3A_463 = arith.index_cast %swap3A_462 : i32 to index
    %swap3A_464 = arith.constant 80 : index
    %swap3A_465 = tpu.vector_load %arg8[%swap3A_463, %swap3A_464] {strides = array<i32>} : memref<16x128xf32, #tpu.memory_space<vmem>>, vector<1x16xf32>,
    %swap3A_466 = vector.shape_cast %swap3A_465 : vector<1x16xf32> to vector<16xf32>
    %swap3A_467 = vector.shape_cast %broadcast_in_dim3A_0 : vector<16xf32> to vector<1x16xf32>
    tpu.vector_store %arg8[%swap3A_463, %swap3A_464], %swap3A_467 {strides = array<i32>} : memref<16x128xf32, #tpu.memory_space<vmem>>, vector<1x16xf32>,
    %swap3A_468 = arith.constant 9 : i32
    %swap3A_469 = arith.index_cast %swap3A_468 : i32 to index
    %swap3A_470 = arith.constant 96 : index
    %swap3A_471 = tpu.vector_load %arg8[%swap3A_469, %swap3A_470] {strides = array<i32>} : memref<16x128xf32, #tpu.memory_space<vmem>>, vector<1x16xf32>,
    %swap3A_472 = vector.shape_cast %swap3A_471 : vector<1x16xf32> to vector<16xf32>
    %swap3A_473 = vector.shape_cast %broadcast_in_dim3A_0 : vector<16xf32> to vector<1x16xf32>
    tpu.vector_store %arg8[%swap3A_469, %swap3A_470], %swap3A_473 {strides = array<i32>} : memref<16x128xf32, #tpu.memory_space<vmem>>, vector<1x16xf32>,
    %swap3A_474 = arith.constant 9 : i32
    %swap3A_475 = arith.index_cast %swap3A_474 : i32 to index
    %swap3A_476 = arith.constant 112 : index
    %swap3A_477 = tpu.vector_load %arg8[%swap3A_475, %swap3A_476] {strides = array<i32>} : memref<16x128xf32, #tpu.memory_space<vmem>>, vector<1x16xf32>,
    %swap3A_478 = vector.shape_cast %swap3A_477 : vector<1x16xf32> to vector<16xf32>
    %swap3A_479 = vector.shape_cast %broadcast_in_dim3A_0 : vector<16xf32> to vector<1x16xf32>
    tpu.vector_store %arg8[%swap3A_475, %swap3A_476], %swap3A_479 {strides = array<i32>} : memref<16x128xf32, #tpu.memory_space<vmem>>, vector<1x16xf32>,
    %swap3A_480 = arith.constant 10 : i32
    %swap3A_481 = arith.index_cast %swap3A_480 : i32 to index
    %swap3A_482 = arith.constant 0 : index
    %swap3A_483 = tpu.vector_load %arg8[%swap3A_481, %swap3A_482] {strides = array<i32>} : memref<16x128xf32, #tpu.memory_space<vmem>>, vector<1x16xf32>,
    %swap3A_484 = vector.shape_cast %swap3A_483 : vector<1x16xf32> to vector<16xf32>
    %swap3A_485 = vector.shape_cast %broadcast_in_dim3A_0 : vector<16xf32> to vector<1x16xf32>
    tpu.vector_store %arg8[%swap3A_481, %swap3A_482], %swap3A_485 {strides = array<i32>} : memref<16x128xf32, #tpu.memory_space<vmem>>, vector<1x16xf32>,
    %swap3A_486 = arith.constant 10 : i32
    %swap3A_487 = arith.index_cast %swap3A_486 : i32 to index
    %swap3A_488 = arith.constant 16 : index
    %swap3A_489 = tpu.vector_load %arg8[%swap3A_487, %swap3A_488] {strides = array<i32>} : memref<16x128xf32, #tpu.memory_space<vmem>>, vector<1x16xf32>,
    %swap3A_490 = vector.shape_cast %swap3A_489 : vector<1x16xf32> to vector<16xf32>
    %swap3A_491 = vector.shape_cast %broadcast_in_dim3A_0 : vector<16xf32> to vector<1x16xf32>
    tpu.vector_store %arg8[%swap3A_487, %swap3A_488], %swap3A_491 {strides = array<i32>} : memref<16x128xf32, #tpu.memory_space<vmem>>, vector<1x16xf32>,
    %swap3A_492 = arith.constant 10 : i32
    %swap3A_493 = arith.index_cast %swap3A_492 : i32 to index
    %swap3A_494 = arith.constant 32 : index
    %swap3A_495 = tpu.vector_load %arg8[%swap3A_493, %swap3A_494] {strides = array<i32>} : memref<16x128xf32, #tpu.memory_space<vmem>>, vector<1x16xf32>,
    %swap3A_496 = vector.shape_cast %swap3A_495 : vector<1x16xf32> to vector<16xf32>
    %swap3A_497 = vector.shape_cast %broadcast_in_dim3A_0 : vector<16xf32> to vector<1x16xf32>
    tpu.vector_store %arg8[%swap3A_493, %swap3A_494], %swap3A_497 {strides = array<i32>} : memref<16x128xf32, #tpu.memory_space<vmem>>, vector<1x16xf32>,
    %swap3A_498 = arith.constant 10 : i32
    %swap3A_499 = arith.index_cast %swap3A_498 : i32 to index
    %swap3A_500 = arith.constant 48 : index
    %swap3A_501 = tpu.vector_load %arg8[%swap3A_499, %swap3A_500] {strides = array<i32>} : memref<16x128xf32, #tpu.memory_space<vmem>>, vector<1x16xf32>,
    %swap3A_502 = vector.shape_cast %swap3A_501 : vector<1x16xf32> to vector<16xf32>
    %swap3A_503 = vector.shape_cast %broadcast_in_dim3A_0 : vector<16xf32> to vector<1x16xf32>
    tpu.vector_store %arg8[%swap3A_499, %swap3A_500], %swap3A_503 {strides = array<i32>} : memref<16x128xf32, #tpu.memory_space<vmem>>, vector<1x16xf32>,
    %swap3A_504 = arith.constant 10 : i32
    %swap3A_505 = arith.index_cast %swap3A_504 : i32 to index
    %swap3A_506 = arith.constant 64 : index
    %swap3A_507 = tpu.vector_load %arg8[%swap3A_505, %swap3A_506] {strides = array<i32>} : memref<16x128xf32, #tpu.memory_space<vmem>>, vector<1x16xf32>,
    %swap3A_508 = vector.shape_cast %swap3A_507 : vector<1x16xf32> to vector<16xf32>
    %swap3A_509 = vector.shape_cast %broadcast_in_dim3A_0 : vector<16xf32> to vector<1x16xf32>
    tpu.vector_store %arg8[%swap3A_505, %swap3A_506], %swap3A_509 {strides = array<i32>} : memref<16x128xf32, #tpu.memory_space<vmem>>, vector<1x16xf32>,
    %swap3A_510 = arith.constant 10 : i32
    %swap3A_511 = arith.index_cast %swap3A_510 : i32 to index
    %swap3A_512 = arith.constant 80 : index
    %swap3A_513 = tpu.vector_load %arg8[%swap3A_511, %swap3A_512] {strides = array<i32>} : memref<16x128xf32, #tpu.memory_space<vmem>>, vector<1x16xf32>,
    %swap3A_514 = vector.shape_cast %swap3A_513 : vector<1x16xf32> to vector<16xf32>
    %swap3A_515 = vector.shape_cast %broadcast_in_dim3A_0 : vector<16xf32> to vector<1x16xf32>
    tpu.vector_store %arg8[%swap3A_511, %swap3A_512], %swap3A_515 {strides = array<i32>} : memref<16x128xf32, #tpu.memory_space<vmem>>, vector<1x16xf32>,
    %swap3A_516 = arith.constant 10 : i32
    %swap3A_517 = arith.index_cast %swap3A_516 : i32 to index
    %swap3A_518 = arith.constant 96 : index
    %swap3A_519 = tpu.vector_load %arg8[%swap3A_517, %swap3A_518] {strides = array<i32>} : memref<16x128xf32, #tpu.memory_space<vmem>>, vector<1x16xf32>,
    %swap3A_520 = vector.shape_cast %swap3A_519 : vector<1x16xf32> to vector<16xf32>
    %swap3A_521 = vector.shape_cast %broadcast_in_dim3A_0 : vector<16xf32> to vector<1x16xf32>
    tpu.vector_store %arg8[%swap3A_517, %swap3A_518], %swap3A_521 {strides = array<i32>} : memref<16x128xf32, #tpu.memory_space<vmem>>, vector<1x16xf32>,
    %swap3A_522 = arith.constant 10 : i32
    %swap3A_523 = arith.index_cast %swap3A_522 : i32 to index
    %swap3A_524 = arith.constant 112 : index
    %swap3A_525 = tpu.vector_load %arg8[%swap3A_523, %swap3A_524] {strides = array<i32>} : memref<16x128xf32, #tpu.memory_space<vmem>>, vector<1x16xf32>,
    %swap3A_526 = vector.shape_cast %swap3A_525 : vector<1x16xf32> to vector<16xf32>
    %swap3A_527 = vector.shape_cast %broadcast_in_dim3A_0 : vector<16xf32> to vector<1x16xf32>
    tpu.vector_store %arg8[%swap3A_523, %swap3A_524], %swap3A_527 {strides = array<i32>} : memref<16x128xf32, #tpu.memory_space<vmem>>, vector<1x16xf32>,
    %swap3A_528 = arith.constant 11 : i32
    %swap3A_529 = arith.index_cast %swap3A_528 : i32 to index
    %swap3A_530 = arith.constant 0 : index
    %swap3A_531 = tpu.vector_load %arg8[%swap3A_529, %swap3A_530] {strides = array<i32>} : memref<16x128xf32, #tpu.memory_space<vmem>>, vector<1x16xf32>,
    %swap3A_532 = vector.shape_cast %swap3A_531 : vector<1x16xf32> to vector<16xf32>
    %swap3A_533 = vector.shape_cast %broadcast_in_dim3A_0 : vector<16xf32> to vector<1x16xf32>
    tpu.vector_store %arg8[%swap3A_529, %swap3A_530], %swap3A_533 {strides = array<i32>} : memref<16x128xf32, #tpu.memory_space<vmem>>, vector<1x16xf32>,
    %swap3A_534 = arith.constant 11 : i32
    %swap3A_535 = arith.index_cast %swap3A_534 : i32 to index
    %swap3A_536 = arith.constant 16 : index
    %swap3A_537 = tpu.vector_load %arg8[%swap3A_535, %swap3A_536] {strides = array<i32>} : memref<16x128xf32, #tpu.memory_space<vmem>>, vector<1x16xf32>,
    %swap3A_538 = vector.shape_cast %swap3A_537 : vector<1x16xf32> to vector<16xf32>
    %swap3A_539 = vector.shape_cast %broadcast_in_dim3A_0 : vector<16xf32> to vector<1x16xf32>
    tpu.vector_store %arg8[%swap3A_535, %swap3A_536], %swap3A_539 {strides = array<i32>} : memref<16x128xf32, #tpu.memory_space<vmem>>, vector<1x16xf32>,
    %swap3A_540 = arith.constant 11 : i32
    %swap3A_541 = arith.index_cast %swap3A_540 : i32 to index
    %swap3A_542 = arith.constant 32 : index
    %swap3A_543 = tpu.vector_load %arg8[%swap3A_541, %swap3A_542] {strides = array<i32>} : memref<16x128xf32, #tpu.memory_space<vmem>>, vector<1x16xf32>,
    %swap3A_544 = vector.shape_cast %swap3A_543 : vector<1x16xf32> to vector<16xf32>
    %swap3A_545 = vector.shape_cast %broadcast_in_dim3A_0 : vector<16xf32> to vector<1x16xf32>
    tpu.vector_store %arg8[%swap3A_541, %swap3A_542], %swap3A_545 {strides = array<i32>} : memref<16x128xf32, #tpu.memory_space<vmem>>, vector<1x16xf32>,
    %swap3A_546 = arith.constant 11 : i32
    %swap3A_547 = arith.index_cast %swap3A_546 : i32 to index
    %swap3A_548 = arith.constant 48 : index
    %swap3A_549 = tpu.vector_load %arg8[%swap3A_547, %swap3A_548] {strides = array<i32>} : memref<16x128xf32, #tpu.memory_space<vmem>>, vector<1x16xf32>,
    %swap3A_550 = vector.shape_cast %swap3A_549 : vector<1x16xf32> to vector<16xf32>
    %swap3A_551 = vector.shape_cast %broadcast_in_dim3A_0 : vector<16xf32> to vector<1x16xf32>
    tpu.vector_store %arg8[%swap3A_547, %swap3A_548], %swap3A_551 {strides = array<i32>} : memref<16x128xf32, #tpu.memory_space<vmem>>, vector<1x16xf32>,
    %swap3A_552 = arith.constant 11 : i32
    %swap3A_553 = arith.index_cast %swap3A_552 : i32 to index
    %swap3A_554 = arith.constant 64 : index
    %swap3A_555 = tpu.vector_load %arg8[%swap3A_553, %swap3A_554] {strides = array<i32>} : memref<16x128xf32, #tpu.memory_space<vmem>>, vector<1x16xf32>,
    %swap3A_556 = vector.shape_cast %swap3A_555 : vector<1x16xf32> to vector<16xf32>
    %swap3A_557 = vector.shape_cast %broadcast_in_dim3A_0 : vector<16xf32> to vector<1x16xf32>
    tpu.vector_store %arg8[%swap3A_553, %swap3A_554], %swap3A_557 {strides = array<i32>} : memref<16x128xf32, #tpu.memory_space<vmem>>, vector<1x16xf32>,
    %swap3A_558 = arith.constant 11 : i32
    %swap3A_559 = arith.index_cast %swap3A_558 : i32 to index
    %swap3A_560 = arith.constant 80 : index
    %swap3A_561 = tpu.vector_load %arg8[%swap3A_559, %swap3A_560] {strides = array<i32>} : memref<16x128xf32, #tpu.memory_space<vmem>>, vector<1x16xf32>,
    %swap3A_562 = vector.shape_cast %swap3A_561 : vector<1x16xf32> to vector<16xf32>
    %swap3A_563 = vector.shape_cast %broadcast_in_dim3A_0 : vector<16xf32> to vector<1x16xf32>
    tpu.vector_store %arg8[%swap3A_559, %swap3A_560], %swap3A_563 {strides = array<i32>} : memref<16x128xf32, #tpu.memory_space<vmem>>, vector<1x16xf32>,
    %swap3A_564 = arith.constant 11 : i32
    %swap3A_565 = arith.index_cast %swap3A_564 : i32 to index
    %swap3A_566 = arith.constant 96 : index
    %swap3A_567 = tpu.vector_load %arg8[%swap3A_565, %swap3A_566] {strides = array<i32>} : memref<16x128xf32, #tpu.memory_space<vmem>>, vector<1x16xf32>,
    %swap3A_568 = vector.shape_cast %swap3A_567 : vector<1x16xf32> to vector<16xf32>
    %swap3A_569 = vector.shape_cast %broadcast_in_dim3A_0 : vector<16xf32> to vector<1x16xf32>
    tpu.vector_store %arg8[%swap3A_565, %swap3A_566], %swap3A_569 {strides = array<i32>} : memref<16x128xf32, #tpu.memory_space<vmem>>, vector<1x16xf32>,
    %swap3A_570 = arith.constant 11 : i32
    %swap3A_571 = arith.index_cast %swap3A_570 : i32 to index
    %swap3A_572 = arith.constant 112 : index
    %swap3A_573 = tpu.vector_load %arg8[%swap3A_571, %swap3A_572] {strides = array<i32>} : memref<16x128xf32, #tpu.memory_space<vmem>>, vector<1x16xf32>,
    %swap3A_574 = vector.shape_cast %swap3A_573 : vector<1x16xf32> to vector<16xf32>
    %swap3A_575 = vector.shape_cast %broadcast_in_dim3A_0 : vector<16xf32> to vector<1x16xf32>
    tpu.vector_store %arg8[%swap3A_571, %swap3A_572], %swap3A_575 {strides = array<i32>} : memref<16x128xf32, #tpu.memory_space<vmem>>, vector<1x16xf32>,
    %swap3A_576 = arith.constant 12 : i32
    %swap3A_577 = arith.index_cast %swap3A_576 : i32 to index
    %swap3A_578 = arith.constant 0 : index
    %swap3A_579 = tpu.vector_load %arg8[%swap3A_577, %swap3A_578] {strides = array<i32>} : memref<16x128xf32, #tpu.memory_space<vmem>>, vector<1x16xf32>,
    %swap3A_580 = vector.shape_cast %swap3A_579 : vector<1x16xf32> to vector<16xf32>
    %swap3A_581 = vector.shape_cast %broadcast_in_dim3A_0 : vector<16xf32> to vector<1x16xf32>
    tpu.vector_store %arg8[%swap3A_577, %swap3A_578], %swap3A_581 {strides = array<i32>} : memref<16x128xf32, #tpu.memory_space<vmem>>, vector<1x16xf32>,
    %swap3A_582 = arith.constant 12 : i32
    %swap3A_583 = arith.index_cast %swap3A_582 : i32 to index
    %swap3A_584 = arith.constant 16 : index
    %swap3A_585 = tpu.vector_load %arg8[%swap3A_583, %swap3A_584] {strides = array<i32>} : memref<16x128xf32, #tpu.memory_space<vmem>>, vector<1x16xf32>,
    %swap3A_586 = vector.shape_cast %swap3A_585 : vector<1x16xf32> to vector<16xf32>
    %swap3A_587 = vector.shape_cast %broadcast_in_dim3A_0 : vector<16xf32> to vector<1x16xf32>
    tpu.vector_store %arg8[%swap3A_583, %swap3A_584], %swap3A_587 {strides = array<i32>} : memref<16x128xf32, #tpu.memory_space<vmem>>, vector<1x16xf32>,
    %swap3A_588 = arith.constant 12 : i32
    %swap3A_589 = arith.index_cast %swap3A_588 : i32 to index
    %swap3A_590 = arith.constant 32 : index
    %swap3A_591 = tpu.vector_load %arg8[%swap3A_589, %swap3A_590] {strides = array<i32>} : memref<16x128xf32, #tpu.memory_space<vmem>>, vector<1x16xf32>,
    %swap3A_592 = vector.shape_cast %swap3A_591 : vector<1x16xf32> to vector<16xf32>
    %swap3A_593 = vector.shape_cast %broadcast_in_dim3A_0 : vector<16xf32> to vector<1x16xf32>
    tpu.vector_store %arg8[%swap3A_589, %swap3A_590], %swap3A_593 {strides = array<i32>} : memref<16x128xf32, #tpu.memory_space<vmem>>, vector<1x16xf32>,
    %swap3A_594 = arith.constant 12 : i32
    %swap3A_595 = arith.index_cast %swap3A_594 : i32 to index
    %swap3A_596 = arith.constant 48 : index
    %swap3A_597 = tpu.vector_load %arg8[%swap3A_595, %swap3A_596] {strides = array<i32>} : memref<16x128xf32, #tpu.memory_space<vmem>>, vector<1x16xf32>,
    %swap3A_598 = vector.shape_cast %swap3A_597 : vector<1x16xf32> to vector<16xf32>
    %swap3A_599 = vector.shape_cast %broadcast_in_dim3A_0 : vector<16xf32> to vector<1x16xf32>
    tpu.vector_store %arg8[%swap3A_595, %swap3A_596], %swap3A_599 {strides = array<i32>} : memref<16x128xf32, #tpu.memory_space<vmem>>, vector<1x16xf32>,
    %swap3A_600 = arith.constant 12 : i32
    %swap3A_601 = arith.index_cast %swap3A_600 : i32 to index
    %swap3A_602 = arith.constant 64 : index
    %swap3A_603 = tpu.vector_load %arg8[%swap3A_601, %swap3A_602] {strides = array<i32>} : memref<16x128xf32, #tpu.memory_space<vmem>>, vector<1x16xf32>,
    %swap3A_604 = vector.shape_cast %swap3A_603 : vector<1x16xf32> to vector<16xf32>
    %swap3A_605 = vector.shape_cast %broadcast_in_dim3A_0 : vector<16xf32> to vector<1x16xf32>
    tpu.vector_store %arg8[%swap3A_601, %swap3A_602], %swap3A_605 {strides = array<i32>} : memref<16x128xf32, #tpu.memory_space<vmem>>, vector<1x16xf32>,
    %swap3A_606 = arith.constant 12 : i32
    %swap3A_607 = arith.index_cast %swap3A_606 : i32 to index
    %swap3A_608 = arith.constant 80 : index
    %swap3A_609 = tpu.vector_load %arg8[%swap3A_607, %swap3A_608] {strides = array<i32>} : memref<16x128xf32, #tpu.memory_space<vmem>>, vector<1x16xf32>,
    %swap3A_610 = vector.shape_cast %swap3A_609 : vector<1x16xf32> to vector<16xf32>
    %swap3A_611 = vector.shape_cast %broadcast_in_dim3A_0 : vector<16xf32> to vector<1x16xf32>
    tpu.vector_store %arg8[%swap3A_607, %swap3A_608], %swap3A_611 {strides = array<i32>} : memref<16x128xf32, #tpu.memory_space<vmem>>, vector<1x16xf32>,
    %swap3A_612 = arith.constant 12 : i32
    %swap3A_613 = arith.index_cast %swap3A_612 : i32 to index
    %swap3A_614 = arith.constant 96 : index
    %swap3A_615 = tpu.vector_load %arg8[%swap3A_613, %swap3A_614] {strides = array<i32>} : memref<16x128xf32, #tpu.memory_space<vmem>>, vector<1x16xf32>,
    %swap3A_616 = vector.shape_cast %swap3A_615 : vector<1x16xf32> to vector<16xf32>
    %swap3A_617 = vector.shape_cast %broadcast_in_dim3A_0 : vector<16xf32> to vector<1x16xf32>
    tpu.vector_store %arg8[%swap3A_613, %swap3A_614], %swap3A_617 {strides = array<i32>} : memref<16x128xf32, #tpu.memory_space<vmem>>, vector<1x16xf32>,
    %swap3A_618 = arith.constant 12 : i32
    %swap3A_619 = arith.index_cast %swap3A_618 : i32 to index
    %swap3A_620 = arith.constant 112 : index
    %swap3A_621 = tpu.vector_load %arg8[%swap3A_619, %swap3A_620] {strides = array<i32>} : memref<16x128xf32, #tpu.memory_space<vmem>>, vector<1x16xf32>,
    %swap3A_622 = vector.shape_cast %swap3A_621 : vector<1x16xf32> to vector<16xf32>
    %swap3A_623 = vector.shape_cast %broadcast_in_dim3A_0 : vector<16xf32> to vector<1x16xf32>
    tpu.vector_store %arg8[%swap3A_619, %swap3A_620], %swap3A_623 {strides = array<i32>} : memref<16x128xf32, #tpu.memory_space<vmem>>, vector<1x16xf32>,
    %swap3A_624 = arith.constant 13 : i32
    %swap3A_625 = arith.index_cast %swap3A_624 : i32 to index
    %swap3A_626 = arith.constant 0 : index
    %swap3A_627 = tpu.vector_load %arg8[%swap3A_625, %swap3A_626] {strides = array<i32>} : memref<16x128xf32, #tpu.memory_space<vmem>>, vector<1x16xf32>,
    %swap3A_628 = vector.shape_cast %swap3A_627 : vector<1x16xf32> to vector<16xf32>
    %swap3A_629 = vector.shape_cast %broadcast_in_dim3A_0 : vector<16xf32> to vector<1x16xf32>
    tpu.vector_store %arg8[%swap3A_625, %swap3A_626], %swap3A_629 {strides = array<i32>} : memref<16x128xf32, #tpu.memory_space<vmem>>, vector<1x16xf32>,
    %swap3A_630 = arith.constant 13 : i32
    %swap3A_631 = arith.index_cast %swap3A_630 : i32 to index
    %swap3A_632 = arith.constant 16 : index
    %swap3A_633 = tpu.vector_load %arg8[%swap3A_631, %swap3A_632] {strides = array<i32>} : memref<16x128xf32, #tpu.memory_space<vmem>>, vector<1x16xf32>,
    %swap3A_634 = vector.shape_cast %swap3A_633 : vector<1x16xf32> to vector<16xf32>
    %swap3A_635 = vector.shape_cast %broadcast_in_dim3A_0 : vector<16xf32> to vector<1x16xf32>
    tpu.vector_store %arg8[%swap3A_631, %swap3A_632], %swap3A_635 {strides = array<i32>} : memref<16x128xf32, #tpu.memory_space<vmem>>, vector<1x16xf32>,
    %swap3A_636 = arith.constant 13 : i32
    %swap3A_637 = arith.index_cast %swap3A_636 : i32 to index
    %swap3A_638 = arith.constant 32 : index
    %swap3A_639 = tpu.vector_load %arg8[%swap3A_637, %swap3A_638] {strides = array<i32>} : memref<16x128xf32, #tpu.memory_space<vmem>>, vector<1x16xf32>,
    %swap3A_640 = vector.shape_cast %swap3A_639 : vector<1x16xf32> to vector<16xf32>
    %swap3A_641 = vector.shape_cast %broadcast_in_dim3A_0 : vector<16xf32> to vector<1x16xf32>
    tpu.vector_store %arg8[%swap3A_637, %swap3A_638], %swap3A_641 {strides = array<i32>} : memref<16x128xf32, #tpu.memory_space<vmem>>, vector<1x16xf32>,
    %swap3A_642 = arith.constant 13 : i32
    %swap3A_643 = arith.index_cast %swap3A_642 : i32 to index
    %swap3A_644 = arith.constant 48 : index
    %swap3A_645 = tpu.vector_load %arg8[%swap3A_643, %swap3A_644] {strides = array<i32>} : memref<16x128xf32, #tpu.memory_space<vmem>>, vector<1x16xf32>,
    %swap3A_646 = vector.shape_cast %swap3A_645 : vector<1x16xf32> to vector<16xf32>
    %swap3A_647 = vector.shape_cast %broadcast_in_dim3A_0 : vector<16xf32> to vector<1x16xf32>
    tpu.vector_store %arg8[%swap3A_643, %swap3A_644], %swap3A_647 {strides = array<i32>} : memref<16x128xf32, #tpu.memory_space<vmem>>, vector<1x16xf32>,
    %swap3A_648 = arith.constant 13 : i32
    %swap3A_649 = arith.index_cast %swap3A_648 : i32 to index
    %swap3A_650 = arith.constant 64 : index
    %swap3A_651 = tpu.vector_load %arg8[%swap3A_649, %swap3A_650] {strides = array<i32>} : memref<16x128xf32, #tpu.memory_space<vmem>>, vector<1x16xf32>,
    %swap3A_652 = vector.shape_cast %swap3A_651 : vector<1x16xf32> to vector<16xf32>
    %swap3A_653 = vector.shape_cast %broadcast_in_dim3A_0 : vector<16xf32> to vector<1x16xf32>
    tpu.vector_store %arg8[%swap3A_649, %swap3A_650], %swap3A_653 {strides = array<i32>} : memref<16x128xf32, #tpu.memory_space<vmem>>, vector<1x16xf32>,
    %swap3A_654 = arith.constant 13 : i32
    %swap3A_655 = arith.index_cast %swap3A_654 : i32 to index
    %swap3A_656 = arith.constant 80 : index
    %swap3A_657 = tpu.vector_load %arg8[%swap3A_655, %swap3A_656] {strides = array<i32>} : memref<16x128xf32, #tpu.memory_space<vmem>>, vector<1x16xf32>,
    %swap3A_658 = vector.shape_cast %swap3A_657 : vector<1x16xf32> to vector<16xf32>
    %swap3A_659 = vector.shape_cast %broadcast_in_dim3A_0 : vector<16xf32> to vector<1x16xf32>
    tpu.vector_store %arg8[%swap3A_655, %swap3A_656], %swap3A_659 {strides = array<i32>} : memref<16x128xf32, #tpu.memory_space<vmem>>, vector<1x16xf32>,
    %swap3A_660 = arith.constant 13 : i32
    %swap3A_661 = arith.index_cast %swap3A_660 : i32 to index
    %swap3A_662 = arith.constant 96 : index
    %swap3A_663 = tpu.vector_load %arg8[%swap3A_661, %swap3A_662] {strides = array<i32>} : memref<16x128xf32, #tpu.memory_space<vmem>>, vector<1x16xf32>,
    %swap3A_664 = vector.shape_cast %swap3A_663 : vector<1x16xf32> to vector<16xf32>
    %swap3A_665 = vector.shape_cast %broadcast_in_dim3A_0 : vector<16xf32> to vector<1x16xf32>
    tpu.vector_store %arg8[%swap3A_661, %swap3A_662], %swap3A_665 {strides = array<i32>} : memref<16x128xf32, #tpu.memory_space<vmem>>, vector<1x16xf32>,
    %swap3A_666 = arith.constant 13 : i32
    %swap3A_667 = arith.index_cast %swap3A_666 : i32 to index
    %swap3A_668 = arith.constant 112 : index
    %swap3A_669 = tpu.vector_load %arg8[%swap3A_667, %swap3A_668] {strides = array<i32>} : memref<16x128xf32, #tpu.memory_space<vmem>>, vector<1x16xf32>,
    %swap3A_670 = vector.shape_cast %swap3A_669 : vector<1x16xf32> to vector<16xf32>
    %swap3A_671 = vector.shape_cast %broadcast_in_dim3A_0 : vector<16xf32> to vector<1x16xf32>
    tpu.vector_store %arg8[%swap3A_667, %swap3A_668], %swap3A_671 {strides = array<i32>} : memref<16x128xf32, #tpu.memory_space<vmem>>, vector<1x16xf32>,
    %swap3A_672 = arith.constant 14 : i32
    %swap3A_673 = arith.index_cast %swap3A_672 : i32 to index
    %swap3A_674 = arith.constant 0 : index
    %swap3A_675 = tpu.vector_load %arg8[%swap3A_673, %swap3A_674] {strides = array<i32>} : memref<16x128xf32, #tpu.memory_space<vmem>>, vector<1x16xf32>,
    %swap3A_676 = vector.shape_cast %swap3A_675 : vector<1x16xf32> to vector<16xf32>
    %swap3A_677 = vector.shape_cast %broadcast_in_dim3A_0 : vector<16xf32> to vector<1x16xf32>
    tpu.vector_store %arg8[%swap3A_673, %swap3A_674], %swap3A_677 {strides = array<i32>} : memref<16x128xf32, #tpu.memory_space<vmem>>, vector<1x16xf32>,
    %swap3A_678 = arith.constant 14 : i32
    %swap3A_679 = arith.index_cast %swap3A_678 : i32 to index
    %swap3A_680 = arith.constant 16 : index
    %swap3A_681 = tpu.vector_load %arg8[%swap3A_679, %swap3A_680] {strides = array<i32>} : memref<16x128xf32, #tpu.memory_space<vmem>>, vector<1x16xf32>,
    %swap3A_682 = vector.shape_cast %swap3A_681 : vector<1x16xf32> to vector<16xf32>
    %swap3A_683 = vector.shape_cast %broadcast_in_dim3A_0 : vector<16xf32> to vector<1x16xf32>
    tpu.vector_store %arg8[%swap3A_679, %swap3A_680], %swap3A_683 {strides = array<i32>} : memref<16x128xf32, #tpu.memory_space<vmem>>, vector<1x16xf32>,
    %swap3A_684 = arith.constant 14 : i32
    %swap3A_685 = arith.index_cast %swap3A_684 : i32 to index
    %swap3A_686 = arith.constant 32 : index
    %swap3A_687 = tpu.vector_load %arg8[%swap3A_685, %swap3A_686] {strides = array<i32>} : memref<16x128xf32, #tpu.memory_space<vmem>>, vector<1x16xf32>,
    %swap3A_688 = vector.shape_cast %swap3A_687 : vector<1x16xf32> to vector<16xf32>
    %swap3A_689 = vector.shape_cast %broadcast_in_dim3A_0 : vector<16xf32> to vector<1x16xf32>
    tpu.vector_store %arg8[%swap3A_685, %swap3A_686], %swap3A_689 {strides = array<i32>} : memref<16x128xf32, #tpu.memory_space<vmem>>, vector<1x16xf32>,
    %swap3A_690 = arith.constant 14 : i32
    %swap3A_691 = arith.index_cast %swap3A_690 : i32 to index
    %swap3A_692 = arith.constant 48 : index
    %swap3A_693 = tpu.vector_load %arg8[%swap3A_691, %swap3A_692] {strides = array<i32>} : memref<16x128xf32, #tpu.memory_space<vmem>>, vector<1x16xf32>,
    %swap3A_694 = vector.shape_cast %swap3A_693 : vector<1x16xf32> to vector<16xf32>
    %swap3A_695 = vector.shape_cast %broadcast_in_dim3A_0 : vector<16xf32> to vector<1x16xf32>
    tpu.vector_store %arg8[%swap3A_691, %swap3A_692], %swap3A_695 {strides = array<i32>} : memref<16x128xf32, #tpu.memory_space<vmem>>, vector<1x16xf32>,
    %swap3A_696 = arith.constant 14 : i32
    %swap3A_697 = arith.index_cast %swap3A_696 : i32 to index
    %swap3A_698 = arith.constant 64 : index
    %swap3A_699 = tpu.vector_load %arg8[%swap3A_697, %swap3A_698] {strides = array<i32>} : memref<16x128xf32, #tpu.memory_space<vmem>>, vector<1x16xf32>,
    %swap3A_700 = vector.shape_cast %swap3A_699 : vector<1x16xf32> to vector<16xf32>
    %swap3A_701 = vector.shape_cast %broadcast_in_dim3A_0 : vector<16xf32> to vector<1x16xf32>
    tpu.vector_store %arg8[%swap3A_697, %swap3A_698], %swap3A_701 {strides = array<i32>} : memref<16x128xf32, #tpu.memory_space<vmem>>, vector<1x16xf32>,
    %swap3A_702 = arith.constant 14 : i32
    %swap3A_703 = arith.index_cast %swap3A_702 : i32 to index
    %swap3A_704 = arith.constant 80 : index
    %swap3A_705 = tpu.vector_load %arg8[%swap3A_703, %swap3A_704] {strides = array<i32>} : memref<16x128xf32, #tpu.memory_space<vmem>>, vector<1x16xf32>,
    %swap3A_706 = vector.shape_cast %swap3A_705 : vector<1x16xf32> to vector<16xf32>
    %swap3A_707 = vector.shape_cast %broadcast_in_dim3A_0 : vector<16xf32> to vector<1x16xf32>
    tpu.vector_store %arg8[%swap3A_703, %swap3A_704], %swap3A_707 {strides = array<i32>} : memref<16x128xf32, #tpu.memory_space<vmem>>, vector<1x16xf32>,
    %swap3A_708 = arith.constant 14 : i32
    %swap3A_709 = arith.index_cast %swap3A_708 : i32 to index
    %swap3A_710 = arith.constant 96 : index
    %swap3A_711 = tpu.vector_load %arg8[%swap3A_709, %swap3A_710] {strides = array<i32>} : memref<16x128xf32, #tpu.memory_space<vmem>>, vector<1x16xf32>,
    %swap3A_712 = vector.shape_cast %swap3A_711 : vector<1x16xf32> to vector<16xf32>
    %swap3A_713 = vector.shape_cast %broadcast_in_dim3A_0 : vector<16xf32> to vector<1x16xf32>
    tpu.vector_store %arg8[%swap3A_709, %swap3A_710], %swap3A_713 {strides = array<i32>} : memref<16x128xf32, #tpu.memory_space<vmem>>, vector<1x16xf32>,
    %swap3A_714 = arith.constant 14 : i32
    %swap3A_715 = arith.index_cast %swap3A_714 : i32 to index
    %swap3A_716 = arith.constant 112 : index
    %swap3A_717 = tpu.vector_load %arg8[%swap3A_715, %swap3A_716] {strides = array<i32>} : memref<16x128xf32, #tpu.memory_space<vmem>>, vector<1x16xf32>,
    %swap3A_718 = vector.shape_cast %swap3A_717 : vector<1x16xf32> to vector<16xf32>
    %swap3A_719 = vector.shape_cast %broadcast_in_dim3A_0 : vector<16xf32> to vector<1x16xf32>
    tpu.vector_store %arg8[%swap3A_715, %swap3A_716], %swap3A_719 {strides = array<i32>} : memref<16x128xf32, #tpu.memory_space<vmem>>, vector<1x16xf32>,
    %swap3A_720 = arith.constant 15 : i32
    %swap3A_721 = arith.index_cast %swap3A_720 : i32 to index
    %swap3A_722 = arith.constant 0 : index
    %swap3A_723 = tpu.vector_load %arg8[%swap3A_721, %swap3A_722] {strides = array<i32>} : memref<16x128xf32, #tpu.memory_space<vmem>>, vector<1x16xf32>,
    %swap3A_724 = vector.shape_cast %swap3A_723 : vector<1x16xf32> to vector<16xf32>
    %swap3A_725 = vector.shape_cast %broadcast_in_dim3A_0 : vector<16xf32> to vector<1x16xf32>
    tpu.vector_store %arg8[%swap3A_721, %swap3A_722], %swap3A_725 {strides = array<i32>} : memref<16x128xf32, #tpu.memory_space<vmem>>, vector<1x16xf32>,
    %swap3A_726 = arith.constant 15 : i32
    %swap3A_727 = arith.index_cast %swap3A_726 : i32 to index
    %swap3A_728 = arith.constant 16 : index
    %swap3A_729 = tpu.vector_load %arg8[%swap3A_727, %swap3A_728] {strides = array<i32>} : memref<16x128xf32, #tpu.memory_space<vmem>>, vector<1x16xf32>,
    %swap3A_730 = vector.shape_cast %swap3A_729 : vector<1x16xf32> to vector<16xf32>
    %swap3A_731 = vector.shape_cast %broadcast_in_dim3A_0 : vector<16xf32> to vector<1x16xf32>
    tpu.vector_store %arg8[%swap3A_727, %swap3A_728], %swap3A_731 {strides = array<i32>} : memref<16x128xf32, #tpu.memory_space<vmem>>, vector<1x16xf32>,
    %swap3A_732 = arith.constant 15 : i32
    %swap3A_733 = arith.index_cast %swap3A_732 : i32 to index
    %swap3A_734 = arith.constant 32 : index
    %swap3A_735 = tpu.vector_load %arg8[%swap3A_733, %swap3A_734] {strides = array<i32>} : memref<16x128xf32, #tpu.memory_space<vmem>>, vector<1x16xf32>,
    %swap3A_736 = vector.shape_cast %swap3A_735 : vector<1x16xf32> to vector<16xf32>
    %swap3A_737 = vector.shape_cast %broadcast_in_dim3A_0 : vector<16xf32> to vector<1x16xf32>
    tpu.vector_store %arg8[%swap3A_733, %swap3A_734], %swap3A_737 {strides = array<i32>} : memref<16x128xf32, #tpu.memory_space<vmem>>, vector<1x16xf32>,
    %swap3A_738 = arith.constant 15 : i32
    %swap3A_739 = arith.index_cast %swap3A_738 : i32 to index
    %swap3A_740 = arith.constant 48 : index
    %swap3A_741 = tpu.vector_load %arg8[%swap3A_739, %swap3A_740] {strides = array<i32>} : memref<16x128xf32, #tpu.memory_space<vmem>>, vector<1x16xf32>,
    %swap3A_742 = vector.shape_cast %swap3A_741 : vector<1x16xf32> to vector<16xf32>
    %swap3A_743 = vector.shape_cast %broadcast_in_dim3A_0 : vector<16xf32> to vector<1x16xf32>
    tpu.vector_store %arg8[%swap3A_739, %swap3A_740], %swap3A_743 {strides = array<i32>} : memref<16x128xf32, #tpu.memory_space<vmem>>, vector<1x16xf32>,
    %swap3A_744 = arith.constant 15 : i32
    %swap3A_745 = arith.index_cast %swap3A_744 : i32 to index
    %swap3A_746 = arith.constant 64 : index
    %swap3A_747 = tpu.vector_load %arg8[%swap3A_745, %swap3A_746] {strides = array<i32>} : memref<16x128xf32, #tpu.memory_space<vmem>>, vector<1x16xf32>,
    %swap3A_748 = vector.shape_cast %swap3A_747 : vector<1x16xf32> to vector<16xf32>
    %swap3A_749 = vector.shape_cast %broadcast_in_dim3A_0 : vector<16xf32> to vector<1x16xf32>
    tpu.vector_store %arg8[%swap3A_745, %swap3A_746], %swap3A_749 {strides = array<i32>} : memref<16x128xf32, #tpu.memory_space<vmem>>, vector<1x16xf32>,
    %swap3A_750 = arith.constant 15 : i32
    %swap3A_751 = arith.index_cast %swap3A_750 : i32 to index
    %swap3A_752 = arith.constant 80 : index
    %swap3A_753 = tpu.vector_load %arg8[%swap3A_751, %swap3A_752] {strides = array<i32>} : memref<16x128xf32, #tpu.memory_space<vmem>>, vector<1x16xf32>,
    %swap3A_754 = vector.shape_cast %swap3A_753 : vector<1x16xf32> to vector<16xf32>
    %swap3A_755 = vector.shape_cast %broadcast_in_dim3A_0 : vector<16xf32> to vector<1x16xf32>
    tpu.vector_store %arg8[%swap3A_751, %swap3A_752], %swap3A_755 {strides = array<i32>} : memref<16x128xf32, #tpu.memory_space<vmem>>, vector<1x16xf32>,
    %swap3A_756 = arith.constant 15 : i32
    %swap3A_757 = arith.index_cast %swap3A_756 : i32 to index
    %swap3A_758 = arith.constant 96 : index
    %swap3A_759 = tpu.vector_load %arg8[%swap3A_757, %swap3A_758] {strides = array<i32>} : memref<16x128xf32, #tpu.memory_space<vmem>>, vector<1x16xf32>,
    %swap3A_760 = vector.shape_cast %swap3A_759 : vector<1x16xf32> to vector<16xf32>
    %swap3A_761 = vector.shape_cast %broadcast_in_dim3A_0 : vector<16xf32> to vector<1x16xf32>
    tpu.vector_store %arg8[%swap3A_757, %swap3A_758], %swap3A_761 {strides = array<i32>} : memref<16x128xf32, #tpu.memory_space<vmem>>, vector<1x16xf32>,
    %swap3A_762 = arith.constant 15 : i32
    %swap3A_763 = arith.index_cast %swap3A_762 : i32 to index
    %swap3A_764 = arith.constant 112 : index
    %swap3A_765 = tpu.vector_load %arg8[%swap3A_763, %swap3A_764] {strides = array<i32>} : memref<16x128xf32, #tpu.memory_space<vmem>>, vector<1x16xf32>,
    %swap3A_766 = vector.shape_cast %swap3A_765 : vector<1x16xf32> to vector<16xf32>
    %swap3A_767 = vector.shape_cast %broadcast_in_dim3A_0 : vector<16xf32> to vector<1x16xf32>
    tpu.vector_store %arg8[%swap3A_763, %swap3A_764], %swap3A_767 {strides = array<i32>} : memref<16x128xf32, #tpu.memory_space<vmem>>, vector<1x16xf32>,
    %mul3A = arith.constant 640 : i32
    %mul3A_768 = arith.muli %arg1, %mul3A : i32
    %add3A = arith.constant 0 : i32
    %add3A_769 = arith.addi %mul3A_768, %add3A : i32
    "tpu.region"() ({
      %run_scoped3A = tpu.sem_alloc : memref<!tpu.dma_semaphore, #tpu.memory_space<semaphore_mem>>
      %dma_start3A_1486 = arith.constant 0 : i32
      %dma_start3A_1487 = tpu.memref_slice %arg17[%add3A_769, %dma_start3A_1486] : memref<10240x128xf32, #tpu.memory_space<vmem_shared>> -> memref<16x128xf32, #tpu.memory_space<vmem_shared>>
      %dma_start3A_1488 = arith.constant 0 : i32
      %dma_start3A_1489 = tpu.memref_slice %arg17[%add3A_769, %dma_start3A_1488] : memref<10240x128xf32, #tpu.memory_space<vmem_shared>> -> memref<16x128xf32, #tpu.memory_space<vmem_shared>>
      tpu.enqueue_dma source(%arg8 : memref<16x128xf32, #tpu.memory_space<vmem>>) target(%dma_start3A_1489 : memref<16x128xf32, #tpu.memory_space<vmem_shared>>) target_semaphore(%run_scoped3A : memref<!tpu.dma_semaphore, #tpu.memory_space<semaphore_mem>>)
      %dma_wait3A_1490 = arith.constant 0 : i32
      %dma_wait3A_1491 = tpu.memref_slice %arg17[%add3A_769, %dma_wait3A_1490] : memref<10240x128xf32, #tpu.memory_space<vmem_shared>> -> memref<16x128xf32, #tpu.memory_space<vmem_shared>>
      %dma_wait3A_1492 = arith.constant 0 : i32
      %dma_wait3A_1493 = tpu.memref_slice %arg17[%add3A_769, %dma_wait3A_1492] : memref<10240x128xf32, #tpu.memory_space<vmem_shared>> -> memref<16x128xf32, #tpu.memory_space<vmem_shared>>
      tpu.wait_dma2 semaphore(%run_scoped3A : memref<!tpu.dma_semaphore, #tpu.memory_space<semaphore_mem>>) src(%arg8 : memref<16x128xf32, #tpu.memory_space<vmem>>) dst(%dma_wait3A_1493 : memref<16x128xf32, #tpu.memory_space<vmem_shared>>)
      tpu.yield
    }) : () -> ()
    %mul3A_770 = arith.constant 640 : i32
    %mul3A_771 = arith.muli %arg1, %mul3A_770 : i32
    %add3A_772 = arith.constant 16 : i32
    %add3A_773 = arith.addi %mul3A_771, %add3A_772 : i32
    "tpu.region"() ({
      %run_scoped3A = tpu.sem_alloc : memref<!tpu.dma_semaphore, #tpu.memory_space<semaphore_mem>>
      %dma_start3A_1486 = arith.constant 0 : i32
      %dma_start3A_1487 = tpu.memref_slice %arg17[%add3A_773, %dma_start3A_1486] : memref<10240x128xf32, #tpu.memory_space<vmem_shared>> -> memref<16x128xf32, #tpu.memory_space<vmem_shared>>
      %dma_start3A_1488 = arith.constant 0 : i32
      %dma_start3A_1489 = tpu.memref_slice %arg17[%add3A_773, %dma_start3A_1488] : memref<10240x128xf32, #tpu.memory_space<vmem_shared>> -> memref<16x128xf32, #tpu.memory_space<vmem_shared>>
      tpu.enqueue_dma source(%arg8 : memref<16x128xf32, #tpu.memory_space<vmem>>) target(%dma_start3A_1489 : memref<16x128xf32, #tpu.memory_space<vmem_shared>>) target_semaphore(%run_scoped3A : memref<!tpu.dma_semaphore, #tpu.memory_space<semaphore_mem>>)
      %dma_wait3A_1490 = arith.constant 0 : i32
      %dma_wait3A_1491 = tpu.memref_slice %arg17[%add3A_773, %dma_wait3A_1490] : memref<10240x128xf32, #tpu.memory_space<vmem_shared>> -> memref<16x128xf32, #tpu.memory_space<vmem_shared>>
      %dma_wait3A_1492 = arith.constant 0 : i32
      %dma_wait3A_1493 = tpu.memref_slice %arg17[%add3A_773, %dma_wait3A_1492] : memref<10240x128xf32, #tpu.memory_space<vmem_shared>> -> memref<16x128xf32, #tpu.memory_space<vmem_shared>>
      tpu.wait_dma2 semaphore(%run_scoped3A : memref<!tpu.dma_semaphore, #tpu.memory_space<semaphore_mem>>) src(%arg8 : memref<16x128xf32, #tpu.memory_space<vmem>>) dst(%dma_wait3A_1493 : memref<16x128xf32, #tpu.memory_space<vmem_shared>>)
      tpu.yield
    }) : () -> ()
    %mul3A_774 = arith.constant 640 : i32
    %mul3A_775 = arith.muli %arg1, %mul3A_774 : i32
    %add3A_776 = arith.constant 32 : i32
    %add3A_777 = arith.addi %mul3A_775, %add3A_776 : i32
    "tpu.region"() ({
      %run_scoped3A = tpu.sem_alloc : memref<!tpu.dma_semaphore, #tpu.memory_space<semaphore_mem>>
      %dma_start3A_1486 = arith.constant 0 : i32
      %dma_start3A_1487 = tpu.memref_slice %arg17[%add3A_777, %dma_start3A_1486] : memref<10240x128xf32, #tpu.memory_space<vmem_shared>> -> memref<16x128xf32, #tpu.memory_space<vmem_shared>>
      %dma_start3A_1488 = arith.constant 0 : i32
      %dma_start3A_1489 = tpu.memref_slice %arg17[%add3A_777, %dma_start3A_1488] : memref<10240x128xf32, #tpu.memory_space<vmem_shared>> -> memref<16x128xf32, #tpu.memory_space<vmem_shared>>
      tpu.enqueue_dma source(%arg8 : memref<16x128xf32, #tpu.memory_space<vmem>>) target(%dma_start3A_1489 : memref<16x128xf32, #tpu.memory_space<vmem_shared>>) target_semaphore(%run_scoped3A : memref<!tpu.dma_semaphore, #tpu.memory_space<semaphore_mem>>)
      %dma_wait3A_1490 = arith.constant 0 : i32
      %dma_wait3A_1491 = tpu.memref_slice %arg17[%add3A_777, %dma_wait3A_1490] : memref<10240x128xf32, #tpu.memory_space<vmem_shared>> -> memref<16x128xf32, #tpu.memory_space<vmem_shared>>
      %dma_wait3A_1492 = arith.constant 0 : i32
      %dma_wait3A_1493 = tpu.memref_slice %arg17[%add3A_777, %dma_wait3A_1492] : memref<10240x128xf32, #tpu.memory_space<vmem_shared>> -> memref<16x128xf32, #tpu.memory_space<vmem_shared>>
      tpu.wait_dma2 semaphore(%run_scoped3A : memref<!tpu.dma_semaphore, #tpu.memory_space<semaphore_mem>>) src(%arg8 : memref<16x128xf32, #tpu.memory_space<vmem>>) dst(%dma_wait3A_1493 : memref<16x128xf32, #tpu.memory_space<vmem_shared>>)
      tpu.yield
    }) : () -> ()
    %mul3A_778 = arith.constant 640 : i32
    %mul3A_779 = arith.muli %arg1, %mul3A_778 : i32
    %add3A_780 = arith.constant 48 : i32
    %add3A_781 = arith.addi %mul3A_779, %add3A_780 : i32
    "tpu.region"() ({
      %run_scoped3A = tpu.sem_alloc : memref<!tpu.dma_semaphore, #tpu.memory_space<semaphore_mem>>
      %dma_start3A_1486 = arith.constant 0 : i32
      %dma_start3A_1487 = tpu.memref_slice %arg17[%add3A_781, %dma_start3A_1486] : memref<10240x128xf32, #tpu.memory_space<vmem_shared>> -> memref<16x128xf32, #tpu.memory_space<vmem_shared>>
      %dma_start3A_1488 = arith.constant 0 : i32
      %dma_start3A_1489 = tpu.memref_slice %arg17[%add3A_781, %dma_start3A_1488] : memref<10240x128xf32, #tpu.memory_space<vmem_shared>> -> memref<16x128xf32, #tpu.memory_space<vmem_shared>>
      tpu.enqueue_dma source(%arg8 : memref<16x128xf32, #tpu.memory_space<vmem>>) target(%dma_start3A_1489 : memref<16x128xf32, #tpu.memory_space<vmem_shared>>) target_semaphore(%run_scoped3A : memref<!tpu.dma_semaphore, #tpu.memory_space<semaphore_mem>>)
      %dma_wait3A_1490 = arith.constant 0 : i32
      %dma_wait3A_1491 = tpu.memref_slice %arg17[%add3A_781, %dma_wait3A_1490] : memref<10240x128xf32, #tpu.memory_space<vmem_shared>> -> memref<16x128xf32, #tpu.memory_space<vmem_shared>>
      %dma_wait3A_1492 = arith.constant 0 : i32
      %dma_wait3A_1493 = tpu.memref_slice %arg17[%add3A_781, %dma_wait3A_1492] : memref<10240x128xf32, #tpu.memory_space<vmem_shared>> -> memref<16x128xf32, #tpu.memory_space<vmem_shared>>
      tpu.wait_dma2 semaphore(%run_scoped3A : memref<!tpu.dma_semaphore, #tpu.memory_space<semaphore_mem>>) src(%arg8 : memref<16x128xf32, #tpu.memory_space<vmem>>) dst(%dma_wait3A_1493 : memref<16x128xf32, #tpu.memory_space<vmem_shared>>)
      tpu.yield
    }) : () -> ()
    %mul3A_782 = arith.constant 640 : i32
    %mul3A_783 = arith.muli %arg1, %mul3A_782 : i32
    %add3A_784 = arith.constant 64 : i32
    %add3A_785 = arith.addi %mul3A_783, %add3A_784 : i32
    "tpu.region"() ({
      %run_scoped3A = tpu.sem_alloc : memref<!tpu.dma_semaphore, #tpu.memory_space<semaphore_mem>>
      %dma_start3A_1486 = arith.constant 0 : i32
      %dma_start3A_1487 = tpu.memref_slice %arg17[%add3A_785, %dma_start3A_1486] : memref<10240x128xf32, #tpu.memory_space<vmem_shared>> -> memref<16x128xf32, #tpu.memory_space<vmem_shared>>
      %dma_start3A_1488 = arith.constant 0 : i32
      %dma_start3A_1489 = tpu.memref_slice %arg17[%add3A_785, %dma_start3A_1488] : memref<10240x128xf32, #tpu.memory_space<vmem_shared>> -> memref<16x128xf32, #tpu.memory_space<vmem_shared>>
      tpu.enqueue_dma source(%arg8 : memref<16x128xf32, #tpu.memory_space<vmem>>) target(%dma_start3A_1489 : memref<16x128xf32, #tpu.memory_space<vmem_shared>>) target_semaphore(%run_scoped3A : memref<!tpu.dma_semaphore, #tpu.memory_space<semaphore_mem>>)
      %dma_wait3A_1490 = arith.constant 0 : i32
      %dma_wait3A_1491 = tpu.memref_slice %arg17[%add3A_785, %dma_wait3A_1490] : memref<10240x128xf32, #tpu.memory_space<vmem_shared>> -> memref<16x128xf32, #tpu.memory_space<vmem_shared>>
      %dma_wait3A_1492 = arith.constant 0 : i32
      %dma_wait3A_1493 = tpu.memref_slice %arg17[%add3A_785, %dma_wait3A_1492] : memref<10240x128xf32, #tpu.memory_space<vmem_shared>> -> memref<16x128xf32, #tpu.memory_space<vmem_shared>>
      tpu.wait_dma2 semaphore(%run_scoped3A : memref<!tpu.dma_semaphore, #tpu.memory_space<semaphore_mem>>) src(%arg8 : memref<16x128xf32, #tpu.memory_space<vmem>>) dst(%dma_wait3A_1493 : memref<16x128xf32, #tpu.memory_space<vmem_shared>>)
      tpu.yield
    }) : () -> ()
    %mul3A_786 = arith.constant 640 : i32
    %mul3A_787 = arith.muli %arg1, %mul3A_786 : i32
    %add3A_788 = arith.constant 80 : i32
    %add3A_789 = arith.addi %mul3A_787, %add3A_788 : i32
    "tpu.region"() ({
      %run_scoped3A = tpu.sem_alloc : memref<!tpu.dma_semaphore, #tpu.memory_space<semaphore_mem>>
      %dma_start3A_1486 = arith.constant 0 : i32
      %dma_start3A_1487 = tpu.memref_slice %arg17[%add3A_789, %dma_start3A_1486] : memref<10240x128xf32, #tpu.memory_space<vmem_shared>> -> memref<16x128xf32, #tpu.memory_space<vmem_shared>>
      %dma_start3A_1488 = arith.constant 0 : i32
      %dma_start3A_1489 = tpu.memref_slice %arg17[%add3A_789, %dma_start3A_1488] : memref<10240x128xf32, #tpu.memory_space<vmem_shared>> -> memref<16x128xf32, #tpu.memory_space<vmem_shared>>
      tpu.enqueue_dma source(%arg8 : memref<16x128xf32, #tpu.memory_space<vmem>>) target(%dma_start3A_1489 : memref<16x128xf32, #tpu.memory_space<vmem_shared>>) target_semaphore(%run_scoped3A : memref<!tpu.dma_semaphore, #tpu.memory_space<semaphore_mem>>)
      %dma_wait3A_1490 = arith.constant 0 : i32
      %dma_wait3A_1491 = tpu.memref_slice %arg17[%add3A_789, %dma_wait3A_1490] : memref<10240x128xf32, #tpu.memory_space<vmem_shared>> -> memref<16x128xf32, #tpu.memory_space<vmem_shared>>
      %dma_wait3A_1492 = arith.constant 0 : i32
      %dma_wait3A_1493 = tpu.memref_slice %arg17[%add3A_789, %dma_wait3A_1492] : memref<10240x128xf32, #tpu.memory_space<vmem_shared>> -> memref<16x128xf32, #tpu.memory_space<vmem_shared>>
      tpu.wait_dma2 semaphore(%run_scoped3A : memref<!tpu.dma_semaphore, #tpu.memory_space<semaphore_mem>>) src(%arg8 : memref<16x128xf32, #tpu.memory_space<vmem>>) dst(%dma_wait3A_1493 : memref<16x128xf32, #tpu.memory_space<vmem_shared>>)
      tpu.yield
    }) : () -> ()
    %mul3A_790 = arith.constant 640 : i32
    %mul3A_791 = arith.muli %arg1, %mul3A_790 : i32
    %add3A_792 = arith.constant 96 : i32
    %add3A_793 = arith.addi %mul3A_791, %add3A_792 : i32
    "tpu.region"() ({
      %run_scoped3A = tpu.sem_alloc : memref<!tpu.dma_semaphore, #tpu.memory_space<semaphore_mem>>
      %dma_start3A_1486 = arith.constant 0 : i32
      %dma_start3A_1487 = tpu.memref_slice %arg17[%add3A_793, %dma_start3A_1486] : memref<10240x128xf32, #tpu.memory_space<vmem_shared>> -> memref<16x128xf32, #tpu.memory_space<vmem_shared>>
      %dma_start3A_1488 = arith.constant 0 : i32
      %dma_start3A_1489 = tpu.memref_slice %arg17[%add3A_793, %dma_start3A_1488] : memref<10240x128xf32, #tpu.memory_space<vmem_shared>> -> memref<16x128xf32, #tpu.memory_space<vmem_shared>>
      tpu.enqueue_dma source(%arg8 : memref<16x128xf32, #tpu.memory_space<vmem>>) target(%dma_start3A_1489 : memref<16x128xf32, #tpu.memory_space<vmem_shared>>) target_semaphore(%run_scoped3A : memref<!tpu.dma_semaphore, #tpu.memory_space<semaphore_mem>>)
      %dma_wait3A_1490 = arith.constant 0 : i32
      %dma_wait3A_1491 = tpu.memref_slice %arg17[%add3A_793, %dma_wait3A_1490] : memref<10240x128xf32, #tpu.memory_space<vmem_shared>> -> memref<16x128xf32, #tpu.memory_space<vmem_shared>>
      %dma_wait3A_1492 = arith.constant 0 : i32
      %dma_wait3A_1493 = tpu.memref_slice %arg17[%add3A_793, %dma_wait3A_1492] : memref<10240x128xf32, #tpu.memory_space<vmem_shared>> -> memref<16x128xf32, #tpu.memory_space<vmem_shared>>
      tpu.wait_dma2 semaphore(%run_scoped3A : memref<!tpu.dma_semaphore, #tpu.memory_space<semaphore_mem>>) src(%arg8 : memref<16x128xf32, #tpu.memory_space<vmem>>) dst(%dma_wait3A_1493 : memref<16x128xf32, #tpu.memory_space<vmem_shared>>)
      tpu.yield
    }) : () -> ()
    %mul3A_794 = arith.constant 640 : i32
    %mul3A_795 = arith.muli %arg1, %mul3A_794 : i32
    %add3A_796 = arith.constant 112 : i32
    %add3A_797 = arith.addi %mul3A_795, %add3A_796 : i32
    "tpu.region"() ({
      %run_scoped3A = tpu.sem_alloc : memref<!tpu.dma_semaphore, #tpu.memory_space<semaphore_mem>>
      %dma_start3A_1486 = arith.constant 0 : i32
      %dma_start3A_1487 = tpu.memref_slice %arg17[%add3A_797, %dma_start3A_1486] : memref<10240x128xf32, #tpu.memory_space<vmem_shared>> -> memref<16x128xf32, #tpu.memory_space<vmem_shared>>
      %dma_start3A_1488 = arith.constant 0 : i32
      %dma_start3A_1489 = tpu.memref_slice %arg17[%add3A_797, %dma_start3A_1488] : memref<10240x128xf32, #tpu.memory_space<vmem_shared>> -> memref<16x128xf32, #tpu.memory_space<vmem_shared>>
      tpu.enqueue_dma source(%arg8 : memref<16x128xf32, #tpu.memory_space<vmem>>) target(%dma_start3A_1489 : memref<16x128xf32, #tpu.memory_space<vmem_shared>>) target_semaphore(%run_scoped3A : memref<!tpu.dma_semaphore, #tpu.memory_space<semaphore_mem>>)
      %dma_wait3A_1490 = arith.constant 0 : i32
      %dma_wait3A_1491 = tpu.memref_slice %arg17[%add3A_797, %dma_wait3A_1490] : memref<10240x128xf32, #tpu.memory_space<vmem_shared>> -> memref<16x128xf32, #tpu.memory_space<vmem_shared>>
      %dma_wait3A_1492 = arith.constant 0 : i32
      %dma_wait3A_1493 = tpu.memref_slice %arg17[%add3A_797, %dma_wait3A_1492] : memref<10240x128xf32, #tpu.memory_space<vmem_shared>> -> memref<16x128xf32, #tpu.memory_space<vmem_shared>>
      tpu.wait_dma2 semaphore(%run_scoped3A : memref<!tpu.dma_semaphore, #tpu.memory_space<semaphore_mem>>) src(%arg8 : memref<16x128xf32, #tpu.memory_space<vmem>>) dst(%dma_wait3A_1493 : memref<16x128xf32, #tpu.memory_space<vmem_shared>>)
      tpu.yield
    }) : () -> ()
    %mul3A_798 = arith.constant 640 : i32
    %mul3A_799 = arith.muli %arg1, %mul3A_798 : i32
    %add3A_800 = arith.constant 128 : i32
    %add3A_801 = arith.addi %mul3A_799, %add3A_800 : i32
    "tpu.region"() ({
      %run_scoped3A = tpu.sem_alloc : memref<!tpu.dma_semaphore, #tpu.memory_space<semaphore_mem>>
      %dma_start3A_1486 = arith.constant 0 : i32
      %dma_start3A_1487 = tpu.memref_slice %arg17[%add3A_801, %dma_start3A_1486] : memref<10240x128xf32, #tpu.memory_space<vmem_shared>> -> memref<16x128xf32, #tpu.memory_space<vmem_shared>>
      %dma_start3A_1488 = arith.constant 0 : i32
      %dma_start3A_1489 = tpu.memref_slice %arg17[%add3A_801, %dma_start3A_1488] : memref<10240x128xf32, #tpu.memory_space<vmem_shared>> -> memref<16x128xf32, #tpu.memory_space<vmem_shared>>
      tpu.enqueue_dma source(%arg8 : memref<16x128xf32, #tpu.memory_space<vmem>>) target(%dma_start3A_1489 : memref<16x128xf32, #tpu.memory_space<vmem_shared>>) target_semaphore(%run_scoped3A : memref<!tpu.dma_semaphore, #tpu.memory_space<semaphore_mem>>)
      %dma_wait3A_1490 = arith.constant 0 : i32
      %dma_wait3A_1491 = tpu.memref_slice %arg17[%add3A_801, %dma_wait3A_1490] : memref<10240x128xf32, #tpu.memory_space<vmem_shared>> -> memref<16x128xf32, #tpu.memory_space<vmem_shared>>
      %dma_wait3A_1492 = arith.constant 0 : i32
      %dma_wait3A_1493 = tpu.memref_slice %arg17[%add3A_801, %dma_wait3A_1492] : memref<10240x128xf32, #tpu.memory_space<vmem_shared>> -> memref<16x128xf32, #tpu.memory_space<vmem_shared>>
      tpu.wait_dma2 semaphore(%run_scoped3A : memref<!tpu.dma_semaphore, #tpu.memory_space<semaphore_mem>>) src(%arg8 : memref<16x128xf32, #tpu.memory_space<vmem>>) dst(%dma_wait3A_1493 : memref<16x128xf32, #tpu.memory_space<vmem_shared>>)
      tpu.yield
    }) : () -> ()
    %mul3A_802 = arith.constant 640 : i32
    %mul3A_803 = arith.muli %arg1, %mul3A_802 : i32
    %add3A_804 = arith.constant 144 : i32
    %add3A_805 = arith.addi %mul3A_803, %add3A_804 : i32
    "tpu.region"() ({
      %run_scoped3A = tpu.sem_alloc : memref<!tpu.dma_semaphore, #tpu.memory_space<semaphore_mem>>
      %dma_start3A_1486 = arith.constant 0 : i32
      %dma_start3A_1487 = tpu.memref_slice %arg17[%add3A_805, %dma_start3A_1486] : memref<10240x128xf32, #tpu.memory_space<vmem_shared>> -> memref<16x128xf32, #tpu.memory_space<vmem_shared>>
      %dma_start3A_1488 = arith.constant 0 : i32
      %dma_start3A_1489 = tpu.memref_slice %arg17[%add3A_805, %dma_start3A_1488] : memref<10240x128xf32, #tpu.memory_space<vmem_shared>> -> memref<16x128xf32, #tpu.memory_space<vmem_shared>>
      tpu.enqueue_dma source(%arg8 : memref<16x128xf32, #tpu.memory_space<vmem>>) target(%dma_start3A_1489 : memref<16x128xf32, #tpu.memory_space<vmem_shared>>) target_semaphore(%run_scoped3A : memref<!tpu.dma_semaphore, #tpu.memory_space<semaphore_mem>>)
      %dma_wait3A_1490 = arith.constant 0 : i32
      %dma_wait3A_1491 = tpu.memref_slice %arg17[%add3A_805, %dma_wait3A_1490] : memref<10240x128xf32, #tpu.memory_space<vmem_shared>> -> memref<16x128xf32, #tpu.memory_space<vmem_shared>>
      %dma_wait3A_1492 = arith.constant 0 : i32
      %dma_wait3A_1493 = tpu.memref_slice %arg17[%add3A_805, %dma_wait3A_1492] : memref<10240x128xf32, #tpu.memory_space<vmem_shared>> -> memref<16x128xf32, #tpu.memory_space<vmem_shared>>
      tpu.wait_dma2 semaphore(%run_scoped3A : memref<!tpu.dma_semaphore, #tpu.memory_space<semaphore_mem>>) src(%arg8 : memref<16x128xf32, #tpu.memory_space<vmem>>) dst(%dma_wait3A_1493 : memref<16x128xf32, #tpu.memory_space<vmem_shared>>)
      tpu.yield
    }) : () -> ()
    %mul3A_806 = arith.constant 640 : i32
    %mul3A_807 = arith.muli %arg1, %mul3A_806 : i32
    %add3A_808 = arith.constant 160 : i32
    %add3A_809 = arith.addi %mul3A_807, %add3A_808 : i32
    "tpu.region"() ({
      %run_scoped3A = tpu.sem_alloc : memref<!tpu.dma_semaphore, #tpu.memory_space<semaphore_mem>>
      %dma_start3A_1486 = arith.constant 0 : i32
      %dma_start3A_1487 = tpu.memref_slice %arg17[%add3A_809, %dma_start3A_1486] : memref<10240x128xf32, #tpu.memory_space<vmem_shared>> -> memref<16x128xf32, #tpu.memory_space<vmem_shared>>
      %dma_start3A_1488 = arith.constant 0 : i32
      %dma_start3A_1489 = tpu.memref_slice %arg17[%add3A_809, %dma_start3A_1488] : memref<10240x128xf32, #tpu.memory_space<vmem_shared>> -> memref<16x128xf32, #tpu.memory_space<vmem_shared>>
      tpu.enqueue_dma source(%arg8 : memref<16x128xf32, #tpu.memory_space<vmem>>) target(%dma_start3A_1489 : memref<16x128xf32, #tpu.memory_space<vmem_shared>>) target_semaphore(%run_scoped3A : memref<!tpu.dma_semaphore, #tpu.memory_space<semaphore_mem>>)
      %dma_wait3A_1490 = arith.constant 0 : i32
      %dma_wait3A_1491 = tpu.memref_slice %arg17[%add3A_809, %dma_wait3A_1490] : memref<10240x128xf32, #tpu.memory_space<vmem_shared>> -> memref<16x128xf32, #tpu.memory_space<vmem_shared>>
      %dma_wait3A_1492 = arith.constant 0 : i32
      %dma_wait3A_1493 = tpu.memref_slice %arg17[%add3A_809, %dma_wait3A_1492] : memref<10240x128xf32, #tpu.memory_space<vmem_shared>> -> memref<16x128xf32, #tpu.memory_space<vmem_shared>>
      tpu.wait_dma2 semaphore(%run_scoped3A : memref<!tpu.dma_semaphore, #tpu.memory_space<semaphore_mem>>) src(%arg8 : memref<16x128xf32, #tpu.memory_space<vmem>>) dst(%dma_wait3A_1493 : memref<16x128xf32, #tpu.memory_space<vmem_shared>>)
      tpu.yield
    }) : () -> ()
    %mul3A_810 = arith.constant 640 : i32
    %mul3A_811 = arith.muli %arg1, %mul3A_810 : i32
    %add3A_812 = arith.constant 176 : i32
    %add3A_813 = arith.addi %mul3A_811, %add3A_812 : i32
    "tpu.region"() ({
      %run_scoped3A = tpu.sem_alloc : memref<!tpu.dma_semaphore, #tpu.memory_space<semaphore_mem>>
      %dma_start3A_1486 = arith.constant 0 : i32
      %dma_start3A_1487 = tpu.memref_slice %arg17[%add3A_813, %dma_start3A_1486] : memref<10240x128xf32, #tpu.memory_space<vmem_shared>> -> memref<16x128xf32, #tpu.memory_space<vmem_shared>>
      %dma_start3A_1488 = arith.constant 0 : i32
      %dma_start3A_1489 = tpu.memref_slice %arg17[%add3A_813, %dma_start3A_1488] : memref<10240x128xf32, #tpu.memory_space<vmem_shared>> -> memref<16x128xf32, #tpu.memory_space<vmem_shared>>
      tpu.enqueue_dma source(%arg8 : memref<16x128xf32, #tpu.memory_space<vmem>>) target(%dma_start3A_1489 : memref<16x128xf32, #tpu.memory_space<vmem_shared>>) target_semaphore(%run_scoped3A : memref<!tpu.dma_semaphore, #tpu.memory_space<semaphore_mem>>)
      %dma_wait3A_1490 = arith.constant 0 : i32
      %dma_wait3A_1491 = tpu.memref_slice %arg17[%add3A_813, %dma_wait3A_1490] : memref<10240x128xf32, #tpu.memory_space<vmem_shared>> -> memref<16x128xf32, #tpu.memory_space<vmem_shared>>
      %dma_wait3A_1492 = arith.constant 0 : i32
      %dma_wait3A_1493 = tpu.memref_slice %arg17[%add3A_813, %dma_wait3A_1492] : memref<10240x128xf32, #tpu.memory_space<vmem_shared>> -> memref<16x128xf32, #tpu.memory_space<vmem_shared>>
      tpu.wait_dma2 semaphore(%run_scoped3A : memref<!tpu.dma_semaphore, #tpu.memory_space<semaphore_mem>>) src(%arg8 : memref<16x128xf32, #tpu.memory_space<vmem>>) dst(%dma_wait3A_1493 : memref<16x128xf32, #tpu.memory_space<vmem_shared>>)
      tpu.yield
    }) : () -> ()
    %mul3A_814 = arith.constant 640 : i32
    %mul3A_815 = arith.muli %arg1, %mul3A_814 : i32
    %add3A_816 = arith.constant 192 : i32
    %add3A_817 = arith.addi %mul3A_815, %add3A_816 : i32
    "tpu.region"() ({
      %run_scoped3A = tpu.sem_alloc : memref<!tpu.dma_semaphore, #tpu.memory_space<semaphore_mem>>
      %dma_start3A_1486 = arith.constant 0 : i32
      %dma_start3A_1487 = tpu.memref_slice %arg17[%add3A_817, %dma_start3A_1486] : memref<10240x128xf32, #tpu.memory_space<vmem_shared>> -> memref<16x128xf32, #tpu.memory_space<vmem_shared>>
      %dma_start3A_1488 = arith.constant 0 : i32
      %dma_start3A_1489 = tpu.memref_slice %arg17[%add3A_817, %dma_start3A_1488] : memref<10240x128xf32, #tpu.memory_space<vmem_shared>> -> memref<16x128xf32, #tpu.memory_space<vmem_shared>>
      tpu.enqueue_dma source(%arg8 : memref<16x128xf32, #tpu.memory_space<vmem>>) target(%dma_start3A_1489 : memref<16x128xf32, #tpu.memory_space<vmem_shared>>) target_semaphore(%run_scoped3A : memref<!tpu.dma_semaphore, #tpu.memory_space<semaphore_mem>>)
      %dma_wait3A_1490 = arith.constant 0 : i32
      %dma_wait3A_1491 = tpu.memref_slice %arg17[%add3A_817, %dma_wait3A_1490] : memref<10240x128xf32, #tpu.memory_space<vmem_shared>> -> memref<16x128xf32, #tpu.memory_space<vmem_shared>>
      %dma_wait3A_1492 = arith.constant 0 : i32
      %dma_wait3A_1493 = tpu.memref_slice %arg17[%add3A_817, %dma_wait3A_1492] : memref<10240x128xf32, #tpu.memory_space<vmem_shared>> -> memref<16x128xf32, #tpu.memory_space<vmem_shared>>
      tpu.wait_dma2 semaphore(%run_scoped3A : memref<!tpu.dma_semaphore, #tpu.memory_space<semaphore_mem>>) src(%arg8 : memref<16x128xf32, #tpu.memory_space<vmem>>) dst(%dma_wait3A_1493 : memref<16x128xf32, #tpu.memory_space<vmem_shared>>)
      tpu.yield
    }) : () -> ()
    %mul3A_818 = arith.constant 640 : i32
    %mul3A_819 = arith.muli %arg1, %mul3A_818 : i32
    %add3A_820 = arith.constant 208 : i32
    %add3A_821 = arith.addi %mul3A_819, %add3A_820 : i32
    "tpu.region"() ({
      %run_scoped3A = tpu.sem_alloc : memref<!tpu.dma_semaphore, #tpu.memory_space<semaphore_mem>>
      %dma_start3A_1486 = arith.constant 0 : i32
      %dma_start3A_1487 = tpu.memref_slice %arg17[%add3A_821, %dma_start3A_1486] : memref<10240x128xf32, #tpu.memory_space<vmem_shared>> -> memref<16x128xf32, #tpu.memory_space<vmem_shared>>
      %dma_start3A_1488 = arith.constant 0 : i32
      %dma_start3A_1489 = tpu.memref_slice %arg17[%add3A_821, %dma_start3A_1488] : memref<10240x128xf32, #tpu.memory_space<vmem_shared>> -> memref<16x128xf32, #tpu.memory_space<vmem_shared>>
      tpu.enqueue_dma source(%arg8 : memref<16x128xf32, #tpu.memory_space<vmem>>) target(%dma_start3A_1489 : memref<16x128xf32, #tpu.memory_space<vmem_shared>>) target_semaphore(%run_scoped3A : memref<!tpu.dma_semaphore, #tpu.memory_space<semaphore_mem>>)
      %dma_wait3A_1490 = arith.constant 0 : i32
      %dma_wait3A_1491 = tpu.memref_slice %arg17[%add3A_821, %dma_wait3A_1490] : memref<10240x128xf32, #tpu.memory_space<vmem_shared>> -> memref<16x128xf32, #tpu.memory_space<vmem_shared>>
      %dma_wait3A_1492 = arith.constant 0 : i32
      %dma_wait3A_1493 = tpu.memref_slice %arg17[%add3A_821, %dma_wait3A_1492] : memref<10240x128xf32, #tpu.memory_space<vmem_shared>> -> memref<16x128xf32, #tpu.memory_space<vmem_shared>>
      tpu.wait_dma2 semaphore(%run_scoped3A : memref<!tpu.dma_semaphore, #tpu.memory_space<semaphore_mem>>) src(%arg8 : memref<16x128xf32, #tpu.memory_space<vmem>>) dst(%dma_wait3A_1493 : memref<16x128xf32, #tpu.memory_space<vmem_shared>>)
      tpu.yield
    }) : () -> ()
    %mul3A_822 = arith.constant 640 : i32
    %mul3A_823 = arith.muli %arg1, %mul3A_822 : i32
    %add3A_824 = arith.constant 224 : i32
    %add3A_825 = arith.addi %mul3A_823, %add3A_824 : i32
    "tpu.region"() ({
      %run_scoped3A = tpu.sem_alloc : memref<!tpu.dma_semaphore, #tpu.memory_space<semaphore_mem>>
      %dma_start3A_1486 = arith.constant 0 : i32
      %dma_start3A_1487 = tpu.memref_slice %arg17[%add3A_825, %dma_start3A_1486] : memref<10240x128xf32, #tpu.memory_space<vmem_shared>> -> memref<16x128xf32, #tpu.memory_space<vmem_shared>>
      %dma_start3A_1488 = arith.constant 0 : i32
      %dma_start3A_1489 = tpu.memref_slice %arg17[%add3A_825, %dma_start3A_1488] : memref<10240x128xf32, #tpu.memory_space<vmem_shared>> -> memref<16x128xf32, #tpu.memory_space<vmem_shared>>
      tpu.enqueue_dma source(%arg8 : memref<16x128xf32, #tpu.memory_space<vmem>>) target(%dma_start3A_1489 : memref<16x128xf32, #tpu.memory_space<vmem_shared>>) target_semaphore(%run_scoped3A : memref<!tpu.dma_semaphore, #tpu.memory_space<semaphore_mem>>)
      %dma_wait3A_1490 = arith.constant 0 : i32
      %dma_wait3A_1491 = tpu.memref_slice %arg17[%add3A_825, %dma_wait3A_1490] : memref<10240x128xf32, #tpu.memory_space<vmem_shared>> -> memref<16x128xf32, #tpu.memory_space<vmem_shared>>
      %dma_wait3A_1492 = arith.constant 0 : i32
      %dma_wait3A_1493 = tpu.memref_slice %arg17[%add3A_825, %dma_wait3A_1492] : memref<10240x128xf32, #tpu.memory_space<vmem_shared>> -> memref<16x128xf32, #tpu.memory_space<vmem_shared>>
      tpu.wait_dma2 semaphore(%run_scoped3A : memref<!tpu.dma_semaphore, #tpu.memory_space<semaphore_mem>>) src(%arg8 : memref<16x128xf32, #tpu.memory_space<vmem>>) dst(%dma_wait3A_1493 : memref<16x128xf32, #tpu.memory_space<vmem_shared>>)
      tpu.yield
    }) : () -> ()
    %mul3A_826 = arith.constant 640 : i32
    %mul3A_827 = arith.muli %arg1, %mul3A_826 : i32
    %add3A_828 = arith.constant 240 : i32
    %add3A_829 = arith.addi %mul3A_827, %add3A_828 : i32
    "tpu.region"() ({
      %run_scoped3A = tpu.sem_alloc : memref<!tpu.dma_semaphore, #tpu.memory_space<semaphore_mem>>
      %dma_start3A_1486 = arith.constant 0 : i32
      %dma_start3A_1487 = tpu.memref_slice %arg17[%add3A_829, %dma_start3A_1486] : memref<10240x128xf32, #tpu.memory_space<vmem_shared>> -> memref<16x128xf32, #tpu.memory_space<vmem_shared>>
      %dma_start3A_1488 = arith.constant 0 : i32
      %dma_start3A_1489 = tpu.memref_slice %arg17[%add3A_829, %dma_start3A_1488] : memref<10240x128xf32, #tpu.memory_space<vmem_shared>> -> memref<16x128xf32, #tpu.memory_space<vmem_shared>>
      tpu.enqueue_dma source(%arg8 : memref<16x128xf32, #tpu.memory_space<vmem>>) target(%dma_start3A_1489 : memref<16x128xf32, #tpu.memory_space<vmem_shared>>) target_semaphore(%run_scoped3A : memref<!tpu.dma_semaphore, #tpu.memory_space<semaphore_mem>>)
      %dma_wait3A_1490 = arith.constant 0 : i32
      %dma_wait3A_1491 = tpu.memref_slice %arg17[%add3A_829, %dma_wait3A_1490] : memref<10240x128xf32, #tpu.memory_space<vmem_shared>> -> memref<16x128xf32, #tpu.memory_space<vmem_shared>>
      %dma_wait3A_1492 = arith.constant 0 : i32
      %dma_wait3A_1493 = tpu.memref_slice %arg17[%add3A_829, %dma_wait3A_1492] : memref<10240x128xf32, #tpu.memory_space<vmem_shared>> -> memref<16x128xf32, #tpu.memory_space<vmem_shared>>
      tpu.wait_dma2 semaphore(%run_scoped3A : memref<!tpu.dma_semaphore, #tpu.memory_space<semaphore_mem>>) src(%arg8 : memref<16x128xf32, #tpu.memory_space<vmem>>) dst(%dma_wait3A_1493 : memref<16x128xf32, #tpu.memory_space<vmem_shared>>)
      tpu.yield
    }) : () -> ()
    %mul3A_830 = arith.constant 640 : i32
    %mul3A_831 = arith.muli %arg1, %mul3A_830 : i32
    %add3A_832 = arith.constant 256 : i32
    %add3A_833 = arith.addi %mul3A_831, %add3A_832 : i32
    "tpu.region"() ({
      %run_scoped3A = tpu.sem_alloc : memref<!tpu.dma_semaphore, #tpu.memory_space<semaphore_mem>>
      %dma_start3A_1486 = arith.constant 0 : i32
      %dma_start3A_1487 = tpu.memref_slice %arg17[%add3A_833, %dma_start3A_1486] : memref<10240x128xf32, #tpu.memory_space<vmem_shared>> -> memref<16x128xf32, #tpu.memory_space<vmem_shared>>
      %dma_start3A_1488 = arith.constant 0 : i32
      %dma_start3A_1489 = tpu.memref_slice %arg17[%add3A_833, %dma_start3A_1488] : memref<10240x128xf32, #tpu.memory_space<vmem_shared>> -> memref<16x128xf32, #tpu.memory_space<vmem_shared>>
      tpu.enqueue_dma source(%arg8 : memref<16x128xf32, #tpu.memory_space<vmem>>) target(%dma_start3A_1489 : memref<16x128xf32, #tpu.memory_space<vmem_shared>>) target_semaphore(%run_scoped3A : memref<!tpu.dma_semaphore, #tpu.memory_space<semaphore_mem>>)
      %dma_wait3A_1490 = arith.constant 0 : i32
      %dma_wait3A_1491 = tpu.memref_slice %arg17[%add3A_833, %dma_wait3A_1490] : memref<10240x128xf32, #tpu.memory_space<vmem_shared>> -> memref<16x128xf32, #tpu.memory_space<vmem_shared>>
      %dma_wait3A_1492 = arith.constant 0 : i32
      %dma_wait3A_1493 = tpu.memref_slice %arg17[%add3A_833, %dma_wait3A_1492] : memref<10240x128xf32, #tpu.memory_space<vmem_shared>> -> memref<16x128xf32, #tpu.memory_space<vmem_shared>>
      tpu.wait_dma2 semaphore(%run_scoped3A : memref<!tpu.dma_semaphore, #tpu.memory_space<semaphore_mem>>) src(%arg8 : memref<16x128xf32, #tpu.memory_space<vmem>>) dst(%dma_wait3A_1493 : memref<16x128xf32, #tpu.memory_space<vmem_shared>>)
      tpu.yield
    }) : () -> ()
    %mul3A_834 = arith.constant 640 : i32
    %mul3A_835 = arith.muli %arg1, %mul3A_834 : i32
    %add3A_836 = arith.constant 272 : i32
    %add3A_837 = arith.addi %mul3A_835, %add3A_836 : i32
    "tpu.region"() ({
      %run_scoped3A = tpu.sem_alloc : memref<!tpu.dma_semaphore, #tpu.memory_space<semaphore_mem>>
      %dma_start3A_1486 = arith.constant 0 : i32
      %dma_start3A_1487 = tpu.memref_slice %arg17[%add3A_837, %dma_start3A_1486] : memref<10240x128xf32, #tpu.memory_space<vmem_shared>> -> memref<16x128xf32, #tpu.memory_space<vmem_shared>>
      %dma_start3A_1488 = arith.constant 0 : i32
      %dma_start3A_1489 = tpu.memref_slice %arg17[%add3A_837, %dma_start3A_1488] : memref<10240x128xf32, #tpu.memory_space<vmem_shared>> -> memref<16x128xf32, #tpu.memory_space<vmem_shared>>
      tpu.enqueue_dma source(%arg8 : memref<16x128xf32, #tpu.memory_space<vmem>>) target(%dma_start3A_1489 : memref<16x128xf32, #tpu.memory_space<vmem_shared>>) target_semaphore(%run_scoped3A : memref<!tpu.dma_semaphore, #tpu.memory_space<semaphore_mem>>)
      %dma_wait3A_1490 = arith.constant 0 : i32
      %dma_wait3A_1491 = tpu.memref_slice %arg17[%add3A_837, %dma_wait3A_1490] : memref<10240x128xf32, #tpu.memory_space<vmem_shared>> -> memref<16x128xf32, #tpu.memory_space<vmem_shared>>
      %dma_wait3A_1492 = arith.constant 0 : i32
      %dma_wait3A_1493 = tpu.memref_slice %arg17[%add3A_837, %dma_wait3A_1492] : memref<10240x128xf32, #tpu.memory_space<vmem_shared>> -> memref<16x128xf32, #tpu.memory_space<vmem_shared>>
      tpu.wait_dma2 semaphore(%run_scoped3A : memref<!tpu.dma_semaphore, #tpu.memory_space<semaphore_mem>>) src(%arg8 : memref<16x128xf32, #tpu.memory_space<vmem>>) dst(%dma_wait3A_1493 : memref<16x128xf32, #tpu.memory_space<vmem_shared>>)
      tpu.yield
    }) : () -> ()
    %mul3A_838 = arith.constant 640 : i32
    %mul3A_839 = arith.muli %arg1, %mul3A_838 : i32
    %add3A_840 = arith.constant 288 : i32
    %add3A_841 = arith.addi %mul3A_839, %add3A_840 : i32
    "tpu.region"() ({
      %run_scoped3A = tpu.sem_alloc : memref<!tpu.dma_semaphore, #tpu.memory_space<semaphore_mem>>
      %dma_start3A_1486 = arith.constant 0 : i32
      %dma_start3A_1487 = tpu.memref_slice %arg17[%add3A_841, %dma_start3A_1486] : memref<10240x128xf32, #tpu.memory_space<vmem_shared>> -> memref<16x128xf32, #tpu.memory_space<vmem_shared>>
      %dma_start3A_1488 = arith.constant 0 : i32
      %dma_start3A_1489 = tpu.memref_slice %arg17[%add3A_841, %dma_start3A_1488] : memref<10240x128xf32, #tpu.memory_space<vmem_shared>> -> memref<16x128xf32, #tpu.memory_space<vmem_shared>>
      tpu.enqueue_dma source(%arg8 : memref<16x128xf32, #tpu.memory_space<vmem>>) target(%dma_start3A_1489 : memref<16x128xf32, #tpu.memory_space<vmem_shared>>) target_semaphore(%run_scoped3A : memref<!tpu.dma_semaphore, #tpu.memory_space<semaphore_mem>>)
      %dma_wait3A_1490 = arith.constant 0 : i32
      %dma_wait3A_1491 = tpu.memref_slice %arg17[%add3A_841, %dma_wait3A_1490] : memref<10240x128xf32, #tpu.memory_space<vmem_shared>> -> memref<16x128xf32, #tpu.memory_space<vmem_shared>>
      %dma_wait3A_1492 = arith.constant 0 : i32
      %dma_wait3A_1493 = tpu.memref_slice %arg17[%add3A_841, %dma_wait3A_1492] : memref<10240x128xf32, #tpu.memory_space<vmem_shared>> -> memref<16x128xf32, #tpu.memory_space<vmem_shared>>
      tpu.wait_dma2 semaphore(%run_scoped3A : memref<!tpu.dma_semaphore, #tpu.memory_space<semaphore_mem>>) src(%arg8 : memref<16x128xf32, #tpu.memory_space<vmem>>) dst(%dma_wait3A_1493 : memref<16x128xf32, #tpu.memory_space<vmem_shared>>)
      tpu.yield
    }) : () -> ()
    %mul3A_842 = arith.constant 640 : i32
    %mul3A_843 = arith.muli %arg1, %mul3A_842 : i32
    %add3A_844 = arith.constant 304 : i32
    %add3A_845 = arith.addi %mul3A_843, %add3A_844 : i32
    "tpu.region"() ({
      %run_scoped3A = tpu.sem_alloc : memref<!tpu.dma_semaphore, #tpu.memory_space<semaphore_mem>>
      %dma_start3A_1486 = arith.constant 0 : i32
      %dma_start3A_1487 = tpu.memref_slice %arg17[%add3A_845, %dma_start3A_1486] : memref<10240x128xf32, #tpu.memory_space<vmem_shared>> -> memref<16x128xf32, #tpu.memory_space<vmem_shared>>
      %dma_start3A_1488 = arith.constant 0 : i32
      %dma_start3A_1489 = tpu.memref_slice %arg17[%add3A_845, %dma_start3A_1488] : memref<10240x128xf32, #tpu.memory_space<vmem_shared>> -> memref<16x128xf32, #tpu.memory_space<vmem_shared>>
      tpu.enqueue_dma source(%arg8 : memref<16x128xf32, #tpu.memory_space<vmem>>) target(%dma_start3A_1489 : memref<16x128xf32, #tpu.memory_space<vmem_shared>>) target_semaphore(%run_scoped3A : memref<!tpu.dma_semaphore, #tpu.memory_space<semaphore_mem>>)
      %dma_wait3A_1490 = arith.constant 0 : i32
      %dma_wait3A_1491 = tpu.memref_slice %arg17[%add3A_845, %dma_wait3A_1490] : memref<10240x128xf32, #tpu.memory_space<vmem_shared>> -> memref<16x128xf32, #tpu.memory_space<vmem_shared>>
      %dma_wait3A_1492 = arith.constant 0 : i32
      %dma_wait3A_1493 = tpu.memref_slice %arg17[%add3A_845, %dma_wait3A_1492] : memref<10240x128xf32, #tpu.memory_space<vmem_shared>> -> memref<16x128xf32, #tpu.memory_space<vmem_shared>>
      tpu.wait_dma2 semaphore(%run_scoped3A : memref<!tpu.dma_semaphore, #tpu.memory_space<semaphore_mem>>) src(%arg8 : memref<16x128xf32, #tpu.memory_space<vmem>>) dst(%dma_wait3A_1493 : memref<16x128xf32, #tpu.memory_space<vmem_shared>>)
      tpu.yield
    }) : () -> ()
    %mul3A_846 = arith.constant 640 : i32
    %mul3A_847 = arith.muli %arg1, %mul3A_846 : i32
    %add3A_848 = arith.constant 320 : i32
    %add3A_849 = arith.addi %mul3A_847, %add3A_848 : i32
    "tpu.region"() ({
      %run_scoped3A = tpu.sem_alloc : memref<!tpu.dma_semaphore, #tpu.memory_space<semaphore_mem>>
      %dma_start3A_1486 = arith.constant 0 : i32
      %dma_start3A_1487 = tpu.memref_slice %arg17[%add3A_849, %dma_start3A_1486] : memref<10240x128xf32, #tpu.memory_space<vmem_shared>> -> memref<16x128xf32, #tpu.memory_space<vmem_shared>>
      %dma_start3A_1488 = arith.constant 0 : i32
      %dma_start3A_1489 = tpu.memref_slice %arg17[%add3A_849, %dma_start3A_1488] : memref<10240x128xf32, #tpu.memory_space<vmem_shared>> -> memref<16x128xf32, #tpu.memory_space<vmem_shared>>
      tpu.enqueue_dma source(%arg8 : memref<16x128xf32, #tpu.memory_space<vmem>>) target(%dma_start3A_1489 : memref<16x128xf32, #tpu.memory_space<vmem_shared>>) target_semaphore(%run_scoped3A : memref<!tpu.dma_semaphore, #tpu.memory_space<semaphore_mem>>)
      %dma_wait3A_1490 = arith.constant 0 : i32
      %dma_wait3A_1491 = tpu.memref_slice %arg17[%add3A_849, %dma_wait3A_1490] : memref<10240x128xf32, #tpu.memory_space<vmem_shared>> -> memref<16x128xf32, #tpu.memory_space<vmem_shared>>
      %dma_wait3A_1492 = arith.constant 0 : i32
      %dma_wait3A_1493 = tpu.memref_slice %arg17[%add3A_849, %dma_wait3A_1492] : memref<10240x128xf32, #tpu.memory_space<vmem_shared>> -> memref<16x128xf32, #tpu.memory_space<vmem_shared>>
      tpu.wait_dma2 semaphore(%run_scoped3A : memref<!tpu.dma_semaphore, #tpu.memory_space<semaphore_mem>>) src(%arg8 : memref<16x128xf32, #tpu.memory_space<vmem>>) dst(%dma_wait3A_1493 : memref<16x128xf32, #tpu.memory_space<vmem_shared>>)
      tpu.yield
    }) : () -> ()
    %mul3A_850 = arith.constant 640 : i32
    %mul3A_851 = arith.muli %arg1, %mul3A_850 : i32
    %add3A_852 = arith.constant 336 : i32
    %add3A_853 = arith.addi %mul3A_851, %add3A_852 : i32
    "tpu.region"() ({
      %run_scoped3A = tpu.sem_alloc : memref<!tpu.dma_semaphore, #tpu.memory_space<semaphore_mem>>
      %dma_start3A_1486 = arith.constant 0 : i32
      %dma_start3A_1487 = tpu.memref_slice %arg17[%add3A_853, %dma_start3A_1486] : memref<10240x128xf32, #tpu.memory_space<vmem_shared>> -> memref<16x128xf32, #tpu.memory_space<vmem_shared>>
      %dma_start3A_1488 = arith.constant 0 : i32
      %dma_start3A_1489 = tpu.memref_slice %arg17[%add3A_853, %dma_start3A_1488] : memref<10240x128xf32, #tpu.memory_space<vmem_shared>> -> memref<16x128xf32, #tpu.memory_space<vmem_shared>>
      tpu.enqueue_dma source(%arg8 : memref<16x128xf32, #tpu.memory_space<vmem>>) target(%dma_start3A_1489 : memref<16x128xf32, #tpu.memory_space<vmem_shared>>) target_semaphore(%run_scoped3A : memref<!tpu.dma_semaphore, #tpu.memory_space<semaphore_mem>>)
      %dma_wait3A_1490 = arith.constant 0 : i32
      %dma_wait3A_1491 = tpu.memref_slice %arg17[%add3A_853, %dma_wait3A_1490] : memref<10240x128xf32, #tpu.memory_space<vmem_shared>> -> memref<16x128xf32, #tpu.memory_space<vmem_shared>>
      %dma_wait3A_1492 = arith.constant 0 : i32
      %dma_wait3A_1493 = tpu.memref_slice %arg17[%add3A_853, %dma_wait3A_1492] : memref<10240x128xf32, #tpu.memory_space<vmem_shared>> -> memref<16x128xf32, #tpu.memory_space<vmem_shared>>
      tpu.wait_dma2 semaphore(%run_scoped3A : memref<!tpu.dma_semaphore, #tpu.memory_space<semaphore_mem>>) src(%arg8 : memref<16x128xf32, #tpu.memory_space<vmem>>) dst(%dma_wait3A_1493 : memref<16x128xf32, #tpu.memory_space<vmem_shared>>)
      tpu.yield
    }) : () -> ()
    %mul3A_854 = arith.constant 640 : i32
    %mul3A_855 = arith.muli %arg1, %mul3A_854 : i32
    %add3A_856 = arith.constant 352 : i32
    %add3A_857 = arith.addi %mul3A_855, %add3A_856 : i32
    "tpu.region"() ({
      %run_scoped3A = tpu.sem_alloc : memref<!tpu.dma_semaphore, #tpu.memory_space<semaphore_mem>>
      %dma_start3A_1486 = arith.constant 0 : i32
      %dma_start3A_1487 = tpu.memref_slice %arg17[%add3A_857, %dma_start3A_1486] : memref<10240x128xf32, #tpu.memory_space<vmem_shared>> -> memref<16x128xf32, #tpu.memory_space<vmem_shared>>
      %dma_start3A_1488 = arith.constant 0 : i32
      %dma_start3A_1489 = tpu.memref_slice %arg17[%add3A_857, %dma_start3A_1488] : memref<10240x128xf32, #tpu.memory_space<vmem_shared>> -> memref<16x128xf32, #tpu.memory_space<vmem_shared>>
      tpu.enqueue_dma source(%arg8 : memref<16x128xf32, #tpu.memory_space<vmem>>) target(%dma_start3A_1489 : memref<16x128xf32, #tpu.memory_space<vmem_shared>>) target_semaphore(%run_scoped3A : memref<!tpu.dma_semaphore, #tpu.memory_space<semaphore_mem>>)
      %dma_wait3A_1490 = arith.constant 0 : i32
      %dma_wait3A_1491 = tpu.memref_slice %arg17[%add3A_857, %dma_wait3A_1490] : memref<10240x128xf32, #tpu.memory_space<vmem_shared>> -> memref<16x128xf32, #tpu.memory_space<vmem_shared>>
      %dma_wait3A_1492 = arith.constant 0 : i32
      %dma_wait3A_1493 = tpu.memref_slice %arg17[%add3A_857, %dma_wait3A_1492] : memref<10240x128xf32, #tpu.memory_space<vmem_shared>> -> memref<16x128xf32, #tpu.memory_space<vmem_shared>>
      tpu.wait_dma2 semaphore(%run_scoped3A : memref<!tpu.dma_semaphore, #tpu.memory_space<semaphore_mem>>) src(%arg8 : memref<16x128xf32, #tpu.memory_space<vmem>>) dst(%dma_wait3A_1493 : memref<16x128xf32, #tpu.memory_space<vmem_shared>>)
      tpu.yield
    }) : () -> ()
    %mul3A_858 = arith.constant 640 : i32
    %mul3A_859 = arith.muli %arg1, %mul3A_858 : i32
    %add3A_860 = arith.constant 368 : i32
    %add3A_861 = arith.addi %mul3A_859, %add3A_860 : i32
    "tpu.region"() ({
      %run_scoped3A = tpu.sem_alloc : memref<!tpu.dma_semaphore, #tpu.memory_space<semaphore_mem>>
      %dma_start3A_1486 = arith.constant 0 : i32
      %dma_start3A_1487 = tpu.memref_slice %arg17[%add3A_861, %dma_start3A_1486] : memref<10240x128xf32, #tpu.memory_space<vmem_shared>> -> memref<16x128xf32, #tpu.memory_space<vmem_shared>>
      %dma_start3A_1488 = arith.constant 0 : i32
      %dma_start3A_1489 = tpu.memref_slice %arg17[%add3A_861, %dma_start3A_1488] : memref<10240x128xf32, #tpu.memory_space<vmem_shared>> -> memref<16x128xf32, #tpu.memory_space<vmem_shared>>
      tpu.enqueue_dma source(%arg8 : memref<16x128xf32, #tpu.memory_space<vmem>>) target(%dma_start3A_1489 : memref<16x128xf32, #tpu.memory_space<vmem_shared>>) target_semaphore(%run_scoped3A : memref<!tpu.dma_semaphore, #tpu.memory_space<semaphore_mem>>)
      %dma_wait3A_1490 = arith.constant 0 : i32
      %dma_wait3A_1491 = tpu.memref_slice %arg17[%add3A_861, %dma_wait3A_1490] : memref<10240x128xf32, #tpu.memory_space<vmem_shared>> -> memref<16x128xf32, #tpu.memory_space<vmem_shared>>
      %dma_wait3A_1492 = arith.constant 0 : i32
      %dma_wait3A_1493 = tpu.memref_slice %arg17[%add3A_861, %dma_wait3A_1492] : memref<10240x128xf32, #tpu.memory_space<vmem_shared>> -> memref<16x128xf32, #tpu.memory_space<vmem_shared>>
      tpu.wait_dma2 semaphore(%run_scoped3A : memref<!tpu.dma_semaphore, #tpu.memory_space<semaphore_mem>>) src(%arg8 : memref<16x128xf32, #tpu.memory_space<vmem>>) dst(%dma_wait3A_1493 : memref<16x128xf32, #tpu.memory_space<vmem_shared>>)
      tpu.yield
    }) : () -> ()
    %mul3A_862 = arith.constant 640 : i32
    %mul3A_863 = arith.muli %arg1, %mul3A_862 : i32
    %add3A_864 = arith.constant 384 : i32
    %add3A_865 = arith.addi %mul3A_863, %add3A_864 : i32
    "tpu.region"() ({
      %run_scoped3A = tpu.sem_alloc : memref<!tpu.dma_semaphore, #tpu.memory_space<semaphore_mem>>
      %dma_start3A_1486 = arith.constant 0 : i32
      %dma_start3A_1487 = tpu.memref_slice %arg17[%add3A_865, %dma_start3A_1486] : memref<10240x128xf32, #tpu.memory_space<vmem_shared>> -> memref<16x128xf32, #tpu.memory_space<vmem_shared>>
      %dma_start3A_1488 = arith.constant 0 : i32
      %dma_start3A_1489 = tpu.memref_slice %arg17[%add3A_865, %dma_start3A_1488] : memref<10240x128xf32, #tpu.memory_space<vmem_shared>> -> memref<16x128xf32, #tpu.memory_space<vmem_shared>>
      tpu.enqueue_dma source(%arg8 : memref<16x128xf32, #tpu.memory_space<vmem>>) target(%dma_start3A_1489 : memref<16x128xf32, #tpu.memory_space<vmem_shared>>) target_semaphore(%run_scoped3A : memref<!tpu.dma_semaphore, #tpu.memory_space<semaphore_mem>>)
      %dma_wait3A_1490 = arith.constant 0 : i32
      %dma_wait3A_1491 = tpu.memref_slice %arg17[%add3A_865, %dma_wait3A_1490] : memref<10240x128xf32, #tpu.memory_space<vmem_shared>> -> memref<16x128xf32, #tpu.memory_space<vmem_shared>>
      %dma_wait3A_1492 = arith.constant 0 : i32
      %dma_wait3A_1493 = tpu.memref_slice %arg17[%add3A_865, %dma_wait3A_1492] : memref<10240x128xf32, #tpu.memory_space<vmem_shared>> -> memref<16x128xf32, #tpu.memory_space<vmem_shared>>
      tpu.wait_dma2 semaphore(%run_scoped3A : memref<!tpu.dma_semaphore, #tpu.memory_space<semaphore_mem>>) src(%arg8 : memref<16x128xf32, #tpu.memory_space<vmem>>) dst(%dma_wait3A_1493 : memref<16x128xf32, #tpu.memory_space<vmem_shared>>)
      tpu.yield
    }) : () -> ()
    %mul3A_866 = arith.constant 640 : i32
    %mul3A_867 = arith.muli %arg1, %mul3A_866 : i32
    %add3A_868 = arith.constant 400 : i32
    %add3A_869 = arith.addi %mul3A_867, %add3A_868 : i32
    "tpu.region"() ({
      %run_scoped3A = tpu.sem_alloc : memref<!tpu.dma_semaphore, #tpu.memory_space<semaphore_mem>>
      %dma_start3A_1486 = arith.constant 0 : i32
      %dma_start3A_1487 = tpu.memref_slice %arg17[%add3A_869, %dma_start3A_1486] : memref<10240x128xf32, #tpu.memory_space<vmem_shared>> -> memref<16x128xf32, #tpu.memory_space<vmem_shared>>
      %dma_start3A_1488 = arith.constant 0 : i32
      %dma_start3A_1489 = tpu.memref_slice %arg17[%add3A_869, %dma_start3A_1488] : memref<10240x128xf32, #tpu.memory_space<vmem_shared>> -> memref<16x128xf32, #tpu.memory_space<vmem_shared>>
      tpu.enqueue_dma source(%arg8 : memref<16x128xf32, #tpu.memory_space<vmem>>) target(%dma_start3A_1489 : memref<16x128xf32, #tpu.memory_space<vmem_shared>>) target_semaphore(%run_scoped3A : memref<!tpu.dma_semaphore, #tpu.memory_space<semaphore_mem>>)
      %dma_wait3A_1490 = arith.constant 0 : i32
      %dma_wait3A_1491 = tpu.memref_slice %arg17[%add3A_869, %dma_wait3A_1490] : memref<10240x128xf32, #tpu.memory_space<vmem_shared>> -> memref<16x128xf32, #tpu.memory_space<vmem_shared>>
      %dma_wait3A_1492 = arith.constant 0 : i32
      %dma_wait3A_1493 = tpu.memref_slice %arg17[%add3A_869, %dma_wait3A_1492] : memref<10240x128xf32, #tpu.memory_space<vmem_shared>> -> memref<16x128xf32, #tpu.memory_space<vmem_shared>>
      tpu.wait_dma2 semaphore(%run_scoped3A : memref<!tpu.dma_semaphore, #tpu.memory_space<semaphore_mem>>) src(%arg8 : memref<16x128xf32, #tpu.memory_space<vmem>>) dst(%dma_wait3A_1493 : memref<16x128xf32, #tpu.memory_space<vmem_shared>>)
      tpu.yield
    }) : () -> ()
    %mul3A_870 = arith.constant 640 : i32
    %mul3A_871 = arith.muli %arg1, %mul3A_870 : i32
    %add3A_872 = arith.constant 416 : i32
    %add3A_873 = arith.addi %mul3A_871, %add3A_872 : i32
    "tpu.region"() ({
      %run_scoped3A = tpu.sem_alloc : memref<!tpu.dma_semaphore, #tpu.memory_space<semaphore_mem>>
      %dma_start3A_1486 = arith.constant 0 : i32
      %dma_start3A_1487 = tpu.memref_slice %arg17[%add3A_873, %dma_start3A_1486] : memref<10240x128xf32, #tpu.memory_space<vmem_shared>> -> memref<16x128xf32, #tpu.memory_space<vmem_shared>>
      %dma_start3A_1488 = arith.constant 0 : i32
      %dma_start3A_1489 = tpu.memref_slice %arg17[%add3A_873, %dma_start3A_1488] : memref<10240x128xf32, #tpu.memory_space<vmem_shared>> -> memref<16x128xf32, #tpu.memory_space<vmem_shared>>
      tpu.enqueue_dma source(%arg8 : memref<16x128xf32, #tpu.memory_space<vmem>>) target(%dma_start3A_1489 : memref<16x128xf32, #tpu.memory_space<vmem_shared>>) target_semaphore(%run_scoped3A : memref<!tpu.dma_semaphore, #tpu.memory_space<semaphore_mem>>)
      %dma_wait3A_1490 = arith.constant 0 : i32
      %dma_wait3A_1491 = tpu.memref_slice %arg17[%add3A_873, %dma_wait3A_1490] : memref<10240x128xf32, #tpu.memory_space<vmem_shared>> -> memref<16x128xf32, #tpu.memory_space<vmem_shared>>
      %dma_wait3A_1492 = arith.constant 0 : i32
      %dma_wait3A_1493 = tpu.memref_slice %arg17[%add3A_873, %dma_wait3A_1492] : memref<10240x128xf32, #tpu.memory_space<vmem_shared>> -> memref<16x128xf32, #tpu.memory_space<vmem_shared>>
      tpu.wait_dma2 semaphore(%run_scoped3A : memref<!tpu.dma_semaphore, #tpu.memory_space<semaphore_mem>>) src(%arg8 : memref<16x128xf32, #tpu.memory_space<vmem>>) dst(%dma_wait3A_1493 : memref<16x128xf32, #tpu.memory_space<vmem_shared>>)
      tpu.yield
    }) : () -> ()
    %mul3A_874 = arith.constant 640 : i32
    %mul3A_875 = arith.muli %arg1, %mul3A_874 : i32
    %add3A_876 = arith.constant 432 : i32
    %add3A_877 = arith.addi %mul3A_875, %add3A_876 : i32
    "tpu.region"() ({
      %run_scoped3A = tpu.sem_alloc : memref<!tpu.dma_semaphore, #tpu.memory_space<semaphore_mem>>
      %dma_start3A_1486 = arith.constant 0 : i32
      %dma_start3A_1487 = tpu.memref_slice %arg17[%add3A_877, %dma_start3A_1486] : memref<10240x128xf32, #tpu.memory_space<vmem_shared>> -> memref<16x128xf32, #tpu.memory_space<vmem_shared>>
      %dma_start3A_1488 = arith.constant 0 : i32
      %dma_start3A_1489 = tpu.memref_slice %arg17[%add3A_877, %dma_start3A_1488] : memref<10240x128xf32, #tpu.memory_space<vmem_shared>> -> memref<16x128xf32, #tpu.memory_space<vmem_shared>>
      tpu.enqueue_dma source(%arg8 : memref<16x128xf32, #tpu.memory_space<vmem>>) target(%dma_start3A_1489 : memref<16x128xf32, #tpu.memory_space<vmem_shared>>) target_semaphore(%run_scoped3A : memref<!tpu.dma_semaphore, #tpu.memory_space<semaphore_mem>>)
      %dma_wait3A_1490 = arith.constant 0 : i32
      %dma_wait3A_1491 = tpu.memref_slice %arg17[%add3A_877, %dma_wait3A_1490] : memref<10240x128xf32, #tpu.memory_space<vmem_shared>> -> memref<16x128xf32, #tpu.memory_space<vmem_shared>>
      %dma_wait3A_1492 = arith.constant 0 : i32
      %dma_wait3A_1493 = tpu.memref_slice %arg17[%add3A_877, %dma_wait3A_1492] : memref<10240x128xf32, #tpu.memory_space<vmem_shared>> -> memref<16x128xf32, #tpu.memory_space<vmem_shared>>
      tpu.wait_dma2 semaphore(%run_scoped3A : memref<!tpu.dma_semaphore, #tpu.memory_space<semaphore_mem>>) src(%arg8 : memref<16x128xf32, #tpu.memory_space<vmem>>) dst(%dma_wait3A_1493 : memref<16x128xf32, #tpu.memory_space<vmem_shared>>)
      tpu.yield
    }) : () -> ()
    %mul3A_878 = arith.constant 640 : i32
    %mul3A_879 = arith.muli %arg1, %mul3A_878 : i32
    %add3A_880 = arith.constant 448 : i32
    %add3A_881 = arith.addi %mul3A_879, %add3A_880 : i32
    "tpu.region"() ({
      %run_scoped3A = tpu.sem_alloc : memref<!tpu.dma_semaphore, #tpu.memory_space<semaphore_mem>>
      %dma_start3A_1486 = arith.constant 0 : i32
      %dma_start3A_1487 = tpu.memref_slice %arg17[%add3A_881, %dma_start3A_1486] : memref<10240x128xf32, #tpu.memory_space<vmem_shared>> -> memref<16x128xf32, #tpu.memory_space<vmem_shared>>
      %dma_start3A_1488 = arith.constant 0 : i32
      %dma_start3A_1489 = tpu.memref_slice %arg17[%add3A_881, %dma_start3A_1488] : memref<10240x128xf32, #tpu.memory_space<vmem_shared>> -> memref<16x128xf32, #tpu.memory_space<vmem_shared>>
      tpu.enqueue_dma source(%arg8 : memref<16x128xf32, #tpu.memory_space<vmem>>) target(%dma_start3A_1489 : memref<16x128xf32, #tpu.memory_space<vmem_shared>>) target_semaphore(%run_scoped3A : memref<!tpu.dma_semaphore, #tpu.memory_space<semaphore_mem>>)
      %dma_wait3A_1490 = arith.constant 0 : i32
      %dma_wait3A_1491 = tpu.memref_slice %arg17[%add3A_881, %dma_wait3A_1490] : memref<10240x128xf32, #tpu.memory_space<vmem_shared>> -> memref<16x128xf32, #tpu.memory_space<vmem_shared>>
      %dma_wait3A_1492 = arith.constant 0 : i32
      %dma_wait3A_1493 = tpu.memref_slice %arg17[%add3A_881, %dma_wait3A_1492] : memref<10240x128xf32, #tpu.memory_space<vmem_shared>> -> memref<16x128xf32, #tpu.memory_space<vmem_shared>>
      tpu.wait_dma2 semaphore(%run_scoped3A : memref<!tpu.dma_semaphore, #tpu.memory_space<semaphore_mem>>) src(%arg8 : memref<16x128xf32, #tpu.memory_space<vmem>>) dst(%dma_wait3A_1493 : memref<16x128xf32, #tpu.memory_space<vmem_shared>>)
      tpu.yield
    }) : () -> ()
    %mul3A_882 = arith.constant 640 : i32
    %mul3A_883 = arith.muli %arg1, %mul3A_882 : i32
    %add3A_884 = arith.constant 464 : i32
    %add3A_885 = arith.addi %mul3A_883, %add3A_884 : i32
    "tpu.region"() ({
      %run_scoped3A = tpu.sem_alloc : memref<!tpu.dma_semaphore, #tpu.memory_space<semaphore_mem>>
      %dma_start3A_1486 = arith.constant 0 : i32
      %dma_start3A_1487 = tpu.memref_slice %arg17[%add3A_885, %dma_start3A_1486] : memref<10240x128xf32, #tpu.memory_space<vmem_shared>> -> memref<16x128xf32, #tpu.memory_space<vmem_shared>>
      %dma_start3A_1488 = arith.constant 0 : i32
      %dma_start3A_1489 = tpu.memref_slice %arg17[%add3A_885, %dma_start3A_1488] : memref<10240x128xf32, #tpu.memory_space<vmem_shared>> -> memref<16x128xf32, #tpu.memory_space<vmem_shared>>
      tpu.enqueue_dma source(%arg8 : memref<16x128xf32, #tpu.memory_space<vmem>>) target(%dma_start3A_1489 : memref<16x128xf32, #tpu.memory_space<vmem_shared>>) target_semaphore(%run_scoped3A : memref<!tpu.dma_semaphore, #tpu.memory_space<semaphore_mem>>)
      %dma_wait3A_1490 = arith.constant 0 : i32
      %dma_wait3A_1491 = tpu.memref_slice %arg17[%add3A_885, %dma_wait3A_1490] : memref<10240x128xf32, #tpu.memory_space<vmem_shared>> -> memref<16x128xf32, #tpu.memory_space<vmem_shared>>
      %dma_wait3A_1492 = arith.constant 0 : i32
      %dma_wait3A_1493 = tpu.memref_slice %arg17[%add3A_885, %dma_wait3A_1492] : memref<10240x128xf32, #tpu.memory_space<vmem_shared>> -> memref<16x128xf32, #tpu.memory_space<vmem_shared>>
      tpu.wait_dma2 semaphore(%run_scoped3A : memref<!tpu.dma_semaphore, #tpu.memory_space<semaphore_mem>>) src(%arg8 : memref<16x128xf32, #tpu.memory_space<vmem>>) dst(%dma_wait3A_1493 : memref<16x128xf32, #tpu.memory_space<vmem_shared>>)
      tpu.yield
    }) : () -> ()
    %mul3A_886 = arith.constant 640 : i32
    %mul3A_887 = arith.muli %arg1, %mul3A_886 : i32
    %add3A_888 = arith.constant 480 : i32
    %add3A_889 = arith.addi %mul3A_887, %add3A_888 : i32
    "tpu.region"() ({
      %run_scoped3A = tpu.sem_alloc : memref<!tpu.dma_semaphore, #tpu.memory_space<semaphore_mem>>
      %dma_start3A_1486 = arith.constant 0 : i32
      %dma_start3A_1487 = tpu.memref_slice %arg17[%add3A_889, %dma_start3A_1486] : memref<10240x128xf32, #tpu.memory_space<vmem_shared>> -> memref<16x128xf32, #tpu.memory_space<vmem_shared>>
      %dma_start3A_1488 = arith.constant 0 : i32
      %dma_start3A_1489 = tpu.memref_slice %arg17[%add3A_889, %dma_start3A_1488] : memref<10240x128xf32, #tpu.memory_space<vmem_shared>> -> memref<16x128xf32, #tpu.memory_space<vmem_shared>>
      tpu.enqueue_dma source(%arg8 : memref<16x128xf32, #tpu.memory_space<vmem>>) target(%dma_start3A_1489 : memref<16x128xf32, #tpu.memory_space<vmem_shared>>) target_semaphore(%run_scoped3A : memref<!tpu.dma_semaphore, #tpu.memory_space<semaphore_mem>>)
      %dma_wait3A_1490 = arith.constant 0 : i32
      %dma_wait3A_1491 = tpu.memref_slice %arg17[%add3A_889, %dma_wait3A_1490] : memref<10240x128xf32, #tpu.memory_space<vmem_shared>> -> memref<16x128xf32, #tpu.memory_space<vmem_shared>>
      %dma_wait3A_1492 = arith.constant 0 : i32
      %dma_wait3A_1493 = tpu.memref_slice %arg17[%add3A_889, %dma_wait3A_1492] : memref<10240x128xf32, #tpu.memory_space<vmem_shared>> -> memref<16x128xf32, #tpu.memory_space<vmem_shared>>
      tpu.wait_dma2 semaphore(%run_scoped3A : memref<!tpu.dma_semaphore, #tpu.memory_space<semaphore_mem>>) src(%arg8 : memref<16x128xf32, #tpu.memory_space<vmem>>) dst(%dma_wait3A_1493 : memref<16x128xf32, #tpu.memory_space<vmem_shared>>)
      tpu.yield
    }) : () -> ()
    %mul3A_890 = arith.constant 640 : i32
    %mul3A_891 = arith.muli %arg1, %mul3A_890 : i32
    %add3A_892 = arith.constant 496 : i32
    %add3A_893 = arith.addi %mul3A_891, %add3A_892 : i32
    "tpu.region"() ({
      %run_scoped3A = tpu.sem_alloc : memref<!tpu.dma_semaphore, #tpu.memory_space<semaphore_mem>>
      %dma_start3A_1486 = arith.constant 0 : i32
      %dma_start3A_1487 = tpu.memref_slice %arg17[%add3A_893, %dma_start3A_1486] : memref<10240x128xf32, #tpu.memory_space<vmem_shared>> -> memref<16x128xf32, #tpu.memory_space<vmem_shared>>
      %dma_start3A_1488 = arith.constant 0 : i32
      %dma_start3A_1489 = tpu.memref_slice %arg17[%add3A_893, %dma_start3A_1488] : memref<10240x128xf32, #tpu.memory_space<vmem_shared>> -> memref<16x128xf32, #tpu.memory_space<vmem_shared>>
      tpu.enqueue_dma source(%arg8 : memref<16x128xf32, #tpu.memory_space<vmem>>) target(%dma_start3A_1489 : memref<16x128xf32, #tpu.memory_space<vmem_shared>>) target_semaphore(%run_scoped3A : memref<!tpu.dma_semaphore, #tpu.memory_space<semaphore_mem>>)
      %dma_wait3A_1490 = arith.constant 0 : i32
      %dma_wait3A_1491 = tpu.memref_slice %arg17[%add3A_893, %dma_wait3A_1490] : memref<10240x128xf32, #tpu.memory_space<vmem_shared>> -> memref<16x128xf32, #tpu.memory_space<vmem_shared>>
      %dma_wait3A_1492 = arith.constant 0 : i32
      %dma_wait3A_1493 = tpu.memref_slice %arg17[%add3A_893, %dma_wait3A_1492] : memref<10240x128xf32, #tpu.memory_space<vmem_shared>> -> memref<16x128xf32, #tpu.memory_space<vmem_shared>>
      tpu.wait_dma2 semaphore(%run_scoped3A : memref<!tpu.dma_semaphore, #tpu.memory_space<semaphore_mem>>) src(%arg8 : memref<16x128xf32, #tpu.memory_space<vmem>>) dst(%dma_wait3A_1493 : memref<16x128xf32, #tpu.memory_space<vmem_shared>>)
      tpu.yield
    }) : () -> ()
    %mul3A_894 = arith.constant 640 : i32
    %mul3A_895 = arith.muli %arg1, %mul3A_894 : i32
    %add3A_896 = arith.constant 512 : i32
    %add3A_897 = arith.addi %mul3A_895, %add3A_896 : i32
    "tpu.region"() ({
      %run_scoped3A = tpu.sem_alloc : memref<!tpu.dma_semaphore, #tpu.memory_space<semaphore_mem>>
      %dma_start3A_1486 = arith.constant 0 : i32
      %dma_start3A_1487 = tpu.memref_slice %arg17[%add3A_897, %dma_start3A_1486] : memref<10240x128xf32, #tpu.memory_space<vmem_shared>> -> memref<16x128xf32, #tpu.memory_space<vmem_shared>>
      %dma_start3A_1488 = arith.constant 0 : i32
      %dma_start3A_1489 = tpu.memref_slice %arg17[%add3A_897, %dma_start3A_1488] : memref<10240x128xf32, #tpu.memory_space<vmem_shared>> -> memref<16x128xf32, #tpu.memory_space<vmem_shared>>
      tpu.enqueue_dma source(%arg8 : memref<16x128xf32, #tpu.memory_space<vmem>>) target(%dma_start3A_1489 : memref<16x128xf32, #tpu.memory_space<vmem_shared>>) target_semaphore(%run_scoped3A : memref<!tpu.dma_semaphore, #tpu.memory_space<semaphore_mem>>)
      %dma_wait3A_1490 = arith.constant 0 : i32
      %dma_wait3A_1491 = tpu.memref_slice %arg17[%add3A_897, %dma_wait3A_1490] : memref<10240x128xf32, #tpu.memory_space<vmem_shared>> -> memref<16x128xf32, #tpu.memory_space<vmem_shared>>
      %dma_wait3A_1492 = arith.constant 0 : i32
      %dma_wait3A_1493 = tpu.memref_slice %arg17[%add3A_897, %dma_wait3A_1492] : memref<10240x128xf32, #tpu.memory_space<vmem_shared>> -> memref<16x128xf32, #tpu.memory_space<vmem_shared>>
      tpu.wait_dma2 semaphore(%run_scoped3A : memref<!tpu.dma_semaphore, #tpu.memory_space<semaphore_mem>>) src(%arg8 : memref<16x128xf32, #tpu.memory_space<vmem>>) dst(%dma_wait3A_1493 : memref<16x128xf32, #tpu.memory_space<vmem_shared>>)
      tpu.yield
    }) : () -> ()
    %mul3A_898 = arith.constant 640 : i32
    %mul3A_899 = arith.muli %arg1, %mul3A_898 : i32
    %add3A_900 = arith.constant 528 : i32
    %add3A_901 = arith.addi %mul3A_899, %add3A_900 : i32
    "tpu.region"() ({
      %run_scoped3A = tpu.sem_alloc : memref<!tpu.dma_semaphore, #tpu.memory_space<semaphore_mem>>
      %dma_start3A_1486 = arith.constant 0 : i32
      %dma_start3A_1487 = tpu.memref_slice %arg17[%add3A_901, %dma_start3A_1486] : memref<10240x128xf32, #tpu.memory_space<vmem_shared>> -> memref<16x128xf32, #tpu.memory_space<vmem_shared>>
      %dma_start3A_1488 = arith.constant 0 : i32
      %dma_start3A_1489 = tpu.memref_slice %arg17[%add3A_901, %dma_start3A_1488] : memref<10240x128xf32, #tpu.memory_space<vmem_shared>> -> memref<16x128xf32, #tpu.memory_space<vmem_shared>>
      tpu.enqueue_dma source(%arg8 : memref<16x128xf32, #tpu.memory_space<vmem>>) target(%dma_start3A_1489 : memref<16x128xf32, #tpu.memory_space<vmem_shared>>) target_semaphore(%run_scoped3A : memref<!tpu.dma_semaphore, #tpu.memory_space<semaphore_mem>>)
      %dma_wait3A_1490 = arith.constant 0 : i32
      %dma_wait3A_1491 = tpu.memref_slice %arg17[%add3A_901, %dma_wait3A_1490] : memref<10240x128xf32, #tpu.memory_space<vmem_shared>> -> memref<16x128xf32, #tpu.memory_space<vmem_shared>>
      %dma_wait3A_1492 = arith.constant 0 : i32
      %dma_wait3A_1493 = tpu.memref_slice %arg17[%add3A_901, %dma_wait3A_1492] : memref<10240x128xf32, #tpu.memory_space<vmem_shared>> -> memref<16x128xf32, #tpu.memory_space<vmem_shared>>
      tpu.wait_dma2 semaphore(%run_scoped3A : memref<!tpu.dma_semaphore, #tpu.memory_space<semaphore_mem>>) src(%arg8 : memref<16x128xf32, #tpu.memory_space<vmem>>) dst(%dma_wait3A_1493 : memref<16x128xf32, #tpu.memory_space<vmem_shared>>)
      tpu.yield
    }) : () -> ()
    %mul3A_902 = arith.constant 640 : i32
    %mul3A_903 = arith.muli %arg1, %mul3A_902 : i32
    %add3A_904 = arith.constant 544 : i32
    %add3A_905 = arith.addi %mul3A_903, %add3A_904 : i32
    "tpu.region"() ({
      %run_scoped3A = tpu.sem_alloc : memref<!tpu.dma_semaphore, #tpu.memory_space<semaphore_mem>>
      %dma_start3A_1486 = arith.constant 0 : i32
      %dma_start3A_1487 = tpu.memref_slice %arg17[%add3A_905, %dma_start3A_1486] : memref<10240x128xf32, #tpu.memory_space<vmem_shared>> -> memref<16x128xf32, #tpu.memory_space<vmem_shared>>
      %dma_start3A_1488 = arith.constant 0 : i32
      %dma_start3A_1489 = tpu.memref_slice %arg17[%add3A_905, %dma_start3A_1488] : memref<10240x128xf32, #tpu.memory_space<vmem_shared>> -> memref<16x128xf32, #tpu.memory_space<vmem_shared>>
      tpu.enqueue_dma source(%arg8 : memref<16x128xf32, #tpu.memory_space<vmem>>) target(%dma_start3A_1489 : memref<16x128xf32, #tpu.memory_space<vmem_shared>>) target_semaphore(%run_scoped3A : memref<!tpu.dma_semaphore, #tpu.memory_space<semaphore_mem>>)
      %dma_wait3A_1490 = arith.constant 0 : i32
      %dma_wait3A_1491 = tpu.memref_slice %arg17[%add3A_905, %dma_wait3A_1490] : memref<10240x128xf32, #tpu.memory_space<vmem_shared>> -> memref<16x128xf32, #tpu.memory_space<vmem_shared>>
      %dma_wait3A_1492 = arith.constant 0 : i32
      %dma_wait3A_1493 = tpu.memref_slice %arg17[%add3A_905, %dma_wait3A_1492] : memref<10240x128xf32, #tpu.memory_space<vmem_shared>> -> memref<16x128xf32, #tpu.memory_space<vmem_shared>>
      tpu.wait_dma2 semaphore(%run_scoped3A : memref<!tpu.dma_semaphore, #tpu.memory_space<semaphore_mem>>) src(%arg8 : memref<16x128xf32, #tpu.memory_space<vmem>>) dst(%dma_wait3A_1493 : memref<16x128xf32, #tpu.memory_space<vmem_shared>>)
      tpu.yield
    }) : () -> ()
    %mul3A_906 = arith.constant 640 : i32
    %mul3A_907 = arith.muli %arg1, %mul3A_906 : i32
    %add3A_908 = arith.constant 560 : i32
    %add3A_909 = arith.addi %mul3A_907, %add3A_908 : i32
    "tpu.region"() ({
      %run_scoped3A = tpu.sem_alloc : memref<!tpu.dma_semaphore, #tpu.memory_space<semaphore_mem>>
      %dma_start3A_1486 = arith.constant 0 : i32
      %dma_start3A_1487 = tpu.memref_slice %arg17[%add3A_909, %dma_start3A_1486] : memref<10240x128xf32, #tpu.memory_space<vmem_shared>> -> memref<16x128xf32, #tpu.memory_space<vmem_shared>>
      %dma_start3A_1488 = arith.constant 0 : i32
      %dma_start3A_1489 = tpu.memref_slice %arg17[%add3A_909, %dma_start3A_1488] : memref<10240x128xf32, #tpu.memory_space<vmem_shared>> -> memref<16x128xf32, #tpu.memory_space<vmem_shared>>
      tpu.enqueue_dma source(%arg8 : memref<16x128xf32, #tpu.memory_space<vmem>>) target(%dma_start3A_1489 : memref<16x128xf32, #tpu.memory_space<vmem_shared>>) target_semaphore(%run_scoped3A : memref<!tpu.dma_semaphore, #tpu.memory_space<semaphore_mem>>)
      %dma_wait3A_1490 = arith.constant 0 : i32
      %dma_wait3A_1491 = tpu.memref_slice %arg17[%add3A_909, %dma_wait3A_1490] : memref<10240x128xf32, #tpu.memory_space<vmem_shared>> -> memref<16x128xf32, #tpu.memory_space<vmem_shared>>
      %dma_wait3A_1492 = arith.constant 0 : i32
      %dma_wait3A_1493 = tpu.memref_slice %arg17[%add3A_909, %dma_wait3A_1492] : memref<10240x128xf32, #tpu.memory_space<vmem_shared>> -> memref<16x128xf32, #tpu.memory_space<vmem_shared>>
      tpu.wait_dma2 semaphore(%run_scoped3A : memref<!tpu.dma_semaphore, #tpu.memory_space<semaphore_mem>>) src(%arg8 : memref<16x128xf32, #tpu.memory_space<vmem>>) dst(%dma_wait3A_1493 : memref<16x128xf32, #tpu.memory_space<vmem_shared>>)
      tpu.yield
    }) : () -> ()
    %mul3A_910 = arith.constant 640 : i32
    %mul3A_911 = arith.muli %arg1, %mul3A_910 : i32
    %add3A_912 = arith.constant 576 : i32
    %add3A_913 = arith.addi %mul3A_911, %add3A_912 : i32
    "tpu.region"() ({
      %run_scoped3A = tpu.sem_alloc : memref<!tpu.dma_semaphore, #tpu.memory_space<semaphore_mem>>
      %dma_start3A_1486 = arith.constant 0 : i32
      %dma_start3A_1487 = tpu.memref_slice %arg17[%add3A_913, %dma_start3A_1486] : memref<10240x128xf32, #tpu.memory_space<vmem_shared>> -> memref<16x128xf32, #tpu.memory_space<vmem_shared>>
      %dma_start3A_1488 = arith.constant 0 : i32
      %dma_start3A_1489 = tpu.memref_slice %arg17[%add3A_913, %dma_start3A_1488] : memref<10240x128xf32, #tpu.memory_space<vmem_shared>> -> memref<16x128xf32, #tpu.memory_space<vmem_shared>>
      tpu.enqueue_dma source(%arg8 : memref<16x128xf32, #tpu.memory_space<vmem>>) target(%dma_start3A_1489 : memref<16x128xf32, #tpu.memory_space<vmem_shared>>) target_semaphore(%run_scoped3A : memref<!tpu.dma_semaphore, #tpu.memory_space<semaphore_mem>>)
      %dma_wait3A_1490 = arith.constant 0 : i32
      %dma_wait3A_1491 = tpu.memref_slice %arg17[%add3A_913, %dma_wait3A_1490] : memref<10240x128xf32, #tpu.memory_space<vmem_shared>> -> memref<16x128xf32, #tpu.memory_space<vmem_shared>>
      %dma_wait3A_1492 = arith.constant 0 : i32
      %dma_wait3A_1493 = tpu.memref_slice %arg17[%add3A_913, %dma_wait3A_1492] : memref<10240x128xf32, #tpu.memory_space<vmem_shared>> -> memref<16x128xf32, #tpu.memory_space<vmem_shared>>
      tpu.wait_dma2 semaphore(%run_scoped3A : memref<!tpu.dma_semaphore, #tpu.memory_space<semaphore_mem>>) src(%arg8 : memref<16x128xf32, #tpu.memory_space<vmem>>) dst(%dma_wait3A_1493 : memref<16x128xf32, #tpu.memory_space<vmem_shared>>)
      tpu.yield
    }) : () -> ()
    %mul3A_914 = arith.constant 640 : i32
    %mul3A_915 = arith.muli %arg1, %mul3A_914 : i32
    %add3A_916 = arith.constant 592 : i32
    %add3A_917 = arith.addi %mul3A_915, %add3A_916 : i32
    "tpu.region"() ({
      %run_scoped3A = tpu.sem_alloc : memref<!tpu.dma_semaphore, #tpu.memory_space<semaphore_mem>>
      %dma_start3A_1486 = arith.constant 0 : i32
      %dma_start3A_1487 = tpu.memref_slice %arg17[%add3A_917, %dma_start3A_1486] : memref<10240x128xf32, #tpu.memory_space<vmem_shared>> -> memref<16x128xf32, #tpu.memory_space<vmem_shared>>
      %dma_start3A_1488 = arith.constant 0 : i32
      %dma_start3A_1489 = tpu.memref_slice %arg17[%add3A_917, %dma_start3A_1488] : memref<10240x128xf32, #tpu.memory_space<vmem_shared>> -> memref<16x128xf32, #tpu.memory_space<vmem_shared>>
      tpu.enqueue_dma source(%arg8 : memref<16x128xf32, #tpu.memory_space<vmem>>) target(%dma_start3A_1489 : memref<16x128xf32, #tpu.memory_space<vmem_shared>>) target_semaphore(%run_scoped3A : memref<!tpu.dma_semaphore, #tpu.memory_space<semaphore_mem>>)
      %dma_wait3A_1490 = arith.constant 0 : i32
      %dma_wait3A_1491 = tpu.memref_slice %arg17[%add3A_917, %dma_wait3A_1490] : memref<10240x128xf32, #tpu.memory_space<vmem_shared>> -> memref<16x128xf32, #tpu.memory_space<vmem_shared>>
      %dma_wait3A_1492 = arith.constant 0 : i32
      %dma_wait3A_1493 = tpu.memref_slice %arg17[%add3A_917, %dma_wait3A_1492] : memref<10240x128xf32, #tpu.memory_space<vmem_shared>> -> memref<16x128xf32, #tpu.memory_space<vmem_shared>>
      tpu.wait_dma2 semaphore(%run_scoped3A : memref<!tpu.dma_semaphore, #tpu.memory_space<semaphore_mem>>) src(%arg8 : memref<16x128xf32, #tpu.memory_space<vmem>>) dst(%dma_wait3A_1493 : memref<16x128xf32, #tpu.memory_space<vmem_shared>>)
      tpu.yield
    }) : () -> ()
    %mul3A_918 = arith.constant 640 : i32
    %mul3A_919 = arith.muli %arg1, %mul3A_918 : i32
    %add3A_920 = arith.constant 608 : i32
    %add3A_921 = arith.addi %mul3A_919, %add3A_920 : i32
    "tpu.region"() ({
      %run_scoped3A = tpu.sem_alloc : memref<!tpu.dma_semaphore, #tpu.memory_space<semaphore_mem>>
      %dma_start3A_1486 = arith.constant 0 : i32
      %dma_start3A_1487 = tpu.memref_slice %arg17[%add3A_921, %dma_start3A_1486] : memref<10240x128xf32, #tpu.memory_space<vmem_shared>> -> memref<16x128xf32, #tpu.memory_space<vmem_shared>>
      %dma_start3A_1488 = arith.constant 0 : i32
      %dma_start3A_1489 = tpu.memref_slice %arg17[%add3A_921, %dma_start3A_1488] : memref<10240x128xf32, #tpu.memory_space<vmem_shared>> -> memref<16x128xf32, #tpu.memory_space<vmem_shared>>
      tpu.enqueue_dma source(%arg8 : memref<16x128xf32, #tpu.memory_space<vmem>>) target(%dma_start3A_1489 : memref<16x128xf32, #tpu.memory_space<vmem_shared>>) target_semaphore(%run_scoped3A : memref<!tpu.dma_semaphore, #tpu.memory_space<semaphore_mem>>)
      %dma_wait3A_1490 = arith.constant 0 : i32
      %dma_wait3A_1491 = tpu.memref_slice %arg17[%add3A_921, %dma_wait3A_1490] : memref<10240x128xf32, #tpu.memory_space<vmem_shared>> -> memref<16x128xf32, #tpu.memory_space<vmem_shared>>
      %dma_wait3A_1492 = arith.constant 0 : i32
      %dma_wait3A_1493 = tpu.memref_slice %arg17[%add3A_921, %dma_wait3A_1492] : memref<10240x128xf32, #tpu.memory_space<vmem_shared>> -> memref<16x128xf32, #tpu.memory_space<vmem_shared>>
      tpu.wait_dma2 semaphore(%run_scoped3A : memref<!tpu.dma_semaphore, #tpu.memory_space<semaphore_mem>>) src(%arg8 : memref<16x128xf32, #tpu.memory_space<vmem>>) dst(%dma_wait3A_1493 : memref<16x128xf32, #tpu.memory_space<vmem_shared>>)
      tpu.yield
    }) : () -> ()
    %mul3A_922 = arith.constant 640 : i32
    %mul3A_923 = arith.muli %arg1, %mul3A_922 : i32
    %add3A_924 = arith.constant 624 : i32
    %add3A_925 = arith.addi %mul3A_923, %add3A_924 : i32
    "tpu.region"() ({
      %run_scoped3A = tpu.sem_alloc : memref<!tpu.dma_semaphore, #tpu.memory_space<semaphore_mem>>
      %dma_start3A_1486 = arith.constant 0 : i32
      %dma_start3A_1487 = tpu.memref_slice %arg17[%add3A_925, %dma_start3A_1486] : memref<10240x128xf32, #tpu.memory_space<vmem_shared>> -> memref<16x128xf32, #tpu.memory_space<vmem_shared>>
      %dma_start3A_1488 = arith.constant 0 : i32
      %dma_start3A_1489 = tpu.memref_slice %arg17[%add3A_925, %dma_start3A_1488] : memref<10240x128xf32, #tpu.memory_space<vmem_shared>> -> memref<16x128xf32, #tpu.memory_space<vmem_shared>>
      tpu.enqueue_dma source(%arg8 : memref<16x128xf32, #tpu.memory_space<vmem>>) target(%dma_start3A_1489 : memref<16x128xf32, #tpu.memory_space<vmem_shared>>) target_semaphore(%run_scoped3A : memref<!tpu.dma_semaphore, #tpu.memory_space<semaphore_mem>>)
      %dma_wait3A_1490 = arith.constant 0 : i32
      %dma_wait3A_1491 = tpu.memref_slice %arg17[%add3A_925, %dma_wait3A_1490] : memref<10240x128xf32, #tpu.memory_space<vmem_shared>> -> memref<16x128xf32, #tpu.memory_space<vmem_shared>>
      %dma_wait3A_1492 = arith.constant 0 : i32
      %dma_wait3A_1493 = tpu.memref_slice %arg17[%add3A_925, %dma_wait3A_1492] : memref<10240x128xf32, #tpu.memory_space<vmem_shared>> -> memref<16x128xf32, #tpu.memory_space<vmem_shared>>
      tpu.wait_dma2 semaphore(%run_scoped3A : memref<!tpu.dma_semaphore, #tpu.memory_space<semaphore_mem>>) src(%arg8 : memref<16x128xf32, #tpu.memory_space<vmem>>) dst(%dma_wait3A_1493 : memref<16x128xf32, #tpu.memory_space<vmem_shared>>)
      tpu.yield
    }) : () -> ()
    %barrier3A = arith.constant 0 : index
    tpu.barrier barrier_id(%barrier3A)
    %mul3A_926 = arith.constant 16 : i32
    %mul3A_927 = arith.muli %arg0, %mul3A_926 : i32
    %add3A_928 = arith.addi %mul3A_927, %arg1 : i32
    %mul3A_929 = arith.constant 80 : i32
    %mul3A_930 = arith.muli %add3A_928, %mul3A_929 : i32
    %add3A_931 = arith.constant 0 : i32
    %add3A_932 = arith.addi %mul3A_930, %add3A_931 : i32
    %dma_start3A = arith.constant 0 : i32
    %dma_start3A_933 = arith.constant 0 : i32
    %dma_start3A_934 = arith.constant 0 : i32
    %dma_start3A_935 = tpu.memref_slice %arg5[%dma_start3A, %dma_start3A_933, %dma_start3A_934] : memref<4x2x128xi32, #tpu.memory_space<vmem>> -> memref<1x2x128xi32, #tpu.memory_space<vmem>>
    %dma_start3A_936 = tpu.memref_squeeze %dma_start3A_935 : memref<1x2x128xi32, #tpu.memory_space<vmem>> -> memref<2x128xi32, #tpu.memory_space<vmem>>
    %dma_start3A_937 = arith.constant 0 : i32
    %dma_start3A_938 = arith.constant 0 : i32
    %dma_start3A_939 = tpu.memref_slice %arg2[%add3A_932, %dma_start3A_937, %dma_start3A_938] : memref<2560x2x128xi32, #tpu.memory_space<hbm>> -> memref<1x2x128xi32, #tpu.memory_space<hbm>>
    %dma_start3A_940 = tpu.memref_squeeze %dma_start3A_939 : memref<1x2x128xi32, #tpu.memory_space<hbm>> -> memref<2x128xi32, #tpu.memory_space<hbm>>
    %dma_start3A_941 = arith.constant 0 : i32
    %dma_start3A_942 = arith.constant 0 : i32
    %dma_start3A_943 = tpu.memref_slice %arg5[%dma_start3A, %dma_start3A_941, %dma_start3A_942] : memref<4x2x128xi32, #tpu.memory_space<vmem>> -> memref<1x2x128xi32, #tpu.memory_space<vmem>>
    %dma_start3A_944 = tpu.memref_squeeze %dma_start3A_943 : memref<1x2x128xi32, #tpu.memory_space<vmem>> -> memref<2x128xi32, #tpu.memory_space<vmem>>
    %dma_start3A_945 = arith.constant 0 : i32
    %dma_start3A_946 = arith.constant 0 : i32
    %dma_start3A_947 = tpu.memref_slice %arg2[%add3A_932, %dma_start3A_945, %dma_start3A_946] : memref<2560x2x128xi32, #tpu.memory_space<hbm>> -> memref<1x2x128xi32, #tpu.memory_space<hbm>>
    %dma_start3A_948 = tpu.memref_squeeze %dma_start3A_947 : memref<1x2x128xi32, #tpu.memory_space<hbm>> -> memref<2x128xi32, #tpu.memory_space<hbm>>
    tpu.enqueue_dma source(%dma_start3A_948 : memref<2x128xi32, #tpu.memory_space<hbm>>) target(%dma_start3A_944 : memref<2x128xi32, #tpu.memory_space<vmem>>) target_semaphore(%arg9 : memref<!tpu.dma_semaphore, #tpu.memory_space<semaphore_mem>>)
    %add3A_949 = arith.constant 1 : i32
    %add3A_950 = arith.addi %mul3A_930, %add3A_949 : i32
    %dma_start3A_951 = arith.constant 1 : i32
    %dma_start3A_952 = arith.constant 0 : i32
    %dma_start3A_953 = arith.constant 0 : i32
    %dma_start3A_954 = tpu.memref_slice %arg5[%dma_start3A_951, %dma_start3A_952, %dma_start3A_953] : memref<4x2x128xi32, #tpu.memory_space<vmem>> -> memref<1x2x128xi32, #tpu.memory_space<vmem>>
    %dma_start3A_955 = tpu.memref_squeeze %dma_start3A_954 : memref<1x2x128xi32, #tpu.memory_space<vmem>> -> memref<2x128xi32, #tpu.memory_space<vmem>>
    %dma_start3A_956 = arith.constant 0 : i32
    %dma_start3A_957 = arith.constant 0 : i32
    %dma_start3A_958 = tpu.memref_slice %arg2[%add3A_950, %dma_start3A_956, %dma_start3A_957] : memref<2560x2x128xi32, #tpu.memory_space<hbm>> -> memref<1x2x128xi32, #tpu.memory_space<hbm>>
    %dma_start3A_959 = tpu.memref_squeeze %dma_start3A_958 : memref<1x2x128xi32, #tpu.memory_space<hbm>> -> memref<2x128xi32, #tpu.memory_space<hbm>>
    %dma_start3A_960 = arith.constant 0 : i32
    %dma_start3A_961 = arith.constant 0 : i32
    %dma_start3A_962 = tpu.memref_slice %arg5[%dma_start3A_951, %dma_start3A_960, %dma_start3A_961] : memref<4x2x128xi32, #tpu.memory_space<vmem>> -> memref<1x2x128xi32, #tpu.memory_space<vmem>>
    %dma_start3A_963 = tpu.memref_squeeze %dma_start3A_962 : memref<1x2x128xi32, #tpu.memory_space<vmem>> -> memref<2x128xi32, #tpu.memory_space<vmem>>
    %dma_start3A_964 = arith.constant 0 : i32
    %dma_start3A_965 = arith.constant 0 : i32
    %dma_start3A_966 = tpu.memref_slice %arg2[%add3A_950, %dma_start3A_964, %dma_start3A_965] : memref<2560x2x128xi32, #tpu.memory_space<hbm>> -> memref<1x2x128xi32, #tpu.memory_space<hbm>>
    %dma_start3A_967 = tpu.memref_squeeze %dma_start3A_966 : memref<1x2x128xi32, #tpu.memory_space<hbm>> -> memref<2x128xi32, #tpu.memory_space<hbm>>
    tpu.enqueue_dma source(%dma_start3A_967 : memref<2x128xi32, #tpu.memory_space<hbm>>) target(%dma_start3A_963 : memref<2x128xi32, #tpu.memory_space<vmem>>) target_semaphore(%arg10 : memref<!tpu.dma_semaphore, #tpu.memory_space<semaphore_mem>>)
    %dma_wait3A = arith.constant 0 : i32
    %dma_wait3A_968 = arith.constant 0 : i32
    %dma_wait3A_969 = arith.constant 0 : i32
    %dma_wait3A_970 = tpu.memref_slice %arg5[%dma_wait3A, %dma_wait3A_968, %dma_wait3A_969] : memref<4x2x128xi32, #tpu.memory_space<vmem>> -> memref<1x2x128xi32, #tpu.memory_space<vmem>>
    %dma_wait3A_971 = tpu.memref_squeeze %dma_wait3A_970 : memref<1x2x128xi32, #tpu.memory_space<vmem>> -> memref<2x128xi32, #tpu.memory_space<vmem>>
    %dma_wait3A_972 = arith.constant 0 : i32
    %dma_wait3A_973 = arith.constant 0 : i32
    %dma_wait3A_974 = tpu.memref_slice %arg2[%mul3A_930, %dma_wait3A_972, %dma_wait3A_973] : memref<2560x2x128xi32, #tpu.memory_space<hbm>> -> memref<1x2x128xi32, #tpu.memory_space<hbm>>
    %dma_wait3A_975 = tpu.memref_squeeze %dma_wait3A_974 : memref<1x2x128xi32, #tpu.memory_space<hbm>> -> memref<2x128xi32, #tpu.memory_space<hbm>>
    %dma_wait3A_976 = arith.constant 0 : i32
    %dma_wait3A_977 = arith.constant 0 : i32
    %dma_wait3A_978 = tpu.memref_slice %arg5[%dma_wait3A, %dma_wait3A_976, %dma_wait3A_977] : memref<4x2x128xi32, #tpu.memory_space<vmem>> -> memref<1x2x128xi32, #tpu.memory_space<vmem>>
    %dma_wait3A_979 = tpu.memref_squeeze %dma_wait3A_978 : memref<1x2x128xi32, #tpu.memory_space<vmem>> -> memref<2x128xi32, #tpu.memory_space<vmem>>
    %dma_wait3A_980 = arith.constant 0 : i32
    %dma_wait3A_981 = arith.constant 0 : i32
    %dma_wait3A_982 = tpu.memref_slice %arg2[%mul3A_930, %dma_wait3A_980, %dma_wait3A_981] : memref<2560x2x128xi32, #tpu.memory_space<hbm>> -> memref<1x2x128xi32, #tpu.memory_space<hbm>>
    %dma_wait3A_983 = tpu.memref_squeeze %dma_wait3A_982 : memref<1x2x128xi32, #tpu.memory_space<hbm>> -> memref<2x128xi32, #tpu.memory_space<hbm>>
    tpu.wait_dma2 semaphore(%arg9 : memref<!tpu.dma_semaphore, #tpu.memory_space<semaphore_mem>>) src(%dma_wait3A_983 : memref<2x128xi32, #tpu.memory_space<hbm>>) dst(%dma_wait3A_979 : memref<2x128xi32, #tpu.memory_space<vmem>>)
    %dma_start3A_984 = arith.constant 0 : i32
    %dma_start3A_985 = arith.constant 0 : i32
    %dma_start3A_986 = arith.constant 0 : i32
    %dma_start3A_987 = tpu.memref_slice %arg5[%dma_start3A_984, %dma_start3A_985, %dma_start3A_986] : memref<4x2x128xi32, #tpu.memory_space<vmem>> -> memref<1x1x128xi32, #tpu.memory_space<vmem>>
    %dma_start3A_988 = tpu.memref_squeeze %dma_start3A_987 : memref<1x1x128xi32, #tpu.memory_space<vmem>> -> memref<128xi32, #tpu.memory_space<vmem>>
    %dma_start3A_989 = arith.constant 0 : i32
    %dma_start3A_990 = arith.constant 0 : i32
    %dma_start3A_991 = tpu.memref_slice %arg3[%dma_start3A_989, %dma_start3A_990] : memref<10000x128xf32, #tpu.memory_space<hbm>> -> memref<10000x128xf32, #tpu.memory_space<hbm>>
    tpu.enqueue_indirect_dma source(%dma_start3A_991 : memref<10000x128xf32, #tpu.memory_space<hbm>>) target(%arg6 : memref<128x128xf32, #tpu.memory_space<vmem>>) offsets(%dma_start3A_988 : memref<128xi32, #tpu.memory_space<vmem>>) semaphore(%arg13 : memref<!tpu.dma_semaphore, #tpu.memory_space<semaphore_mem>>)
    %dma_wait3A_992 = arith.constant 0 : i32
    %dma_wait3A_993 = arith.constant 0 : i32
    %dma_wait3A_994 = arith.constant 0 : i32
    %dma_wait3A_995 = tpu.memref_slice %arg5[%dma_wait3A_992, %dma_wait3A_993, %dma_wait3A_994] : memref<4x2x128xi32, #tpu.memory_space<vmem>> -> memref<1x1x128xi32, #tpu.memory_space<vmem>>
    %dma_wait3A_996 = tpu.memref_squeeze %dma_wait3A_995 : memref<1x1x128xi32, #tpu.memory_space<vmem>> -> memref<128xi32, #tpu.memory_space<vmem>>
    %dma_wait3A_997 = arith.constant 0 : i32
    %dma_wait3A_998 = arith.constant 0 : i32
    %dma_wait3A_999 = tpu.memref_slice %arg3[%dma_wait3A_997, %dma_wait3A_998] : memref<10000x128xf32, #tpu.memory_space<hbm>> -> memref<10000x128xf32, #tpu.memory_space<hbm>>
    tpu.wait_indirect_dma semaphore(%arg13 : memref<!tpu.dma_semaphore, #tpu.memory_space<semaphore_mem>>) src(%dma_wait3A_999 : memref<10000x128xf32, #tpu.memory_space<hbm>>) dst(%arg6 : memref<128x128xf32, #tpu.memory_space<vmem>>)
    %dma_start3A_1000 = arith.constant 0 : i32
    %dma_start3A_1001 = arith.constant 1 : i32
    %dma_start3A_1002 = arith.constant 0 : i32
    %dma_start3A_1003 = tpu.memref_slice %arg5[%dma_start3A_1000, %dma_start3A_1001, %dma_start3A_1002] : memref<4x2x128xi32, #tpu.memory_space<vmem>> -> memref<1x1x128xi32, #tpu.memory_space<vmem>>
    %dma_start3A_1004 = tpu.memref_squeeze %dma_start3A_1003 : memref<1x1x128xi32, #tpu.memory_space<vmem>> -> memref<128xi32, #tpu.memory_space<vmem>>
    %dma_start3A_1005 = arith.constant 0 : i32
    %dma_start3A_1006 = arith.constant 0 : i32
    %dma_start3A_1007 = tpu.memref_slice %arg17[%dma_start3A_1005, %dma_start3A_1006] : memref<10240x128xf32, #tpu.memory_space<vmem_shared>> -> memref<10240x128xf32, #tpu.memory_space<vmem_shared>>
    tpu.enqueue_indirect_dma source(%arg6 : memref<128x128xf32, #tpu.memory_space<vmem>>) target(%dma_start3A_1007 : memref<10240x128xf32, #tpu.memory_space<vmem_shared>>) offsets(%dma_start3A_1004 : memref<128xi32, #tpu.memory_space<vmem>>) semaphore(%arg15 : memref<!tpu.dma_semaphore, #tpu.memory_space<semaphore_mem>>) {add = true}
    %dma_wait3A_1008 = arith.constant 1 : i32
    %dma_wait3A_1009 = arith.constant 0 : i32
    %dma_wait3A_1010 = arith.constant 0 : i32
    %dma_wait3A_1011 = tpu.memref_slice %arg5[%dma_wait3A_1008, %dma_wait3A_1009, %dma_wait3A_1010] : memref<4x2x128xi32, #tpu.memory_space<vmem>> -> memref<1x2x128xi32, #tpu.memory_space<vmem>>
    %dma_wait3A_1012 = tpu.memref_squeeze %dma_wait3A_1011 : memref<1x2x128xi32, #tpu.memory_space<vmem>> -> memref<2x128xi32, #tpu.memory_space<vmem>>
    %dma_wait3A_1013 = arith.constant 0 : i32
    %dma_wait3A_1014 = arith.constant 0 : i32
    %dma_wait3A_1015 = tpu.memref_slice %arg2[%mul3A_930, %dma_wait3A_1013, %dma_wait3A_1014] : memref<2560x2x128xi32, #tpu.memory_space<hbm>> -> memref<1x2x128xi32, #tpu.memory_space<hbm>>
    %dma_wait3A_1016 = tpu.memref_squeeze %dma_wait3A_1015 : memref<1x2x128xi32, #tpu.memory_space<hbm>> -> memref<2x128xi32, #tpu.memory_space<hbm>>
    %dma_wait3A_1017 = arith.constant 0 : i32
    %dma_wait3A_1018 = arith.constant 0 : i32
    %dma_wait3A_1019 = tpu.memref_slice %arg5[%dma_wait3A_1008, %dma_wait3A_1017, %dma_wait3A_1018] : memref<4x2x128xi32, #tpu.memory_space<vmem>> -> memref<1x2x128xi32, #tpu.memory_space<vmem>>
    %dma_wait3A_1020 = tpu.memref_squeeze %dma_wait3A_1019 : memref<1x2x128xi32, #tpu.memory_space<vmem>> -> memref<2x128xi32, #tpu.memory_space<vmem>>
    %dma_wait3A_1021 = arith.constant 0 : i32
    %dma_wait3A_1022 = arith.constant 0 : i32
    %dma_wait3A_1023 = tpu.memref_slice %arg2[%mul3A_930, %dma_wait3A_1021, %dma_wait3A_1022] : memref<2560x2x128xi32, #tpu.memory_space<hbm>> -> memref<1x2x128xi32, #tpu.memory_space<hbm>>
    %dma_wait3A_1024 = tpu.memref_squeeze %dma_wait3A_1023 : memref<1x2x128xi32, #tpu.memory_space<hbm>> -> memref<2x128xi32, #tpu.memory_space<hbm>>
    tpu.wait_dma2 semaphore(%arg10 : memref<!tpu.dma_semaphore, #tpu.memory_space<semaphore_mem>>) src(%dma_wait3A_1024 : memref<2x128xi32, #tpu.memory_space<hbm>>) dst(%dma_wait3A_1020 : memref<2x128xi32, #tpu.memory_space<vmem>>)
    %dma_start3A_1025 = arith.constant 1 : i32
    %dma_start3A_1026 = arith.constant 0 : i32
    %dma_start3A_1027 = arith.constant 0 : i32
    %dma_start3A_1028 = tpu.memref_slice %arg5[%dma_start3A_1025, %dma_start3A_1026, %dma_start3A_1027] : memref<4x2x128xi32, #tpu.memory_space<vmem>> -> memref<1x1x128xi32, #tpu.memory_space<vmem>>
    %dma_start3A_1029 = tpu.memref_squeeze %dma_start3A_1028 : memref<1x1x128xi32, #tpu.memory_space<vmem>> -> memref<128xi32, #tpu.memory_space<vmem>>
    %dma_start3A_1030 = arith.constant 0 : i32
    %dma_start3A_1031 = arith.constant 0 : i32
    %dma_start3A_1032 = tpu.memref_slice %arg3[%dma_start3A_1030, %dma_start3A_1031] : memref<10000x128xf32, #tpu.memory_space<hbm>> -> memref<10000x128xf32, #tpu.memory_space<hbm>>
    tpu.enqueue_indirect_dma source(%dma_start3A_1032 : memref<10000x128xf32, #tpu.memory_space<hbm>>) target(%arg7 : memref<128x128xf32, #tpu.memory_space<vmem>>) offsets(%dma_start3A_1029 : memref<128xi32, #tpu.memory_space<vmem>>) semaphore(%arg14 : memref<!tpu.dma_semaphore, #tpu.memory_space<semaphore_mem>>)
    %add3A_1033 = arith.constant 2 : i32
    %add3A_1034 = arith.addi %mul3A_930, %add3A_1033 : i32
    %dma_start3A_1035 = arith.constant 2 : i32
    %dma_start3A_1036 = arith.constant 0 : i32
    %dma_start3A_1037 = arith.constant 0 : i32
    %dma_start3A_1038 = tpu.memref_slice %arg5[%dma_start3A_1035, %dma_start3A_1036, %dma_start3A_1037] : memref<4x2x128xi32, #tpu.memory_space<vmem>> -> memref<1x2x128xi32, #tpu.memory_space<vmem>>
    %dma_start3A_1039 = tpu.memref_squeeze %dma_start3A_1038 : memref<1x2x128xi32, #tpu.memory_space<vmem>> -> memref<2x128xi32, #tpu.memory_space<vmem>>
    %dma_start3A_1040 = arith.constant 0 : i32
    %dma_start3A_1041 = arith.constant 0 : i32
    %dma_start3A_1042 = tpu.memref_slice %arg2[%add3A_1034, %dma_start3A_1040, %dma_start3A_1041] : memref<2560x2x128xi32, #tpu.memory_space<hbm>> -> memref<1x2x128xi32, #tpu.memory_space<hbm>>
    %dma_start3A_1043 = tpu.memref_squeeze %dma_start3A_1042 : memref<1x2x128xi32, #tpu.memory_space<hbm>> -> memref<2x128xi32, #tpu.memory_space<hbm>>
    %dma_start3A_1044 = arith.constant 0 : i32
    %dma_start3A_1045 = arith.constant 0 : i32
    %dma_start3A_1046 = tpu.memref_slice %arg5[%dma_start3A_1035, %dma_start3A_1044, %dma_start3A_1045] : memref<4x2x128xi32, #tpu.memory_space<vmem>> -> memref<1x2x128xi32, #tpu.memory_space<vmem>>
    %dma_start3A_1047 = tpu.memref_squeeze %dma_start3A_1046 : memref<1x2x128xi32, #tpu.memory_space<vmem>> -> memref<2x128xi32, #tpu.memory_space<vmem>>
    %dma_start3A_1048 = arith.constant 0 : i32
    %dma_start3A_1049 = arith.constant 0 : i32
    %dma_start3A_1050 = tpu.memref_slice %arg2[%add3A_1034, %dma_start3A_1048, %dma_start3A_1049] : memref<2560x2x128xi32, #tpu.memory_space<hbm>> -> memref<1x2x128xi32, #tpu.memory_space<hbm>>
    %dma_start3A_1051 = tpu.memref_squeeze %dma_start3A_1050 : memref<1x2x128xi32, #tpu.memory_space<hbm>> -> memref<2x128xi32, #tpu.memory_space<hbm>>
    tpu.enqueue_dma source(%dma_start3A_1051 : memref<2x128xi32, #tpu.memory_space<hbm>>) target(%dma_start3A_1047 : memref<2x128xi32, #tpu.memory_space<vmem>>) target_semaphore(%arg11 : memref<!tpu.dma_semaphore, #tpu.memory_space<semaphore_mem>>)
    %dma_wait3A_1052 = arith.constant 0 : i32
    %dma_wait3A_1053 = arith.constant 0 : i32
    %dma_wait3A_1054 = arith.constant 0 : i32
    %dma_wait3A_1055 = tpu.memref_slice %arg5[%dma_wait3A_1052, %dma_wait3A_1053, %dma_wait3A_1054] : memref<4x2x128xi32, #tpu.memory_space<vmem>> -> memref<1x1x128xi32, #tpu.memory_space<vmem>>
    %dma_wait3A_1056 = tpu.memref_squeeze %dma_wait3A_1055 : memref<1x1x128xi32, #tpu.memory_space<vmem>> -> memref<128xi32, #tpu.memory_space<vmem>>
    %dma_wait3A_1057 = arith.constant 0 : i32
    %dma_wait3A_1058 = arith.constant 0 : i32
    %dma_wait3A_1059 = tpu.memref_slice %arg3[%dma_wait3A_1057, %dma_wait3A_1058] : memref<10000x128xf32, #tpu.memory_space<hbm>> -> memref<10000x128xf32, #tpu.memory_space<hbm>>
    tpu.wait_indirect_dma semaphore(%arg14 : memref<!tpu.dma_semaphore, #tpu.memory_space<semaphore_mem>>) src(%dma_wait3A_1059 : memref<10000x128xf32, #tpu.memory_space<hbm>>) dst(%arg7 : memref<128x128xf32, #tpu.memory_space<vmem>>)
    %dma_wait3A_1060 = arith.constant 0 : i32
    %dma_wait3A_1061 = arith.constant 1 : i32
    %dma_wait3A_1062 = arith.constant 0 : i32
    %dma_wait3A_1063 = tpu.memref_slice %arg5[%dma_wait3A_1060, %dma_wait3A_1061, %dma_wait3A_1062] : memref<4x2x128xi32, #tpu.memory_space<vmem>> -> memref<1x1x128xi32, #tpu.memory_space<vmem>>
    %dma_wait3A_1064 = tpu.memref_squeeze %dma_wait3A_1063 : memref<1x1x128xi32, #tpu.memory_space<vmem>> -> memref<128xi32, #tpu.memory_space<vmem>>
    %dma_wait3A_1065 = arith.constant 0 : i32
    %dma_wait3A_1066 = arith.constant 0 : i32
    %dma_wait3A_1067 = tpu.memref_slice %arg17[%dma_wait3A_1065, %dma_wait3A_1066] : memref<10240x128xf32, #tpu.memory_space<vmem_shared>> -> memref<10240x128xf32, #tpu.memory_space<vmem_shared>>
    tpu.wait_indirect_dma semaphore(%arg15 : memref<!tpu.dma_semaphore, #tpu.memory_space<semaphore_mem>>) src(%arg6 : memref<128x128xf32, #tpu.memory_space<vmem>>) dst(%dma_wait3A_1067 : memref<10240x128xf32, #tpu.memory_space<vmem_shared>>)
    %dma_start3A_1068 = arith.constant 1 : i32
    %dma_start3A_1069 = arith.constant 1 : i32
    %dma_start3A_1070 = arith.constant 0 : i32
    %dma_start3A_1071 = tpu.memref_slice %arg5[%dma_start3A_1068, %dma_start3A_1069, %dma_start3A_1070] : memref<4x2x128xi32, #tpu.memory_space<vmem>> -> memref<1x1x128xi32, #tpu.memory_space<vmem>>
    %dma_start3A_1072 = tpu.memref_squeeze %dma_start3A_1071 : memref<1x1x128xi32, #tpu.memory_space<vmem>> -> memref<128xi32, #tpu.memory_space<vmem>>
    %dma_start3A_1073 = arith.constant 0 : i32
    %dma_start3A_1074 = arith.constant 0 : i32
    %dma_start3A_1075 = tpu.memref_slice %arg17[%dma_start3A_1073, %dma_start3A_1074] : memref<10240x128xf32, #tpu.memory_space<vmem_shared>> -> memref<10240x128xf32, #tpu.memory_space<vmem_shared>>
    tpu.enqueue_indirect_dma source(%arg7 : memref<128x128xf32, #tpu.memory_space<vmem>>) target(%dma_start3A_1075 : memref<10240x128xf32, #tpu.memory_space<vmem_shared>>) offsets(%dma_start3A_1072 : memref<128xi32, #tpu.memory_space<vmem>>) semaphore(%arg16 : memref<!tpu.dma_semaphore, #tpu.memory_space<semaphore_mem>>) {add = true}
    %dma_wait3A_1076 = arith.constant 2 : i32
    %dma_wait3A_1077 = arith.constant 0 : i32
    %dma_wait3A_1078 = arith.constant 0 : i32
    %dma_wait3A_1079 = tpu.memref_slice %arg5[%dma_wait3A_1076, %dma_wait3A_1077, %dma_wait3A_1078] : memref<4x2x128xi32, #tpu.memory_space<vmem>> -> memref<1x2x128xi32, #tpu.memory_space<vmem>>
    %dma_wait3A_1080 = tpu.memref_squeeze %dma_wait3A_1079 : memref<1x2x128xi32, #tpu.memory_space<vmem>> -> memref<2x128xi32, #tpu.memory_space<vmem>>
    %dma_wait3A_1081 = arith.constant 0 : i32
    %dma_wait3A_1082 = arith.constant 0 : i32
    %dma_wait3A_1083 = tpu.memref_slice %arg2[%mul3A_930, %dma_wait3A_1081, %dma_wait3A_1082] : memref<2560x2x128xi32, #tpu.memory_space<hbm>> -> memref<1x2x128xi32, #tpu.memory_space<hbm>>
    %dma_wait3A_1084 = tpu.memref_squeeze %dma_wait3A_1083 : memref<1x2x128xi32, #tpu.memory_space<hbm>> -> memref<2x128xi32, #tpu.memory_space<hbm>>
    %dma_wait3A_1085 = arith.constant 0 : i32
    %dma_wait3A_1086 = arith.constant 0 : i32
    %dma_wait3A_1087 = tpu.memref_slice %arg5[%dma_wait3A_1076, %dma_wait3A_1085, %dma_wait3A_1086] : memref<4x2x128xi32, #tpu.memory_space<vmem>> -> memref<1x2x128xi32, #tpu.memory_space<vmem>>
    %dma_wait3A_1088 = tpu.memref_squeeze %dma_wait3A_1087 : memref<1x2x128xi32, #tpu.memory_space<vmem>> -> memref<2x128xi32, #tpu.memory_space<vmem>>
    %dma_wait3A_1089 = arith.constant 0 : i32
    %dma_wait3A_1090 = arith.constant 0 : i32
    %dma_wait3A_1091 = tpu.memref_slice %arg2[%mul3A_930, %dma_wait3A_1089, %dma_wait3A_1090] : memref<2560x2x128xi32, #tpu.memory_space<hbm>> -> memref<1x2x128xi32, #tpu.memory_space<hbm>>
    %dma_wait3A_1092 = tpu.memref_squeeze %dma_wait3A_1091 : memref<1x2x128xi32, #tpu.memory_space<hbm>> -> memref<2x128xi32, #tpu.memory_space<hbm>>
    tpu.wait_dma2 semaphore(%arg11 : memref<!tpu.dma_semaphore, #tpu.memory_space<semaphore_mem>>) src(%dma_wait3A_1092 : memref<2x128xi32, #tpu.memory_space<hbm>>) dst(%dma_wait3A_1088 : memref<2x128xi32, #tpu.memory_space<vmem>>)
    %dma_start3A_1093 = arith.constant 2 : i32
    %dma_start3A_1094 = arith.constant 0 : i32
    %dma_start3A_1095 = arith.constant 0 : i32
    %dma_start3A_1096 = tpu.memref_slice %arg5[%dma_start3A_1093, %dma_start3A_1094, %dma_start3A_1095] : memref<4x2x128xi32, #tpu.memory_space<vmem>> -> memref<1x1x128xi32, #tpu.memory_space<vmem>>
    %dma_start3A_1097 = tpu.memref_squeeze %dma_start3A_1096 : memref<1x1x128xi32, #tpu.memory_space<vmem>> -> memref<128xi32, #tpu.memory_space<vmem>>
    %dma_start3A_1098 = arith.constant 0 : i32
    %dma_start3A_1099 = arith.constant 0 : i32
    %dma_start3A_1100 = tpu.memref_slice %arg3[%dma_start3A_1098, %dma_start3A_1099] : memref<10000x128xf32, #tpu.memory_space<hbm>> -> memref<10000x128xf32, #tpu.memory_space<hbm>>
    tpu.enqueue_indirect_dma source(%dma_start3A_1100 : memref<10000x128xf32, #tpu.memory_space<hbm>>) target(%arg6 : memref<128x128xf32, #tpu.memory_space<vmem>>) offsets(%dma_start3A_1097 : memref<128xi32, #tpu.memory_space<vmem>>) semaphore(%arg13 : memref<!tpu.dma_semaphore, #tpu.memory_space<semaphore_mem>>)
    %add3A_1101 = arith.constant 3 : i32
    %add3A_1102 = arith.addi %mul3A_930, %add3A_1101 : i32
    %dma_start3A_1103 = arith.constant 3 : i32
    %dma_start3A_1104 = arith.constant 0 : i32
    %dma_start3A_1105 = arith.constant 0 : i32
    %dma_start3A_1106 = tpu.memref_slice %arg5[%dma_start3A_1103, %dma_start3A_1104, %dma_start3A_1105] : memref<4x2x128xi32, #tpu.memory_space<vmem>> -> memref<1x2x128xi32, #tpu.memory_space<vmem>>
    %dma_start3A_1107 = tpu.memref_squeeze %dma_start3A_1106 : memref<1x2x128xi32, #tpu.memory_space<vmem>> -> memref<2x128xi32, #tpu.memory_space<vmem>>
    %dma_start3A_1108 = arith.constant 0 : i32
    %dma_start3A_1109 = arith.constant 0 : i32
    %dma_start3A_1110 = tpu.memref_slice %arg2[%add3A_1102, %dma_start3A_1108, %dma_start3A_1109] : memref<2560x2x128xi32, #tpu.memory_space<hbm>> -> memref<1x2x128xi32, #tpu.memory_space<hbm>>
    %dma_start3A_1111 = tpu.memref_squeeze %dma_start3A_1110 : memref<1x2x128xi32, #tpu.memory_space<hbm>> -> memref<2x128xi32, #tpu.memory_space<hbm>>
    %dma_start3A_1112 = arith.constant 0 : i32
    %dma_start3A_1113 = arith.constant 0 : i32
    %dma_start3A_1114 = tpu.memref_slice %arg5[%dma_start3A_1103, %dma_start3A_1112, %dma_start3A_1113] : memref<4x2x128xi32, #tpu.memory_space<vmem>> -> memref<1x2x128xi32, #tpu.memory_space<vmem>>
    %dma_start3A_1115 = tpu.memref_squeeze %dma_start3A_1114 : memref<1x2x128xi32, #tpu.memory_space<vmem>> -> memref<2x128xi32, #tpu.memory_space<vmem>>
    %dma_start3A_1116 = arith.constant 0 : i32
    %dma_start3A_1117 = arith.constant 0 : i32
    %dma_start3A_1118 = tpu.memref_slice %arg2[%add3A_1102, %dma_start3A_1116, %dma_start3A_1117] : memref<2560x2x128xi32, #tpu.memory_space<hbm>> -> memref<1x2x128xi32, #tpu.memory_space<hbm>>
    %dma_start3A_1119 = tpu.memref_squeeze %dma_start3A_1118 : memref<1x2x128xi32, #tpu.memory_space<hbm>> -> memref<2x128xi32, #tpu.memory_space<hbm>>
    tpu.enqueue_dma source(%dma_start3A_1119 : memref<2x128xi32, #tpu.memory_space<hbm>>) target(%dma_start3A_1115 : memref<2x128xi32, #tpu.memory_space<vmem>>) target_semaphore(%arg12 : memref<!tpu.dma_semaphore, #tpu.memory_space<semaphore_mem>>)
    %dma_wait3A_1120 = arith.constant 0 : i32
    %dma_wait3A_1121 = arith.constant 0 : i32
    %dma_wait3A_1122 = arith.constant 0 : i32
    %dma_wait3A_1123 = tpu.memref_slice %arg5[%dma_wait3A_1120, %dma_wait3A_1121, %dma_wait3A_1122] : memref<4x2x128xi32, #tpu.memory_space<vmem>> -> memref<1x1x128xi32, #tpu.memory_space<vmem>>
    %dma_wait3A_1124 = tpu.memref_squeeze %dma_wait3A_1123 : memref<1x1x128xi32, #tpu.memory_space<vmem>> -> memref<128xi32, #tpu.memory_space<vmem>>
    %dma_wait3A_1125 = arith.constant 0 : i32
    %dma_wait3A_1126 = arith.constant 0 : i32
    %dma_wait3A_1127 = tpu.memref_slice %arg3[%dma_wait3A_1125, %dma_wait3A_1126] : memref<10000x128xf32, #tpu.memory_space<hbm>> -> memref<10000x128xf32, #tpu.memory_space<hbm>>
    tpu.wait_indirect_dma semaphore(%arg13 : memref<!tpu.dma_semaphore, #tpu.memory_space<semaphore_mem>>) src(%dma_wait3A_1127 : memref<10000x128xf32, #tpu.memory_space<hbm>>) dst(%arg6 : memref<128x128xf32, #tpu.memory_space<vmem>>)
    %dma_wait3A_1128 = arith.constant 0 : i32
    %dma_wait3A_1129 = arith.constant 1 : i32
    %dma_wait3A_1130 = arith.constant 0 : i32
    %dma_wait3A_1131 = tpu.memref_slice %arg5[%dma_wait3A_1128, %dma_wait3A_1129, %dma_wait3A_1130] : memref<4x2x128xi32, #tpu.memory_space<vmem>> -> memref<1x1x128xi32, #tpu.memory_space<vmem>>
    %dma_wait3A_1132 = tpu.memref_squeeze %dma_wait3A_1131 : memref<1x1x128xi32, #tpu.memory_space<vmem>> -> memref<128xi32, #tpu.memory_space<vmem>>
    %dma_wait3A_1133 = arith.constant 0 : i32
    %dma_wait3A_1134 = arith.constant 0 : i32
    %dma_wait3A_1135 = tpu.memref_slice %arg17[%dma_wait3A_1133, %dma_wait3A_1134] : memref<10240x128xf32, #tpu.memory_space<vmem_shared>> -> memref<10240x128xf32, #tpu.memory_space<vmem_shared>>
    tpu.wait_indirect_dma semaphore(%arg16 : memref<!tpu.dma_semaphore, #tpu.memory_space<semaphore_mem>>) src(%arg7 : memref<128x128xf32, #tpu.memory_space<vmem>>) dst(%dma_wait3A_1135 : memref<10240x128xf32, #tpu.memory_space<vmem_shared>>)
    %dma_start3A_1136 = arith.constant 2 : i32
    %dma_start3A_1137 = arith.constant 1 : i32
    %dma_start3A_1138 = arith.constant 0 : i32
    %dma_start3A_1139 = tpu.memref_slice %arg5[%dma_start3A_1136, %dma_start3A_1137, %dma_start3A_1138] : memref<4x2x128xi32, #tpu.memory_space<vmem>> -> memref<1x1x128xi32, #tpu.memory_space<vmem>>
    %dma_start3A_1140 = tpu.memref_squeeze %dma_start3A_1139 : memref<1x1x128xi32, #tpu.memory_space<vmem>> -> memref<128xi32, #tpu.memory_space<vmem>>
    %dma_start3A_1141 = arith.constant 0 : i32
    %dma_start3A_1142 = arith.constant 0 : i32
    %dma_start3A_1143 = tpu.memref_slice %arg17[%dma_start3A_1141, %dma_start3A_1142] : memref<10240x128xf32, #tpu.memory_space<vmem_shared>> -> memref<10240x128xf32, #tpu.memory_space<vmem_shared>>
    tpu.enqueue_indirect_dma source(%arg6 : memref<128x128xf32, #tpu.memory_space<vmem>>) target(%dma_start3A_1143 : memref<10240x128xf32, #tpu.memory_space<vmem_shared>>) offsets(%dma_start3A_1140 : memref<128xi32, #tpu.memory_space<vmem>>) semaphore(%arg15 : memref<!tpu.dma_semaphore, #tpu.memory_space<semaphore_mem>>) {add = true}
    %dma_wait3A_1144 = arith.constant 3 : i32
    %dma_wait3A_1145 = arith.constant 0 : i32
    %dma_wait3A_1146 = arith.constant 0 : i32
    %dma_wait3A_1147 = tpu.memref_slice %arg5[%dma_wait3A_1144, %dma_wait3A_1145, %dma_wait3A_1146] : memref<4x2x128xi32, #tpu.memory_space<vmem>> -> memref<1x2x128xi32, #tpu.memory_space<vmem>>
    %dma_wait3A_1148 = tpu.memref_squeeze %dma_wait3A_1147 : memref<1x2x128xi32, #tpu.memory_space<vmem>> -> memref<2x128xi32, #tpu.memory_space<vmem>>
    %dma_wait3A_1149 = arith.constant 0 : i32
    %dma_wait3A_1150 = arith.constant 0 : i32
    %dma_wait3A_1151 = tpu.memref_slice %arg2[%mul3A_930, %dma_wait3A_1149, %dma_wait3A_1150] : memref<2560x2x128xi32, #tpu.memory_space<hbm>> -> memref<1x2x128xi32, #tpu.memory_space<hbm>>
    %dma_wait3A_1152 = tpu.memref_squeeze %dma_wait3A_1151 : memref<1x2x128xi32, #tpu.memory_space<hbm>> -> memref<2x128xi32, #tpu.memory_space<hbm>>
    %dma_wait3A_1153 = arith.constant 0 : i32
    %dma_wait3A_1154 = arith.constant 0 : i32
    %dma_wait3A_1155 = tpu.memref_slice %arg5[%dma_wait3A_1144, %dma_wait3A_1153, %dma_wait3A_1154] : memref<4x2x128xi32, #tpu.memory_space<vmem>> -> memref<1x2x128xi32, #tpu.memory_space<vmem>>
    %dma_wait3A_1156 = tpu.memref_squeeze %dma_wait3A_1155 : memref<1x2x128xi32, #tpu.memory_space<vmem>> -> memref<2x128xi32, #tpu.memory_space<vmem>>
    %dma_wait3A_1157 = arith.constant 0 : i32
    %dma_wait3A_1158 = arith.constant 0 : i32
    %dma_wait3A_1159 = tpu.memref_slice %arg2[%mul3A_930, %dma_wait3A_1157, %dma_wait3A_1158] : memref<2560x2x128xi32, #tpu.memory_space<hbm>> -> memref<1x2x128xi32, #tpu.memory_space<hbm>>
    %dma_wait3A_1160 = tpu.memref_squeeze %dma_wait3A_1159 : memref<1x2x128xi32, #tpu.memory_space<hbm>> -> memref<2x128xi32, #tpu.memory_space<hbm>>
    tpu.wait_dma2 semaphore(%arg12 : memref<!tpu.dma_semaphore, #tpu.memory_space<semaphore_mem>>) src(%dma_wait3A_1160 : memref<2x128xi32, #tpu.memory_space<hbm>>) dst(%dma_wait3A_1156 : memref<2x128xi32, #tpu.memory_space<vmem>>)
    %dma_start3A_1161 = arith.constant 3 : i32
    %dma_start3A_1162 = arith.constant 0 : i32
    %dma_start3A_1163 = arith.constant 0 : i32
    %dma_start3A_1164 = tpu.memref_slice %arg5[%dma_start3A_1161, %dma_start3A_1162, %dma_start3A_1163] : memref<4x2x128xi32, #tpu.memory_space<vmem>> -> memref<1x1x128xi32, #tpu.memory_space<vmem>>
    %dma_start3A_1165 = tpu.memref_squeeze %dma_start3A_1164 : memref<1x1x128xi32, #tpu.memory_space<vmem>> -> memref<128xi32, #tpu.memory_space<vmem>>
    %dma_start3A_1166 = arith.constant 0 : i32
    %dma_start3A_1167 = arith.constant 0 : i32
    %dma_start3A_1168 = tpu.memref_slice %arg3[%dma_start3A_1166, %dma_start3A_1167] : memref<10000x128xf32, #tpu.memory_space<hbm>> -> memref<10000x128xf32, #tpu.memory_space<hbm>>
    tpu.enqueue_indirect_dma source(%dma_start3A_1168 : memref<10000x128xf32, #tpu.memory_space<hbm>>) target(%arg7 : memref<128x128xf32, #tpu.memory_space<vmem>>) offsets(%dma_start3A_1165 : memref<128xi32, #tpu.memory_space<vmem>>) semaphore(%arg14 : memref<!tpu.dma_semaphore, #tpu.memory_space<semaphore_mem>>)
    %add3A_1169 = arith.constant 4 : i32
    %add3A_1170 = arith.addi %mul3A_930, %add3A_1169 : i32
    %dma_start3A_1171 = arith.constant 0 : i32
    %dma_start3A_1172 = arith.constant 0 : i32
    %dma_start3A_1173 = arith.constant 0 : i32
    %dma_start3A_1174 = tpu.memref_slice %arg5[%dma_start3A_1171, %dma_start3A_1172, %dma_start3A_1173] : memref<4x2x128xi32, #tpu.memory_space<vmem>> -> memref<1x2x128xi32, #tpu.memory_space<vmem>>
    %dma_start3A_1175 = tpu.memref_squeeze %dma_start3A_1174 : memref<1x2x128xi32, #tpu.memory_space<vmem>> -> memref<2x128xi32, #tpu.memory_space<vmem>>
    %dma_start3A_1176 = arith.constant 0 : i32
    %dma_start3A_1177 = arith.constant 0 : i32
    %dma_start3A_1178 = tpu.memref_slice %arg2[%add3A_1170, %dma_start3A_1176, %dma_start3A_1177] : memref<2560x2x128xi32, #tpu.memory_space<hbm>> -> memref<1x2x128xi32, #tpu.memory_space<hbm>>
    %dma_start3A_1179 = tpu.memref_squeeze %dma_start3A_1178 : memref<1x2x128xi32, #tpu.memory_space<hbm>> -> memref<2x128xi32, #tpu.memory_space<hbm>>
    %dma_start3A_1180 = arith.constant 0 : i32
    %dma_start3A_1181 = arith.constant 0 : i32
    %dma_start3A_1182 = tpu.memref_slice %arg5[%dma_start3A_1171, %dma_start3A_1180, %dma_start3A_1181] : memref<4x2x128xi32, #tpu.memory_space<vmem>> -> memref<1x2x128xi32, #tpu.memory_space<vmem>>
    %dma_start3A_1183 = tpu.memref_squeeze %dma_start3A_1182 : memref<1x2x128xi32, #tpu.memory_space<vmem>> -> memref<2x128xi32, #tpu.memory_space<vmem>>
    %dma_start3A_1184 = arith.constant 0 : i32
    %dma_start3A_1185 = arith.constant 0 : i32
    %dma_start3A_1186 = tpu.memref_slice %arg2[%add3A_1170, %dma_start3A_1184, %dma_start3A_1185] : memref<2560x2x128xi32, #tpu.memory_space<hbm>> -> memref<1x2x128xi32, #tpu.memory_space<hbm>>
    %dma_start3A_1187 = tpu.memref_squeeze %dma_start3A_1186 : memref<1x2x128xi32, #tpu.memory_space<hbm>> -> memref<2x128xi32, #tpu.memory_space<hbm>>
    tpu.enqueue_dma source(%dma_start3A_1187 : memref<2x128xi32, #tpu.memory_space<hbm>>) target(%dma_start3A_1183 : memref<2x128xi32, #tpu.memory_space<vmem>>) target_semaphore(%arg9 : memref<!tpu.dma_semaphore, #tpu.memory_space<semaphore_mem>>)
    %dma_wait3A_1188 = arith.constant 0 : i32
    %dma_wait3A_1189 = arith.constant 0 : i32
    %dma_wait3A_1190 = arith.constant 0 : i32
    %dma_wait3A_1191 = tpu.memref_slice %arg5[%dma_wait3A_1188, %dma_wait3A_1189, %dma_wait3A_1190] : memref<4x2x128xi32, #tpu.memory_space<vmem>> -> memref<1x1x128xi32, #tpu.memory_space<vmem>>
    %dma_wait3A_1192 = tpu.memref_squeeze %dma_wait3A_1191 : memref<1x1x128xi32, #tpu.memory_space<vmem>> -> memref<128xi32, #tpu.memory_space<vmem>>
    %dma_wait3A_1193 = arith.constant 0 : i32
    %dma_wait3A_1194 = arith.constant 0 : i32
    %dma_wait3A_1195 = tpu.memref_slice %arg3[%dma_wait3A_1193, %dma_wait3A_1194] : memref<10000x128xf32, #tpu.memory_space<hbm>> -> memref<10000x128xf32, #tpu.memory_space<hbm>>
    tpu.wait_indirect_dma semaphore(%arg14 : memref<!tpu.dma_semaphore, #tpu.memory_space<semaphore_mem>>) src(%dma_wait3A_1195 : memref<10000x128xf32, #tpu.memory_space<hbm>>) dst(%arg7 : memref<128x128xf32, #tpu.memory_space<vmem>>)
    %dma_wait3A_1196 = arith.constant 0 : i32
    %dma_wait3A_1197 = arith.constant 1 : i32
    %dma_wait3A_1198 = arith.constant 0 : i32
    %dma_wait3A_1199 = tpu.memref_slice %arg5[%dma_wait3A_1196, %dma_wait3A_1197, %dma_wait3A_1198] : memref<4x2x128xi32, #tpu.memory_space<vmem>> -> memref<1x1x128xi32, #tpu.memory_space<vmem>>
    %dma_wait3A_1200 = tpu.memref_squeeze %dma_wait3A_1199 : memref<1x1x128xi32, #tpu.memory_space<vmem>> -> memref<128xi32, #tpu.memory_space<vmem>>
    %dma_wait3A_1201 = arith.constant 0 : i32
    %dma_wait3A_1202 = arith.constant 0 : i32
    %dma_wait3A_1203 = tpu.memref_slice %arg17[%dma_wait3A_1201, %dma_wait3A_1202] : memref<10240x128xf32, #tpu.memory_space<vmem_shared>> -> memref<10240x128xf32, #tpu.memory_space<vmem_shared>>
    tpu.wait_indirect_dma semaphore(%arg15 : memref<!tpu.dma_semaphore, #tpu.memory_space<semaphore_mem>>) src(%arg6 : memref<128x128xf32, #tpu.memory_space<vmem>>) dst(%dma_wait3A_1203 : memref<10240x128xf32, #tpu.memory_space<vmem_shared>>)
    %dma_start3A_1204 = arith.constant 3 : i32
    %dma_start3A_1205 = arith.constant 1 : i32
    %dma_start3A_1206 = arith.constant 0 : i32
    %dma_start3A_1207 = tpu.memref_slice %arg5[%dma_start3A_1204, %dma_start3A_1205, %dma_start3A_1206] : memref<4x2x128xi32, #tpu.memory_space<vmem>> -> memref<1x1x128xi32, #tpu.memory_space<vmem>>
    %dma_start3A_1208 = tpu.memref_squeeze %dma_start3A_1207 : memref<1x1x128xi32, #tpu.memory_space<vmem>> -> memref<128xi32, #tpu.memory_space<vmem>>
    %dma_start3A_1209 = arith.constant 0 : i32
    %dma_start3A_1210 = arith.constant 0 : i32
    %dma_start3A_1211 = tpu.memref_slice %arg17[%dma_start3A_1209, %dma_start3A_1210] : memref<10240x128xf32, #tpu.memory_space<vmem_shared>> -> memref<10240x128xf32, #tpu.memory_space<vmem_shared>>
    tpu.enqueue_indirect_dma source(%arg7 : memref<128x128xf32, #tpu.memory_space<vmem>>) target(%dma_start3A_1211 : memref<10240x128xf32, #tpu.memory_space<vmem_shared>>) offsets(%dma_start3A_1208 : memref<128xi32, #tpu.memory_space<vmem>>) semaphore(%arg16 : memref<!tpu.dma_semaphore, #tpu.memory_space<semaphore_mem>>) {add = true}
    %dma_wait3A_1212 = arith.constant 0 : i32
    %dma_wait3A_1213 = arith.constant 0 : i32
    %dma_wait3A_1214 = arith.constant 0 : i32
    %dma_wait3A_1215 = tpu.memref_slice %arg5[%dma_wait3A_1212, %dma_wait3A_1213, %dma_wait3A_1214] : memref<4x2x128xi32, #tpu.memory_space<vmem>> -> memref<1x2x128xi32, #tpu.memory_space<vmem>>
    %dma_wait3A_1216 = tpu.memref_squeeze %dma_wait3A_1215 : memref<1x2x128xi32, #tpu.memory_space<vmem>> -> memref<2x128xi32, #tpu.memory_space<vmem>>
    %dma_wait3A_1217 = arith.constant 0 : i32
    %dma_wait3A_1218 = arith.constant 0 : i32
    %dma_wait3A_1219 = tpu.memref_slice %arg2[%mul3A_930, %dma_wait3A_1217, %dma_wait3A_1218] : memref<2560x2x128xi32, #tpu.memory_space<hbm>> -> memref<1x2x128xi32, #tpu.memory_space<hbm>>
    %dma_wait3A_1220 = tpu.memref_squeeze %dma_wait3A_1219 : memref<1x2x128xi32, #tpu.memory_space<hbm>> -> memref<2x128xi32, #tpu.memory_space<hbm>>
    %dma_wait3A_1221 = arith.constant 0 : i32
    %dma_wait3A_1222 = arith.constant 0 : i32
    %dma_wait3A_1223 = tpu.memref_slice %arg5[%dma_wait3A_1212, %dma_wait3A_1221, %dma_wait3A_1222] : memref<4x2x128xi32, #tpu.memory_space<vmem>> -> memref<1x2x128xi32, #tpu.memory_space<vmem>>
    %dma_wait3A_1224 = tpu.memref_squeeze %dma_wait3A_1223 : memref<1x2x128xi32, #tpu.memory_space<vmem>> -> memref<2x128xi32, #tpu.memory_space<vmem>>
    %dma_wait3A_1225 = arith.constant 0 : i32
    %dma_wait3A_1226 = arith.constant 0 : i32
    %dma_wait3A_1227 = tpu.memref_slice %arg2[%mul3A_930, %dma_wait3A_1225, %dma_wait3A_1226] : memref<2560x2x128xi32, #tpu.memory_space<hbm>> -> memref<1x2x128xi32, #tpu.memory_space<hbm>>
    %dma_wait3A_1228 = tpu.memref_squeeze %dma_wait3A_1227 : memref<1x2x128xi32, #tpu.memory_space<hbm>> -> memref<2x128xi32, #tpu.memory_space<hbm>>
    tpu.wait_dma2 semaphore(%arg9 : memref<!tpu.dma_semaphore, #tpu.memory_space<semaphore_mem>>) src(%dma_wait3A_1228 : memref<2x128xi32, #tpu.memory_space<hbm>>) dst(%dma_wait3A_1224 : memref<2x128xi32, #tpu.memory_space<vmem>>)
    %dma_start3A_1229 = arith.constant 0 : i32
    %dma_start3A_1230 = arith.constant 0 : i32
    %dma_start3A_1231 = arith.constant 0 : i32
    %dma_start3A_1232 = tpu.memref_slice %arg5[%dma_start3A_1229, %dma_start3A_1230, %dma_start3A_1231] : memref<4x2x128xi32, #tpu.memory_space<vmem>> -> memref<1x1x128xi32, #tpu.memory_space<vmem>>
    %dma_start3A_1233 = tpu.memref_squeeze %dma_start3A_1232 : memref<1x1x128xi32, #tpu.memory_space<vmem>> -> memref<128xi32, #tpu.memory_space<vmem>>
    %dma_start3A_1234 = arith.constant 0 : i32
    %dma_start3A_1235 = arith.constant 0 : i32
    %dma_start3A_1236 = tpu.memref_slice %arg3[%dma_start3A_1234, %dma_start3A_1235] : memref<10000x128xf32, #tpu.memory_space<hbm>> -> memref<10000x128xf32, #tpu.memory_space<hbm>>
    tpu.enqueue_indirect_dma source(%dma_start3A_1236 : memref<10000x128xf32, #tpu.memory_space<hbm>>) target(%arg6 : memref<128x128xf32, #tpu.memory_space<vmem>>) offsets(%dma_start3A_1233 : memref<128xi32, #tpu.memory_space<vmem>>) semaphore(%arg13 : memref<!tpu.dma_semaphore, #tpu.memory_space<semaphore_mem>>)
    %add3A_1237 = arith.constant 5 : i32
    %add3A_1238 = arith.addi %mul3A_930, %add3A_1237 : i32
    %dma_start3A_1239 = arith.constant 1 : i32
    %dma_start3A_1240 = arith.constant 0 : i32
    %dma_start3A_1241 = arith.constant 0 : i32
    %dma_start3A_1242 = tpu.memref_slice %arg5[%dma_start3A_1239, %dma_start3A_1240, %dma_start3A_1241] : memref<4x2x128xi32, #tpu.memory_space<vmem>> -> memref<1x2x128xi32, #tpu.memory_space<vmem>>
    %dma_start3A_1243 = tpu.memref_squeeze %dma_start3A_1242 : memref<1x2x128xi32, #tpu.memory_space<vmem>> -> memref<2x128xi32, #tpu.memory_space<vmem>>
    %dma_start3A_1244 = arith.constant 0 : i32
    %dma_start3A_1245 = arith.constant 0 : i32
    %dma_start3A_1246 = tpu.memref_slice %arg2[%add3A_1238, %dma_start3A_1244, %dma_start3A_1245] : memref<2560x2x128xi32, #tpu.memory_space<hbm>> -> memref<1x2x128xi32, #tpu.memory_space<hbm>>
    %dma_start3A_1247 = tpu.memref_squeeze %dma_start3A_1246 : memref<1x2x128xi32, #tpu.memory_space<hbm>> -> memref<2x128xi32, #tpu.memory_space<hbm>>
    %dma_start3A_1248 = arith.constant 0 : i32
    %dma_start3A_1249 = arith.constant 0 : i32
    %dma_start3A_1250 = tpu.memref_slice %arg5[%dma_start3A_1239, %dma_start3A_1248, %dma_start3A_1249] : memref<4x2x128xi32, #tpu.memory_space<vmem>> -> memref<1x2x128xi32, #tpu.memory_space<vmem>>
    %dma_start3A_1251 = tpu.memref_squeeze %dma_start3A_1250 : memref<1x2x128xi32, #tpu.memory_space<vmem>> -> memref<2x128xi32, #tpu.memory_space<vmem>>
    %dma_start3A_1252 = arith.constant 0 : i32
    %dma_start3A_1253 = arith.constant 0 : i32
    %dma_start3A_1254 = tpu.memref_slice %arg2[%add3A_1238, %dma_start3A_1252, %dma_start3A_1253] : memref<2560x2x128xi32, #tpu.memory_space<hbm>> -> memref<1x2x128xi32, #tpu.memory_space<hbm>>
    %dma_start3A_1255 = tpu.memref_squeeze %dma_start3A_1254 : memref<1x2x128xi32, #tpu.memory_space<hbm>> -> memref<2x128xi32, #tpu.memory_space<hbm>>
    tpu.enqueue_dma source(%dma_start3A_1255 : memref<2x128xi32, #tpu.memory_space<hbm>>) target(%dma_start3A_1251 : memref<2x128xi32, #tpu.memory_space<vmem>>) target_semaphore(%arg10 : memref<!tpu.dma_semaphore, #tpu.memory_space<semaphore_mem>>)
    %scan3A = arith.constant 0 : i32
    %scan3A_1256 = arith.constant 0 : i32
    %scan3A_1257 = arith.constant 18 : i32
    %scan3A_1258 = arith.addi %scan3A_1256, %scan3A_1257 : i32
    %scan3A_1259 = arith.constant 1 : i32
    scf.for %scan3A_1486 = %scan3A_1256 to %scan3A_1258 step %scan3A_1259  : i32 {
      %mul3A_1487 = arith.constant 4 : i32
      %mul3A_1488 = arith.muli %scan3A_1486, %mul3A_1487 : i32
      %add3A_1489 = arith.constant 4 : i32
      %add3A_1490 = arith.addi %add3A_1489, %mul3A_1488 : i32
      %add3A_1491 = arith.constant 0 : i32
      %add3A_1492 = arith.addi %add3A_1490, %add3A_1491 : i32
      %dma_wait3A_1493 = arith.constant 0 : i32
      %dma_wait3A_1494 = arith.constant 0 : i32
      %dma_wait3A_1495 = arith.constant 0 : i32
      %dma_wait3A_1496 = tpu.memref_slice %arg5[%dma_wait3A_1493, %dma_wait3A_1494, %dma_wait3A_1495] : memref<4x2x128xi32, #tpu.memory_space<vmem>> -> memref<1x1x128xi32, #tpu.memory_space<vmem>>
      %dma_wait3A_1497 = tpu.memref_squeeze %dma_wait3A_1496 : memref<1x1x128xi32, #tpu.memory_space<vmem>> -> memref<128xi32, #tpu.memory_space<vmem>>
      %dma_wait3A_1498 = arith.constant 0 : i32
      %dma_wait3A_1499 = arith.constant 0 : i32
      %dma_wait3A_1500 = tpu.memref_slice %arg3[%dma_wait3A_1498, %dma_wait3A_1499] : memref<10000x128xf32, #tpu.memory_space<hbm>> -> memref<10000x128xf32, #tpu.memory_space<hbm>>
      tpu.wait_indirect_dma semaphore(%arg13 : memref<!tpu.dma_semaphore, #tpu.memory_space<semaphore_mem>>) src(%dma_wait3A_1500 : memref<10000x128xf32, #tpu.memory_space<hbm>>) dst(%arg6 : memref<128x128xf32, #tpu.memory_space<vmem>>)
      %dma_wait3A_1501 = arith.constant 0 : i32
      %dma_wait3A_1502 = arith.constant 1 : i32
      %dma_wait3A_1503 = arith.constant 0 : i32
      %dma_wait3A_1504 = tpu.memref_slice %arg5[%dma_wait3A_1501, %dma_wait3A_1502, %dma_wait3A_1503] : memref<4x2x128xi32, #tpu.memory_space<vmem>> -> memref<1x1x128xi32, #tpu.memory_space<vmem>>
      %dma_wait3A_1505 = tpu.memref_squeeze %dma_wait3A_1504 : memref<1x1x128xi32, #tpu.memory_space<vmem>> -> memref<128xi32, #tpu.memory_space<vmem>>
      %dma_wait3A_1506 = arith.constant 0 : i32
      %dma_wait3A_1507 = arith.constant 0 : i32
      %dma_wait3A_1508 = tpu.memref_slice %arg17[%dma_wait3A_1506, %dma_wait3A_1507] : memref<10240x128xf32, #tpu.memory_space<vmem_shared>> -> memref<10240x128xf32, #tpu.memory_space<vmem_shared>>
      tpu.wait_indirect_dma semaphore(%arg16 : memref<!tpu.dma_semaphore, #tpu.memory_space<semaphore_mem>>) src(%arg7 : memref<128x128xf32, #tpu.memory_space<vmem>>) dst(%dma_wait3A_1508 : memref<10240x128xf32, #tpu.memory_space<vmem_shared>>)
      %dma_start3A_1509 = arith.constant 0 : i32
      %dma_start3A_1510 = arith.constant 1 : i32
      %dma_start3A_1511 = arith.constant 0 : i32
      %dma_start3A_1512 = tpu.memref_slice %arg5[%dma_start3A_1509, %dma_start3A_1510, %dma_start3A_1511] : memref<4x2x128xi32, #tpu.memory_space<vmem>> -> memref<1x1x128xi32, #tpu.memory_space<vmem>>
      %dma_start3A_1513 = tpu.memref_squeeze %dma_start3A_1512 : memref<1x1x128xi32, #tpu.memory_space<vmem>> -> memref<128xi32, #tpu.memory_space<vmem>>
      %dma_start3A_1514 = arith.constant 0 : i32
      %dma_start3A_1515 = arith.constant 0 : i32
      %dma_start3A_1516 = tpu.memref_slice %arg17[%dma_start3A_1514, %dma_start3A_1515] : memref<10240x128xf32, #tpu.memory_space<vmem_shared>> -> memref<10240x128xf32, #tpu.memory_space<vmem_shared>>
      tpu.enqueue_indirect_dma source(%arg6 : memref<128x128xf32, #tpu.memory_space<vmem>>) target(%dma_start3A_1516 : memref<10240x128xf32, #tpu.memory_space<vmem_shared>>) offsets(%dma_start3A_1513 : memref<128xi32, #tpu.memory_space<vmem>>) semaphore(%arg15 : memref<!tpu.dma_semaphore, #tpu.memory_space<semaphore_mem>>) {add = true}
      %dma_wait3A_1517 = arith.constant 1 : i32
      %dma_wait3A_1518 = arith.constant 0 : i32
      %dma_wait3A_1519 = arith.constant 0 : i32
      %dma_wait3A_1520 = tpu.memref_slice %arg5[%dma_wait3A_1517, %dma_wait3A_1518, %dma_wait3A_1519] : memref<4x2x128xi32, #tpu.memory_space<vmem>> -> memref<1x2x128xi32, #tpu.memory_space<vmem>>
      %dma_wait3A_1521 = tpu.memref_squeeze %dma_wait3A_1520 : memref<1x2x128xi32, #tpu.memory_space<vmem>> -> memref<2x128xi32, #tpu.memory_space<vmem>>
      %dma_wait3A_1522 = arith.constant 0 : i32
      %dma_wait3A_1523 = arith.constant 0 : i32
      %dma_wait3A_1524 = tpu.memref_slice %arg2[%mul3A_930, %dma_wait3A_1522, %dma_wait3A_1523] : memref<2560x2x128xi32, #tpu.memory_space<hbm>> -> memref<1x2x128xi32, #tpu.memory_space<hbm>>
      %dma_wait3A_1525 = tpu.memref_squeeze %dma_wait3A_1524 : memref<1x2x128xi32, #tpu.memory_space<hbm>> -> memref<2x128xi32, #tpu.memory_space<hbm>>
      %dma_wait3A_1526 = arith.constant 0 : i32
      %dma_wait3A_1527 = arith.constant 0 : i32
      %dma_wait3A_1528 = tpu.memref_slice %arg5[%dma_wait3A_1517, %dma_wait3A_1526, %dma_wait3A_1527] : memref<4x2x128xi32, #tpu.memory_space<vmem>> -> memref<1x2x128xi32, #tpu.memory_space<vmem>>
      %dma_wait3A_1529 = tpu.memref_squeeze %dma_wait3A_1528 : memref<1x2x128xi32, #tpu.memory_space<vmem>> -> memref<2x128xi32, #tpu.memory_space<vmem>>
      %dma_wait3A_1530 = arith.constant 0 : i32
      %dma_wait3A_1531 = arith.constant 0 : i32
      %dma_wait3A_1532 = tpu.memref_slice %arg2[%mul3A_930, %dma_wait3A_1530, %dma_wait3A_1531] : memref<2560x2x128xi32, #tpu.memory_space<hbm>> -> memref<1x2x128xi32, #tpu.memory_space<hbm>>
      %dma_wait3A_1533 = tpu.memref_squeeze %dma_wait3A_1532 : memref<1x2x128xi32, #tpu.memory_space<hbm>> -> memref<2x128xi32, #tpu.memory_space<hbm>>
      tpu.wait_dma2 semaphore(%arg10 : memref<!tpu.dma_semaphore, #tpu.memory_space<semaphore_mem>>) src(%dma_wait3A_1533 : memref<2x128xi32, #tpu.memory_space<hbm>>) dst(%dma_wait3A_1529 : memref<2x128xi32, #tpu.memory_space<vmem>>)
      %dma_start3A_1534 = arith.constant 1 : i32
      %dma_start3A_1535 = arith.constant 0 : i32
      %dma_start3A_1536 = arith.constant 0 : i32
      %dma_start3A_1537 = tpu.memref_slice %arg5[%dma_start3A_1534, %dma_start3A_1535, %dma_start3A_1536] : memref<4x2x128xi32, #tpu.memory_space<vmem>> -> memref<1x1x128xi32, #tpu.memory_space<vmem>>
      %dma_start3A_1538 = tpu.memref_squeeze %dma_start3A_1537 : memref<1x1x128xi32, #tpu.memory_space<vmem>> -> memref<128xi32, #tpu.memory_space<vmem>>
      %dma_start3A_1539 = arith.constant 0 : i32
      %dma_start3A_1540 = arith.constant 0 : i32
      %dma_start3A_1541 = tpu.memref_slice %arg3[%dma_start3A_1539, %dma_start3A_1540] : memref<10000x128xf32, #tpu.memory_space<hbm>> -> memref<10000x128xf32, #tpu.memory_space<hbm>>
      tpu.enqueue_indirect_dma source(%dma_start3A_1541 : memref<10000x128xf32, #tpu.memory_space<hbm>>) target(%arg7 : memref<128x128xf32, #tpu.memory_space<vmem>>) offsets(%dma_start3A_1538 : memref<128xi32, #tpu.memory_space<vmem>>) semaphore(%arg14 : memref<!tpu.dma_semaphore, #tpu.memory_space<semaphore_mem>>)
      %add3A_1542 = arith.constant 2 : i32
      %add3A_1543 = arith.addi %add3A_1492, %add3A_1542 : i32
      %add3A_1544 = arith.addi %mul3A_930, %add3A_1543 : i32
      %dma_start3A_1545 = arith.constant 2 : i32
      %dma_start3A_1546 = arith.constant 0 : i32
      %dma_start3A_1547 = arith.constant 0 : i32
      %dma_start3A_1548 = tpu.memref_slice %arg5[%dma_start3A_1545, %dma_start3A_1546, %dma_start3A_1547] : memref<4x2x128xi32, #tpu.memory_space<vmem>> -> memref<1x2x128xi32, #tpu.memory_space<vmem>>
      %dma_start3A_1549 = tpu.memref_squeeze %dma_start3A_1548 : memref<1x2x128xi32, #tpu.memory_space<vmem>> -> memref<2x128xi32, #tpu.memory_space<vmem>>
      %dma_start3A_1550 = arith.constant 0 : i32
      %dma_start3A_1551 = arith.constant 0 : i32
      %dma_start3A_1552 = tpu.memref_slice %arg2[%add3A_1544, %dma_start3A_1550, %dma_start3A_1551] : memref<2560x2x128xi32, #tpu.memory_space<hbm>> -> memref<1x2x128xi32, #tpu.memory_space<hbm>>
      %dma_start3A_1553 = tpu.memref_squeeze %dma_start3A_1552 : memref<1x2x128xi32, #tpu.memory_space<hbm>> -> memref<2x128xi32, #tpu.memory_space<hbm>>
      %dma_start3A_1554 = arith.constant 0 : i32
      %dma_start3A_1555 = arith.constant 0 : i32
      %dma_start3A_1556 = tpu.memref_slice %arg5[%dma_start3A_1545, %dma_start3A_1554, %dma_start3A_1555] : memref<4x2x128xi32, #tpu.memory_space<vmem>> -> memref<1x2x128xi32, #tpu.memory_space<vmem>>
      %dma_start3A_1557 = tpu.memref_squeeze %dma_start3A_1556 : memref<1x2x128xi32, #tpu.memory_space<vmem>> -> memref<2x128xi32, #tpu.memory_space<vmem>>
      %dma_start3A_1558 = arith.constant 0 : i32
      %dma_start3A_1559 = arith.constant 0 : i32
      %dma_start3A_1560 = tpu.memref_slice %arg2[%add3A_1544, %dma_start3A_1558, %dma_start3A_1559] : memref<2560x2x128xi32, #tpu.memory_space<hbm>> -> memref<1x2x128xi32, #tpu.memory_space<hbm>>
      %dma_start3A_1561 = tpu.memref_squeeze %dma_start3A_1560 : memref<1x2x128xi32, #tpu.memory_space<hbm>> -> memref<2x128xi32, #tpu.memory_space<hbm>>
      tpu.enqueue_dma source(%dma_start3A_1561 : memref<2x128xi32, #tpu.memory_space<hbm>>) target(%dma_start3A_1557 : memref<2x128xi32, #tpu.memory_space<vmem>>) target_semaphore(%arg11 : memref<!tpu.dma_semaphore, #tpu.memory_space<semaphore_mem>>)
      %add3A_1562 = arith.constant 1 : i32
      %add3A_1563 = arith.addi %add3A_1490, %add3A_1562 : i32
      %dma_wait3A_1564 = arith.constant 0 : i32
      %dma_wait3A_1565 = arith.constant 0 : i32
      %dma_wait3A_1566 = arith.constant 0 : i32
      %dma_wait3A_1567 = tpu.memref_slice %arg5[%dma_wait3A_1564, %dma_wait3A_1565, %dma_wait3A_1566] : memref<4x2x128xi32, #tpu.memory_space<vmem>> -> memref<1x1x128xi32, #tpu.memory_space<vmem>>
      %dma_wait3A_1568 = tpu.memref_squeeze %dma_wait3A_1567 : memref<1x1x128xi32, #tpu.memory_space<vmem>> -> memref<128xi32, #tpu.memory_space<vmem>>
      %dma_wait3A_1569 = arith.constant 0 : i32
      %dma_wait3A_1570 = arith.constant 0 : i32
      %dma_wait3A_1571 = tpu.memref_slice %arg3[%dma_wait3A_1569, %dma_wait3A_1570] : memref<10000x128xf32, #tpu.memory_space<hbm>> -> memref<10000x128xf32, #tpu.memory_space<hbm>>
      tpu.wait_indirect_dma semaphore(%arg14 : memref<!tpu.dma_semaphore, #tpu.memory_space<semaphore_mem>>) src(%dma_wait3A_1571 : memref<10000x128xf32, #tpu.memory_space<hbm>>) dst(%arg7 : memref<128x128xf32, #tpu.memory_space<vmem>>)
      %dma_wait3A_1572 = arith.constant 0 : i32
      %dma_wait3A_1573 = arith.constant 1 : i32
      %dma_wait3A_1574 = arith.constant 0 : i32
      %dma_wait3A_1575 = tpu.memref_slice %arg5[%dma_wait3A_1572, %dma_wait3A_1573, %dma_wait3A_1574] : memref<4x2x128xi32, #tpu.memory_space<vmem>> -> memref<1x1x128xi32, #tpu.memory_space<vmem>>
      %dma_wait3A_1576 = tpu.memref_squeeze %dma_wait3A_1575 : memref<1x1x128xi32, #tpu.memory_space<vmem>> -> memref<128xi32, #tpu.memory_space<vmem>>
      %dma_wait3A_1577 = arith.constant 0 : i32
      %dma_wait3A_1578 = arith.constant 0 : i32
      %dma_wait3A_1579 = tpu.memref_slice %arg17[%dma_wait3A_1577, %dma_wait3A_1578] : memref<10240x128xf32, #tpu.memory_space<vmem_shared>> -> memref<10240x128xf32, #tpu.memory_space<vmem_shared>>
      tpu.wait_indirect_dma semaphore(%arg15 : memref<!tpu.dma_semaphore, #tpu.memory_space<semaphore_mem>>) src(%arg6 : memref<128x128xf32, #tpu.memory_space<vmem>>) dst(%dma_wait3A_1579 : memref<10240x128xf32, #tpu.memory_space<vmem_shared>>)
      %dma_start3A_1580 = arith.constant 1 : i32
      %dma_start3A_1581 = arith.constant 1 : i32
      %dma_start3A_1582 = arith.constant 0 : i32
      %dma_start3A_1583 = tpu.memref_slice %arg5[%dma_start3A_1580, %dma_start3A_1581, %dma_start3A_1582] : memref<4x2x128xi32, #tpu.memory_space<vmem>> -> memref<1x1x128xi32, #tpu.memory_space<vmem>>
      %dma_start3A_1584 = tpu.memref_squeeze %dma_start3A_1583 : memref<1x1x128xi32, #tpu.memory_space<vmem>> -> memref<128xi32, #tpu.memory_space<vmem>>
      %dma_start3A_1585 = arith.constant 0 : i32
      %dma_start3A_1586 = arith.constant 0 : i32
      %dma_start3A_1587 = tpu.memref_slice %arg17[%dma_start3A_1585, %dma_start3A_1586] : memref<10240x128xf32, #tpu.memory_space<vmem_shared>> -> memref<10240x128xf32, #tpu.memory_space<vmem_shared>>
      tpu.enqueue_indirect_dma source(%arg7 : memref<128x128xf32, #tpu.memory_space<vmem>>) target(%dma_start3A_1587 : memref<10240x128xf32, #tpu.memory_space<vmem_shared>>) offsets(%dma_start3A_1584 : memref<128xi32, #tpu.memory_space<vmem>>) semaphore(%arg16 : memref<!tpu.dma_semaphore, #tpu.memory_space<semaphore_mem>>) {add = true}
      %dma_wait3A_1588 = arith.constant 2 : i32
      %dma_wait3A_1589 = arith.constant 0 : i32
      %dma_wait3A_1590 = arith.constant 0 : i32
      %dma_wait3A_1591 = tpu.memref_slice %arg5[%dma_wait3A_1588, %dma_wait3A_1589, %dma_wait3A_1590] : memref<4x2x128xi32, #tpu.memory_space<vmem>> -> memref<1x2x128xi32, #tpu.memory_space<vmem>>
      %dma_wait3A_1592 = tpu.memref_squeeze %dma_wait3A_1591 : memref<1x2x128xi32, #tpu.memory_space<vmem>> -> memref<2x128xi32, #tpu.memory_space<vmem>>
      %dma_wait3A_1593 = arith.constant 0 : i32
      %dma_wait3A_1594 = arith.constant 0 : i32
      %dma_wait3A_1595 = tpu.memref_slice %arg2[%mul3A_930, %dma_wait3A_1593, %dma_wait3A_1594] : memref<2560x2x128xi32, #tpu.memory_space<hbm>> -> memref<1x2x128xi32, #tpu.memory_space<hbm>>
      %dma_wait3A_1596 = tpu.memref_squeeze %dma_wait3A_1595 : memref<1x2x128xi32, #tpu.memory_space<hbm>> -> memref<2x128xi32, #tpu.memory_space<hbm>>
      %dma_wait3A_1597 = arith.constant 0 : i32
      %dma_wait3A_1598 = arith.constant 0 : i32
      %dma_wait3A_1599 = tpu.memref_slice %arg5[%dma_wait3A_1588, %dma_wait3A_1597, %dma_wait3A_1598] : memref<4x2x128xi32, #tpu.memory_space<vmem>> -> memref<1x2x128xi32, #tpu.memory_space<vmem>>
      %dma_wait3A_1600 = tpu.memref_squeeze %dma_wait3A_1599 : memref<1x2x128xi32, #tpu.memory_space<vmem>> -> memref<2x128xi32, #tpu.memory_space<vmem>>
      %dma_wait3A_1601 = arith.constant 0 : i32
      %dma_wait3A_1602 = arith.constant 0 : i32
      %dma_wait3A_1603 = tpu.memref_slice %arg2[%mul3A_930, %dma_wait3A_1601, %dma_wait3A_1602] : memref<2560x2x128xi32, #tpu.memory_space<hbm>> -> memref<1x2x128xi32, #tpu.memory_space<hbm>>
      %dma_wait3A_1604 = tpu.memref_squeeze %dma_wait3A_1603 : memref<1x2x128xi32, #tpu.memory_space<hbm>> -> memref<2x128xi32, #tpu.memory_space<hbm>>
      tpu.wait_dma2 semaphore(%arg11 : memref<!tpu.dma_semaphore, #tpu.memory_space<semaphore_mem>>) src(%dma_wait3A_1604 : memref<2x128xi32, #tpu.memory_space<hbm>>) dst(%dma_wait3A_1600 : memref<2x128xi32, #tpu.memory_space<vmem>>)
      %dma_start3A_1605 = arith.constant 2 : i32
      %dma_start3A_1606 = arith.constant 0 : i32
      %dma_start3A_1607 = arith.constant 0 : i32
      %dma_start3A_1608 = tpu.memref_slice %arg5[%dma_start3A_1605, %dma_start3A_1606, %dma_start3A_1607] : memref<4x2x128xi32, #tpu.memory_space<vmem>> -> memref<1x1x128xi32, #tpu.memory_space<vmem>>
      %dma_start3A_1609 = tpu.memref_squeeze %dma_start3A_1608 : memref<1x1x128xi32, #tpu.memory_space<vmem>> -> memref<128xi32, #tpu.memory_space<vmem>>
      %dma_start3A_1610 = arith.constant 0 : i32
      %dma_start3A_1611 = arith.constant 0 : i32
      %dma_start3A_1612 = tpu.memref_slice %arg3[%dma_start3A_1610, %dma_start3A_1611] : memref<10000x128xf32, #tpu.memory_space<hbm>> -> memref<10000x128xf32, #tpu.memory_space<hbm>>
      tpu.enqueue_indirect_dma source(%dma_start3A_1612 : memref<10000x128xf32, #tpu.memory_space<hbm>>) target(%arg6 : memref<128x128xf32, #tpu.memory_space<vmem>>) offsets(%dma_start3A_1609 : memref<128xi32, #tpu.memory_space<vmem>>) semaphore(%arg13 : memref<!tpu.dma_semaphore, #tpu.memory_space<semaphore_mem>>)
      %add3A_1613 = arith.constant 2 : i32
      %add3A_1614 = arith.addi %add3A_1563, %add3A_1613 : i32
      %add3A_1615 = arith.addi %mul3A_930, %add3A_1614 : i32
      %dma_start3A_1616 = arith.constant 3 : i32
      %dma_start3A_1617 = arith.constant 0 : i32
      %dma_start3A_1618 = arith.constant 0 : i32
      %dma_start3A_1619 = tpu.memref_slice %arg5[%dma_start3A_1616, %dma_start3A_1617, %dma_start3A_1618] : memref<4x2x128xi32, #tpu.memory_space<vmem>> -> memref<1x2x128xi32, #tpu.memory_space<vmem>>
      %dma_start3A_1620 = tpu.memref_squeeze %dma_start3A_1619 : memref<1x2x128xi32, #tpu.memory_space<vmem>> -> memref<2x128xi32, #tpu.memory_space<vmem>>
      %dma_start3A_1621 = arith.constant 0 : i32
      %dma_start3A_1622 = arith.constant 0 : i32
      %dma_start3A_1623 = tpu.memref_slice %arg2[%add3A_1615, %dma_start3A_1621, %dma_start3A_1622] : memref<2560x2x128xi32, #tpu.memory_space<hbm>> -> memref<1x2x128xi32, #tpu.memory_space<hbm>>
      %dma_start3A_1624 = tpu.memref_squeeze %dma_start3A_1623 : memref<1x2x128xi32, #tpu.memory_space<hbm>> -> memref<2x128xi32, #tpu.memory_space<hbm>>
      %dma_start3A_1625 = arith.constant 0 : i32
      %dma_start3A_1626 = arith.constant 0 : i32
      %dma_start3A_1627 = tpu.memref_slice %arg5[%dma_start3A_1616, %dma_start3A_1625, %dma_start3A_1626] : memref<4x2x128xi32, #tpu.memory_space<vmem>> -> memref<1x2x128xi32, #tpu.memory_space<vmem>>
      %dma_start3A_1628 = tpu.memref_squeeze %dma_start3A_1627 : memref<1x2x128xi32, #tpu.memory_space<vmem>> -> memref<2x128xi32, #tpu.memory_space<vmem>>
      %dma_start3A_1629 = arith.constant 0 : i32
      %dma_start3A_1630 = arith.constant 0 : i32
      %dma_start3A_1631 = tpu.memref_slice %arg2[%add3A_1615, %dma_start3A_1629, %dma_start3A_1630] : memref<2560x2x128xi32, #tpu.memory_space<hbm>> -> memref<1x2x128xi32, #tpu.memory_space<hbm>>
      %dma_start3A_1632 = tpu.memref_squeeze %dma_start3A_1631 : memref<1x2x128xi32, #tpu.memory_space<hbm>> -> memref<2x128xi32, #tpu.memory_space<hbm>>
      tpu.enqueue_dma source(%dma_start3A_1632 : memref<2x128xi32, #tpu.memory_space<hbm>>) target(%dma_start3A_1628 : memref<2x128xi32, #tpu.memory_space<vmem>>) target_semaphore(%arg12 : memref<!tpu.dma_semaphore, #tpu.memory_space<semaphore_mem>>)
      %add3A_1633 = arith.constant 2 : i32
      %add3A_1634 = arith.addi %add3A_1490, %add3A_1633 : i32
      %dma_wait3A_1635 = arith.constant 0 : i32
      %dma_wait3A_1636 = arith.constant 0 : i32
      %dma_wait3A_1637 = arith.constant 0 : i32
      %dma_wait3A_1638 = tpu.memref_slice %arg5[%dma_wait3A_1635, %dma_wait3A_1636, %dma_wait3A_1637] : memref<4x2x128xi32, #tpu.memory_space<vmem>> -> memref<1x1x128xi32, #tpu.memory_space<vmem>>
      %dma_wait3A_1639 = tpu.memref_squeeze %dma_wait3A_1638 : memref<1x1x128xi32, #tpu.memory_space<vmem>> -> memref<128xi32, #tpu.memory_space<vmem>>
      %dma_wait3A_1640 = arith.constant 0 : i32
      %dma_wait3A_1641 = arith.constant 0 : i32
      %dma_wait3A_1642 = tpu.memref_slice %arg3[%dma_wait3A_1640, %dma_wait3A_1641] : memref<10000x128xf32, #tpu.memory_space<hbm>> -> memref<10000x128xf32, #tpu.memory_space<hbm>>
      tpu.wait_indirect_dma semaphore(%arg13 : memref<!tpu.dma_semaphore, #tpu.memory_space<semaphore_mem>>) src(%dma_wait3A_1642 : memref<10000x128xf32, #tpu.memory_space<hbm>>) dst(%arg6 : memref<128x128xf32, #tpu.memory_space<vmem>>)
      %dma_wait3A_1643 = arith.constant 0 : i32
      %dma_wait3A_1644 = arith.constant 1 : i32
      %dma_wait3A_1645 = arith.constant 0 : i32
      %dma_wait3A_1646 = tpu.memref_slice %arg5[%dma_wait3A_1643, %dma_wait3A_1644, %dma_wait3A_1645] : memref<4x2x128xi32, #tpu.memory_space<vmem>> -> memref<1x1x128xi32, #tpu.memory_space<vmem>>
      %dma_wait3A_1647 = tpu.memref_squeeze %dma_wait3A_1646 : memref<1x1x128xi32, #tpu.memory_space<vmem>> -> memref<128xi32, #tpu.memory_space<vmem>>
      %dma_wait3A_1648 = arith.constant 0 : i32
      %dma_wait3A_1649 = arith.constant 0 : i32
      %dma_wait3A_1650 = tpu.memref_slice %arg17[%dma_wait3A_1648, %dma_wait3A_1649] : memref<10240x128xf32, #tpu.memory_space<vmem_shared>> -> memref<10240x128xf32, #tpu.memory_space<vmem_shared>>
      tpu.wait_indirect_dma semaphore(%arg16 : memref<!tpu.dma_semaphore, #tpu.memory_space<semaphore_mem>>) src(%arg7 : memref<128x128xf32, #tpu.memory_space<vmem>>) dst(%dma_wait3A_1650 : memref<10240x128xf32, #tpu.memory_space<vmem_shared>>)
      %dma_start3A_1651 = arith.constant 2 : i32
      %dma_start3A_1652 = arith.constant 1 : i32
      %dma_start3A_1653 = arith.constant 0 : i32
      %dma_start3A_1654 = tpu.memref_slice %arg5[%dma_start3A_1651, %dma_start3A_1652, %dma_start3A_1653] : memref<4x2x128xi32, #tpu.memory_space<vmem>> -> memref<1x1x128xi32, #tpu.memory_space<vmem>>
      %dma_start3A_1655 = tpu.memref_squeeze %dma_start3A_1654 : memref<1x1x128xi32, #tpu.memory_space<vmem>> -> memref<128xi32, #tpu.memory_space<vmem>>
      %dma_start3A_1656 = arith.constant 0 : i32
      %dma_start3A_1657 = arith.constant 0 : i32
      %dma_start3A_1658 = tpu.memref_slice %arg17[%dma_start3A_1656, %dma_start3A_1657] : memref<10240x128xf32, #tpu.memory_space<vmem_shared>> -> memref<10240x128xf32, #tpu.memory_space<vmem_shared>>
      tpu.enqueue_indirect_dma source(%arg6 : memref<128x128xf32, #tpu.memory_space<vmem>>) target(%dma_start3A_1658 : memref<10240x128xf32, #tpu.memory_space<vmem_shared>>) offsets(%dma_start3A_1655 : memref<128xi32, #tpu.memory_space<vmem>>) semaphore(%arg15 : memref<!tpu.dma_semaphore, #tpu.memory_space<semaphore_mem>>) {add = true}
      %dma_wait3A_1659 = arith.constant 3 : i32
      %dma_wait3A_1660 = arith.constant 0 : i32
      %dma_wait3A_1661 = arith.constant 0 : i32
      %dma_wait3A_1662 = tpu.memref_slice %arg5[%dma_wait3A_1659, %dma_wait3A_1660, %dma_wait3A_1661] : memref<4x2x128xi32, #tpu.memory_space<vmem>> -> memref<1x2x128xi32, #tpu.memory_space<vmem>>
      %dma_wait3A_1663 = tpu.memref_squeeze %dma_wait3A_1662 : memref<1x2x128xi32, #tpu.memory_space<vmem>> -> memref<2x128xi32, #tpu.memory_space<vmem>>
      %dma_wait3A_1664 = arith.constant 0 : i32
      %dma_wait3A_1665 = arith.constant 0 : i32
      %dma_wait3A_1666 = tpu.memref_slice %arg2[%mul3A_930, %dma_wait3A_1664, %dma_wait3A_1665] : memref<2560x2x128xi32, #tpu.memory_space<hbm>> -> memref<1x2x128xi32, #tpu.memory_space<hbm>>
      %dma_wait3A_1667 = tpu.memref_squeeze %dma_wait3A_1666 : memref<1x2x128xi32, #tpu.memory_space<hbm>> -> memref<2x128xi32, #tpu.memory_space<hbm>>
      %dma_wait3A_1668 = arith.constant 0 : i32
      %dma_wait3A_1669 = arith.constant 0 : i32
      %dma_wait3A_1670 = tpu.memref_slice %arg5[%dma_wait3A_1659, %dma_wait3A_1668, %dma_wait3A_1669] : memref<4x2x128xi32, #tpu.memory_space<vmem>> -> memref<1x2x128xi32, #tpu.memory_space<vmem>>
      %dma_wait3A_1671 = tpu.memref_squeeze %dma_wait3A_1670 : memref<1x2x128xi32, #tpu.memory_space<vmem>> -> memref<2x128xi32, #tpu.memory_space<vmem>>
      %dma_wait3A_1672 = arith.constant 0 : i32
      %dma_wait3A_1673 = arith.constant 0 : i32
      %dma_wait3A_1674 = tpu.memref_slice %arg2[%mul3A_930, %dma_wait3A_1672, %dma_wait3A_1673] : memref<2560x2x128xi32, #tpu.memory_space<hbm>> -> memref<1x2x128xi32, #tpu.memory_space<hbm>>
      %dma_wait3A_1675 = tpu.memref_squeeze %dma_wait3A_1674 : memref<1x2x128xi32, #tpu.memory_space<hbm>> -> memref<2x128xi32, #tpu.memory_space<hbm>>
      tpu.wait_dma2 semaphore(%arg12 : memref<!tpu.dma_semaphore, #tpu.memory_space<semaphore_mem>>) src(%dma_wait3A_1675 : memref<2x128xi32, #tpu.memory_space<hbm>>) dst(%dma_wait3A_1671 : memref<2x128xi32, #tpu.memory_space<vmem>>)
      %dma_start3A_1676 = arith.constant 3 : i32
      %dma_start3A_1677 = arith.constant 0 : i32
      %dma_start3A_1678 = arith.constant 0 : i32
      %dma_start3A_1679 = tpu.memref_slice %arg5[%dma_start3A_1676, %dma_start3A_1677, %dma_start3A_1678] : memref<4x2x128xi32, #tpu.memory_space<vmem>> -> memref<1x1x128xi32, #tpu.memory_space<vmem>>
      %dma_start3A_1680 = tpu.memref_squeeze %dma_start3A_1679 : memref<1x1x128xi32, #tpu.memory_space<vmem>> -> memref<128xi32, #tpu.memory_space<vmem>>
      %dma_start3A_1681 = arith.constant 0 : i32
      %dma_start3A_1682 = arith.constant 0 : i32
      %dma_start3A_1683 = tpu.memref_slice %arg3[%dma_start3A_1681, %dma_start3A_1682] : memref<10000x128xf32, #tpu.memory_space<hbm>> -> memref<10000x128xf32, #tpu.memory_space<hbm>>
      tpu.enqueue_indirect_dma source(%dma_start3A_1683 : memref<10000x128xf32, #tpu.memory_space<hbm>>) target(%arg7 : memref<128x128xf32, #tpu.memory_space<vmem>>) offsets(%dma_start3A_1680 : memref<128xi32, #tpu.memory_space<vmem>>) semaphore(%arg14 : memref<!tpu.dma_semaphore, #tpu.memory_space<semaphore_mem>>)
      %add3A_1684 = arith.constant 2 : i32
      %add3A_1685 = arith.addi %add3A_1634, %add3A_1684 : i32
      %add3A_1686 = arith.addi %mul3A_930, %add3A_1685 : i32
      %dma_start3A_1687 = arith.constant 0 : i32
      %dma_start3A_1688 = arith.constant 0 : i32
      %dma_start3A_1689 = arith.constant 0 : i32
      %dma_start3A_1690 = tpu.memref_slice %arg5[%dma_start3A_1687, %dma_start3A_1688, %dma_start3A_1689] : memref<4x2x128xi32, #tpu.memory_space<vmem>> -> memref<1x2x128xi32, #tpu.memory_space<vmem>>
      %dma_start3A_1691 = tpu.memref_squeeze %dma_start3A_1690 : memref<1x2x128xi32, #tpu.memory_space<vmem>> -> memref<2x128xi32, #tpu.memory_space<vmem>>
      %dma_start3A_1692 = arith.constant 0 : i32
      %dma_start3A_1693 = arith.constant 0 : i32
      %dma_start3A_1694 = tpu.memref_slice %arg2[%add3A_1686, %dma_start3A_1692, %dma_start3A_1693] : memref<2560x2x128xi32, #tpu.memory_space<hbm>> -> memref<1x2x128xi32, #tpu.memory_space<hbm>>
      %dma_start3A_1695 = tpu.memref_squeeze %dma_start3A_1694 : memref<1x2x128xi32, #tpu.memory_space<hbm>> -> memref<2x128xi32, #tpu.memory_space<hbm>>
      %dma_start3A_1696 = arith.constant 0 : i32
      %dma_start3A_1697 = arith.constant 0 : i32
      %dma_start3A_1698 = tpu.memref_slice %arg5[%dma_start3A_1687, %dma_start3A_1696, %dma_start3A_1697] : memref<4x2x128xi32, #tpu.memory_space<vmem>> -> memref<1x2x128xi32, #tpu.memory_space<vmem>>
      %dma_start3A_1699 = tpu.memref_squeeze %dma_start3A_1698 : memref<1x2x128xi32, #tpu.memory_space<vmem>> -> memref<2x128xi32, #tpu.memory_space<vmem>>
      %dma_start3A_1700 = arith.constant 0 : i32
      %dma_start3A_1701 = arith.constant 0 : i32
      %dma_start3A_1702 = tpu.memref_slice %arg2[%add3A_1686, %dma_start3A_1700, %dma_start3A_1701] : memref<2560x2x128xi32, #tpu.memory_space<hbm>> -> memref<1x2x128xi32, #tpu.memory_space<hbm>>
      %dma_start3A_1703 = tpu.memref_squeeze %dma_start3A_1702 : memref<1x2x128xi32, #tpu.memory_space<hbm>> -> memref<2x128xi32, #tpu.memory_space<hbm>>
      tpu.enqueue_dma source(%dma_start3A_1703 : memref<2x128xi32, #tpu.memory_space<hbm>>) target(%dma_start3A_1699 : memref<2x128xi32, #tpu.memory_space<vmem>>) target_semaphore(%arg9 : memref<!tpu.dma_semaphore, #tpu.memory_space<semaphore_mem>>)
      %add3A_1704 = arith.constant 3 : i32
      %add3A_1705 = arith.addi %add3A_1490, %add3A_1704 : i32
      %dma_wait3A_1706 = arith.constant 0 : i32
      %dma_wait3A_1707 = arith.constant 0 : i32
      %dma_wait3A_1708 = arith.constant 0 : i32
      %dma_wait3A_1709 = tpu.memref_slice %arg5[%dma_wait3A_1706, %dma_wait3A_1707, %dma_wait3A_1708] : memref<4x2x128xi32, #tpu.memory_space<vmem>> -> memref<1x1x128xi32, #tpu.memory_space<vmem>>
      %dma_wait3A_1710 = tpu.memref_squeeze %dma_wait3A_1709 : memref<1x1x128xi32, #tpu.memory_space<vmem>> -> memref<128xi32, #tpu.memory_space<vmem>>
      %dma_wait3A_1711 = arith.constant 0 : i32
      %dma_wait3A_1712 = arith.constant 0 : i32
      %dma_wait3A_1713 = tpu.memref_slice %arg3[%dma_wait3A_1711, %dma_wait3A_1712] : memref<10000x128xf32, #tpu.memory_space<hbm>> -> memref<10000x128xf32, #tpu.memory_space<hbm>>
      tpu.wait_indirect_dma semaphore(%arg14 : memref<!tpu.dma_semaphore, #tpu.memory_space<semaphore_mem>>) src(%dma_wait3A_1713 : memref<10000x128xf32, #tpu.memory_space<hbm>>) dst(%arg7 : memref<128x128xf32, #tpu.memory_space<vmem>>)
      %dma_wait3A_1714 = arith.constant 0 : i32
      %dma_wait3A_1715 = arith.constant 1 : i32
      %dma_wait3A_1716 = arith.constant 0 : i32
      %dma_wait3A_1717 = tpu.memref_slice %arg5[%dma_wait3A_1714, %dma_wait3A_1715, %dma_wait3A_1716] : memref<4x2x128xi32, #tpu.memory_space<vmem>> -> memref<1x1x128xi32, #tpu.memory_space<vmem>>
      %dma_wait3A_1718 = tpu.memref_squeeze %dma_wait3A_1717 : memref<1x1x128xi32, #tpu.memory_space<vmem>> -> memref<128xi32, #tpu.memory_space<vmem>>
      %dma_wait3A_1719 = arith.constant 0 : i32
      %dma_wait3A_1720 = arith.constant 0 : i32
      %dma_wait3A_1721 = tpu.memref_slice %arg17[%dma_wait3A_1719, %dma_wait3A_1720] : memref<10240x128xf32, #tpu.memory_space<vmem_shared>> -> memref<10240x128xf32, #tpu.memory_space<vmem_shared>>
      tpu.wait_indirect_dma semaphore(%arg15 : memref<!tpu.dma_semaphore, #tpu.memory_space<semaphore_mem>>) src(%arg6 : memref<128x128xf32, #tpu.memory_space<vmem>>) dst(%dma_wait3A_1721 : memref<10240x128xf32, #tpu.memory_space<vmem_shared>>)
      %dma_start3A_1722 = arith.constant 3 : i32
      %dma_start3A_1723 = arith.constant 1 : i32
      %dma_start3A_1724 = arith.constant 0 : i32
      %dma_start3A_1725 = tpu.memref_slice %arg5[%dma_start3A_1722, %dma_start3A_1723, %dma_start3A_1724] : memref<4x2x128xi32, #tpu.memory_space<vmem>> -> memref<1x1x128xi32, #tpu.memory_space<vmem>>
      %dma_start3A_1726 = tpu.memref_squeeze %dma_start3A_1725 : memref<1x1x128xi32, #tpu.memory_space<vmem>> -> memref<128xi32, #tpu.memory_space<vmem>>
      %dma_start3A_1727 = arith.constant 0 : i32
      %dma_start3A_1728 = arith.constant 0 : i32
      %dma_start3A_1729 = tpu.memref_slice %arg17[%dma_start3A_1727, %dma_start3A_1728] : memref<10240x128xf32, #tpu.memory_space<vmem_shared>> -> memref<10240x128xf32, #tpu.memory_space<vmem_shared>>
      tpu.enqueue_indirect_dma source(%arg7 : memref<128x128xf32, #tpu.memory_space<vmem>>) target(%dma_start3A_1729 : memref<10240x128xf32, #tpu.memory_space<vmem_shared>>) offsets(%dma_start3A_1726 : memref<128xi32, #tpu.memory_space<vmem>>) semaphore(%arg16 : memref<!tpu.dma_semaphore, #tpu.memory_space<semaphore_mem>>) {add = true}
      %dma_wait3A_1730 = arith.constant 0 : i32
      %dma_wait3A_1731 = arith.constant 0 : i32
      %dma_wait3A_1732 = arith.constant 0 : i32
      %dma_wait3A_1733 = tpu.memref_slice %arg5[%dma_wait3A_1730, %dma_wait3A_1731, %dma_wait3A_1732] : memref<4x2x128xi32, #tpu.memory_space<vmem>> -> memref<1x2x128xi32, #tpu.memory_space<vmem>>
      %dma_wait3A_1734 = tpu.memref_squeeze %dma_wait3A_1733 : memref<1x2x128xi32, #tpu.memory_space<vmem>> -> memref<2x128xi32, #tpu.memory_space<vmem>>
      %dma_wait3A_1735 = arith.constant 0 : i32
      %dma_wait3A_1736 = arith.constant 0 : i32
      %dma_wait3A_1737 = tpu.memref_slice %arg2[%mul3A_930, %dma_wait3A_1735, %dma_wait3A_1736] : memref<2560x2x128xi32, #tpu.memory_space<hbm>> -> memref<1x2x128xi32, #tpu.memory_space<hbm>>
      %dma_wait3A_1738 = tpu.memref_squeeze %dma_wait3A_1737 : memref<1x2x128xi32, #tpu.memory_space<hbm>> -> memref<2x128xi32, #tpu.memory_space<hbm>>
      %dma_wait3A_1739 = arith.constant 0 : i32
      %dma_wait3A_1740 = arith.constant 0 : i32
      %dma_wait3A_1741 = tpu.memref_slice %arg5[%dma_wait3A_1730, %dma_wait3A_1739, %dma_wait3A_1740] : memref<4x2x128xi32, #tpu.memory_space<vmem>> -> memref<1x2x128xi32, #tpu.memory_space<vmem>>
      %dma_wait3A_1742 = tpu.memref_squeeze %dma_wait3A_1741 : memref<1x2x128xi32, #tpu.memory_space<vmem>> -> memref<2x128xi32, #tpu.memory_space<vmem>>
      %dma_wait3A_1743 = arith.constant 0 : i32
      %dma_wait3A_1744 = arith.constant 0 : i32
      %dma_wait3A_1745 = tpu.memref_slice %arg2[%mul3A_930, %dma_wait3A_1743, %dma_wait3A_1744] : memref<2560x2x128xi32, #tpu.memory_space<hbm>> -> memref<1x2x128xi32, #tpu.memory_space<hbm>>
      %dma_wait3A_1746 = tpu.memref_squeeze %dma_wait3A_1745 : memref<1x2x128xi32, #tpu.memory_space<hbm>> -> memref<2x128xi32, #tpu.memory_space<hbm>>
      tpu.wait_dma2 semaphore(%arg9 : memref<!tpu.dma_semaphore, #tpu.memory_space<semaphore_mem>>) src(%dma_wait3A_1746 : memref<2x128xi32, #tpu.memory_space<hbm>>) dst(%dma_wait3A_1742 : memref<2x128xi32, #tpu.memory_space<vmem>>)
      %dma_start3A_1747 = arith.constant 0 : i32
      %dma_start3A_1748 = arith.constant 0 : i32
      %dma_start3A_1749 = arith.constant 0 : i32
      %dma_start3A_1750 = tpu.memref_slice %arg5[%dma_start3A_1747, %dma_start3A_1748, %dma_start3A_1749] : memref<4x2x128xi32, #tpu.memory_space<vmem>> -> memref<1x1x128xi32, #tpu.memory_space<vmem>>
      %dma_start3A_1751 = tpu.memref_squeeze %dma_start3A_1750 : memref<1x1x128xi32, #tpu.memory_space<vmem>> -> memref<128xi32, #tpu.memory_space<vmem>>
      %dma_start3A_1752 = arith.constant 0 : i32
      %dma_start3A_1753 = arith.constant 0 : i32
      %dma_start3A_1754 = tpu.memref_slice %arg3[%dma_start3A_1752, %dma_start3A_1753] : memref<10000x128xf32, #tpu.memory_space<hbm>> -> memref<10000x128xf32, #tpu.memory_space<hbm>>
      tpu.enqueue_indirect_dma source(%dma_start3A_1754 : memref<10000x128xf32, #tpu.memory_space<hbm>>) target(%arg6 : memref<128x128xf32, #tpu.memory_space<vmem>>) offsets(%dma_start3A_1751 : memref<128xi32, #tpu.memory_space<vmem>>) semaphore(%arg13 : memref<!tpu.dma_semaphore, #tpu.memory_space<semaphore_mem>>)
      %add3A_1755 = arith.constant 2 : i32
      %add3A_1756 = arith.addi %add3A_1705, %add3A_1755 : i32
      %add3A_1757 = arith.addi %mul3A_930, %add3A_1756 : i32
      %dma_start3A_1758 = arith.constant 1 : i32
      %dma_start3A_1759 = arith.constant 0 : i32
      %dma_start3A_1760 = arith.constant 0 : i32
      %dma_start3A_1761 = tpu.memref_slice %arg5[%dma_start3A_1758, %dma_start3A_1759, %dma_start3A_1760] : memref<4x2x128xi32, #tpu.memory_space<vmem>> -> memref<1x2x128xi32, #tpu.memory_space<vmem>>
      %dma_start3A_1762 = tpu.memref_squeeze %dma_start3A_1761 : memref<1x2x128xi32, #tpu.memory_space<vmem>> -> memref<2x128xi32, #tpu.memory_space<vmem>>
      %dma_start3A_1763 = arith.constant 0 : i32
      %dma_start3A_1764 = arith.constant 0 : i32
      %dma_start3A_1765 = tpu.memref_slice %arg2[%add3A_1757, %dma_start3A_1763, %dma_start3A_1764] : memref<2560x2x128xi32, #tpu.memory_space<hbm>> -> memref<1x2x128xi32, #tpu.memory_space<hbm>>
      %dma_start3A_1766 = tpu.memref_squeeze %dma_start3A_1765 : memref<1x2x128xi32, #tpu.memory_space<hbm>> -> memref<2x128xi32, #tpu.memory_space<hbm>>
      %dma_start3A_1767 = arith.constant 0 : i32
      %dma_start3A_1768 = arith.constant 0 : i32
      %dma_start3A_1769 = tpu.memref_slice %arg5[%dma_start3A_1758, %dma_start3A_1767, %dma_start3A_1768] : memref<4x2x128xi32, #tpu.memory_space<vmem>> -> memref<1x2x128xi32, #tpu.memory_space<vmem>>
      %dma_start3A_1770 = tpu.memref_squeeze %dma_start3A_1769 : memref<1x2x128xi32, #tpu.memory_space<vmem>> -> memref<2x128xi32, #tpu.memory_space<vmem>>
      %dma_start3A_1771 = arith.constant 0 : i32
      %dma_start3A_1772 = arith.constant 0 : i32
      %dma_start3A_1773 = tpu.memref_slice %arg2[%add3A_1757, %dma_start3A_1771, %dma_start3A_1772] : memref<2560x2x128xi32, #tpu.memory_space<hbm>> -> memref<1x2x128xi32, #tpu.memory_space<hbm>>
      %dma_start3A_1774 = tpu.memref_squeeze %dma_start3A_1773 : memref<1x2x128xi32, #tpu.memory_space<hbm>> -> memref<2x128xi32, #tpu.memory_space<hbm>>
      tpu.enqueue_dma source(%dma_start3A_1774 : memref<2x128xi32, #tpu.memory_space<hbm>>) target(%dma_start3A_1770 : memref<2x128xi32, #tpu.memory_space<vmem>>) target_semaphore(%arg10 : memref<!tpu.dma_semaphore, #tpu.memory_space<semaphore_mem>>)
    }
    %scan3A_1260 = arith.constant 18 : i32
    %dma_wait3A_1261 = arith.constant 0 : i32
    %dma_wait3A_1262 = arith.constant 0 : i32
    %dma_wait3A_1263 = arith.constant 0 : i32
    %dma_wait3A_1264 = tpu.memref_slice %arg5[%dma_wait3A_1261, %dma_wait3A_1262, %dma_wait3A_1263] : memref<4x2x128xi32, #tpu.memory_space<vmem>> -> memref<1x1x128xi32, #tpu.memory_space<vmem>>
    %dma_wait3A_1265 = tpu.memref_squeeze %dma_wait3A_1264 : memref<1x1x128xi32, #tpu.memory_space<vmem>> -> memref<128xi32, #tpu.memory_space<vmem>>
    %dma_wait3A_1266 = arith.constant 0 : i32
    %dma_wait3A_1267 = arith.constant 0 : i32
    %dma_wait3A_1268 = tpu.memref_slice %arg3[%dma_wait3A_1266, %dma_wait3A_1267] : memref<10000x128xf32, #tpu.memory_space<hbm>> -> memref<10000x128xf32, #tpu.memory_space<hbm>>
    tpu.wait_indirect_dma semaphore(%arg13 : memref<!tpu.dma_semaphore, #tpu.memory_space<semaphore_mem>>) src(%dma_wait3A_1268 : memref<10000x128xf32, #tpu.memory_space<hbm>>) dst(%arg6 : memref<128x128xf32, #tpu.memory_space<vmem>>)
    %dma_wait3A_1269 = arith.constant 0 : i32
    %dma_wait3A_1270 = arith.constant 1 : i32
    %dma_wait3A_1271 = arith.constant 0 : i32
    %dma_wait3A_1272 = tpu.memref_slice %arg5[%dma_wait3A_1269, %dma_wait3A_1270, %dma_wait3A_1271] : memref<4x2x128xi32, #tpu.memory_space<vmem>> -> memref<1x1x128xi32, #tpu.memory_space<vmem>>
    %dma_wait3A_1273 = tpu.memref_squeeze %dma_wait3A_1272 : memref<1x1x128xi32, #tpu.memory_space<vmem>> -> memref<128xi32, #tpu.memory_space<vmem>>
    %dma_wait3A_1274 = arith.constant 0 : i32
    %dma_wait3A_1275 = arith.constant 0 : i32
    %dma_wait3A_1276 = tpu.memref_slice %arg17[%dma_wait3A_1274, %dma_wait3A_1275] : memref<10240x128xf32, #tpu.memory_space<vmem_shared>> -> memref<10240x128xf32, #tpu.memory_space<vmem_shared>>
    tpu.wait_indirect_dma semaphore(%arg16 : memref<!tpu.dma_semaphore, #tpu.memory_space<semaphore_mem>>) src(%arg7 : memref<128x128xf32, #tpu.memory_space<vmem>>) dst(%dma_wait3A_1276 : memref<10240x128xf32, #tpu.memory_space<vmem_shared>>)
    %dma_start3A_1277 = arith.constant 0 : i32
    %dma_start3A_1278 = arith.constant 1 : i32
    %dma_start3A_1279 = arith.constant 0 : i32
    %dma_start3A_1280 = tpu.memref_slice %arg5[%dma_start3A_1277, %dma_start3A_1278, %dma_start3A_1279] : memref<4x2x128xi32, #tpu.memory_space<vmem>> -> memref<1x1x128xi32, #tpu.memory_space<vmem>>
    %dma_start3A_1281 = tpu.memref_squeeze %dma_start3A_1280 : memref<1x1x128xi32, #tpu.memory_space<vmem>> -> memref<128xi32, #tpu.memory_space<vmem>>
    %dma_start3A_1282 = arith.constant 0 : i32
    %dma_start3A_1283 = arith.constant 0 : i32
    %dma_start3A_1284 = tpu.memref_slice %arg17[%dma_start3A_1282, %dma_start3A_1283] : memref<10240x128xf32, #tpu.memory_space<vmem_shared>> -> memref<10240x128xf32, #tpu.memory_space<vmem_shared>>
    tpu.enqueue_indirect_dma source(%arg6 : memref<128x128xf32, #tpu.memory_space<vmem>>) target(%dma_start3A_1284 : memref<10240x128xf32, #tpu.memory_space<vmem_shared>>) offsets(%dma_start3A_1281 : memref<128xi32, #tpu.memory_space<vmem>>) semaphore(%arg15 : memref<!tpu.dma_semaphore, #tpu.memory_space<semaphore_mem>>) {add = true}
    %dma_wait3A_1285 = arith.constant 1 : i32
    %dma_wait3A_1286 = arith.constant 0 : i32
    %dma_wait3A_1287 = arith.constant 0 : i32
    %dma_wait3A_1288 = tpu.memref_slice %arg5[%dma_wait3A_1285, %dma_wait3A_1286, %dma_wait3A_1287] : memref<4x2x128xi32, #tpu.memory_space<vmem>> -> memref<1x2x128xi32, #tpu.memory_space<vmem>>
    %dma_wait3A_1289 = tpu.memref_squeeze %dma_wait3A_1288 : memref<1x2x128xi32, #tpu.memory_space<vmem>> -> memref<2x128xi32, #tpu.memory_space<vmem>>
    %dma_wait3A_1290 = arith.constant 0 : i32
    %dma_wait3A_1291 = arith.constant 0 : i32
    %dma_wait3A_1292 = tpu.memref_slice %arg2[%mul3A_930, %dma_wait3A_1290, %dma_wait3A_1291] : memref<2560x2x128xi32, #tpu.memory_space<hbm>> -> memref<1x2x128xi32, #tpu.memory_space<hbm>>
    %dma_wait3A_1293 = tpu.memref_squeeze %dma_wait3A_1292 : memref<1x2x128xi32, #tpu.memory_space<hbm>> -> memref<2x128xi32, #tpu.memory_space<hbm>>
    %dma_wait3A_1294 = arith.constant 0 : i32
    %dma_wait3A_1295 = arith.constant 0 : i32
    %dma_wait3A_1296 = tpu.memref_slice %arg5[%dma_wait3A_1285, %dma_wait3A_1294, %dma_wait3A_1295] : memref<4x2x128xi32, #tpu.memory_space<vmem>> -> memref<1x2x128xi32, #tpu.memory_space<vmem>>
    %dma_wait3A_1297 = tpu.memref_squeeze %dma_wait3A_1296 : memref<1x2x128xi32, #tpu.memory_space<vmem>> -> memref<2x128xi32, #tpu.memory_space<vmem>>
    %dma_wait3A_1298 = arith.constant 0 : i32
    %dma_wait3A_1299 = arith.constant 0 : i32
    %dma_wait3A_1300 = tpu.memref_slice %arg2[%mul3A_930, %dma_wait3A_1298, %dma_wait3A_1299] : memref<2560x2x128xi32, #tpu.memory_space<hbm>> -> memref<1x2x128xi32, #tpu.memory_space<hbm>>
    %dma_wait3A_1301 = tpu.memref_squeeze %dma_wait3A_1300 : memref<1x2x128xi32, #tpu.memory_space<hbm>> -> memref<2x128xi32, #tpu.memory_space<hbm>>
    tpu.wait_dma2 semaphore(%arg10 : memref<!tpu.dma_semaphore, #tpu.memory_space<semaphore_mem>>) src(%dma_wait3A_1301 : memref<2x128xi32, #tpu.memory_space<hbm>>) dst(%dma_wait3A_1297 : memref<2x128xi32, #tpu.memory_space<vmem>>)
    %dma_start3A_1302 = arith.constant 1 : i32
    %dma_start3A_1303 = arith.constant 0 : i32
    %dma_start3A_1304 = arith.constant 0 : i32
    %dma_start3A_1305 = tpu.memref_slice %arg5[%dma_start3A_1302, %dma_start3A_1303, %dma_start3A_1304] : memref<4x2x128xi32, #tpu.memory_space<vmem>> -> memref<1x1x128xi32, #tpu.memory_space<vmem>>
    %dma_start3A_1306 = tpu.memref_squeeze %dma_start3A_1305 : memref<1x1x128xi32, #tpu.memory_space<vmem>> -> memref<128xi32, #tpu.memory_space<vmem>>
    %dma_start3A_1307 = arith.constant 0 : i32
    %dma_start3A_1308 = arith.constant 0 : i32
    %dma_start3A_1309 = tpu.memref_slice %arg3[%dma_start3A_1307, %dma_start3A_1308] : memref<10000x128xf32, #tpu.memory_space<hbm>> -> memref<10000x128xf32, #tpu.memory_space<hbm>>
    tpu.enqueue_indirect_dma source(%dma_start3A_1309 : memref<10000x128xf32, #tpu.memory_space<hbm>>) target(%arg7 : memref<128x128xf32, #tpu.memory_space<vmem>>) offsets(%dma_start3A_1306 : memref<128xi32, #tpu.memory_space<vmem>>) semaphore(%arg14 : memref<!tpu.dma_semaphore, #tpu.memory_space<semaphore_mem>>)
    %add3A_1310 = arith.constant 78 : i32
    %add3A_1311 = arith.addi %mul3A_930, %add3A_1310 : i32
    %dma_start3A_1312 = arith.constant 2 : i32
    %dma_start3A_1313 = arith.constant 0 : i32
    %dma_start3A_1314 = arith.constant 0 : i32
    %dma_start3A_1315 = tpu.memref_slice %arg5[%dma_start3A_1312, %dma_start3A_1313, %dma_start3A_1314] : memref<4x2x128xi32, #tpu.memory_space<vmem>> -> memref<1x2x128xi32, #tpu.memory_space<vmem>>
    %dma_start3A_1316 = tpu.memref_squeeze %dma_start3A_1315 : memref<1x2x128xi32, #tpu.memory_space<vmem>> -> memref<2x128xi32, #tpu.memory_space<vmem>>
    %dma_start3A_1317 = arith.constant 0 : i32
    %dma_start3A_1318 = arith.constant 0 : i32
    %dma_start3A_1319 = tpu.memref_slice %arg2[%add3A_1311, %dma_start3A_1317, %dma_start3A_1318] : memref<2560x2x128xi32, #tpu.memory_space<hbm>> -> memref<1x2x128xi32, #tpu.memory_space<hbm>>
    %dma_start3A_1320 = tpu.memref_squeeze %dma_start3A_1319 : memref<1x2x128xi32, #tpu.memory_space<hbm>> -> memref<2x128xi32, #tpu.memory_space<hbm>>
    %dma_start3A_1321 = arith.constant 0 : i32
    %dma_start3A_1322 = arith.constant 0 : i32
    %dma_start3A_1323 = tpu.memref_slice %arg5[%dma_start3A_1312, %dma_start3A_1321, %dma_start3A_1322] : memref<4x2x128xi32, #tpu.memory_space<vmem>> -> memref<1x2x128xi32, #tpu.memory_space<vmem>>
    %dma_start3A_1324 = tpu.memref_squeeze %dma_start3A_1323 : memref<1x2x128xi32, #tpu.memory_space<vmem>> -> memref<2x128xi32, #tpu.memory_space<vmem>>
    %dma_start3A_1325 = arith.constant 0 : i32
    %dma_start3A_1326 = arith.constant 0 : i32
    %dma_start3A_1327 = tpu.memref_slice %arg2[%add3A_1311, %dma_start3A_1325, %dma_start3A_1326] : memref<2560x2x128xi32, #tpu.memory_space<hbm>> -> memref<1x2x128xi32, #tpu.memory_space<hbm>>
    %dma_start3A_1328 = tpu.memref_squeeze %dma_start3A_1327 : memref<1x2x128xi32, #tpu.memory_space<hbm>> -> memref<2x128xi32, #tpu.memory_space<hbm>>
    tpu.enqueue_dma source(%dma_start3A_1328 : memref<2x128xi32, #tpu.memory_space<hbm>>) target(%dma_start3A_1324 : memref<2x128xi32, #tpu.memory_space<vmem>>) target_semaphore(%arg11 : memref<!tpu.dma_semaphore, #tpu.memory_space<semaphore_mem>>)
    %dma_wait3A_1329 = arith.constant 0 : i32
    %dma_wait3A_1330 = arith.constant 0 : i32
    %dma_wait3A_1331 = arith.constant 0 : i32
    %dma_wait3A_1332 = tpu.memref_slice %arg5[%dma_wait3A_1329, %dma_wait3A_1330, %dma_wait3A_1331] : memref<4x2x128xi32, #tpu.memory_space<vmem>> -> memref<1x1x128xi32, #tpu.memory_space<vmem>>
    %dma_wait3A_1333 = tpu.memref_squeeze %dma_wait3A_1332 : memref<1x1x128xi32, #tpu.memory_space<vmem>> -> memref<128xi32, #tpu.memory_space<vmem>>
    %dma_wait3A_1334 = arith.constant 0 : i32
    %dma_wait3A_1335 = arith.constant 0 : i32
    %dma_wait3A_1336 = tpu.memref_slice %arg3[%dma_wait3A_1334, %dma_wait3A_1335] : memref<10000x128xf32, #tpu.memory_space<hbm>> -> memref<10000x128xf32, #tpu.memory_space<hbm>>
    tpu.wait_indirect_dma semaphore(%arg14 : memref<!tpu.dma_semaphore, #tpu.memory_space<semaphore_mem>>) src(%dma_wait3A_1336 : memref<10000x128xf32, #tpu.memory_space<hbm>>) dst(%arg7 : memref<128x128xf32, #tpu.memory_space<vmem>>)
    %dma_wait3A_1337 = arith.constant 0 : i32
    %dma_wait3A_1338 = arith.constant 1 : i32
    %dma_wait3A_1339 = arith.constant 0 : i32
    %dma_wait3A_1340 = tpu.memref_slice %arg5[%dma_wait3A_1337, %dma_wait3A_1338, %dma_wait3A_1339] : memref<4x2x128xi32, #tpu.memory_space<vmem>> -> memref<1x1x128xi32, #tpu.memory_space<vmem>>
    %dma_wait3A_1341 = tpu.memref_squeeze %dma_wait3A_1340 : memref<1x1x128xi32, #tpu.memory_space<vmem>> -> memref<128xi32, #tpu.memory_space<vmem>>
    %dma_wait3A_1342 = arith.constant 0 : i32
    %dma_wait3A_1343 = arith.constant 0 : i32
    %dma_wait3A_1344 = tpu.memref_slice %arg17[%dma_wait3A_1342, %dma_wait3A_1343] : memref<10240x128xf32, #tpu.memory_space<vmem_shared>> -> memref<10240x128xf32, #tpu.memory_space<vmem_shared>>
    tpu.wait_indirect_dma semaphore(%arg15 : memref<!tpu.dma_semaphore, #tpu.memory_space<semaphore_mem>>) src(%arg6 : memref<128x128xf32, #tpu.memory_space<vmem>>) dst(%dma_wait3A_1344 : memref<10240x128xf32, #tpu.memory_space<vmem_shared>>)
    %dma_start3A_1345 = arith.constant 1 : i32
    %dma_start3A_1346 = arith.constant 1 : i32
    %dma_start3A_1347 = arith.constant 0 : i32
    %dma_start3A_1348 = tpu.memref_slice %arg5[%dma_start3A_1345, %dma_start3A_1346, %dma_start3A_1347] : memref<4x2x128xi32, #tpu.memory_space<vmem>> -> memref<1x1x128xi32, #tpu.memory_space<vmem>>
    %dma_start3A_1349 = tpu.memref_squeeze %dma_start3A_1348 : memref<1x1x128xi32, #tpu.memory_space<vmem>> -> memref<128xi32, #tpu.memory_space<vmem>>
    %dma_start3A_1350 = arith.constant 0 : i32
    %dma_start3A_1351 = arith.constant 0 : i32
    %dma_start3A_1352 = tpu.memref_slice %arg17[%dma_start3A_1350, %dma_start3A_1351] : memref<10240x128xf32, #tpu.memory_space<vmem_shared>> -> memref<10240x128xf32, #tpu.memory_space<vmem_shared>>
    tpu.enqueue_indirect_dma source(%arg7 : memref<128x128xf32, #tpu.memory_space<vmem>>) target(%dma_start3A_1352 : memref<10240x128xf32, #tpu.memory_space<vmem_shared>>) offsets(%dma_start3A_1349 : memref<128xi32, #tpu.memory_space<vmem>>) semaphore(%arg16 : memref<!tpu.dma_semaphore, #tpu.memory_space<semaphore_mem>>) {add = true}
    %dma_wait3A_1353 = arith.constant 2 : i32
    %dma_wait3A_1354 = arith.constant 0 : i32
    %dma_wait3A_1355 = arith.constant 0 : i32
    %dma_wait3A_1356 = tpu.memref_slice %arg5[%dma_wait3A_1353, %dma_wait3A_1354, %dma_wait3A_1355] : memref<4x2x128xi32, #tpu.memory_space<vmem>> -> memref<1x2x128xi32, #tpu.memory_space<vmem>>
    %dma_wait3A_1357 = tpu.memref_squeeze %dma_wait3A_1356 : memref<1x2x128xi32, #tpu.memory_space<vmem>> -> memref<2x128xi32, #tpu.memory_space<vmem>>
    %dma_wait3A_1358 = arith.constant 0 : i32
    %dma_wait3A_1359 = arith.constant 0 : i32
    %dma_wait3A_1360 = tpu.memref_slice %arg2[%mul3A_930, %dma_wait3A_1358, %dma_wait3A_1359] : memref<2560x2x128xi32, #tpu.memory_space<hbm>> -> memref<1x2x128xi32, #tpu.memory_space<hbm>>
    %dma_wait3A_1361 = tpu.memref_squeeze %dma_wait3A_1360 : memref<1x2x128xi32, #tpu.memory_space<hbm>> -> memref<2x128xi32, #tpu.memory_space<hbm>>
    %dma_wait3A_1362 = arith.constant 0 : i32
    %dma_wait3A_1363 = arith.constant 0 : i32
    %dma_wait3A_1364 = tpu.memref_slice %arg5[%dma_wait3A_1353, %dma_wait3A_1362, %dma_wait3A_1363] : memref<4x2x128xi32, #tpu.memory_space<vmem>> -> memref<1x2x128xi32, #tpu.memory_space<vmem>>
    %dma_wait3A_1365 = tpu.memref_squeeze %dma_wait3A_1364 : memref<1x2x128xi32, #tpu.memory_space<vmem>> -> memref<2x128xi32, #tpu.memory_space<vmem>>
    %dma_wait3A_1366 = arith.constant 0 : i32
    %dma_wait3A_1367 = arith.constant 0 : i32
    %dma_wait3A_1368 = tpu.memref_slice %arg2[%mul3A_930, %dma_wait3A_1366, %dma_wait3A_1367] : memref<2560x2x128xi32, #tpu.memory_space<hbm>> -> memref<1x2x128xi32, #tpu.memory_space<hbm>>
    %dma_wait3A_1369 = tpu.memref_squeeze %dma_wait3A_1368 : memref<1x2x128xi32, #tpu.memory_space<hbm>> -> memref<2x128xi32, #tpu.memory_space<hbm>>
    tpu.wait_dma2 semaphore(%arg11 : memref<!tpu.dma_semaphore, #tpu.memory_space<semaphore_mem>>) src(%dma_wait3A_1369 : memref<2x128xi32, #tpu.memory_space<hbm>>) dst(%dma_wait3A_1365 : memref<2x128xi32, #tpu.memory_space<vmem>>)
    %dma_start3A_1370 = arith.constant 2 : i32
    %dma_start3A_1371 = arith.constant 0 : i32
    %dma_start3A_1372 = arith.constant 0 : i32
    %dma_start3A_1373 = tpu.memref_slice %arg5[%dma_start3A_1370, %dma_start3A_1371, %dma_start3A_1372] : memref<4x2x128xi32, #tpu.memory_space<vmem>> -> memref<1x1x128xi32, #tpu.memory_space<vmem>>
    %dma_start3A_1374 = tpu.memref_squeeze %dma_start3A_1373 : memref<1x1x128xi32, #tpu.memory_space<vmem>> -> memref<128xi32, #tpu.memory_space<vmem>>
    %dma_start3A_1375 = arith.constant 0 : i32
    %dma_start3A_1376 = arith.constant 0 : i32
    %dma_start3A_1377 = tpu.memref_slice %arg3[%dma_start3A_1375, %dma_start3A_1376] : memref<10000x128xf32, #tpu.memory_space<hbm>> -> memref<10000x128xf32, #tpu.memory_space<hbm>>
    tpu.enqueue_indirect_dma source(%dma_start3A_1377 : memref<10000x128xf32, #tpu.memory_space<hbm>>) target(%arg6 : memref<128x128xf32, #tpu.memory_space<vmem>>) offsets(%dma_start3A_1374 : memref<128xi32, #tpu.memory_space<vmem>>) semaphore(%arg13 : memref<!tpu.dma_semaphore, #tpu.memory_space<semaphore_mem>>)
    %add3A_1378 = arith.constant 79 : i32
    %add3A_1379 = arith.addi %mul3A_930, %add3A_1378 : i32
    %dma_start3A_1380 = arith.constant 3 : i32
    %dma_start3A_1381 = arith.constant 0 : i32
    %dma_start3A_1382 = arith.constant 0 : i32
    %dma_start3A_1383 = tpu.memref_slice %arg5[%dma_start3A_1380, %dma_start3A_1381, %dma_start3A_1382] : memref<4x2x128xi32, #tpu.memory_space<vmem>> -> memref<1x2x128xi32, #tpu.memory_space<vmem>>
    %dma_start3A_1384 = tpu.memref_squeeze %dma_start3A_1383 : memref<1x2x128xi32, #tpu.memory_space<vmem>> -> memref<2x128xi32, #tpu.memory_space<vmem>>
    %dma_start3A_1385 = arith.constant 0 : i32
    %dma_start3A_1386 = arith.constant 0 : i32
    %dma_start3A_1387 = tpu.memref_slice %arg2[%add3A_1379, %dma_start3A_1385, %dma_start3A_1386] : memref<2560x2x128xi32, #tpu.memory_space<hbm>> -> memref<1x2x128xi32, #tpu.memory_space<hbm>>
    %dma_start3A_1388 = tpu.memref_squeeze %dma_start3A_1387 : memref<1x2x128xi32, #tpu.memory_space<hbm>> -> memref<2x128xi32, #tpu.memory_space<hbm>>
    %dma_start3A_1389 = arith.constant 0 : i32
    %dma_start3A_1390 = arith.constant 0 : i32
    %dma_start3A_1391 = tpu.memref_slice %arg5[%dma_start3A_1380, %dma_start3A_1389, %dma_start3A_1390] : memref<4x2x128xi32, #tpu.memory_space<vmem>> -> memref<1x2x128xi32, #tpu.memory_space<vmem>>
    %dma_start3A_1392 = tpu.memref_squeeze %dma_start3A_1391 : memref<1x2x128xi32, #tpu.memory_space<vmem>> -> memref<2x128xi32, #tpu.memory_space<vmem>>
    %dma_start3A_1393 = arith.constant 0 : i32
    %dma_start3A_1394 = arith.constant 0 : i32
    %dma_start3A_1395 = tpu.memref_slice %arg2[%add3A_1379, %dma_start3A_1393, %dma_start3A_1394] : memref<2560x2x128xi32, #tpu.memory_space<hbm>> -> memref<1x2x128xi32, #tpu.memory_space<hbm>>
    %dma_start3A_1396 = tpu.memref_squeeze %dma_start3A_1395 : memref<1x2x128xi32, #tpu.memory_space<hbm>> -> memref<2x128xi32, #tpu.memory_space<hbm>>
    tpu.enqueue_dma source(%dma_start3A_1396 : memref<2x128xi32, #tpu.memory_space<hbm>>) target(%dma_start3A_1392 : memref<2x128xi32, #tpu.memory_space<vmem>>) target_semaphore(%arg12 : memref<!tpu.dma_semaphore, #tpu.memory_space<semaphore_mem>>)
    %dma_wait3A_1397 = arith.constant 0 : i32
    %dma_wait3A_1398 = arith.constant 0 : i32
    %dma_wait3A_1399 = arith.constant 0 : i32
    %dma_wait3A_1400 = tpu.memref_slice %arg5[%dma_wait3A_1397, %dma_wait3A_1398, %dma_wait3A_1399] : memref<4x2x128xi32, #tpu.memory_space<vmem>> -> memref<1x1x128xi32, #tpu.memory_space<vmem>>
    %dma_wait3A_1401 = tpu.memref_squeeze %dma_wait3A_1400 : memref<1x1x128xi32, #tpu.memory_space<vmem>> -> memref<128xi32, #tpu.memory_space<vmem>>
    %dma_wait3A_1402 = arith.constant 0 : i32
    %dma_wait3A_1403 = arith.constant 0 : i32
    %dma_wait3A_1404 = tpu.memref_slice %arg3[%dma_wait3A_1402, %dma_wait3A_1403] : memref<10000x128xf32, #tpu.memory_space<hbm>> -> memref<10000x128xf32, #tpu.memory_space<hbm>>
    tpu.wait_indirect_dma semaphore(%arg13 : memref<!tpu.dma_semaphore, #tpu.memory_space<semaphore_mem>>) src(%dma_wait3A_1404 : memref<10000x128xf32, #tpu.memory_space<hbm>>) dst(%arg6 : memref<128x128xf32, #tpu.memory_space<vmem>>)
    %dma_wait3A_1405 = arith.constant 0 : i32
    %dma_wait3A_1406 = arith.constant 1 : i32
    %dma_wait3A_1407 = arith.constant 0 : i32
    %dma_wait3A_1408 = tpu.memref_slice %arg5[%dma_wait3A_1405, %dma_wait3A_1406, %dma_wait3A_1407] : memref<4x2x128xi32, #tpu.memory_space<vmem>> -> memref<1x1x128xi32, #tpu.memory_space<vmem>>
    %dma_wait3A_1409 = tpu.memref_squeeze %dma_wait3A_1408 : memref<1x1x128xi32, #tpu.memory_space<vmem>> -> memref<128xi32, #tpu.memory_space<vmem>>
    %dma_wait3A_1410 = arith.constant 0 : i32
    %dma_wait3A_1411 = arith.constant 0 : i32
    %dma_wait3A_1412 = tpu.memref_slice %arg17[%dma_wait3A_1410, %dma_wait3A_1411] : memref<10240x128xf32, #tpu.memory_space<vmem_shared>> -> memref<10240x128xf32, #tpu.memory_space<vmem_shared>>
    tpu.wait_indirect_dma semaphore(%arg16 : memref<!tpu.dma_semaphore, #tpu.memory_space<semaphore_mem>>) src(%arg7 : memref<128x128xf32, #tpu.memory_space<vmem>>) dst(%dma_wait3A_1412 : memref<10240x128xf32, #tpu.memory_space<vmem_shared>>)
    %dma_start3A_1413 = arith.constant 2 : i32
    %dma_start3A_1414 = arith.constant 1 : i32
    %dma_start3A_1415 = arith.constant 0 : i32
    %dma_start3A_1416 = tpu.memref_slice %arg5[%dma_start3A_1413, %dma_start3A_1414, %dma_start3A_1415] : memref<4x2x128xi32, #tpu.memory_space<vmem>> -> memref<1x1x128xi32, #tpu.memory_space<vmem>>
    %dma_start3A_1417 = tpu.memref_squeeze %dma_start3A_1416 : memref<1x1x128xi32, #tpu.memory_space<vmem>> -> memref<128xi32, #tpu.memory_space<vmem>>
    %dma_start3A_1418 = arith.constant 0 : i32
    %dma_start3A_1419 = arith.constant 0 : i32
    %dma_start3A_1420 = tpu.memref_slice %arg17[%dma_start3A_1418, %dma_start3A_1419] : memref<10240x128xf32, #tpu.memory_space<vmem_shared>> -> memref<10240x128xf32, #tpu.memory_space<vmem_shared>>
    tpu.enqueue_indirect_dma source(%arg6 : memref<128x128xf32, #tpu.memory_space<vmem>>) target(%dma_start3A_1420 : memref<10240x128xf32, #tpu.memory_space<vmem_shared>>) offsets(%dma_start3A_1417 : memref<128xi32, #tpu.memory_space<vmem>>) semaphore(%arg15 : memref<!tpu.dma_semaphore, #tpu.memory_space<semaphore_mem>>) {add = true}
    %dma_wait3A_1421 = arith.constant 3 : i32
    %dma_wait3A_1422 = arith.constant 0 : i32
    %dma_wait3A_1423 = arith.constant 0 : i32
    %dma_wait3A_1424 = tpu.memref_slice %arg5[%dma_wait3A_1421, %dma_wait3A_1422, %dma_wait3A_1423] : memref<4x2x128xi32, #tpu.memory_space<vmem>> -> memref<1x2x128xi32, #tpu.memory_space<vmem>>
    %dma_wait3A_1425 = tpu.memref_squeeze %dma_wait3A_1424 : memref<1x2x128xi32, #tpu.memory_space<vmem>> -> memref<2x128xi32, #tpu.memory_space<vmem>>
    %dma_wait3A_1426 = arith.constant 0 : i32
    %dma_wait3A_1427 = arith.constant 0 : i32
    %dma_wait3A_1428 = tpu.memref_slice %arg2[%mul3A_930, %dma_wait3A_1426, %dma_wait3A_1427] : memref<2560x2x128xi32, #tpu.memory_space<hbm>> -> memref<1x2x128xi32, #tpu.memory_space<hbm>>
    %dma_wait3A_1429 = tpu.memref_squeeze %dma_wait3A_1428 : memref<1x2x128xi32, #tpu.memory_space<hbm>> -> memref<2x128xi32, #tpu.memory_space<hbm>>
    %dma_wait3A_1430 = arith.constant 0 : i32
    %dma_wait3A_1431 = arith.constant 0 : i32
    %dma_wait3A_1432 = tpu.memref_slice %arg5[%dma_wait3A_1421, %dma_wait3A_1430, %dma_wait3A_1431] : memref<4x2x128xi32, #tpu.memory_space<vmem>> -> memref<1x2x128xi32, #tpu.memory_space<vmem>>
    %dma_wait3A_1433 = tpu.memref_squeeze %dma_wait3A_1432 : memref<1x2x128xi32, #tpu.memory_space<vmem>> -> memref<2x128xi32, #tpu.memory_space<vmem>>
    %dma_wait3A_1434 = arith.constant 0 : i32
    %dma_wait3A_1435 = arith.constant 0 : i32
    %dma_wait3A_1436 = tpu.memref_slice %arg2[%mul3A_930, %dma_wait3A_1434, %dma_wait3A_1435] : memref<2560x2x128xi32, #tpu.memory_space<hbm>> -> memref<1x2x128xi32, #tpu.memory_space<hbm>>
    %dma_wait3A_1437 = tpu.memref_squeeze %dma_wait3A_1436 : memref<1x2x128xi32, #tpu.memory_space<hbm>> -> memref<2x128xi32, #tpu.memory_space<hbm>>
    tpu.wait_dma2 semaphore(%arg12 : memref<!tpu.dma_semaphore, #tpu.memory_space<semaphore_mem>>) src(%dma_wait3A_1437 : memref<2x128xi32, #tpu.memory_space<hbm>>) dst(%dma_wait3A_1433 : memref<2x128xi32, #tpu.memory_space<vmem>>)
    %dma_start3A_1438 = arith.constant 3 : i32
    %dma_start3A_1439 = arith.constant 0 : i32
    %dma_start3A_1440 = arith.constant 0 : i32
    %dma_start3A_1441 = tpu.memref_slice %arg5[%dma_start3A_1438, %dma_start3A_1439, %dma_start3A_1440] : memref<4x2x128xi32, #tpu.memory_space<vmem>> -> memref<1x1x128xi32, #tpu.memory_space<vmem>>
    %dma_start3A_1442 = tpu.memref_squeeze %dma_start3A_1441 : memref<1x1x128xi32, #tpu.memory_space<vmem>> -> memref<128xi32, #tpu.memory_space<vmem>>
    %dma_start3A_1443 = arith.constant 0 : i32
    %dma_start3A_1444 = arith.constant 0 : i32
    %dma_start3A_1445 = tpu.memref_slice %arg3[%dma_start3A_1443, %dma_start3A_1444] : memref<10000x128xf32, #tpu.memory_space<hbm>> -> memref<10000x128xf32, #tpu.memory_space<hbm>>
    tpu.enqueue_indirect_dma source(%dma_start3A_1445 : memref<10000x128xf32, #tpu.memory_space<hbm>>) target(%arg7 : memref<128x128xf32, #tpu.memory_space<vmem>>) offsets(%dma_start3A_1442 : memref<128xi32, #tpu.memory_space<vmem>>) semaphore(%arg14 : memref<!tpu.dma_semaphore, #tpu.memory_space<semaphore_mem>>)
    %dma_wait3A_1446 = arith.constant 0 : i32
    %dma_wait3A_1447 = arith.constant 0 : i32
    %dma_wait3A_1448 = arith.constant 0 : i32
    %dma_wait3A_1449 = tpu.memref_slice %arg5[%dma_wait3A_1446, %dma_wait3A_1447, %dma_wait3A_1448] : memref<4x2x128xi32, #tpu.memory_space<vmem>> -> memref<1x1x128xi32, #tpu.memory_space<vmem>>
    %dma_wait3A_1450 = tpu.memref_squeeze %dma_wait3A_1449 : memref<1x1x128xi32, #tpu.memory_space<vmem>> -> memref<128xi32, #tpu.memory_space<vmem>>
    %dma_wait3A_1451 = arith.constant 0 : i32
    %dma_wait3A_1452 = arith.constant 0 : i32
    %dma_wait3A_1453 = tpu.memref_slice %arg3[%dma_wait3A_1451, %dma_wait3A_1452] : memref<10000x128xf32, #tpu.memory_space<hbm>> -> memref<10000x128xf32, #tpu.memory_space<hbm>>
    tpu.wait_indirect_dma semaphore(%arg14 : memref<!tpu.dma_semaphore, #tpu.memory_space<semaphore_mem>>) src(%dma_wait3A_1453 : memref<10000x128xf32, #tpu.memory_space<hbm>>) dst(%arg7 : memref<128x128xf32, #tpu.memory_space<vmem>>)
    %dma_wait3A_1454 = arith.constant 0 : i32
    %dma_wait3A_1455 = arith.constant 1 : i32
    %dma_wait3A_1456 = arith.constant 0 : i32
    %dma_wait3A_1457 = tpu.memref_slice %arg5[%dma_wait3A_1454, %dma_wait3A_1455, %dma_wait3A_1456] : memref<4x2x128xi32, #tpu.memory_space<vmem>> -> memref<1x1x128xi32, #tpu.memory_space<vmem>>
    %dma_wait3A_1458 = tpu.memref_squeeze %dma_wait3A_1457 : memref<1x1x128xi32, #tpu.memory_space<vmem>> -> memref<128xi32, #tpu.memory_space<vmem>>
    %dma_wait3A_1459 = arith.constant 0 : i32
    %dma_wait3A_1460 = arith.constant 0 : i32
    %dma_wait3A_1461 = tpu.memref_slice %arg17[%dma_wait3A_1459, %dma_wait3A_1460] : memref<10240x128xf32, #tpu.memory_space<vmem_shared>> -> memref<10240x128xf32, #tpu.memory_space<vmem_shared>>
    tpu.wait_indirect_dma semaphore(%arg15 : memref<!tpu.dma_semaphore, #tpu.memory_space<semaphore_mem>>) src(%arg6 : memref<128x128xf32, #tpu.memory_space<vmem>>) dst(%dma_wait3A_1461 : memref<10240x128xf32, #tpu.memory_space<vmem_shared>>)
    %dma_start3A_1462 = arith.constant 3 : i32
    %dma_start3A_1463 = arith.constant 1 : i32
    %dma_start3A_1464 = arith.constant 0 : i32
    %dma_start3A_1465 = tpu.memref_slice %arg5[%dma_start3A_1462, %dma_start3A_1463, %dma_start3A_1464] : memref<4x2x128xi32, #tpu.memory_space<vmem>> -> memref<1x1x128xi32, #tpu.memory_space<vmem>>
    %dma_start3A_1466 = tpu.memref_squeeze %dma_start3A_1465 : memref<1x1x128xi32, #tpu.memory_space<vmem>> -> memref<128xi32, #tpu.memory_space<vmem>>
    %dma_start3A_1467 = arith.constant 0 : i32
    %dma_start3A_1468 = arith.constant 0 : i32
    %dma_start3A_1469 = tpu.memref_slice %arg17[%dma_start3A_1467, %dma_start3A_1468] : memref<10240x128xf32, #tpu.memory_space<vmem_shared>> -> memref<10240x128xf32, #tpu.memory_space<vmem_shared>>
    tpu.enqueue_indirect_dma source(%arg7 : memref<128x128xf32, #tpu.memory_space<vmem>>) target(%dma_start3A_1469 : memref<10240x128xf32, #tpu.memory_space<vmem_shared>>) offsets(%dma_start3A_1466 : memref<128xi32, #tpu.memory_space<vmem>>) semaphore(%arg16 : memref<!tpu.dma_semaphore, #tpu.memory_space<semaphore_mem>>) {add = true}
    %dma_wait3A_1470 = arith.constant 0 : i32
    %dma_wait3A_1471 = arith.constant 1 : i32
    %dma_wait3A_1472 = arith.constant 0 : i32
    %dma_wait3A_1473 = tpu.memref_slice %arg5[%dma_wait3A_1470, %dma_wait3A_1471, %dma_wait3A_1472] : memref<4x2x128xi32, #tpu.memory_space<vmem>> -> memref<1x1x128xi32, #tpu.memory_space<vmem>>
    %dma_wait3A_1474 = tpu.memref_squeeze %dma_wait3A_1473 : memref<1x1x128xi32, #tpu.memory_space<vmem>> -> memref<128xi32, #tpu.memory_space<vmem>>
    %dma_wait3A_1475 = arith.constant 0 : i32
    %dma_wait3A_1476 = arith.constant 0 : i32
    %dma_wait3A_1477 = tpu.memref_slice %arg17[%dma_wait3A_1475, %dma_wait3A_1476] : memref<10240x128xf32, #tpu.memory_space<vmem_shared>> -> memref<10240x128xf32, #tpu.memory_space<vmem_shared>>
    tpu.wait_indirect_dma semaphore(%arg16 : memref<!tpu.dma_semaphore, #tpu.memory_space<semaphore_mem>>) src(%arg7 : memref<128x128xf32, #tpu.memory_space<vmem>>) dst(%dma_wait3A_1477 : memref<10240x128xf32, #tpu.memory_space<vmem_shared>>)
    %barrier3A_1478 = arith.constant 0 : index
    tpu.barrier barrier_id(%barrier3A_1478)
    %mul3A_1479 = arith.constant 640 : i32
    %mul3A_1480 = arith.muli %arg1, %mul3A_1479 : i32
    %mul3A_1481 = arith.constant 10240 : i32
    %mul3A_1482 = arith.muli %arg0, %mul3A_1481 : i32
    %mul3A_1483 = arith.constant 640 : i32
    %mul3A_1484 = arith.muli %arg1, %mul3A_1483 : i32
    %add3A_1485 = arith.addi %mul3A_1482, %mul3A_1484 : i32
    "tpu.region"() ({
      %run_scoped3A = tpu.sem_alloc : memref<!tpu.dma_semaphore, #tpu.memory_space<semaphore_mem>>
      %dma_start3A_1486 = arith.constant 0 : i32
      %dma_start3A_1487 = tpu.memref_slice %arg4[%add3A_1485, %dma_start3A_1486] : memref<20480x128xf32, #tpu.memory_space<hbm>> -> memref<640x128xf32, #tpu.memory_space<hbm>>
      %dma_start3A_1488 = arith.constant 0 : i32
      %dma_start3A_1489 = tpu.memref_slice %arg17[%mul3A_1480, %dma_start3A_1488] : memref<10240x128xf32, #tpu.memory_space<vmem_shared>> -> memref<640x128xf32, #tpu.memory_space<vmem_shared>>
      tpu.enqueue_dma source(%dma_start3A_1489 : memref<640x128xf32, #tpu.memory_space<vmem_shared>>) target(%dma_start3A_1487 : memref<640x128xf32, #tpu.memory_space<hbm>>) target_semaphore(%run_scoped3A : memref<!tpu.dma_semaphore, #tpu.memory_space<semaphore_mem>>)
      %dma_wait3A_1490 = arith.constant 0 : i32
      %dma_wait3A_1491 = tpu.memref_slice %arg4[%add3A_1485, %dma_wait3A_1490] : memref<20480x128xf32, #tpu.memory_space<hbm>> -> memref<640x128xf32, #tpu.memory_space<hbm>>
      %dma_wait3A_1492 = arith.constant 0 : i32
      %dma_wait3A_1493 = tpu.memref_slice %arg17[%mul3A_1480, %dma_wait3A_1492] : memref<10240x128xf32, #tpu.memory_space<vmem_shared>> -> memref<640x128xf32, #tpu.memory_space<vmem_shared>>
      tpu.wait_dma2 semaphore(%run_scoped3A : memref<!tpu.dma_semaphore, #tpu.memory_space<semaphore_mem>>) src(%dma_wait3A_1493 : memref<640x128xf32, #tpu.memory_space<vmem_shared>>) dst(%dma_wait3A_1491 : memref<640x128xf32, #tpu.memory_space<hbm>>)
      tpu.yield
    }) : () -> ()
    return
  }
}

module attributes {stable_mosaic.version = 14 : i64} {
  func.func @body(%arg0: i32, %arg1: memref<1280x128xf32, #tpu.memory_space<vmem>>, %arg2: memref<1x1280x1xf32, #tpu.memory_space<vmem>>, %arg3: memref<1x1280x1xf32, #tpu.memory_space<vmem>>, %arg4: memref<1280x128xf32, #tpu.memory_space<vmem>>) attributes {dimension_semantics = [#tpu.dimension_semantics<arbitrary>], iteration_bounds = array<i64: 8>, scalar_prefetch = 0 : i64, scratch_operands = 0 : i64, tpu.core_type = #tpu.core_type<tc>, window_params = [{transform_indices = @transform_0, window_bounds = array<i64: 1280, 128>}, {transform_indices = @transform_1, window_bounds = array<i64: 1, 1280, 1>}, {transform_indices = @transform_2, window_bounds = array<i64: 1, 1280, 1>}, {transform_indices = @transform_3, window_bounds = array<i64: 1280, 128>}]} {
    %get3A = arith.constant 0 : index
    %get3A_0 = arith.constant 0 : index
    %get3A_1 = arith.constant 0 : index
    %get3A_2 = vector.load %arg2[%get3A, %get3A_0, %get3A_1] : memref<1x1280x1xf32, #tpu.memory_space<vmem>>, vector<1x1280x1xf32>
    %get3A_3 = vector.shape_cast %get3A_2 : vector<1x1280x1xf32> to vector<1280x1xf32>
    %get3A_4 = arith.constant 0 : index
    %get3A_5 = arith.constant 0 : index
    %get3A_6 = arith.constant 0 : index
    %get3A_7 = vector.load %arg3[%get3A_4, %get3A_5, %get3A_6] : memref<1x1280x1xf32, #tpu.memory_space<vmem>>, vector<1x1280x1xf32>
    %get3A_8 = vector.shape_cast %get3A_7 : vector<1x1280x1xf32> to vector<1280x1xf32>
    %add3A = arith.addf %get3A_3, %get3A_8 : vector<1280x1xf32>
    %add3A_9 = arith.constant 1.000000e+00 : f32
    %add3A_10 = vector.broadcast %add3A_9 : f32 to vector<1280x1xf32>
    %add3A_11 = arith.addf %add3A, %add3A_10 : vector<1280x1xf32>
    %get3A_12 = arith.constant 0 : index
    %get3A_13 = arith.constant 0 : index
    %get3A_14 = vector.load %arg1[%get3A_12, %get3A_13] : memref<1280x128xf32, #tpu.memory_space<vmem>>, vector<1280x128xf32>
    %rsqrt3A = math.rsqrt %add3A_11 : vector<1280x1xf32>
    %mul3A = vector.broadcast %rsqrt3A : vector<1280x1xf32> to vector<1280x128xf32>
    %mul3A_15 = arith.mulf %get3A_14, %mul3A : vector<1280x128xf32>
    %swap3A = arith.constant 0 : index
    %swap3A_16 = arith.constant 0 : index
    %swap3A_17 = vector.load %arg4[%swap3A, %swap3A_16] : memref<1280x128xf32, #tpu.memory_space<vmem>>, vector<1280x128xf32>
    tpu.vector_store %arg4[%swap3A, %swap3A_16], %mul3A_15 {strides = array<i32>} : memref<1280x128xf32, #tpu.memory_space<vmem>>, vector<1280x128xf32>,
    return
  }
  func.func @transform_0(%arg0: i32) -> (i32, i32) {
    %c0_i32 = arith.constant 0 : i32
    %c0_i32_0 = arith.constant 0 : i32
    return %arg0, %c0_i32 : i32, i32
  }
  func.func @transform_1(%arg0: i32) -> (i32, i32, i32) {
    %c0_i32 = arith.constant 0 : i32
    %c0_i32_0 = arith.constant 0 : i32
    %c0_i32_1 = arith.constant 0 : i32
    return %c0_i32, %arg0, %c0_i32_0 : i32, i32, i32
  }
  func.func @transform_2(%arg0: i32) -> (i32, i32, i32) {
    %c1_i32 = arith.constant 1 : i32
    %c0_i32 = arith.constant 0 : i32
    %c0_i32_0 = arith.constant 0 : i32
    return %c1_i32, %arg0, %c0_i32 : i32, i32, i32
  }
  func.func @transform_3(%arg0: i32) -> (i32, i32) {
    %c0_i32 = arith.constant 0 : i32
    %c0_i32_0 = arith.constant 0 : i32
    return %arg0, %c0_i32 : i32, i32
  }
}

module attributes {stable_mosaic.version = 14 : i64} {
  func.func @body(%arg0: i32, %arg1: memref<1x1280x128xf32, #tpu.memory_space<vmem>>, %arg2: memref<1x1280x128xf32, #tpu.memory_space<vmem>>, %arg3: memref<1280x128xf32, #tpu.memory_space<vmem>>, %arg4: memref<1x1280x1xf32, #tpu.memory_space<vmem>>, %arg5: memref<1x1280x1xf32, #tpu.memory_space<vmem>>, %arg6: memref<128x128xf32, #tpu.memory_space<vmem>>, %arg7: memref<1x128xf32, #tpu.memory_space<vmem>>, %arg8: memref<128x40xf32, #tpu.memory_space<vmem>>, %arg9: memref<1x40xf32, #tpu.memory_space<vmem>>, %arg10: memref<1280x40xf32, #tpu.memory_space<vmem>>) attributes {dimension_semantics = [#tpu.dimension_semantics<arbitrary>], iteration_bounds = array<i64: 8>, scalar_prefetch = 0 : i64, scratch_operands = 0 : i64, tpu.core_type = #tpu.core_type<tc>, window_params = [{transform_indices = @transform_0, window_bounds = array<i64: 1, 1280, 128>}, {transform_indices = @transform_1, window_bounds = array<i64: 1, 1280, 128>}, {transform_indices = @transform_2, window_bounds = array<i64: 1280, 128>}, {transform_indices = @transform_3, window_bounds = array<i64: 1, 1280, 1>}, {transform_indices = @transform_4, window_bounds = array<i64: 1, 1280, 1>}, {pipeline_mode = #tpu.pipeline_mode<synchronous>, transform_indices = @transform_5, window_bounds = array<i64: 128, 128>}, {pipeline_mode = #tpu.pipeline_mode<synchronous>, transform_indices = @transform_6, window_bounds = array<i64: 1, 128>}, {pipeline_mode = #tpu.pipeline_mode<synchronous>, transform_indices = @transform_7, window_bounds = array<i64: 128, 40>}, {pipeline_mode = #tpu.pipeline_mode<synchronous>, transform_indices = @transform_8, window_bounds = array<i64: 1, 40>}, {transform_indices = @transform_9, window_bounds = array<i64: 1280, 40>}]} {
    %get3A = arith.constant 0 : index
    %get3A_0 = arith.constant 0 : index
    %get3A_1 = arith.constant 0 : index
    %get3A_2 = vector.load %arg1[%get3A, %get3A_0, %get3A_1] : memref<1x1280x128xf32, #tpu.memory_space<vmem>>, vector<1x1280x128xf32>
    %get3A_3 = vector.shape_cast %get3A_2 : vector<1x1280x128xf32> to vector<1280x128xf32>
    %get3A_4 = arith.constant 0 : index
    %get3A_5 = arith.constant 0 : index
    %get3A_6 = arith.constant 0 : index
    %get3A_7 = vector.load %arg2[%get3A_4, %get3A_5, %get3A_6] : memref<1x1280x128xf32, #tpu.memory_space<vmem>>, vector<1x1280x128xf32>
    %get3A_8 = vector.shape_cast %get3A_7 : vector<1x1280x128xf32> to vector<1280x128xf32>
    %add3A = arith.addf %get3A_3, %get3A_8 : vector<1280x128xf32>
    %get3A_9 = arith.constant 0 : index
    %get3A_10 = arith.constant 0 : index
    %get3A_11 = vector.load %arg3[%get3A_9, %get3A_10] : memref<1280x128xf32, #tpu.memory_space<vmem>>, vector<1280x128xf32>
    %add3A_12 = arith.addf %add3A, %get3A_11 : vector<1280x128xf32>
    %get3A_13 = arith.constant 0 : index
    %get3A_14 = arith.constant 0 : index
    %get3A_15 = arith.constant 0 : index
    %get3A_16 = vector.load %arg4[%get3A_13, %get3A_14, %get3A_15] : memref<1x1280x1xf32, #tpu.memory_space<vmem>>, vector<1x1280x1xf32>
    %get3A_17 = vector.shape_cast %get3A_16 : vector<1x1280x1xf32> to vector<1280x1xf32>
    %get3A_18 = arith.constant 0 : index
    %get3A_19 = arith.constant 0 : index
    %get3A_20 = arith.constant 0 : index
    %get3A_21 = vector.load %arg5[%get3A_18, %get3A_19, %get3A_20] : memref<1x1280x1xf32, #tpu.memory_space<vmem>>, vector<1x1280x1xf32>
    %get3A_22 = vector.shape_cast %get3A_21 : vector<1x1280x1xf32> to vector<1280x1xf32>
    %add3A_23 = arith.addf %get3A_17, %get3A_22 : vector<1280x1xf32>
    %add3A_24 = arith.constant 1.000000e+00 : f32
    %add3A_25 = vector.broadcast %add3A_24 : f32 to vector<1280x1xf32>
    %add3A_26 = arith.addf %add3A_23, %add3A_25 : vector<1280x1xf32>
    %rsqrt3A = math.rsqrt %add3A_26 : vector<1280x1xf32>
    %get3A_27 = arith.constant 0 : index
    %get3A_28 = arith.constant 0 : index
    %get3A_29 = vector.load %arg6[%get3A_27, %get3A_28] : memref<128x128xf32, #tpu.memory_space<vmem>>, vector<128x128xf32>
    %dot_general3A = arith.constant dense<0.000000e+00> : vector<1280x128xf32>
    %dot_general3A_30 = tpu.matmul %add3A_12, %get3A_29, %dot_general3A {dimension_numbers = #tpu.dot_dimension_numbers<[1], [0], [0], [1], [0, 0, 1, 1], [], []>, transpose_lhs_hint = false} : vector<1280x128xf32>, vector<128x128xf32>, vector<1280x128xf32> -> vector<1280x128xf32>
    %mul3A = vector.broadcast %rsqrt3A : vector<1280x1xf32> to vector<1280x128xf32>
    %mul3A_31 = arith.mulf %dot_general3A_30, %mul3A : vector<1280x128xf32>
    %get3A_32 = arith.constant 0 : index
    %get3A_33 = arith.constant 0 : index
    %get3A_34 = vector.load %arg7[%get3A_32, %get3A_33] : memref<1x128xf32, #tpu.memory_space<vmem>>, vector<1x128xf32>
    %add3A_35 = vector.broadcast %get3A_34 : vector<1x128xf32> to vector<1280x128xf32>
    %add3A_36 = arith.addf %mul3A_31, %add3A_35 : vector<1280x128xf32>
    %max3A = arith.constant 0.000000e+00 : f32
    %max3A_37 = vector.broadcast %max3A : f32 to vector<1280x128xf32>
    %max3A_38 = arith.maximumf %add3A_36, %max3A_37 : vector<1280x128xf32>
    %get3A_39 = arith.constant 0 : index
    %get3A_40 = arith.constant 0 : index
    %get3A_41 = vector.load %arg8[%get3A_39, %get3A_40] : memref<128x40xf32, #tpu.memory_space<vmem>>, vector<128x40xf32>
    %dot_general3A_42 = arith.constant dense<0.000000e+00> : vector<1280x40xf32>
    %dot_general3A_43 = tpu.matmul %max3A_38, %get3A_41, %dot_general3A_42 {dimension_numbers = #tpu.dot_dimension_numbers<[1], [0], [0], [1], [0, 0, 1, 1], [], []>, transpose_lhs_hint = false} : vector<1280x128xf32>, vector<128x40xf32>, vector<1280x40xf32> -> vector<1280x40xf32>
    %get3A_44 = arith.constant 0 : index
    %get3A_45 = arith.constant 0 : index
    %get3A_46 = vector.load %arg9[%get3A_44, %get3A_45] : memref<1x40xf32, #tpu.memory_space<vmem>>, vector<1x40xf32>
    %add3A_47 = vector.broadcast %get3A_46 : vector<1x40xf32> to vector<1280x40xf32>
    %add3A_48 = arith.addf %dot_general3A_43, %add3A_47 : vector<1280x40xf32>
    %reduce_max3A = arith.constant dense<0xFF800000> : vector<1280xf32>
    %reduce_max3A_49 = vector.multi_reduction <maximumf>, %add3A_48, %reduce_max3A [1] : vector<1280x40xf32> to vector<1280xf32>
    %broadcast_in_dim3A = vector.shape_cast %reduce_max3A_49 : vector<1280xf32> to vector<1280x1xf32>
    %sub3A = vector.broadcast %broadcast_in_dim3A : vector<1280x1xf32> to vector<1280x40xf32>
    %sub3A_50 = arith.subf %add3A_48, %sub3A : vector<1280x40xf32>
    %exp3A = math.exp %sub3A_50 : vector<1280x40xf32>
    %reduce_sum3A = arith.constant dense<0.000000e+00> : vector<1280xf32>
    %reduce_sum3A_51 = vector.multi_reduction <add>, %exp3A, %reduce_sum3A [1] : vector<1280x40xf32> to vector<1280xf32>
    %broadcast_in_dim3A_52 = vector.shape_cast %reduce_sum3A_51 : vector<1280xf32> to vector<1280x1xf32>
    %log3A = math.log %broadcast_in_dim3A_52 : vector<1280x1xf32>
    %add3A_53 = arith.addf %broadcast_in_dim3A, %log3A : vector<1280x1xf32>
    %sub3A_54 = vector.broadcast %add3A_53 : vector<1280x1xf32> to vector<1280x40xf32>
    %sub3A_55 = arith.subf %add3A_48, %sub3A_54 : vector<1280x40xf32>
    %swap3A = arith.constant 0 : index
    %swap3A_56 = arith.constant 0 : index
    %swap3A_57 = vector.load %arg10[%swap3A, %swap3A_56] : memref<1280x40xf32, #tpu.memory_space<vmem>>, vector<1280x40xf32>
    tpu.vector_store %arg10[%swap3A, %swap3A_56], %sub3A_55 {strides = array<i32>} : memref<1280x40xf32, #tpu.memory_space<vmem>>, vector<1280x40xf32>,
    return
  }
  func.func @transform_0(%arg0: i32) -> (i32, i32, i32) {
    %c0_i32 = arith.constant 0 : i32
    %c0_i32_0 = arith.constant 0 : i32
    %c0_i32_1 = arith.constant 0 : i32
    return %c0_i32, %arg0, %c0_i32_0 : i32, i32, i32
  }
  func.func @transform_1(%arg0: i32) -> (i32, i32, i32) {
    %c1_i32 = arith.constant 1 : i32
    %c0_i32 = arith.constant 0 : i32
    %c0_i32_0 = arith.constant 0 : i32
    return %c1_i32, %arg0, %c0_i32 : i32, i32, i32
  }
  func.func @transform_2(%arg0: i32) -> (i32, i32) {
    %c0_i32 = arith.constant 0 : i32
    %c0_i32_0 = arith.constant 0 : i32
    return %arg0, %c0_i32 : i32, i32
  }
  func.func @transform_3(%arg0: i32) -> (i32, i32, i32) {
    %c0_i32 = arith.constant 0 : i32
    %c0_i32_0 = arith.constant 0 : i32
    %c0_i32_1 = arith.constant 0 : i32
    return %c0_i32, %arg0, %c0_i32_0 : i32, i32, i32
  }
  func.func @transform_4(%arg0: i32) -> (i32, i32, i32) {
    %c1_i32 = arith.constant 1 : i32
    %c0_i32 = arith.constant 0 : i32
    %c0_i32_0 = arith.constant 0 : i32
    return %c1_i32, %arg0, %c0_i32 : i32, i32, i32
  }
  func.func @transform_5(%arg0: i32) -> (i32, i32) {
    %c0_i32 = arith.constant 0 : i32
    %c0_i32_0 = arith.constant 0 : i32
    %c0_i32_1 = arith.constant 0 : i32
    return %c0_i32, %c0_i32_0 : i32, i32
  }
  func.func @transform_6(%arg0: i32) -> (i32, i32) {
    %c0_i32 = arith.constant 0 : i32
    %c0_i32_0 = arith.constant 0 : i32
    %c0_i32_1 = arith.constant 0 : i32
    return %c0_i32, %c0_i32_0 : i32, i32
  }
  func.func @transform_7(%arg0: i32) -> (i32, i32) {
    %c0_i32 = arith.constant 0 : i32
    %c0_i32_0 = arith.constant 0 : i32
    %c0_i32_1 = arith.constant 0 : i32
    return %c0_i32, %c0_i32_0 : i32, i32
  }
  func.func @transform_8(%arg0: i32) -> (i32, i32) {
    %c0_i32 = arith.constant 0 : i32
    %c0_i32_0 = arith.constant 0 : i32
    %c0_i32_1 = arith.constant 0 : i32
    return %c0_i32, %c0_i32_0 : i32, i32
  }
  func.func @transform_9(%arg0: i32) -> (i32, i32) {
    %c0_i32 = arith.constant 0 : i32
    %c0_i32_0 = arith.constant 0 : i32
    return %arg0, %c0_i32 : i32, i32
  }
}

</mosaic_0001>

<sc_bundles>
// kernel: kernel.6.cloned.1.call-start
scs
__scs_entry_jumppad:
0x0: {  	(pc) =	sbr.rel $0x88, $3  }
0x1: {  	(tag) =	ssettag $0x0;
	lr =	simm.s32 $0x1  }
0x2: {  	[smem:$0x3F9B] =	sst lr;
	_ =	strace $0xD0000000  }
0x3: {  	_ = 	snop  }
0x4: {  	_ = 	snop  }
0x5: {  	_ = 	snop  }
0x6: {  	_ = 	snop  }
0x7: {  	_ = 	snop  }
__scs_overlays_trampoline_lowered:
0x8: {  	[smem:$0x3FAA] =	sst s0  }
0x9: {  	[smem:$0x3FAB] =	sst s1  }
0xa: {  	[smem:$0x3FAC] =	sst s2  }
0xb: {  	[smem:$0x3FAD] =	sst s3  }
0xc: {  	[smem:$0x3FAE] =	sst s4  }
0xd: {  	[smem:$0x3FAF] =	sst s5  }
0xe: {  	[smem:$0x3FB0] =	sst s6  }
0xf: {  	[smem:$0x3FB1] =	sst s7  }
0x10: {  	[smem:$0x3FB2] =	sst s8  }
0x11: {  	[smem:$0x3FB3] =	sst s9;
	s0 =	simm.s32 @!p0 $0x0  }
0x12: {  	s1 =	sld [smem:$0x3F99];
	s0 =	simm.s32 @p0 $0x1  }
0x13: {  	[smem:$0x3FB4] =	sst s0;
	s0 =	simm.s32 @!p1 $0x0  }
0x14: {  	s2 =	sld [smem:$0x3F98];
	s0 =	simm.s32 @p1 $0x1  }
0x15: {  	[smem:$0x3FB5] =	sst s0;
	s0 =	simm.s32 @!p2 $0x0  }
0x16: {  	s3 =	sld [smem:$0x3FDB];
	s0 =	simm.s32 @p2 $0x1  }
0x17: {  	s4 =	simm.s32 $0x1BF5;
	[smem:$0x3FB7] =	sst s0  }
0x18: {  	s0 =	sld [smem:$0x3F9A];
	_ =	swait.ge [sflag:s4], $0x0  }
0x19: {  	s7 =	sld [smem:$0x3F9B]  }
0x1a: {  	s8 =	sadd.s32 $0xFFFFE003, lr  }
0x1b: {  	s9 =	sadd.s32 $0xFFFFFEF7, lr;
	s5 =	simm.s32 $0xFFFFFFFF;
	p2 =	slt.u32 s8, $0xFFFFF086  }
0x1c: {  	p1 =	slt.u32 s9, $0xF7A;
	s5 =	simm.s32 @!p2 $0x0  }
0x1d: {  	s5 =	simm.s32 @p1 $0x1;
	p0 =	seq.s32 s7, s2  }
0x1e: {  	s7 =	smul.u32 @!p0 $0xF7A, s2;
	p2 =	seq.s32 @!p0 s5, $0x0  }
0x1f: {  	s9 =	smul.u32 $0xF7A, s1;
	s8 =	simm.s32 @!p0 $0x1BF5;
	p2 =	por !p2, p0  }
0x20: {  	[sflag:s8] =	ssyncset.s32 @!p0 $0xFFFFF086;
	s6 =	sadd.s32 @!p0 s3, s7;
	s7 =	simm.s32 @!p0 $0x108  }
0x21: {  	s3 =	sadd.s32 s3, s9;
	s6 =	sadd.s32 @!p0 $0x88, s6;
	s7 =	simm.s32 @p2 $0x1082  }
0x22: {  	[simem:s7], [sflag:s8] =	dma.local @!p0 [hbm:s6], $0xF7A  }
0x23: {  	s9 =	sor.u32 $0xD0000000, s2;
	s6 =	simm.s32 $0x108;
	_ =	swait.ge @!p0 [sflag:s8], $0x0  }
0x24: {  	s3 =	sadd.s32 $0x88, s3;
	s6 =	simm.s32 @!p1 $0x1082;
	[sflag:s4] =	ssyncset.s32 $0xFFFFF086  }
0x25: {  	[simem:s6], [sflag:s4] =	dma.local [hbm:s3], $0xF7A  }
0x26: {  	[smem:$0x3F9B] =	sst s1;
	(tag) =	ssettag s2;
	_ =	strace s9  }
0x27: {  	s1 =	sld [smem:$0x3FAB]  }
0x28: {  	s2 =	sld [smem:$0x3FAC]  }
0x29: {  	s4 =	sld [smem:$0x3FAE]  }
0x2a: {  	p0 =	seq.s32 s5, $0x0;
	s5 =	sld [smem:$0x3FAF]  }
0x2b: {  	s6 =	sld [smem:$0x3FB0]  }
0x2c: {  	s7 =	sld [smem:$0x3FB1]  }
0x2d: {  	s3 =	simm.s32 $0x108;
	s8 =	sld [smem:$0x3FB2]  }
0x2e: {  	s3 =	simm.s32 @!p0 $0x1082;
	s9 =	sld [smem:$0x3FB3]  }
0x2f: {  	lr =	sadd.s32 s0, s3;
	s0 =	sld [smem:$0x3FAA]  }
0x30: {  	s3 =	sld [smem:$0x3FAD]  }
0x31: {  	[smem:$0x3FB6] =	sst s10  }
0x32: {  	s10 =	sld [smem:$0x3FB4];
	_ =	sdelay $0x3  }
0x33: {  	p0 =	seq.s32 s10, $0x1;
	s10 =	sld [smem:$0x3FB6];
	_ =	sdelay $0x3  }
0x34: {  	[smem:$0x3FB6] =	sst s10  }
0x35: {  	s10 =	sld [smem:$0x3FB5];
	_ =	sdelay $0x3  }
0x36: {  	p1 =	seq.s32 s10, $0x1;
	s10 =	sld [smem:$0x3FB6];
	_ =	sdelay $0x3  }
0x37: {  	[smem:$0x3FB6] =	sst s10  }
0x38: {  	s10 =	sld [smem:$0x3FB7]  }
0x39: {  	_ = 	snop;
	(pc) =	sbr.ind lr, $3  }
0x3a: {  	_ = 	snop  }
0x3b: {  	_ = 	snop  }
0x3c: {  	p2 =	seq.s32 s10, $0x1;
	s10 =	sld [smem:$0x3FB6]  }
0x3d: {  	_ =	shalt  }
0x3e: {  	_ =	shalt  }
0x3f: {  	_ =	shalt  }
0x40: {  	_ =	shalt  }
0x41: {  	_ =	shalt  }
0x42: {  	_ =	shalt  }
0x43: {  	_ =	shalt  }
0x44: {  	_ =	shalt  }
0x45: {  	_ =	shalt  }
0x46: {  	_ =	shalt  }
0x47: {  	_ =	shalt  }
0x48: {  	_ =	shalt  }
0x49: {  	_ =	shalt  }
0x4a: {  	_ =	shalt  }
0x4b: {  	_ =	shalt  }
0x4c: {  	_ =	shalt  }
0x4d: {  	_ =	shalt  }
0x4e: {  	_ =	shalt  }
0x4f: {  	_ =	shalt  }
0x50: {  	_ =	shalt  }
0x51: {  	_ =	shalt  }
0x52: {  	_ =	shalt  }
0x53: {  	_ =	shalt  }
0x54: {  	_ =	shalt  }
0x55: {  	_ =	shalt  }
0x56: {  	_ =	shalt  }
0x57: {  	_ =	shalt  }
0x58: {  	_ =	shalt  }
0x59: {  	_ =	shalt  }
0x5a: {  	_ =	shalt  }
0x5b: {  	_ =	shalt  }
0x5c: {  	_ =	shalt  }
0x5d: {  	_ =	shalt  }
0x5e: {  	_ =	shalt  }
0x5f: {  	_ =	shalt  }
0x60: {  	_ =	shalt  }
0x61: {  	_ =	shalt  }
0x62: {  	_ =	shalt  }
0x63: {  	_ =	shalt  }
0x64: {  	_ =	shalt  }
0x65: {  	_ =	shalt  }
0x66: {  	_ =	shalt  }
0x67: {  	_ =	shalt  }
0x68: {  	_ =	shalt  }
0x69: {  	_ =	shalt  }
0x6a: {  	_ =	shalt  }
0x6b: {  	_ =	shalt  }
0x6c: {  	_ =	shalt  }
0x6d: {  	_ =	shalt  }
0x6e: {  	_ =	shalt  }
0x6f: {  	_ =	shalt  }
0x70: {  	_ =	shalt  }
0x71: {  	_ =	shalt  }
0x72: {  	_ =	shalt  }
0x73: {  	_ =	shalt  }
0x74: {  	_ =	shalt  }
0x75: {  	_ =	shalt  }
0x76: {  	_ =	shalt  }
0x77: {  	_ =	shalt  }
0x78: {  	_ =	shalt  }
0x79: {  	_ =	shalt  }
0x7a: {  	_ =	shalt  }
0x7b: {  	_ =	shalt  }
0x7c: {  	_ =	shalt  }
0x7d: {  	_ =	shalt  }
0x7e: {  	_ =	shalt  }
0x7f: {  	_ =	shalt  }
0x80: {  	_ =	shalt  }
0x81: {  	_ =	shalt  }
0x82: {  	_ =	shalt  }
0x83: {  	_ =	shalt  }
0x84: {  	_ =	shalt  }
0x85: {  	_ =	shalt  }
0x86: {  	_ =	shalt  }
0x87: {  	_ =	shalt  }
.Lfunc_end0:
.L_simem_size_0:
called_computation_lowered:
.L_overlay_start_0:
0x88: {  	s2 =	sld [smem:$0x3FD9]  }
0x89: {  	s3 =	sld [smem:$0x3FFE];
	_ =	sdelay $0x1  }
0x8a: {  	s1 =	srdreg.scid  }
0x8b: {  	s0 =	sand.u32 $0x1, s1  }
0x8c: {  	s17 =	sshll.u32 s0, $0xA;
	s2 =	sadd.s32 s3, s2  }
0x8d: {  	s2 =	sadd.s32 s2, s17  }
0x8e: {  	[smem:$0x3FC2] =	sst s2  }
0x8f: {  	_ = 	snop  }
0x90: {  	s2 =	sld [smem:$0x3FD0];
	(tm) =	ssettm $0x1  }
0x91: {  	s18 =	sld [smem:$0x3FFB];
	_ =	sdelay $0x3  }
0x92: {  	_ =	strace s18  }
0x93: {  	s3 =	sld [smem:$0x3FFC];
	_ =	sdelay $0x3  }
0x94: {  	_ =	strace s3  }
0x95: {  	s3 =	sld [smem:$0x3FFD];
	_ =	sdelay $0x3  }
0x96: {  	_ =	strace s3  }
0x97: {  	_ =	strace $0x8FFFFFFF  }
0x98: {  	s19 =	sld [smem:$0x3FDB];
	_ =	sdelay $0x1  }
0x99: {  	s4 =	simm.s32 $_scs_section_size  }
0x9a: {  	s5 =	simm.s32 $_size__tile_overlayer_lowered;
	s6 =	simm.s32 $_tile_overlayer_lowered  }
0x9b: {  	s22 =	simm.s32 $0x1BFF;
	s21 =	sshll.u32 s6, $0x1;
	s3 =	sadd.s32 s4, s19  }
0x9c: {  	s7 =	simm.s32 $0x0;
	s20 =	sshll.u32 s5, $0x1;
	s5 =	sadd.s32 s21, s3  }
0x9d: {  	[timem:s7], [sflag:s22] =	dma.local [hbm:s5], s20  }
0x9e: {  	_ =	swait.ge [sflag:s22], s20  }
0x9f: {  	s4 =	ssub.s32 $0x0, s20;
	[sflag:s22] =	ssyncset.done $0x0  }
0xa0: {  	[sflag:s22] =	ssyncadd.s32 s4;
	_ =	sdelay $0x1  }
0xa1: {  	s23 =	simm.s32 $0x1B8B  }
0xa2: {  	_ =	swait.ge [sflag:s23], $0x1  }
0xa3: {  	[sflag:s23] =	ssyncset.done $0x0  }
0xa4: {  	s25 =	simm.s32 $0x1B8E;
	s24 =	sld [smem:$0x3FFE];
	[sflag:s23] =	ssyncadd.s32 $0xFFFFFFFF  }
0xa5: {  	s26 =	simm.s32 $execute0_lowered;
	[smem:$0x3FD2] =	sst s25  }
0xa6: {  	s5 =	sshll.u32 s26, $0x1;
	_ =	strace $0x80000046;
	[dreg:$0x1] =	wrdreg $0xFFFFFFFF  }
0xa7: {  	s28 =	simm.s32 $_size_execute0_lowered;
	s3 =	sadd.s32 s3, s5;
	[dreg:$0x0] =	wrdreg $0x0  }
0xa8: {  	s5 =	sshll.u32 s28, $0x1;
	[dreg:$0x2] =	wrdreg s3  }
0xa9: {  	[dreg:$0x3] =	wrdreg s5  }
0xaa: {  	[dreg:$0x4] =	wrdreg $0xC0  }
0xab: {  	_ =	task [dreg:s7], $0x5FFFF  }
0xac: {  	[dreg:$0x1] =	wrdreg $0xFFFFFFFF  }
0xad: {  	[dreg:$0x0] =	wrdreg $0x60  }
0xae: {  	[dreg:$0x2] =	wrdreg s24  }
0xaf: {  	[dreg:$0x3] =	wrdreg s2  }
0xb0: {  	[dreg:$0x4] =	wrdreg $0x5000  }
0xb1: {  	[dreg:$0x5] =	wrdreg $0x9  }
0xb2: {  	_ =	task.clear_ibuf [dreg:s7], $0x6FFFF;
	_ =	strace $0x90000046  }
0xb3: {  	s29 =	simm.s32 $0x9;
	_ =	strace $0x80000048  }
0xb4: {  	_ =	swait.ge [sflag:s29], $0x1  }
0xb5: {  	[sflag:s29] =	ssyncadd.s32 $0xFFFFFFFF  }
0xb6: {  	_ =	strace $0x90000048  }
0xb7: {  	_ =	sfence  }
0xb8: {  	s30 =	sld [smem:$0x0];
	_ =	sdelay $0x2  }
0xb9: {  	s31 =	sshll.u32 s1, $0xD;
	s1 =	sshrl.u32 s1, $0x2  }
0xba: {  	s3 =	sand.u32 $0x4000, s31;
	s1 =	sadd.s32 s1, s30  }
0xbb: {  	s0 =	sor.u32 s3, s0;
	s1 =	sshll.u32 s1, $0x11  }
0xbc: {  	s0 =	sor.u32 s1, s0  }
0xbd: {  	s0 =	sadd.s32 $0x8F2B, s0  }
0xbe: {  	[sflag:s0] =	ssyncadd.remote.s32 $0x1  }
0xbf: {  	_ =	sfence.sel $0xFFFF  }
0xc0: {  	[dreg:$0x0] =	wrdreg $0xFFFFFFFF;
	(pc) =	sbr.abs _section_cstart, $3  }
0xc1: {  	[dreg:$0x1] =	wrdreg $0xFFFFFFFF  }
0xc2: {  	_ =	task.clear_ibuf [dreg:s7], $0x2FFFF;
	_ =	strace $0x9FFFFFFF  }
0xc3: {  	(tm) =	ssettm $0x7FFFFFFF  }
tec
execute0_lowered:
.L_overlay_start_1:
0x0: {  	(tag) =	ssettag $0x1  }
0x1: {  	s0 =	rddreg [dreg:$0x0]  }
0x2: {  	s3 =	rddreg [dreg:$0x1]  }
0x3: {  	s1 =	rddreg [dreg:$0x2];
	s2 =	simm.s32 $0x0  }
0x4: {  	s4 =	srdreg.scid;
	s16 =	stileid.u32;
	s19 =	simm.s32 $0x9  }
0x5: {  	s20 =	simm.s32 $0x80;
	s21 =	simm.s32 $0x1;
	s22 =	simm.s32 $0x200  }
0x6: {  	s28 =	simm.s32 $0x3;
	s29 =	simm.s32 $0x6;
	s30 =	simm.s32 $0x4  }
0x7: {  	s31 =	simm.s32 $0x7;
	[smem:$0x7FF] =	sst s2;
	s5 =	sand.u32 $0x1, s4  }
0x8: {  	s12 =	smul.u32 $0x280, s16;
	s15 =	sadd.s32 $0x1A00, s0;
	s0 =	sadd.s32 $0x1A10, s0  }
0x9: {  	_ =	strace $0x80000047;
	s4 =	ssub.s32 $0x2, s5;
	s13 =	smul.u32 $0x2800, s5  }
0xa: {  	s6 =	sshll.u32 s5, $0x4;
	s5 =	smul.u32 $0x500, s5;
	s7 =	sshrl.u32 s4, $0x1  }
0xb: {  	s6 =	sor.u32 s16, s6;
	s16 =	smul.u32 $0x50, s16;
	s14 =	ssub.s32 s4, s7  }
0xc: {  	s23 =	smul.u32 $0xA00, s6;
	s4 =	sadd.s32 s12, s1;
	s13 =	sadd.s32 s12, s13  }
0xd: {  	s9 =	smul.u32 $0x5000, s6;
	s5 =	sadd.s32 s16, s5;
	s13 =	sshrl.u32 s13, $0x3  }
0xe: {  	s14 =	smax.u32 s14, $0x1;
	s24 =	sadd.s32 s23, s0;
	s10 =	sadd.s32 s23, s15  }
0xf: {  	s11 =	sshrl.u32 s9, $0x3;
	s5 =	sshll.u32 s5, $0x5;
	s13 =	sadd.s32 s3, s13  }
0x10: {  	s23 =	simm.s32 $0x100;
	s3 =	simm.s32 $0x0;
	[dreg:$0x4] =	wrdreg s24  }
0x11: {  	s25 =	sadd.s32 $0x30, s10;
	s26 =	sadd.s32 $0x50, s10;
	s8 =	sadd.s32 $0x70, s10  }
0x12: {  	s9 =	sadd.s32 $0x90, s10;
	s10 =	sadd.s32 $0xB0, s10;
	s17 =	sadd.s32 s15, s11  }
0x13: {  	s0 =	sadd.s32 s5, s0;
	s15 =	sadd.s32 s5, s15;
	[dreg:$0x5] =	wrdreg s25  }
0x14: {  	s24 =	simm.s32 $0x2;
	[dreg:$0x6] =	wrdreg s26;
	s11 =	sadd.s32 $0x9D0, s17  }
0x15: {  	s12 =	sadd.s32 $0x9F0, s17;
	s16 =	sadd.s32 $0x100, s0;
	s17 =	sadd.s32 $0xC0, s0  }
0x16: {  	v0 =	vimm.f32 $1.000000000e+00;
	v1 =	vimm.f32 $0.0e+00;
	s25 =	simm.s32 $0x5;
	s26 =	simm.s32 $0x180;
	s0 =	simm.s32 $0x8  }
.LBB2_1:
0x17: {  	[tilespmem:$0x200] =	vst v0  }
0x18: {  	[tilespmem:$0x210] =	vst v0  }
0x19: {  	[tilespmem:$0x220] =	vst v0  }
0x1a: {  	[tilespmem:$0x230] =	vst v0  }
0x1b: {  	[tilespmem:$0x240] =	vst v0  }
0x1c: {  	[tilespmem:$0x250] =	vst v0  }
0x1d: {  	[tilespmem:$0x260] =	vst v0  }
0x1e: {  	[tilespmem:$0x270] =	vst v0  }
0x1f: {  	[tilespmem:$0x280] =	vst v1  }
0x20: {  	[tilespmem:$0x290] =	vst v1  }
0x21: {  	[tilespmem:$0x2A0] =	vst v1  }
0x22: {  	[tilespmem:$0x2B0] =	vst v1  }
0x23: {  	[tilespmem:$0x2C0] =	vst v1  }
0x24: {  	[tilespmem:$0x2D0] =	vst v1  }
0x25: {  	[tilespmem:$0x2E0] =	vst v1  }
0x26: {  	[tilespmem:$0x2F0] =	vst v1  }
0x27: {  	[tilespmem:$0x300] =	vst v1  }
0x28: {  	[tilespmem:$0x310] =	vst v1  }
0x29: {  	[tilespmem:$0x320] =	vst v1  }
0x2a: {  	[tilespmem:$0x330] =	vst v1  }
0x2b: {  	[tilespmem:$0x340] =	vst v1  }
0x2c: {  	[tilespmem:$0x350] =	vst v1  }
0x2d: {  	[tilespmem:$0x360] =	vst v1  }
0x2e: {  	[tilespmem:$0x370] =	vst v1  }
0x2f: {  	[tilespmem:$0x380] =	vst v1  }
0x30: {  	[tilespmem:$0x390] =	vst v1  }
0x31: {  	[tilespmem:$0x3A0] =	vst v1  }
0x32: {  	[tilespmem:$0x3B0] =	vst v1  }
0x33: {  	[tilespmem:$0x3C0] =	vst v1  }
0x34: {  	[tilespmem:$0x3D0] =	vst v1  }
0x35: {  	[tilespmem:$0x3E0] =	vst v1  }
0x36: {  	[tilespmem:$0x3F0] =	vst v1  }
0x37: {  	[tilespmem:$0x400] =	vst v1  }
0x38: {  	[tilespmem:$0x410] =	vst v1  }
0x39: {  	[tilespmem:$0x420] =	vst v1  }
0x3a: {  	[tilespmem:$0x430] =	vst v1  }
0x3b: {  	[tilespmem:$0x440] =	vst v1  }
0x3c: {  	[tilespmem:$0x450] =	vst v1  }
0x3d: {  	[tilespmem:$0x460] =	vst v1  }
0x3e: {  	[tilespmem:$0x470] =	vst v1  }
0x3f: {  	[tilespmem:$0x480] =	vst v1  }
0x40: {  	[tilespmem:$0x490] =	vst v1  }
0x41: {  	[tilespmem:$0x4A0] =	vst v1  }
0x42: {  	[tilespmem:$0x4B0] =	vst v1  }
0x43: {  	[tilespmem:$0x4C0] =	vst v1  }
0x44: {  	[tilespmem:$0x4D0] =	vst v1  }
0x45: {  	[tilespmem:$0x4E0] =	vst v1  }
0x46: {  	[tilespmem:$0x4F0] =	vst v1;
	s5 =	simm.s32 $0x280  }
0x47: {  	[spmem:s4] =	stream.linear.scatter [tilespmem:s5], [sflag:$0x9], $0x280, $0x38;
	[tilespmem:$0x780] =	vst v63  }
0x48: {  	_ =	swait.ge [sflag:s19], $0x280  }
0x49: {  	[sflag:s19] =	ssyncset.done $0x0  }
0x4a: {  	[sflag:s19] =	ssyncadd.s32 $0xFFFFFD80  }
0x4b: {  	[bflag:$0x0] =	sbarrier.arrive $0xFFFF  }
0x4c: {  	s18 =	rddreg [dreg:$0x4]  }
0x4d: {  	[tilespmem:s2], [sflag:$0x1] =	stream.linear.gather [hbm4b:s18+s2], $0x80, $0x38;
	[tilespmem:$0x780] =	vst v63  }
0x4e: {  	s6 =	rddreg [dreg:$0x5]  }
0x4f: {  	[tilespmem:s20], [sflag:$0x2] =	stream.linear.gather [hbm4b:s6+s2], $0x80, $0x38;
	[tilespmem:$0x780] =	vst v63  }
0x50: {  	_ =	swait.ge [sflag:s21], $0x80  }
0x51: {  	[sflag:s21] =	ssyncset.done $0x0  }
0x52: {  	[sflag:s21] =	ssyncadd.s32 $0xFFFFFF80  }
0x53: {  	[spmem:s1] =	stream.indirect.scatter.add.f32 [tilespmem:s22], [sflag:$0x5], $0x1, s2, s20, $0xb8;
	[tilespmem:$0x780] =	vst v63  }
0x54: {  	s7 =	rddreg [dreg:$0x6]  }
0x55: {  	[tilespmem:s23], [sflag:$0x3] =	stream.linear.gather [hbm4b:s7+s2], $0x80, $0x38;
	[tilespmem:$0x780] =	vst v63  }
0x56: {  	_ =	swait.ge [sflag:s24], $0x80  }
0x57: {  	[sflag:s24] =	ssyncset.done $0x0  }
0x58: {  	[sflag:s24] =	ssyncadd.s32 $0xFFFFFF80  }
0x59: {  	_ =	swait.ge [sflag:s25], $0x80  }
0x5a: {  	[sflag:s25] =	ssyncset.done $0x0  }
0x5b: {  	[sflag:s25] =	ssyncadd.s32 $0xFFFFFF80  }
0x5c: {  	[spmem:s1] =	stream.indirect.scatter.add.f32 [tilespmem:s22], [sflag:$0x6], $0x1, s20, s20, $0xb8;
	[tilespmem:$0x780] =	vst v63  }
0x5d: {  	_ = 	snop  }
0x5e: {  	[tilespmem:s26], [sflag:$0x4] =	stream.linear.gather [hbm4b:s8+s2], $0x80, $0x38;
	[tilespmem:$0x780] =	vst v63  }
0x5f: {  	_ =	swait.ge [sflag:s28], $0x80  }
0x60: {  	[sflag:s28] =	ssyncset.done $0x0  }
0x61: {  	[sflag:s28] =	ssyncadd.s32 $0xFFFFFF80  }
0x62: {  	_ =	swait.ge [sflag:s29], $0x80  }
0x63: {  	[sflag:s29] =	ssyncset.done $0x0  }
0x64: {  	[sflag:s29] =	ssyncadd.s32 $0xFFFFFF80  }
0x65: {  	[spmem:s1] =	stream.indirect.scatter.add.f32 [tilespmem:s22], [sflag:$0x7], $0x1, s23, s20, $0xb8;
	[tilespmem:$0x780] =	vst v63  }
0x66: {  	_ = 	snop  }
0x67: {  	[tilespmem:s2], [sflag:$0x1] =	stream.linear.gather [hbm4b:s9+s2], $0x80, $0x38;
	[tilespmem:$0x780] =	vst v63  }
0x68: {  	_ =	swait.ge [sflag:s30], $0x80  }
0x69: {  	[sflag:s30] =	ssyncset.done $0x0  }
0x6a: {  	[sflag:s30] =	ssyncadd.s32 $0xFFFFFF80  }
0x6b: {  	_ =	swait.ge [sflag:s31], $0x80  }
0x6c: {  	[sflag:s31] =	ssyncset.done $0x0  }
0x6d: {  	[sflag:s31] =	ssyncadd.s32 $0xFFFFFF80  }
0x6e: {  	[spmem:s1] =	stream.indirect.scatter.add.f32 [tilespmem:s22], [sflag:$0x8], $0x1, s26, s20, $0xb8;
	[tilespmem:$0x780] =	vst v63  }
0x6f: {  	_ = 	snop  }
0x70: {  	[tilespmem:s20], [sflag:$0x2] =	stream.linear.gather [hbm4b:s10+s2], $0x80, $0x38;
	[tilespmem:$0x780] =	vst v63  }
0x71: {  	_ =	swait.ge [sflag:s21], $0x80  }
0x72: {  	[sflag:s21] =	ssyncset.done $0x0  }
0x73: {  	[sflag:s21] =	ssyncadd.s32 $0xFFFFFF80  }
0x74: {  	_ =	swait.ge [sflag:s0], $0x80  }
0x75: {  	[sflag:s0] =	ssyncset.done $0x0  }
0x76: {  	[sflag:s0] =	ssyncadd.s32 $0xFFFFFF80  }
0x77: {  	[spmem:s1] =	stream.indirect.scatter.add.f32 [tilespmem:s22], [sflag:$0x5], $0x1, s2, s20, $0xb8;
	[tilespmem:$0x780] =	vst v63  }
0x78: {  	s18 =	sadd.s32 $0x0, s17  }
0x79: {  	[tilespmem:s23], [sflag:$0x3] =	stream.linear.gather [hbm4b:s18+s2], $0x80, $0x38;
	[tilespmem:$0x780] =	vst v63  }
0x7a: {  	_ =	swait.ge [sflag:s24], $0x80  }
0x7b: {  	[sflag:s24] =	ssyncset.done $0x0  }
0x7c: {  	[sflag:s24] =	ssyncadd.s32 $0xFFFFFF80  }
0x7d: {  	_ =	swait.ge [sflag:s25], $0x80  }
0x7e: {  	[sflag:s25] =	ssyncset.done $0x0  }
0x7f: {  	s6 =	sadd.s32 $0x0, s15;
	[sflag:s25] =	ssyncadd.s32 $0xFFFFFF80  }
0x80: {  	[spmem:s1] =	stream.indirect.scatter.add.f32 [tilespmem:s22], [sflag:$0x6], $0x1, s20, s20, $0xb8;
	[tilespmem:$0x780] =	vst v63  }
0x81: {  	s18 =	sadd.s32 $0xF0, s6  }
0x82: {  	[tilespmem:s26], [sflag:$0x4] =	stream.linear.gather [hbm4b:s18+s2], $0x80, $0x38;
	[tilespmem:$0x780] =	vst v63  }
0x83: {  	_ =	swait.ge [sflag:s28], $0x80  }
0x84: {  	[sflag:s28] =	ssyncset.done $0x0  }
0x85: {  	[sflag:s28] =	ssyncadd.s32 $0xFFFFFF80  }
0x86: {  	_ =	swait.ge [sflag:s29], $0x80  }
0x87: {  	[sflag:s29] =	ssyncset.done $0x0  }
0x88: {  	[sflag:s29] =	ssyncadd.s32 $0xFFFFFF80  }
0x89: {  	[spmem:s1] =	stream.indirect.scatter.add.f32 [tilespmem:s22], [sflag:$0x7], $0x1, s23, s20, $0xb8;
	[tilespmem:$0x780] =	vst v63  }
0x8a: {  	s7 =	sadd.s32 $0x0, s16  }
0x8b: {  	[tilespmem:s2], [sflag:$0x1] =	stream.linear.gather [hbm4b:s7+s2], $0x80, $0x38;
	[tilespmem:$0x780] =	vst v63  }
0x8c: {  	_ =	swait.ge [sflag:s30], $0x80  }
0x8d: {  	[sflag:s30] =	ssyncset.done $0x0  }
0x8e: {  	[sflag:s30] =	ssyncadd.s32 $0xFFFFFF80  }
0x8f: {  	_ =	swait.ge [sflag:s31], $0x80  }
0x90: {  	[sflag:s31] =	ssyncset.done $0x0  }
0x91: {  	s5 =	sadd.s32 $0x130, s6;
	s18 =	simm.s32 $0x80;
	[sflag:s31] =	ssyncadd.s32 $0xFFFFFF80  }
0x92: {  	[spmem:s1] =	stream.indirect.scatter.add.f32 [tilespmem:s22], [sflag:$0x8], $0x1, s26, s20, $0xb8;
	[tilespmem:$0x780] =	vst v63  }
.LBB2_2:
0x93: {  	[tilespmem:s20], [sflag:$0x2] =	stream.linear.gather [hbm4b:s5+s2], $0x80, $0x38;
	[tilespmem:$0x780] =	vst v63  }
0x94: {  	s5 =	smov.u32 s18  }
0x95: {  	p0 =	sne.s32 s18, $0x880;
	s18 =	sadd.s32 $0x80, s18;
	_ =	swait.ge [sflag:s21], $0x80  }
0x96: {  	[sflag:s21] =	ssyncset.done $0x0  }
0x97: {  	[sflag:s21] =	ssyncadd.s32 $0xFFFFFF80  }
0x98: {  	_ =	swait.ge [sflag:s0], $0x80  }
0x99: {  	[sflag:s0] =	ssyncset.done $0x0  }
0x9a: {  	[sflag:s0] =	ssyncadd.s32 $0xFFFFFF80  }
0x9b: {  	[spmem:s1] =	stream.indirect.scatter.add.f32 [tilespmem:s22], [sflag:$0x5], $0x1, s2, s20, $0xb8;
	[tilespmem:$0x780] =	vst v63  }
0x9c: {  	s6 =	sadd.s32 s5, s17  }
0x9d: {  	[tilespmem:s23], [sflag:$0x3] =	stream.linear.gather [hbm4b:s6+s2], $0x80, $0x38;
	[tilespmem:$0x780] =	vst v63  }
0x9e: {  	_ =	swait.ge [sflag:s24], $0x80  }
0x9f: {  	[sflag:s24] =	ssyncset.done $0x0  }
0xa0: {  	[sflag:s24] =	ssyncadd.s32 $0xFFFFFF80  }
0xa1: {  	_ =	swait.ge [sflag:s25], $0x80  }
0xa2: {  	[sflag:s25] =	ssyncset.done $0x0  }
0xa3: {  	s6 =	sadd.s32 s5, s15;
	[sflag:s25] =	ssyncadd.s32 $0xFFFFFF80  }
0xa4: {  	[spmem:s1] =	stream.indirect.scatter.add.f32 [tilespmem:s22], [sflag:$0x6], $0x1, s20, s20, $0xb8;
	[tilespmem:$0x780] =	vst v63  }
0xa5: {  	s7 =	sadd.s32 $0xF0, s6  }
0xa6: {  	[tilespmem:s26], [sflag:$0x4] =	stream.linear.gather [hbm4b:s7+s2], $0x80, $0x38;
	[tilespmem:$0x780] =	vst v63  }
0xa7: {  	_ =	swait.ge [sflag:s28], $0x80  }
0xa8: {  	[sflag:s28] =	ssyncset.done $0x0  }
0xa9: {  	[sflag:s28] =	ssyncadd.s32 $0xFFFFFF80  }
0xaa: {  	_ =	swait.ge [sflag:s29], $0x80  }
0xab: {  	[sflag:s29] =	ssyncset.done $0x0  }
0xac: {  	[sflag:s29] =	ssyncadd.s32 $0xFFFFFF80  }
0xad: {  	[spmem:s1] =	stream.indirect.scatter.add.f32 [tilespmem:s22], [sflag:$0x7], $0x1, s23, s20, $0xb8;
	[tilespmem:$0x780] =	vst v63  }
0xae: {  	s5 =	sadd.s32 s5, s16  }
0xaf: {  	[tilespmem:s2], [sflag:$0x1] =	stream.linear.gather [hbm4b:s5+s2], $0x80, $0x38;
	[tilespmem:$0x780] =	vst v63  }
0xb0: {  	_ =	swait.ge [sflag:s30], $0x80  }
0xb1: {  	[sflag:s30] =	ssyncset.done $0x0  }
0xb2: {  	[sflag:s30] =	ssyncadd.s32 $0xFFFFFF80  }
.Ltmp0:
0xb3: {  	_ =	swait.ge [sflag:s31], $0x80;
	(pc) =	sbr.rel @p0 .LBB2_2-.Ltmp0, $4  }
0xb4: {  	[sflag:s31] =	ssyncset.done $0x0  }
0xb5: {  	[sflag:s31] =	ssyncadd.s32 $0xFFFFFF80  }
0xb6: {  	[spmem:s1] =	stream.indirect.scatter.add.f32 [tilespmem:s22], [sflag:$0x8], $0x1, s26, s20, $0xb8;
	[tilespmem:$0x780] =	vst v63  }
0xb7: {  	s5 =	sadd.s32 $0x130, s6  }
0xb8: {  	[tilespmem:s20], [sflag:$0x2] =	stream.linear.gather [hbm4b:s5+s2], $0x80, $0x38;
	[tilespmem:$0x780] =	vst v63  }
0xb9: {  	_ =	swait.ge [sflag:s21], $0x80  }
0xba: {  	[sflag:s21] =	ssyncset.done $0x0  }
0xbb: {  	[sflag:s21] =	ssyncadd.s32 $0xFFFFFF80  }
0xbc: {  	_ =	swait.ge [sflag:s0], $0x80  }
0xbd: {  	[sflag:s0] =	ssyncset.done $0x0  }
0xbe: {  	[sflag:s0] =	ssyncadd.s32 $0xFFFFFF80  }
0xbf: {  	[spmem:s1] =	stream.indirect.scatter.add.f32 [tilespmem:s22], [sflag:$0x5], $0x1, s2, s20, $0xb8;
	[tilespmem:$0x780] =	vst v63  }
0xc0: {  	_ = 	snop  }
0xc1: {  	[tilespmem:s23], [sflag:$0x3] =	stream.linear.gather [hbm4b:s11+s2], $0x80, $0x38;
	[tilespmem:$0x780] =	vst v63  }
0xc2: {  	_ =	swait.ge [sflag:s24], $0x80  }
0xc3: {  	[sflag:s24] =	ssyncset.done $0x0  }
0xc4: {  	[sflag:s24] =	ssyncadd.s32 $0xFFFFFF80  }
0xc5: {  	_ =	swait.ge [sflag:s25], $0x80  }
0xc6: {  	[sflag:s25] =	ssyncset.done $0x0  }
0xc7: {  	[sflag:s25] =	ssyncadd.s32 $0xFFFFFF80  }
0xc8: {  	[spmem:s1] =	stream.indirect.scatter.add.f32 [tilespmem:s22], [sflag:$0x6], $0x1, s20, s20, $0xb8;
	[tilespmem:$0x780] =	vst v63  }
0xc9: {  	_ = 	snop  }
0xca: {  	[tilespmem:s26], [sflag:$0x4] =	stream.linear.gather [hbm4b:s12+s2], $0x80, $0x38;
	[tilespmem:$0x780] =	vst v63  }
0xcb: {  	_ =	swait.ge [sflag:s28], $0x80  }
0xcc: {  	[sflag:s28] =	ssyncset.done $0x0  }
0xcd: {  	[sflag:s28] =	ssyncadd.s32 $0xFFFFFF80  }
0xce: {  	_ =	swait.ge [sflag:s29], $0x80  }
0xcf: {  	[sflag:s29] =	ssyncset.done $0x0  }
0xd0: {  	[sflag:s29] =	ssyncadd.s32 $0xFFFFFF80  }
0xd1: {  	[spmem:s1] =	stream.indirect.scatter.add.f32 [tilespmem:s22], [sflag:$0x7], $0x1, s23, s20, $0xb8;
	[tilespmem:$0x780] =	vst v63  }
0xd2: {  	_ =	swait.ge [sflag:s30], $0x80  }
0xd3: {  	[sflag:s30] =	ssyncset.done $0x0  }
0xd4: {  	[sflag:s30] =	ssyncadd.s32 $0xFFFFFF80  }
0xd5: {  	_ =	swait.ge [sflag:s31], $0x80  }
0xd6: {  	[sflag:s31] =	ssyncset.done $0x0  }
0xd7: {  	[sflag:s31] =	ssyncadd.s32 $0xFFFFFF80  }
0xd8: {  	[spmem:s1] =	stream.indirect.scatter.add.f32 [tilespmem:s22], [sflag:$0x8], $0x1, s26, s20, $0xb8;
	[tilespmem:$0x780] =	vst v63  }
0xd9: {  	s18 =	stileid.u32;
	_ =	swait.ge [sflag:s0], $0x80  }
0xda: {  	s6 =	sshrl.u32 s4, $0x3;
	s3 =	sadd.s32 $0x1, s3;
	[sflag:s0] =	ssyncset.done $0x0  }
0xdb: {  	s5 =	sshll.u32 s18, $0x6;
	p0 =	sne.s32 s3, s14;
	[sflag:s0] =	ssyncadd.s32 $0xFFFFFF80  }
.Ltmp1:
0xdc: {  	s5 =	sor.u32 $0x1C09, s5;
	[bflag:$0x0] =	sbarrier.arrive $0xFFFF;
	(pc) =	sbr.rel @p0 .LBB2_1-.Ltmp1, $4  }
0xdd: {  	[hbm:s13], [sflag:s5] =	dma.local [spmem:s6], $0x50  }
0xde: {  	_ =	swait.ge [sflag:s19], $0x50  }
0xdf: {  	[sflag:s19] =	ssyncset.done $0x0  }
0xe0: {  	[sflag:s19] =	ssyncadd.s32 $0xFFFFFFB0  }
0xe1: {  	_ =	sfence.sel $0x180000  }
0xe2: {  	[bflag:$0x0] =	sbarrier.arrive $0xFFFF  }
0xe3: {  	_ =	strace $0x90000047  }
0xe4: {  	s0 =	stileid.u32;
	[bflag:$0x2] =	sbarrier.arrive $0xFFFF  }
0xe5: {  	p0 =	sne.s32 s0, $0x0;
	s0 =	rddreg [dreg:$0x3]  }
0xe6: {  	s0 =	sadd.s32 @!p0 $0x100000, s0  }
0xe7: {  	[sflag:s0] =	ssyncadd.tile.s32 @!p0 $0x1;
	_ =	shalt  }
.Lfunc_end2:
_tile_overlayer_lowered:
.L_overlay_start_2:
0xe8: {  	(tag) =	ssettag $0x2  }
0xe9: {  	s0 =	rddreg [dreg:$0x0];
	s2 =	stileid.u32  }
0xea: {  	s1 =	rddreg [dreg:$0x1];
	p0 =	sne.s32 s2, $0x0  }
0xeb: {  	s3 =	rddreg [dreg:$0x2];
	[bflag:$0x3] =	sbarrier.arrive $0xFFFF;
	s2 =	simm.s32 @!p0 $0x1C09  }
0xec: {  	[timem:s3], [sflag:s2] =	dma.local @!p0 [hbm:s0], s1  }
0xed: {  	s0 =	simm.s32 @!p0 $0x9  }
0xee: {  	_ =	swait.ge @!p0 [sflag:s0], s1  }
0xef: {  	s1 =	ssub.s32 @!p0 $0x0, s1;
	[sflag:s0] =	ssyncset.done @!p0 $0x0  }
0xf0: {  	[sflag:s0] =	ssyncadd.s32 @!p0 s1  }
0xf1: {  	[bflag:$0x3] =	sbarrier.arrive $0xFFFF  }
0xf2: {  	_ =	shalt  }

// kernel: kernel.9.cloned.1.call-start
scs
__scs_entry_jumppad:
0x0: {  	(pc) =	sbr.rel $0x88, $3  }
0x1: {  	(tag) =	ssettag $0x0;
	lr =	simm.s32 $0x1  }
0x2: {  	[smem:$0x3F9B] =	sst lr;
	_ =	strace $0xD0000000  }
0x3: {  	_ = 	snop  }
0x4: {  	_ = 	snop  }
0x5: {  	_ = 	snop  }
0x6: {  	_ = 	snop  }
0x7: {  	_ = 	snop  }
__scs_overlays_trampoline_lowered:
0x8: {  	[smem:$0x3FAA] =	sst s0  }
0x9: {  	[smem:$0x3FAB] =	sst s1  }
0xa: {  	[smem:$0x3FAC] =	sst s2  }
0xb: {  	[smem:$0x3FAD] =	sst s3  }
0xc: {  	[smem:$0x3FAE] =	sst s4  }
0xd: {  	[smem:$0x3FAF] =	sst s5  }
0xe: {  	[smem:$0x3FB0] =	sst s6  }
0xf: {  	[smem:$0x3FB1] =	sst s7  }
0x10: {  	[smem:$0x3FB2] =	sst s8  }
0x11: {  	[smem:$0x3FB3] =	sst s9;
	s0 =	simm.s32 @!p0 $0x0  }
0x12: {  	s1 =	sld [smem:$0x3F99];
	s0 =	simm.s32 @p0 $0x1  }
0x13: {  	[smem:$0x3FB4] =	sst s0;
	s0 =	simm.s32 @!p1 $0x0  }
0x14: {  	s2 =	sld [smem:$0x3F98];
	s0 =	simm.s32 @p1 $0x1  }
0x15: {  	[smem:$0x3FB5] =	sst s0;
	s0 =	simm.s32 @!p2 $0x0  }
0x16: {  	s3 =	sld [smem:$0x3FDB];
	s0 =	simm.s32 @p2 $0x1  }
0x17: {  	s4 =	simm.s32 $0x1BF5;
	[smem:$0x3FB7] =	sst s0  }
0x18: {  	s0 =	sld [smem:$0x3F9A];
	_ =	swait.ge [sflag:s4], $0x0  }
0x19: {  	s7 =	sld [smem:$0x3F9B]  }
0x1a: {  	s8 =	sadd.s32 $0xFFFFE003, lr  }
0x1b: {  	s9 =	sadd.s32 $0xFFFFFEF7, lr;
	s5 =	simm.s32 $0xFFFFFFFF;
	p2 =	slt.u32 s8, $0xFFFFF086  }
0x1c: {  	p1 =	slt.u32 s9, $0xF7A;
	s5 =	simm.s32 @!p2 $0x0  }
0x1d: {  	s5 =	simm.s32 @p1 $0x1;
	p0 =	seq.s32 s7, s2  }
0x1e: {  	s7 =	smul.u32 @!p0 $0xF7A, s2;
	p2 =	seq.s32 @!p0 s5, $0x0  }
0x1f: {  	s9 =	smul.u32 $0xF7A, s1;
	s8 =	simm.s32 @!p0 $0x1BF5;
	p2 =	por !p2, p0  }
0x20: {  	[sflag:s8] =	ssyncset.s32 @!p0 $0xFFFFF086;
	s6 =	sadd.s32 @!p0 s3, s7;
	s7 =	simm.s32 @!p0 $0x108  }
0x21: {  	s3 =	sadd.s32 s3, s9;
	s6 =	sadd.s32 @!p0 $0x88, s6;
	s7 =	simm.s32 @p2 $0x1082  }
0x22: {  	[simem:s7], [sflag:s8] =	dma.local @!p0 [hbm:s6], $0xF7A  }
0x23: {  	s9 =	sor.u32 $0xD0000000, s2;
	s6 =	simm.s32 $0x108;
	_ =	swait.ge @!p0 [sflag:s8], $0x0  }
0x24: {  	s3 =	sadd.s32 $0x88, s3;
	s6 =	simm.s32 @!p1 $0x1082;
	[sflag:s4] =	ssyncset.s32 $0xFFFFF086  }
0x25: {  	[simem:s6], [sflag:s4] =	dma.local [hbm:s3], $0xF7A  }
0x26: {  	[smem:$0x3F9B] =	sst s1;
	(tag) =	ssettag s2;
	_ =	strace s9  }
0x27: {  	s1 =	sld [smem:$0x3FAB]  }
0x28: {  	s2 =	sld [smem:$0x3FAC]  }
0x29: {  	s4 =	sld [smem:$0x3FAE]  }
0x2a: {  	p0 =	seq.s32 s5, $0x0;
	s5 =	sld [smem:$0x3FAF]  }
0x2b: {  	s6 =	sld [smem:$0x3FB0]  }
0x2c: {  	s7 =	sld [smem:$0x3FB1]  }
0x2d: {  	s3 =	simm.s32 $0x108;
	s8 =	sld [smem:$0x3FB2]  }
0x2e: {  	s3 =	simm.s32 @!p0 $0x1082;
	s9 =	sld [smem:$0x3FB3]  }
0x2f: {  	lr =	sadd.s32 s0, s3;
	s0 =	sld [smem:$0x3FAA]  }
0x30: {  	s3 =	sld [smem:$0x3FAD]  }
0x31: {  	[smem:$0x3FB6] =	sst s10  }
0x32: {  	s10 =	sld [smem:$0x3FB4];
	_ =	sdelay $0x3  }
0x33: {  	p0 =	seq.s32 s10, $0x1;
	s10 =	sld [smem:$0x3FB6];
	_ =	sdelay $0x3  }
0x34: {  	[smem:$0x3FB6] =	sst s10  }
0x35: {  	s10 =	sld [smem:$0x3FB5];
	_ =	sdelay $0x3  }
0x36: {  	p1 =	seq.s32 s10, $0x1;
	s10 =	sld [smem:$0x3FB6];
	_ =	sdelay $0x3  }
0x37: {  	[smem:$0x3FB6] =	sst s10  }
0x38: {  	s10 =	sld [smem:$0x3FB7]  }
0x39: {  	_ = 	snop;
	(pc) =	sbr.ind lr, $3  }
0x3a: {  	_ = 	snop  }
0x3b: {  	_ = 	snop  }
0x3c: {  	p2 =	seq.s32 s10, $0x1;
	s10 =	sld [smem:$0x3FB6]  }
0x3d: {  	_ =	shalt  }
0x3e: {  	_ =	shalt  }
0x3f: {  	_ =	shalt  }
0x40: {  	_ =	shalt  }
0x41: {  	_ =	shalt  }
0x42: {  	_ =	shalt  }
0x43: {  	_ =	shalt  }
0x44: {  	_ =	shalt  }
0x45: {  	_ =	shalt  }
0x46: {  	_ =	shalt  }
0x47: {  	_ =	shalt  }
0x48: {  	_ =	shalt  }
0x49: {  	_ =	shalt  }
0x4a: {  	_ =	shalt  }
0x4b: {  	_ =	shalt  }
0x4c: {  	_ =	shalt  }
0x4d: {  	_ =	shalt  }
0x4e: {  	_ =	shalt  }
0x4f: {  	_ =	shalt  }
0x50: {  	_ =	shalt  }
0x51: {  	_ =	shalt  }
0x52: {  	_ =	shalt  }
0x53: {  	_ =	shalt  }
0x54: {  	_ =	shalt  }
0x55: {  	_ =	shalt  }
0x56: {  	_ =	shalt  }
0x57: {  	_ =	shalt  }
0x58: {  	_ =	shalt  }
0x59: {  	_ =	shalt  }
0x5a: {  	_ =	shalt  }
0x5b: {  	_ =	shalt  }
0x5c: {  	_ =	shalt  }
0x5d: {  	_ =	shalt  }
0x5e: {  	_ =	shalt  }
0x5f: {  	_ =	shalt  }
0x60: {  	_ =	shalt  }
0x61: {  	_ =	shalt  }
0x62: {  	_ =	shalt  }
0x63: {  	_ =	shalt  }
0x64: {  	_ =	shalt  }
0x65: {  	_ =	shalt  }
0x66: {  	_ =	shalt  }
0x67: {  	_ =	shalt  }
0x68: {  	_ =	shalt  }
0x69: {  	_ =	shalt  }
0x6a: {  	_ =	shalt  }
0x6b: {  	_ =	shalt  }
0x6c: {  	_ =	shalt  }
0x6d: {  	_ =	shalt  }
0x6e: {  	_ =	shalt  }
0x6f: {  	_ =	shalt  }
0x70: {  	_ =	shalt  }
0x71: {  	_ =	shalt  }
0x72: {  	_ =	shalt  }
0x73: {  	_ =	shalt  }
0x74: {  	_ =	shalt  }
0x75: {  	_ =	shalt  }
0x76: {  	_ =	shalt  }
0x77: {  	_ =	shalt  }
0x78: {  	_ =	shalt  }
0x79: {  	_ =	shalt  }
0x7a: {  	_ =	shalt  }
0x7b: {  	_ =	shalt  }
0x7c: {  	_ =	shalt  }
0x7d: {  	_ =	shalt  }
0x7e: {  	_ =	shalt  }
0x7f: {  	_ =	shalt  }
0x80: {  	_ =	shalt  }
0x81: {  	_ =	shalt  }
0x82: {  	_ =	shalt  }
0x83: {  	_ =	shalt  }
0x84: {  	_ =	shalt  }
0x85: {  	_ =	shalt  }
0x86: {  	_ =	shalt  }
0x87: {  	_ =	shalt  }
.Lfunc_end0:
.L_simem_size_0:
called_computation.1_lowered:
.L_overlay_start_0:
0x88: {  	s2 =	sld [smem:$0x3FD9]  }
0x89: {  	s3 =	sld [smem:$0x3FFE];
	_ =	sdelay $0x1  }
0x8a: {  	s1 =	srdreg.scid  }
0x8b: {  	s0 =	sand.u32 $0x1, s1  }
0x8c: {  	s16 =	sshll.u32 s0, $0xA;
	s2 =	sadd.s32 s3, s2  }
0x8d: {  	s2 =	sadd.s32 s2, s16  }
0x8e: {  	[smem:$0x3FC2] =	sst s2  }
0x8f: {  	_ = 	snop  }
0x90: {  	(tm) =	ssettm $0x1  }
0x91: {  	s17 =	sld [smem:$0x3FFB];
	_ =	sdelay $0x3  }
0x92: {  	_ =	strace s17  }
0x93: {  	s2 =	sld [smem:$0x3FFC];
	_ =	sdelay $0x3  }
0x94: {  	_ =	strace s2  }
0x95: {  	s2 =	sld [smem:$0x3FFD];
	_ =	sdelay $0x3  }
0x96: {  	_ =	strace s2  }
0x97: {  	_ =	strace $0x8FFFFFFF  }
0x98: {  	s18 =	sld [smem:$0x3FDB];
	_ =	sdelay $0x1  }
0x99: {  	s19 =	simm.s32 $_scs_section_size  }
0x9a: {  	s4 =	simm.s32 $_size__tile_overlayer_lowered;
	s5 =	simm.s32 $_tile_overlayer_lowered  }
0x9b: {  	s22 =	simm.s32 $0x1BFF;
	s21 =	sshll.u32 s5, $0x1;
	s2 =	sadd.s32 s19, s18  }
0x9c: {  	s6 =	simm.s32 $0x0;
	s20 =	sshll.u32 s4, $0x1;
	s4 =	sadd.s32 s21, s2  }
0x9d: {  	[timem:s6], [sflag:s22] =	dma.local [hbm:s4], s20  }
0x9e: {  	_ =	swait.ge [sflag:s22], s20  }
0x9f: {  	s3 =	ssub.s32 $0x0, s20;
	[sflag:s22] =	ssyncset.done $0x0  }
0xa0: {  	[sflag:s22] =	ssyncadd.s32 s3;
	_ =	sdelay $0x1  }
0xa1: {  	s23 =	simm.s32 $0x1B8B  }
0xa2: {  	_ =	swait.ge [sflag:s23], $0x1  }
0xa3: {  	[sflag:s23] =	ssyncset.done $0x0  }
0xa4: {  	s25 =	simm.s32 $0x1B8E;
	s24 =	sld [smem:$0x3FFE];
	[sflag:s23] =	ssyncadd.s32 $0xFFFFFFFF  }
0xa5: {  	s26 =	simm.s32 $execute0_lowered;
	[smem:$0x3FD2] =	sst s25  }
0xa6: {  	s4 =	sshll.u32 s26, $0x1;
	_ =	strace $0x80000049;
	[dreg:$0x1] =	wrdreg $0xFFFFFFFF  }
0xa7: {  	s28 =	simm.s32 $_size_execute0_lowered;
	s2 =	sadd.s32 s2, s4;
	[dreg:$0x0] =	wrdreg $0x0  }
0xa8: {  	s4 =	sshll.u32 s28, $0x1;
	[dreg:$0x2] =	wrdreg s2  }
0xa9: {  	[dreg:$0x3] =	wrdreg s4  }
0xaa: {  	[dreg:$0x4] =	wrdreg $0xC0  }
0xab: {  	_ =	task [dreg:s6], $0x5FFFF  }
0xac: {  	[dreg:$0x1] =	wrdreg $0xFFFFFFFF  }
0xad: {  	[dreg:$0x0] =	wrdreg $0x60  }
0xae: {  	[dreg:$0x2] =	wrdreg s24  }
0xaf: {  	[dreg:$0x3] =	wrdreg $0x8C000  }
0xb0: {  	[dreg:$0x4] =	wrdreg $0x9  }
0xb1: {  	_ =	task.clear_ibuf [dreg:s6], $0x5FFFF;
	_ =	strace $0x90000049  }
0xb2: {  	s29 =	simm.s32 $0x9;
	_ =	strace $0x8000004B  }
0xb3: {  	_ =	swait.ge [sflag:s29], $0x1  }
0xb4: {  	[sflag:s29] =	ssyncadd.s32 $0xFFFFFFFF  }
0xb5: {  	_ =	strace $0x9000004B  }
0xb6: {  	_ =	sfence  }
0xb7: {  	s30 =	sld [smem:$0x0];
	_ =	sdelay $0x2  }
0xb8: {  	s31 =	sshll.u32 s1, $0xD;
	s1 =	sshrl.u32 s1, $0x2  }
0xb9: {  	s3 =	sand.u32 $0x4000, s31;
	s1 =	sadd.s32 s1, s30  }
0xba: {  	s0 =	sor.u32 s3, s0;
	s1 =	sshll.u32 s1, $0x11  }
0xbb: {  	s0 =	sor.u32 s1, s0  }
0xbc: {  	s0 =	sadd.s32 $0x8F2B, s0  }
0xbd: {  	[sflag:s0] =	ssyncadd.remote.s32 $0x1  }
0xbe: {  	_ =	sfence.sel $0xFFFF  }
0xbf: {  	[dreg:$0x0] =	wrdreg $0xFFFFFFFF;
	(pc) =	sbr.abs _section_cstart, $3  }
0xc0: {  	[dreg:$0x1] =	wrdreg $0xFFFFFFFF  }
0xc1: {  	_ =	task.clear_ibuf [dreg:s6], $0x2FFFF;
	_ =	strace $0x9FFFFFFF  }
0xc2: {  	(tm) =	ssettm $0x7FFFFFFF  }
0xc3: {  	_ =	shalt  }
tec
execute0_lowered:
.L_overlay_start_1:
0x0: {  	(tag) =	ssettag $0x1  }
0x1: {  	s11 =	stileid.u32  }
0x2: {  	s1 =	srdreg.scid;
	s5 =	smul.u32 $0x2800, s11  }
0x3: {  	s1 =	sand.u32 $0x1, s1;
	s6 =	smul.u32 $0x50000, s11  }
0x4: {  	s0 =	rddreg [dreg:$0x0];
	s8 =	smul.u32 $0x28000, s1  }
0x5: {  	s2 =	rddreg [dreg:$0x1];
	s6 =	sshrl.u32 s6, $0x2  }
0x6: {  	s3 =	simm.s32 $0x0;
	s8 =	sadd.s32 s5, s8;
	s5 =	sadd.s32 s6, s2  }
0x7: {  	[smem:$0x7FF] =	sst s3;
	s19 =	sadd.s32 $0x800, s5  }
0x8: {  	_ =	strace $0x8000004A;
	s20 =	sadd.s32 $0x1000, s5;
	[dreg:$0x3] =	wrdreg s19  }
0x9: {  	s21 =	sadd.s32 $0x1800, s5;
	[dreg:$0x4] =	wrdreg s20  }
0xa: {  	s23 =	sadd.s32 $0x2000, s5;
	[dreg:$0x5] =	wrdreg s21  }
0xb: {  	s24 =	sadd.s32 $0x2800, s5;
	[dreg:$0x6] =	wrdreg s23  }
0xc: {  	s25 =	sadd.s32 $0x3000, s5;
	[dreg:$0x7] =	wrdreg s24  }
0xd: {  	s7 =	sadd.s32 $0x1A00, s0;
	s26 =	sadd.s32 $0x3800, s5;
	[dreg:$0x8] =	wrdreg s25  }
0xe: {  	s4 =	sadd.s32 $0x65A00, s0;
	s30 =	sadd.s32 $0x4000, s5;
	[dreg:$0x9] =	wrdreg s26  }
0xf: {  	s14 =	smul.u32 $0x50, s11;
	s31 =	sadd.s32 $0x4800, s5;
	[dreg:$0xa] =	wrdreg s30  }
0x10: {  	s9 =	ssub.s32 $0x2, s1;
	s12 =	sadd.s32 $0x5000, s5;
	[dreg:$0xb] =	wrdreg s31  }
0x11: {  	s22 =	sshll.u32 s1, $0x4;
	s13 =	sadd.s32 $0x5800, s5;
	[dreg:$0xc] =	wrdreg s12  }
0x12: {  	s10 =	sshrl.u32 s9, $0x1;
	s15 =	sadd.s32 $0x6000, s5;
	[dreg:$0xd] =	wrdreg s13  }
0x13: {  	s6 =	ssub.s32 s9, s10;
	s16 =	sadd.s32 $0x6800, s5;
	[dreg:$0xe] =	wrdreg s15  }
0x14: {  	s0 =	sadd.s32 s8, s0;
	s17 =	sadd.s32 $0x7000, s5;
	[dreg:$0xf] =	wrdreg s16  }
0x15: {  	s8 =	sor.u32 s11, s22;
	s22 =	smax.u32 s6, $0x1;
	[dreg:$0x10] =	wrdreg s17  }
0x16: {  	s1 =	smul.u32 $0x500, s1;
	s6 =	sadd.s32 $0xB800, s5;
	[dreg:$0x15] =	wrdreg s22  }
0x17: {  	s11 =	sadd.s32 $0xD800, s5;
	[dreg:$0x1e] =	wrdreg s6  }
0x18: {  	s1 =	sadd.s32 s14, s1;
	s14 =	sadd.s32 $0xF000, s5;
	[smem:$0x7EC] =	sst s11  }
0x19: {  	s0 =	sadd.s32 $0x8CC00, s0;
	[smem:$0x7EF] =	sst s14  }
0x1a: {  	s23 =	sadd.s32 $0x7800, s5;
	[dreg:$0x14] =	wrdreg s0  }
0x1b: {  	s24 =	sadd.s32 $0x8000, s5;
	[dreg:$0x16] =	wrdreg s23  }
0x1c: {  	s25 =	sadd.s32 $0x8800, s5;
	[dreg:$0x17] =	wrdreg s24  }
0x1d: {  	s26 =	sadd.s32 $0x9000, s5;
	[dreg:$0x18] =	wrdreg s25  }
0x1e: {  	s30 =	sadd.s32 $0xA000, s5;
	[dreg:$0x19] =	wrdreg s26  }
0x1f: {  	s1 =	sshll.u32 s1, $0x5;
	s31 =	sadd.s32 $0xA800, s5;
	[dreg:$0x1b] =	wrdreg s30  }
0x20: {  	s21 =	sadd.s32 s1, s7;
	s1 =	sadd.s32 $0xB000, s5;
	[dreg:$0x1c] =	wrdreg s31  }
0x21: {  	s12 =	sadd.s32 $0xE000, s5;
	[dreg:$0x1d] =	wrdreg s1  }
0x22: {  	s13 =	sadd.s32 $0xE800, s5;
	[smem:$0x7ED] =	sst s12  }
0x23: {  	s28 =	simm.s32 $0x0;
	s15 =	sadd.s32 $0xF800, s5;
	[smem:$0x7EE] =	sst s13  }
0x24: {  	s29 =	smul.u32 $0x5000, s8;
	s16 =	sadd.s32 $0x10000, s5;
	[smem:$0x7F0] =	sst s15  }
0x25: {  	s8 =	smul.u32 $0xA00, s8;
	s17 =	sadd.s32 $0x10800, s5;
	[smem:$0x7F1] =	sst s16  }
0x26: {  	s22 =	sadd.s32 $0x12800, s5;
	s6 =	simm.s32 $0x8400;
	[smem:$0x7F2] =	sst s17  }
0x27: {  	s11 =	simm.s32 $0x400;
	s14 =	simm.s32 $0x4400;
	[smem:$0x7F6] =	sst s22  }
0x28: {  	s23 =	sadd.s32 $0x13000, s5;
	s24 =	sadd.s32 $0x13800, s5;
	s0 =	sadd.s32 $0x100, s21  }
0x29: {  	s1 =	sadd.s32 $0xC0, s21;
	s12 =	simm.s32 $0x5;
	[smem:$0x7F7] =	sst s23  }
0x2a: {  	s9 =	sshrl.u32 s29, $0x3;
	s29 =	sadd.s32 $0x9800, s5;
	[smem:$0x7F8] =	sst s24  }
0x2b: {  	s10 =	sadd.s32 s7, s8;
	s8 =	sadd.s32 $0xC800, s5;
	[dreg:$0x1a] =	wrdreg s29  }
0x2c: {  	s13 =	simm.s32 $0x2;
	s15 =	simm.s32 $0x200;
	[smem:$0x7EA] =	sst s8  }
0x2d: {  	s18 =	sadd.s32 s7, s9;
	s7 =	sadd.s32 $0xC000, s5;
	[dreg:$0x11] =	wrdreg s10  }
0x2e: {  	s16 =	simm.s32 $0x6;
	s9 =	sadd.s32 $0xD000, s5;
	[dreg:$0x1f] =	wrdreg s7  }
0x2f: {  	s17 =	simm.s32 $0x7;
	s25 =	sadd.s32 $0x20, s10;
	[smem:$0x7EB] =	sst s9  }
0x30: {  	s22 =	simm.s32 $0x300;
	s26 =	sadd.s32 $0x40, s10;
	[smem:$0x7F9] =	sst s25  }
0x31: {  	s23 =	simm.s32 $0x8;
	s29 =	sadd.s32 $0x60, s10;
	[smem:$0x7FA] =	sst s26  }
0x32: {  	s24 =	simm.s32 $0x280;
	s30 =	sadd.s32 $0x80, s10;
	[smem:$0x7FB] =	sst s29  }
0x33: {  	s31 =	sadd.s32 $0xA0, s10;
	s8 =	simm.s32 $0x100;
	[smem:$0x7FC] =	sst s30  }
0x34: {  	s10 =	simm.s32 $0x80;
	s19 =	sadd.s32 $0x9C0, s18;
	[smem:$0x7FD] =	sst s31  }
0x35: {  	s20 =	sadd.s32 $0x9E0, s18;
	s18 =	sadd.s32 $0x11000, s5;
	[dreg:$0x12] =	wrdreg s19  }
0x36: {  	s7 =	simm.s32 $0x9;
	s9 =	simm.s32 $0x1;
	[dreg:$0x13] =	wrdreg s20  }
0x37: {  	s25 =	simm.s32 $0x4;
	[smem:$0x7F3] =	sst s18;
	s19 =	sadd.s32 $0x11800, s5  }
0x38: {  	s26 =	simm.s32 $0x380;
	s20 =	sadd.s32 $0x12000, s5;
	[smem:$0x7F4] =	sst s19  }
0x39: {  	v0 =	vimm.f32 $0.0e+00;
	s18 =	simm.s32 $0x180;
	[smem:$0x7F5] =	sst s20;
	s19 =	simm.s32 $0x3  }
.LBB2_1:
0x3a: {  	[tilespmem:$0x8400] =	vst v0  }
0x3b: {  	[tilespmem:$0x8410] =	vst v0  }
0x3c: {  	[tilespmem:$0x8420] =	vst v0  }
0x3d: {  	[tilespmem:$0x8430] =	vst v0  }
0x3e: {  	[tilespmem:$0x8440] =	vst v0  }
0x3f: {  	[tilespmem:$0x8450] =	vst v0  }
0x40: {  	[tilespmem:$0x8460] =	vst v0  }
0x41: {  	[tilespmem:$0x8470] =	vst v0  }
0x42: {  	[tilespmem:$0x8480] =	vst v0  }
0x43: {  	[tilespmem:$0x8490] =	vst v0  }
0x44: {  	[tilespmem:$0x84A0] =	vst v0  }
0x45: {  	[tilespmem:$0x84B0] =	vst v0  }
0x46: {  	[tilespmem:$0x84C0] =	vst v0  }
0x47: {  	[tilespmem:$0x84D0] =	vst v0  }
0x48: {  	[tilespmem:$0x84E0] =	vst v0  }
0x49: {  	[tilespmem:$0x84F0] =	vst v0  }
0x4a: {  	[tilespmem:$0x8500] =	vst v0  }
0x4b: {  	[tilespmem:$0x8510] =	vst v0  }
0x4c: {  	[tilespmem:$0x8520] =	vst v0  }
0x4d: {  	[tilespmem:$0x8530] =	vst v0  }
0x4e: {  	[tilespmem:$0x8540] =	vst v0  }
0x4f: {  	[tilespmem:$0x8550] =	vst v0  }
0x50: {  	[tilespmem:$0x8560] =	vst v0  }
0x51: {  	[tilespmem:$0x8570] =	vst v0  }
0x52: {  	[tilespmem:$0x8580] =	vst v0  }
0x53: {  	[tilespmem:$0x8590] =	vst v0  }
0x54: {  	[tilespmem:$0x85A0] =	vst v0  }
0x55: {  	[tilespmem:$0x85B0] =	vst v0  }
0x56: {  	[tilespmem:$0x85C0] =	vst v0  }
0x57: {  	[tilespmem:$0x85D0] =	vst v0  }
0x58: {  	[tilespmem:$0x85E0] =	vst v0  }
0x59: {  	[tilespmem:$0x85F0] =	vst v0  }
0x5a: {  	[tilespmem:$0x8600] =	vst v0  }
0x5b: {  	[tilespmem:$0x8610] =	vst v0  }
0x5c: {  	[tilespmem:$0x8620] =	vst v0  }
0x5d: {  	[tilespmem:$0x8630] =	vst v0  }
0x5e: {  	[tilespmem:$0x8640] =	vst v0  }
0x5f: {  	[tilespmem:$0x8650] =	vst v0  }
0x60: {  	[tilespmem:$0x8660] =	vst v0  }
0x61: {  	[tilespmem:$0x8670] =	vst v0  }
0x62: {  	[tilespmem:$0x8680] =	vst v0  }
0x63: {  	[tilespmem:$0x8690] =	vst v0  }
0x64: {  	[tilespmem:$0x86A0] =	vst v0  }
0x65: {  	[tilespmem:$0x86B0] =	vst v0  }
0x66: {  	[tilespmem:$0x86C0] =	vst v0  }
0x67: {  	[tilespmem:$0x86D0] =	vst v0  }
0x68: {  	[tilespmem:$0x86E0] =	vst v0  }
0x69: {  	[tilespmem:$0x86F0] =	vst v0  }
0x6a: {  	[tilespmem:$0x8700] =	vst v0  }
0x6b: {  	[tilespmem:$0x8710] =	vst v0  }
0x6c: {  	[tilespmem:$0x8720] =	vst v0  }
0x6d: {  	[tilespmem:$0x8730] =	vst v0  }
0x6e: {  	[tilespmem:$0x8740] =	vst v0  }
0x6f: {  	[tilespmem:$0x8750] =	vst v0  }
0x70: {  	[tilespmem:$0x8760] =	vst v0  }
0x71: {  	[tilespmem:$0x8770] =	vst v0  }
0x72: {  	[tilespmem:$0x8780] =	vst v0  }
0x73: {  	[tilespmem:$0x8790] =	vst v0  }
0x74: {  	[tilespmem:$0x87A0] =	vst v0  }
0x75: {  	[tilespmem:$0x87B0] =	vst v0  }
0x76: {  	[tilespmem:$0x87C0] =	vst v0  }
0x77: {  	[tilespmem:$0x87D0] =	vst v0  }
0x78: {  	[tilespmem:$0x87E0] =	vst v0  }
0x79: {  	[tilespmem:$0x87F0] =	vst v0  }
0x7a: {  	[tilespmem:$0x8800] =	vst v0  }
0x7b: {  	[tilespmem:$0x8810] =	vst v0  }
0x7c: {  	[tilespmem:$0x8820] =	vst v0  }
0x7d: {  	[tilespmem:$0x8830] =	vst v0  }
0x7e: {  	[tilespmem:$0x8840] =	vst v0  }
0x7f: {  	[tilespmem:$0x8850] =	vst v0  }
0x80: {  	[tilespmem:$0x8860] =	vst v0  }
0x81: {  	[tilespmem:$0x8870] =	vst v0  }
0x82: {  	[tilespmem:$0x8880] =	vst v0  }
0x83: {  	[tilespmem:$0x8890] =	vst v0  }
0x84: {  	[tilespmem:$0x88A0] =	vst v0  }
0x85: {  	[tilespmem:$0x88B0] =	vst v0  }
0x86: {  	[tilespmem:$0x88C0] =	vst v0  }
0x87: {  	[tilespmem:$0x88D0] =	vst v0  }
0x88: {  	[tilespmem:$0x88E0] =	vst v0  }
0x89: {  	[tilespmem:$0x88F0] =	vst v0  }
0x8a: {  	[tilespmem:$0x8900] =	vst v0  }
0x8b: {  	[tilespmem:$0x8910] =	vst v0  }
0x8c: {  	[tilespmem:$0x8920] =	vst v0  }
0x8d: {  	[tilespmem:$0x8930] =	vst v0  }
0x8e: {  	[tilespmem:$0x8940] =	vst v0  }
0x8f: {  	[tilespmem:$0x8950] =	vst v0  }
0x90: {  	[tilespmem:$0x8960] =	vst v0  }
0x91: {  	[tilespmem:$0x8970] =	vst v0  }
0x92: {  	[tilespmem:$0x8980] =	vst v0  }
0x93: {  	[tilespmem:$0x8990] =	vst v0  }
0x94: {  	[tilespmem:$0x89A0] =	vst v0  }
0x95: {  	[tilespmem:$0x89B0] =	vst v0  }
0x96: {  	[tilespmem:$0x89C0] =	vst v0  }
0x97: {  	[tilespmem:$0x89D0] =	vst v0  }
0x98: {  	[tilespmem:$0x89E0] =	vst v0  }
0x99: {  	[tilespmem:$0x89F0] =	vst v0  }
0x9a: {  	[tilespmem:$0x8A00] =	vst v0  }
0x9b: {  	[tilespmem:$0x8A10] =	vst v0  }
0x9c: {  	[tilespmem:$0x8A20] =	vst v0  }
0x9d: {  	[tilespmem:$0x8A30] =	vst v0  }
0x9e: {  	[tilespmem:$0x8A40] =	vst v0  }
0x9f: {  	[tilespmem:$0x8A50] =	vst v0  }
0xa0: {  	[tilespmem:$0x8A60] =	vst v0  }
0xa1: {  	[tilespmem:$0x8A70] =	vst v0  }
0xa2: {  	[tilespmem:$0x8A80] =	vst v0  }
0xa3: {  	[tilespmem:$0x8A90] =	vst v0  }
0xa4: {  	[tilespmem:$0x8AA0] =	vst v0  }
0xa5: {  	[tilespmem:$0x8AB0] =	vst v0  }
0xa6: {  	[tilespmem:$0x8AC0] =	vst v0  }
0xa7: {  	[tilespmem:$0x8AD0] =	vst v0  }
0xa8: {  	[tilespmem:$0x8AE0] =	vst v0  }
0xa9: {  	[tilespmem:$0x8AF0] =	vst v0  }
0xaa: {  	[tilespmem:$0x8B00] =	vst v0  }
0xab: {  	[tilespmem:$0x8B10] =	vst v0  }
0xac: {  	[tilespmem:$0x8B20] =	vst v0  }
0xad: {  	[tilespmem:$0x8B30] =	vst v0  }
0xae: {  	[tilespmem:$0x8B40] =	vst v0  }
0xaf: {  	[tilespmem:$0x8B50] =	vst v0  }
0xb0: {  	[tilespmem:$0x8B60] =	vst v0  }
0xb1: {  	[tilespmem:$0x8B70] =	vst v0  }
0xb2: {  	[tilespmem:$0x8B80] =	vst v0  }
0xb3: {  	[tilespmem:$0x8B90] =	vst v0  }
0xb4: {  	[tilespmem:$0x8BA0] =	vst v0  }
0xb5: {  	[tilespmem:$0x8BB0] =	vst v0  }
0xb6: {  	[tilespmem:$0x8BC0] =	vst v0  }
0xb7: {  	[tilespmem:$0x8BD0] =	vst v0  }
0xb8: {  	[tilespmem:$0x8BE0] =	vst v0  }
0xb9: {  	[tilespmem:$0x8BF0] =	vst v0  }
0xba: {  	[spmem:s5] =	stream.linear.scatter [tilespmem:s6], [sflag:$0x9], $0x800, $0x38;
	[tilespmem:$0x1CC00] =	vst v63  }
0xbb: {  	_ =	swait.ge [sflag:s7], $0x800  }
0xbc: {  	[sflag:s7] =	ssyncset.done $0x0  }
0xbd: {  	s20 =	rddreg [dreg:$0x3];
	[sflag:s7] =	ssyncadd.s32 $0xFFFFF800  }
0xbe: {  	[spmem:s20] =	stream.linear.scatter [tilespmem:s6], [sflag:$0x9], $0x800, $0x38;
	[tilespmem:$0x1CC00] =	vst v63  }
0xbf: {  	_ =	swait.ge [sflag:s7], $0x800  }
0xc0: {  	[sflag:s7] =	ssyncset.done $0x0  }
0xc1: {  	s31 =	rddreg [dreg:$0x4];
	[sflag:s7] =	ssyncadd.s32 $0xFFFFF800  }
0xc2: {  	[spmem:s31] =	stream.linear.scatter [tilespmem:s6], [sflag:$0x9], $0x800, $0x38;
	[tilespmem:$0x1CC00] =	vst v63  }
0xc3: {  	_ =	swait.ge [sflag:s7], $0x800  }
0xc4: {  	[sflag:s7] =	ssyncset.done $0x0  }
0xc5: {  	s31 =	rddreg [dreg:$0x5];
	[sflag:s7] =	ssyncadd.s32 $0xFFFFF800  }
0xc6: {  	[spmem:s31] =	stream.linear.scatter [tilespmem:s6], [sflag:$0x9], $0x800, $0x38;
	[tilespmem:$0x1CC00] =	vst v63  }
0xc7: {  	_ =	swait.ge [sflag:s7], $0x800  }
0xc8: {  	[sflag:s7] =	ssyncset.done $0x0  }
0xc9: {  	s31 =	rddreg [dreg:$0x6];
	[sflag:s7] =	ssyncadd.s32 $0xFFFFF800  }
0xca: {  	[spmem:s31] =	stream.linear.scatter [tilespmem:s6], [sflag:$0x9], $0x800, $0x38;
	[tilespmem:$0x1CC00] =	vst v63  }
0xcb: {  	_ =	swait.ge [sflag:s7], $0x800  }
0xcc: {  	[sflag:s7] =	ssyncset.done $0x0  }
0xcd: {  	s31 =	rddreg [dreg:$0x7];
	[sflag:s7] =	ssyncadd.s32 $0xFFFFF800  }
0xce: {  	[spmem:s31] =	stream.linear.scatter [tilespmem:s6], [sflag:$0x9], $0x800, $0x38;
	[tilespmem:$0x1CC00] =	vst v63  }
0xcf: {  	_ =	swait.ge [sflag:s7], $0x800  }
0xd0: {  	[sflag:s7] =	ssyncset.done $0x0  }
0xd1: {  	s31 =	rddreg [dreg:$0x8];
	[sflag:s7] =	ssyncadd.s32 $0xFFFFF800  }
0xd2: {  	[spmem:s31] =	stream.linear.scatter [tilespmem:s6], [sflag:$0x9], $0x800, $0x38;
	[tilespmem:$0x1CC00] =	vst v63  }
0xd3: {  	_ =	swait.ge [sflag:s7], $0x800  }
0xd4: {  	[sflag:s7] =	ssyncset.done $0x0  }
0xd5: {  	s31 =	rddreg [dreg:$0x9];
	[sflag:s7] =	ssyncadd.s32 $0xFFFFF800  }
0xd6: {  	[spmem:s31] =	stream.linear.scatter [tilespmem:s6], [sflag:$0x9], $0x800, $0x38;
	[tilespmem:$0x1CC00] =	vst v63  }
0xd7: {  	_ =	swait.ge [sflag:s7], $0x800  }
0xd8: {  	[sflag:s7] =	ssyncset.done $0x0  }
0xd9: {  	s31 =	rddreg [dreg:$0xa];
	[sflag:s7] =	ssyncadd.s32 $0xFFFFF800  }
0xda: {  	[spmem:s31] =	stream.linear.scatter [tilespmem:s6], [sflag:$0x9], $0x800, $0x38;
	[tilespmem:$0x1CC00] =	vst v63  }
0xdb: {  	_ =	swait.ge [sflag:s7], $0x800  }
0xdc: {  	[sflag:s7] =	ssyncset.done $0x0  }
0xdd: {  	s31 =	rddreg [dreg:$0xb];
	[sflag:s7] =	ssyncadd.s32 $0xFFFFF800  }
0xde: {  	[spmem:s31] =	stream.linear.scatter [tilespmem:s6], [sflag:$0x9], $0x800, $0x38;
	[tilespmem:$0x1CC00] =	vst v63  }
0xdf: {  	_ =	swait.ge [sflag:s7], $0x800  }
0xe0: {  	[sflag:s7] =	ssyncset.done $0x0  }
0xe1: {  	s31 =	rddreg [dreg:$0xc];
	[sflag:s7] =	ssyncadd.s32 $0xFFFFF800  }
0xe2: {  	[spmem:s31] =	stream.linear.scatter [tilespmem:s6], [sflag:$0x9], $0x800, $0x38;
	[tilespmem:$0x1CC00] =	vst v63  }
0xe3: {  	_ =	swait.ge [sflag:s7], $0x800  }
0xe4: {  	[sflag:s7] =	ssyncset.done $0x0  }
0xe5: {  	s31 =	rddreg [dreg:$0xd];
	[sflag:s7] =	ssyncadd.s32 $0xFFFFF800  }
0xe6: {  	[spmem:s31] =	stream.linear.scatter [tilespmem:s6], [sflag:$0x9], $0x800, $0x38;
	[tilespmem:$0x1CC00] =	vst v63  }
0xe7: {  	_ =	swait.ge [sflag:s7], $0x800  }
0xe8: {  	[sflag:s7] =	ssyncset.done $0x0  }
0xe9: {  	s31 =	rddreg [dreg:$0xe];
	[sflag:s7] =	ssyncadd.s32 $0xFFFFF800  }
0xea: {  	[spmem:s31] =	stream.linear.scatter [tilespmem:s6], [sflag:$0x9], $0x800, $0x38;
	[tilespmem:$0x1CC00] =	vst v63  }
0xeb: {  	_ =	swait.ge [sflag:s7], $0x800  }
0xec: {  	[sflag:s7] =	ssyncset.done $0x0  }
0xed: {  	s31 =	rddreg [dreg:$0xf];
	[sflag:s7] =	ssyncadd.s32 $0xFFFFF800  }
0xee: {  	[spmem:s31] =	stream.linear.scatter [tilespmem:s6], [sflag:$0x9], $0x800, $0x38;
	[tilespmem:$0x1CC00] =	vst v63  }
0xef: {  	_ =	swait.ge [sflag:s7], $0x800  }
0xf0: {  	[sflag:s7] =	ssyncset.done $0x0  }
0xf1: {  	s31 =	rddreg [dreg:$0x10];
	[sflag:s7] =	ssyncadd.s32 $0xFFFFF800  }
0xf2: {  	[spmem:s31] =	stream.linear.scatter [tilespmem:s6], [sflag:$0x9], $0x800, $0x38;
	[tilespmem:$0x1CC00] =	vst v63  }
0xf3: {  	_ =	swait.ge [sflag:s7], $0x800  }
0xf4: {  	[sflag:s7] =	ssyncset.done $0x0  }
0xf5: {  	s31 =	rddreg [dreg:$0x16];
	[sflag:s7] =	ssyncadd.s32 $0xFFFFF800  }
0xf6: {  	[spmem:s31] =	stream.linear.scatter [tilespmem:s6], [sflag:$0x9], $0x800, $0x38;
	[tilespmem:$0x1CC00] =	vst v63  }
0xf7: {  	_ =	swait.ge [sflag:s7], $0x800  }
0xf8: {  	[sflag:s7] =	ssyncset.done $0x0  }
0xf9: {  	s31 =	rddreg [dreg:$0x17];
	[sflag:s7] =	ssyncadd.s32 $0xFFFFF800  }
0xfa: {  	[spmem:s31] =	stream.linear.scatter [tilespmem:s6], [sflag:$0x9], $0x800, $0x38;
	[tilespmem:$0x1CC00] =	vst v63  }
0xfb: {  	_ =	swait.ge [sflag:s7], $0x800  }
0xfc: {  	[sflag:s7] =	ssyncset.done $0x0  }
0xfd: {  	s31 =	rddreg [dreg:$0x18];
	[sflag:s7] =	ssyncadd.s32 $0xFFFFF800  }
0xfe: {  	[spmem:s31] =	stream.linear.scatter [tilespmem:s6], [sflag:$0x9], $0x800, $0x38;
	[tilespmem:$0x1CC00] =	vst v63  }
0xff: {  	_ =	swait.ge [sflag:s7], $0x800  }
0x100: {  	[sflag:s7] =	ssyncset.done $0x0  }
0x101: {  	s31 =	rddreg [dreg:$0x19];
	[sflag:s7] =	ssyncadd.s32 $0xFFFFF800  }
0x102: {  	[spmem:s31] =	stream.linear.scatter [tilespmem:s6], [sflag:$0x9], $0x800, $0x38;
	[tilespmem:$0x1CC00] =	vst v63  }
0x103: {  	_ =	swait.ge [sflag:s7], $0x800  }
0x104: {  	[sflag:s7] =	ssyncset.done $0x0  }
0x105: {  	s31 =	rddreg [dreg:$0x1a];
	[sflag:s7] =	ssyncadd.s32 $0xFFFFF800  }
0x106: {  	[spmem:s31] =	stream.linear.scatter [tilespmem:s6], [sflag:$0x9], $0x800, $0x38;
	[tilespmem:$0x1CC00] =	vst v63  }
0x107: {  	_ =	swait.ge [sflag:s7], $0x800  }
0x108: {  	[sflag:s7] =	ssyncset.done $0x0  }
0x109: {  	s31 =	rddreg [dreg:$0x1b];
	[sflag:s7] =	ssyncadd.s32 $0xFFFFF800  }
0x10a: {  	[spmem:s31] =	stream.linear.scatter [tilespmem:s6], [sflag:$0x9], $0x800, $0x38;
	[tilespmem:$0x1CC00] =	vst v63  }
0x10b: {  	_ =	swait.ge [sflag:s7], $0x800  }
0x10c: {  	[sflag:s7] =	ssyncset.done $0x0  }
0x10d: {  	s31 =	rddreg [dreg:$0x1c];
	[sflag:s7] =	ssyncadd.s32 $0xFFFFF800  }
0x10e: {  	[spmem:s31] =	stream.linear.scatter [tilespmem:s6], [sflag:$0x9], $0x800, $0x38;
	[tilespmem:$0x1CC00] =	vst v63  }
0x10f: {  	_ =	swait.ge [sflag:s7], $0x800  }
0x110: {  	[sflag:s7] =	ssyncset.done $0x0  }
0x111: {  	s31 =	rddreg [dreg:$0x1d];
	[sflag:s7] =	ssyncadd.s32 $0xFFFFF800  }
0x112: {  	[spmem:s31] =	stream.linear.scatter [tilespmem:s6], [sflag:$0x9], $0x800, $0x38;
	[tilespmem:$0x1CC00] =	vst v63  }
0x113: {  	_ =	swait.ge [sflag:s7], $0x800  }
0x114: {  	[sflag:s7] =	ssyncset.done $0x0  }
0x115: {  	s31 =	rddreg [dreg:$0x1e];
	[sflag:s7] =	ssyncadd.s32 $0xFFFFF800  }
0x116: {  	[spmem:s31] =	stream.linear.scatter [tilespmem:s6], [sflag:$0x9], $0x800, $0x38;
	[tilespmem:$0x1CC00] =	vst v63  }
0x117: {  	_ =	swait.ge [sflag:s7], $0x800  }
0x118: {  	[sflag:s7] =	ssyncset.done $0x0  }
0x119: {  	s31 =	rddreg [dreg:$0x1f];
	[sflag:s7] =	ssyncadd.s32 $0xFFFFF800  }
0x11a: {  	[spmem:s31] =	stream.linear.scatter [tilespmem:s6], [sflag:$0x9], $0x800, $0x38;
	[tilespmem:$0x1CC00] =	vst v63  }
0x11b: {  	_ =	swait.ge [sflag:s7], $0x800  }
0x11c: {  	s31 =	sld [smem:$0x7EA]  }
0x11d: {  	[sflag:s7] =	ssyncset.done $0x0  }
0x11e: {  	[sflag:s7] =	ssyncadd.s32 $0xFFFFF800  }
0x11f: {  	[spmem:s31] =	stream.linear.scatter [tilespmem:s6], [sflag:$0x9], $0x800, $0x38;
	[tilespmem:$0x1CC00] =	vst v63  }
0x120: {  	_ =	swait.ge [sflag:s7], $0x800  }
0x121: {  	s31 =	sld [smem:$0x7EB]  }
0x122: {  	[sflag:s7] =	ssyncset.done $0x0  }
0x123: {  	[sflag:s7] =	ssyncadd.s32 $0xFFFFF800  }
0x124: {  	[spmem:s31] =	stream.linear.scatter [tilespmem:s6], [sflag:$0x9], $0x800, $0x38;
	[tilespmem:$0x1CC00] =	vst v63  }
0x125: {  	_ =	swait.ge [sflag:s7], $0x800  }
0x126: {  	s31 =	sld [smem:$0x7EC]  }
0x127: {  	[sflag:s7] =	ssyncset.done $0x0  }
0x128: {  	[sflag:s7] =	ssyncadd.s32 $0xFFFFF800  }
0x129: {  	[spmem:s31] =	stream.linear.scatter [tilespmem:s6], [sflag:$0x9], $0x800, $0x38;
	[tilespmem:$0x1CC00] =	vst v63  }
0x12a: {  	_ =	swait.ge [sflag:s7], $0x800  }
0x12b: {  	s31 =	sld [smem:$0x7ED]  }
0x12c: {  	[sflag:s7] =	ssyncset.done $0x0  }
0x12d: {  	[sflag:s7] =	ssyncadd.s32 $0xFFFFF800  }
0x12e: {  	[spmem:s31] =	stream.linear.scatter [tilespmem:s6], [sflag:$0x9], $0x800, $0x38;
	[tilespmem:$0x1CC00] =	vst v63  }
0x12f: {  	_ =	swait.ge [sflag:s7], $0x800  }
0x130: {  	s31 =	sld [smem:$0x7EE]  }
0x131: {  	[sflag:s7] =	ssyncset.done $0x0  }
0x132: {  	[sflag:s7] =	ssyncadd.s32 $0xFFFFF800  }
0x133: {  	[spmem:s31] =	stream.linear.scatter [tilespmem:s6], [sflag:$0x9], $0x800, $0x38;
	[tilespmem:$0x1CC00] =	vst v63  }
0x134: {  	_ =	swait.ge [sflag:s7], $0x800  }
0x135: {  	s31 =	sld [smem:$0x7EF]  }
0x136: {  	[sflag:s7] =	ssyncset.done $0x0  }
0x137: {  	[sflag:s7] =	ssyncadd.s32 $0xFFFFF800  }
0x138: {  	[spmem:s31] =	stream.linear.scatter [tilespmem:s6], [sflag:$0x9], $0x800, $0x38;
	[tilespmem:$0x1CC00] =	vst v63  }
0x139: {  	_ =	swait.ge [sflag:s7], $0x800  }
0x13a: {  	s31 =	sld [smem:$0x7F0]  }
0x13b: {  	[sflag:s7] =	ssyncset.done $0x0  }
0x13c: {  	[sflag:s7] =	ssyncadd.s32 $0xFFFFF800  }
0x13d: {  	[spmem:s31] =	stream.linear.scatter [tilespmem:s6], [sflag:$0x9], $0x800, $0x38;
	[tilespmem:$0x1CC00] =	vst v63  }
0x13e: {  	_ =	swait.ge [sflag:s7], $0x800  }
0x13f: {  	s31 =	sld [smem:$0x7F1]  }
0x140: {  	[sflag:s7] =	ssyncset.done $0x0  }
0x141: {  	[sflag:s7] =	ssyncadd.s32 $0xFFFFF800  }
0x142: {  	[spmem:s31] =	stream.linear.scatter [tilespmem:s6], [sflag:$0x9], $0x800, $0x38;
	[tilespmem:$0x1CC00] =	vst v63  }
0x143: {  	_ =	swait.ge [sflag:s7], $0x800  }
0x144: {  	s31 =	sld [smem:$0x7F2]  }
0x145: {  	[sflag:s7] =	ssyncset.done $0x0  }
0x146: {  	[sflag:s7] =	ssyncadd.s32 $0xFFFFF800  }
0x147: {  	[spmem:s31] =	stream.linear.scatter [tilespmem:s6], [sflag:$0x9], $0x800, $0x38;
	[tilespmem:$0x1CC00] =	vst v63  }
0x148: {  	_ =	swait.ge [sflag:s7], $0x800  }
0x149: {  	s31 =	sld [smem:$0x7F3]  }
0x14a: {  	[sflag:s7] =	ssyncset.done $0x0  }
0x14b: {  	[sflag:s7] =	ssyncadd.s32 $0xFFFFF800  }
0x14c: {  	[spmem:s31] =	stream.linear.scatter [tilespmem:s6], [sflag:$0x9], $0x800, $0x38;
	[tilespmem:$0x1CC00] =	vst v63  }
0x14d: {  	_ =	swait.ge [sflag:s7], $0x800  }
0x14e: {  	s31 =	sld [smem:$0x7F4]  }
0x14f: {  	[sflag:s7] =	ssyncset.done $0x0  }
0x150: {  	[sflag:s7] =	ssyncadd.s32 $0xFFFFF800  }
0x151: {  	[spmem:s31] =	stream.linear.scatter [tilespmem:s6], [sflag:$0x9], $0x800, $0x38;
	[tilespmem:$0x1CC00] =	vst v63  }
0x152: {  	_ =	swait.ge [sflag:s7], $0x800  }
0x153: {  	s31 =	sld [smem:$0x7F5]  }
0x154: {  	[sflag:s7] =	ssyncset.done $0x0  }
0x155: {  	[sflag:s7] =	ssyncadd.s32 $0xFFFFF800  }
0x156: {  	[spmem:s31] =	stream.linear.scatter [tilespmem:s6], [sflag:$0x9], $0x800, $0x38;
	[tilespmem:$0x1CC00] =	vst v63  }
0x157: {  	_ =	swait.ge [sflag:s7], $0x800  }
0x158: {  	s31 =	sld [smem:$0x7F6]  }
0x159: {  	[sflag:s7] =	ssyncset.done $0x0  }
0x15a: {  	[sflag:s7] =	ssyncadd.s32 $0xFFFFF800  }
0x15b: {  	[spmem:s31] =	stream.linear.scatter [tilespmem:s6], [sflag:$0x9], $0x800, $0x38;
	[tilespmem:$0x1CC00] =	vst v63  }
0x15c: {  	_ =	swait.ge [sflag:s7], $0x800  }
0x15d: {  	s31 =	sld [smem:$0x7F7]  }
0x15e: {  	[sflag:s7] =	ssyncset.done $0x0  }
0x15f: {  	[sflag:s7] =	ssyncadd.s32 $0xFFFFF800  }
0x160: {  	[spmem:s31] =	stream.linear.scatter [tilespmem:s6], [sflag:$0x9], $0x800, $0x38;
	[tilespmem:$0x1CC00] =	vst v63  }
0x161: {  	_ =	swait.ge [sflag:s7], $0x800  }
0x162: {  	s31 =	sld [smem:$0x7F8]  }
0x163: {  	[sflag:s7] =	ssyncset.done $0x0  }
0x164: {  	[sflag:s7] =	ssyncadd.s32 $0xFFFFF800  }
0x165: {  	[spmem:s31] =	stream.linear.scatter [tilespmem:s6], [sflag:$0x9], $0x800, $0x38;
	[tilespmem:$0x1CC00] =	vst v63  }
0x166: {  	_ =	swait.ge [sflag:s7], $0x800  }
0x167: {  	[sflag:s7] =	ssyncset.done $0x0  }
0x168: {  	[sflag:s7] =	ssyncadd.s32 $0xFFFFF800  }
0x169: {  	[bflag:$0x0] =	sbarrier.arrive $0xFFFF  }
0x16a: {  	s31 =	rddreg [dreg:$0x11]  }
0x16b: {  	[tilespmem:s3], [sflag:$0x1] =	stream.linear.gather [hbm4b:s31+s3], $0x100, $0x38;
	[tilespmem:$0x1CC00] =	vst v63  }
0x16c: {  	s31 =	sld [smem:$0x7F9];
	_ =	sdelay $0x2  }
0x16d: {  	[tilespmem:s8], [sflag:$0x2] =	stream.linear.gather [hbm4b:s31+s3], $0x100, $0x38;
	[tilespmem:$0x1CC00] =	vst v63  }
0x16e: {  	_ =	swait.ge [sflag:s9], $0x100  }
0x16f: {  	[sflag:s9] =	ssyncset.done $0x0  }
0x170: {  	[sflag:s9] =	ssyncadd.s32 $0xFFFFFF00  }
0x171: {  	[tilespmem:s11], [sflag:$0x5] =	stream.indirect.gather [hbm4b:s4+s10], $0x80, s3, s10, $0xb8;
	[tilespmem:$0x1CC00] =	vst v63  }
0x172: {  	_ =	swait.ge [sflag:s12], $0x4000  }
0x173: {  	[sflag:s12] =	ssyncset.done $0x0  }
0x174: {  	[sflag:s12] =	ssyncadd.s32 $0xFFFFC000  }
0x175: {  	[spmem:s2] =	stream.indirect.scatter.add.f32 [tilespmem:s11], [sflag:$0x7], $0x80, s10, s10, $0xb8;
	[tilespmem:$0x1CC00] =	vst v63  }
0x176: {  	_ =	swait.ge [sflag:s13], $0x100  }
0x177: {  	[sflag:s13] =	ssyncset.done $0x0  }
0x178: {  	s31 =	sld [smem:$0x7FA];
	[sflag:s13] =	ssyncadd.s32 $0xFFFFFF00  }
0x179: {  	[tilespmem:s14], [sflag:$0x6] =	stream.indirect.gather [hbm4b:s4+s10], $0x80, s8, s10, $0xb8;
	[tilespmem:$0x1CC00] =	vst v63  }
0x17a: {  	_ = 	snop  }
0x17b: {  	[tilespmem:s15], [sflag:$0x3] =	stream.linear.gather [hbm4b:s31+s3], $0x100, $0x38;
	[tilespmem:$0x1CC00] =	vst v63  }
0x17c: {  	_ =	swait.ge [sflag:s16], $0x4000  }
0x17d: {  	[sflag:s16] =	ssyncset.done $0x0  }
0x17e: {  	[sflag:s16] =	ssyncadd.s32 $0xFFFFC000  }
0x17f: {  	_ =	swait.ge [sflag:s17], $0x4000  }
0x180: {  	[sflag:s17] =	ssyncset.done $0x0  }
0x181: {  	[sflag:s17] =	ssyncadd.s32 $0xFFFFC000  }
0x182: {  	[spmem:s2] =	stream.indirect.scatter.add.f32 [tilespmem:s14], [sflag:$0x8], $0x80, s18, s10, $0xb8;
	[tilespmem:$0x1CC00] =	vst v63  }
0x183: {  	_ =	swait.ge [sflag:s19], $0x100  }
0x184: {  	[sflag:s19] =	ssyncset.done $0x0  }
0x185: {  	s31 =	sld [smem:$0x7FB];
	[sflag:s19] =	ssyncadd.s32 $0xFFFFFF00  }
0x186: {  	[tilespmem:s11], [sflag:$0x5] =	stream.indirect.gather [hbm4b:s4+s10], $0x80, s15, s10, $0xb8;
	[tilespmem:$0x1CC00] =	vst v63  }
0x187: {  	_ = 	snop  }
0x188: {  	[tilespmem:s22], [sflag:$0x4] =	stream.linear.gather [hbm4b:s31+s3], $0x100, $0x38;
	[tilespmem:$0x1CC00] =	vst v63  }
0x189: {  	_ =	swait.ge [sflag:s12], $0x4000  }
0x18a: {  	[sflag:s12] =	ssyncset.done $0x0  }
0x18b: {  	[sflag:s12] =	ssyncadd.s32 $0xFFFFC000  }
0x18c: {  	_ =	swait.ge [sflag:s23], $0x4000  }
0x18d: {  	[sflag:s23] =	ssyncset.done $0x0  }
0x18e: {  	[sflag:s23] =	ssyncadd.s32 $0xFFFFC000  }
0x18f: {  	[spmem:s2] =	stream.indirect.scatter.add.f32 [tilespmem:s11], [sflag:$0x7], $0x80, s24, s10, $0xb8;
	[tilespmem:$0x1CC00] =	vst v63  }
0x190: {  	_ =	swait.ge [sflag:s25], $0x100  }
0x191: {  	[sflag:s25] =	ssyncset.done $0x0  }
0x192: {  	s31 =	sld [smem:$0x7FC];
	[sflag:s25] =	ssyncadd.s32 $0xFFFFFF00  }
0x193: {  	[tilespmem:s14], [sflag:$0x6] =	stream.indirect.gather [hbm4b:s4+s10], $0x80, s22, s10, $0xb8;
	[tilespmem:$0x1CC00] =	vst v63  }
0x194: {  	_ = 	snop  }
0x195: {  	[tilespmem:s3], [sflag:$0x1] =	stream.linear.gather [hbm4b:s31+s3], $0x100, $0x38;
	[tilespmem:$0x1CC00] =	vst v63  }
0x196: {  	_ =	swait.ge [sflag:s16], $0x4000  }
0x197: {  	[sflag:s16] =	ssyncset.done $0x0  }
0x198: {  	[sflag:s16] =	ssyncadd.s32 $0xFFFFC000  }
0x199: {  	_ =	swait.ge [sflag:s17], $0x4000  }
0x19a: {  	[sflag:s17] =	ssyncset.done $0x0  }
0x19b: {  	[sflag:s17] =	ssyncadd.s32 $0xFFFFC000  }
0x19c: {  	[spmem:s2] =	stream.indirect.scatter.add.f32 [tilespmem:s14], [sflag:$0x8], $0x80, s26, s10, $0xb8;
	[tilespmem:$0x1CC00] =	vst v63  }
0x19d: {  	_ =	swait.ge [sflag:s9], $0x100  }
0x19e: {  	[sflag:s9] =	ssyncset.done $0x0  }
0x19f: {  	s31 =	sld [smem:$0x7FD];
	[sflag:s9] =	ssyncadd.s32 $0xFFFFFF00  }
0x1a0: {  	[tilespmem:s11], [sflag:$0x5] =	stream.indirect.gather [hbm4b:s4+s10], $0x80, s3, s10, $0xb8;
	[tilespmem:$0x1CC00] =	vst v63  }
0x1a1: {  	_ = 	snop  }
0x1a2: {  	[tilespmem:s8], [sflag:$0x2] =	stream.linear.gather [hbm4b:s31+s3], $0x100, $0x38;
	[tilespmem:$0x1CC00] =	vst v63  }
0x1a3: {  	_ =	swait.ge [sflag:s12], $0x4000  }
0x1a4: {  	[sflag:s12] =	ssyncset.done $0x0  }
0x1a5: {  	[sflag:s12] =	ssyncadd.s32 $0xFFFFC000  }
0x1a6: {  	_ =	swait.ge [sflag:s23], $0x4000  }
0x1a7: {  	[sflag:s23] =	ssyncset.done $0x0  }
0x1a8: {  	[sflag:s23] =	ssyncadd.s32 $0xFFFFC000  }
0x1a9: {  	[spmem:s2] =	stream.indirect.scatter.add.f32 [tilespmem:s11], [sflag:$0x7], $0x80, s10, s10, $0xb8;
	[tilespmem:$0x1CC00] =	vst v63  }
0x1aa: {  	_ =	swait.ge [sflag:s13], $0x100  }
0x1ab: {  	[sflag:s13] =	ssyncset.done $0x0  }
0x1ac: {  	[sflag:s13] =	ssyncadd.s32 $0xFFFFFF00  }
0x1ad: {  	[tilespmem:s14], [sflag:$0x6] =	stream.indirect.gather [hbm4b:s4+s10], $0x80, s8, s10, $0xb8;
	[tilespmem:$0x1CC00] =	vst v63  }
0x1ae: {  	s29 =	sadd.s32 $0x0, s1  }
0x1af: {  	[tilespmem:s15], [sflag:$0x3] =	stream.linear.gather [hbm4b:s29+s3], $0x100, $0x38;
	[tilespmem:$0x1CC00] =	vst v63  }
0x1b0: {  	_ =	swait.ge [sflag:s16], $0x4000  }
0x1b1: {  	[sflag:s16] =	ssyncset.done $0x0  }
0x1b2: {  	[sflag:s16] =	ssyncadd.s32 $0xFFFFC000  }
0x1b3: {  	_ =	swait.ge [sflag:s17], $0x4000  }
0x1b4: {  	[sflag:s17] =	ssyncset.done $0x0  }
0x1b5: {  	[sflag:s17] =	ssyncadd.s32 $0xFFFFC000  }
0x1b6: {  	[spmem:s2] =	stream.indirect.scatter.add.f32 [tilespmem:s14], [sflag:$0x8], $0x80, s18, s10, $0xb8;
	[tilespmem:$0x1CC00] =	vst v63  }
0x1b7: {  	_ =	swait.ge [sflag:s19], $0x100  }
0x1b8: {  	[sflag:s19] =	ssyncset.done $0x0  }
0x1b9: {  	s30 =	sadd.s32 $0x0, s21;
	[sflag:s19] =	ssyncadd.s32 $0xFFFFFF00  }
0x1ba: {  	[tilespmem:s11], [sflag:$0x5] =	stream.indirect.gather [hbm4b:s4+s10], $0x80, s15, s10, $0xb8;
	[tilespmem:$0x1CC00] =	vst v63  }
0x1bb: {  	s29 =	sadd.s32 $0xE0, s30  }
0x1bc: {  	[tilespmem:s22], [sflag:$0x4] =	stream.linear.gather [hbm4b:s29+s3], $0x100, $0x38;
	[tilespmem:$0x1CC00] =	vst v63  }
0x1bd: {  	_ =	swait.ge [sflag:s12], $0x4000  }
0x1be: {  	[sflag:s12] =	ssyncset.done $0x0  }
0x1bf: {  	[sflag:s12] =	ssyncadd.s32 $0xFFFFC000  }
0x1c0: {  	_ =	swait.ge [sflag:s23], $0x4000  }
0x1c1: {  	[sflag:s23] =	ssyncset.done $0x0  }
0x1c2: {  	[sflag:s23] =	ssyncadd.s32 $0xFFFFC000  }
0x1c3: {  	[spmem:s2] =	stream.indirect.scatter.add.f32 [tilespmem:s11], [sflag:$0x7], $0x80, s24, s10, $0xb8;
	[tilespmem:$0x1CC00] =	vst v63  }
0x1c4: {  	_ =	swait.ge [sflag:s25], $0x100  }
0x1c5: {  	[sflag:s25] =	ssyncset.done $0x0  }
0x1c6: {  	[sflag:s25] =	ssyncadd.s32 $0xFFFFFF00  }
0x1c7: {  	[tilespmem:s14], [sflag:$0x6] =	stream.indirect.gather [hbm4b:s4+s10], $0x80, s22, s10, $0xb8;
	[tilespmem:$0x1CC00] =	vst v63  }
0x1c8: {  	s29 =	sadd.s32 $0x0, s0  }
0x1c9: {  	[tilespmem:s3], [sflag:$0x1] =	stream.linear.gather [hbm4b:s29+s3], $0x100, $0x38;
	[tilespmem:$0x1CC00] =	vst v63  }
0x1ca: {  	_ =	swait.ge [sflag:s16], $0x4000  }
0x1cb: {  	[sflag:s16] =	ssyncset.done $0x0  }
0x1cc: {  	[sflag:s16] =	ssyncadd.s32 $0xFFFFC000  }
0x1cd: {  	_ =	swait.ge [sflag:s17], $0x4000  }
0x1ce: {  	[sflag:s17] =	ssyncset.done $0x0  }
0x1cf: {  	[sflag:s17] =	ssyncadd.s32 $0xFFFFC000  }
0x1d0: {  	[spmem:s2] =	stream.indirect.scatter.add.f32 [tilespmem:s14], [sflag:$0x8], $0x80, s26, s10, $0xb8;
	[tilespmem:$0x1CC00] =	vst v63  }
0x1d1: {  	_ =	swait.ge [sflag:s9], $0x100  }
0x1d2: {  	[sflag:s9] =	ssyncset.done $0x0  }
0x1d3: {  	s30 =	sadd.s32 $0x120, s30;
	s29 =	simm.s32 $0x80;
	[sflag:s9] =	ssyncadd.s32 $0xFFFFFF00  }
0x1d4: {  	[tilespmem:s11], [sflag:$0x5] =	stream.indirect.gather [hbm4b:s4+s10], $0x80, s3, s10, $0xb8;
	[tilespmem:$0x1CC00] =	vst v63  }
.LBB2_2:
0x1d5: {  	[tilespmem:s8], [sflag:$0x2] =	stream.linear.gather [hbm4b:s30+s3], $0x100, $0x38;
	[tilespmem:$0x1CC00] =	vst v63  }
0x1d6: {  	s30 =	smov.u32 s29  }
0x1d7: {  	p0 =	sne.s32 s29, $0x880;
	s29 =	sadd.s32 $0x80, s29;
	_ =	swait.ge [sflag:s12], $0x4000  }
0x1d8: {  	[sflag:s12] =	ssyncset.done $0x0  }
0x1d9: {  	[sflag:s12] =	ssyncadd.s32 $0xFFFFC000  }
0x1da: {  	_ =	swait.ge [sflag:s23], $0x4000  }
0x1db: {  	[sflag:s23] =	ssyncset.done $0x0  }
0x1dc: {  	[sflag:s23] =	ssyncadd.s32 $0xFFFFC000  }
0x1dd: {  	[spmem:s2] =	stream.indirect.scatter.add.f32 [tilespmem:s11], [sflag:$0x7], $0x80, s10, s10, $0xb8;
	[tilespmem:$0x1CC00] =	vst v63  }
0x1de: {  	_ =	swait.ge [sflag:s13], $0x100  }
0x1df: {  	[sflag:s13] =	ssyncset.done $0x0  }
0x1e0: {  	[sflag:s13] =	ssyncadd.s32 $0xFFFFFF00  }
0x1e1: {  	[tilespmem:s14], [sflag:$0x6] =	stream.indirect.gather [hbm4b:s4+s10], $0x80, s8, s10, $0xb8;
	[tilespmem:$0x1CC00] =	vst v63  }
0x1e2: {  	s31 =	sadd.s32 s30, s1  }
0x1e3: {  	[tilespmem:s15], [sflag:$0x3] =	stream.linear.gather [hbm4b:s31+s3], $0x100, $0x38;
	[tilespmem:$0x1CC00] =	vst v63  }
0x1e4: {  	_ =	swait.ge [sflag:s16], $0x4000  }
0x1e5: {  	[sflag:s16] =	ssyncset.done $0x0  }
0x1e6: {  	[sflag:s16] =	ssyncadd.s32 $0xFFFFC000  }
0x1e7: {  	_ =	swait.ge [sflag:s17], $0x4000  }
0x1e8: {  	[sflag:s17] =	ssyncset.done $0x0  }
0x1e9: {  	[sflag:s17] =	ssyncadd.s32 $0xFFFFC000  }
0x1ea: {  	[spmem:s2] =	stream.indirect.scatter.add.f32 [tilespmem:s14], [sflag:$0x8], $0x80, s18, s10, $0xb8;
	[tilespmem:$0x1CC00] =	vst v63  }
0x1eb: {  	_ =	swait.ge [sflag:s19], $0x100  }
0x1ec: {  	[sflag:s19] =	ssyncset.done $0x0  }
0x1ed: {  	s31 =	sadd.s32 s30, s21;
	[sflag:s19] =	ssyncadd.s32 $0xFFFFFF00  }
0x1ee: {  	[tilespmem:s11], [sflag:$0x5] =	stream.indirect.gather [hbm4b:s4+s10], $0x80, s15, s10, $0xb8;
	[tilespmem:$0x1CC00] =	vst v63  }
0x1ef: {  	s20 =	sadd.s32 $0xE0, s31  }
0x1f0: {  	[tilespmem:s22], [sflag:$0x4] =	stream.linear.gather [hbm4b:s20+s3], $0x100, $0x38;
	[tilespmem:$0x1CC00] =	vst v63  }
0x1f1: {  	_ =	swait.ge [sflag:s12], $0x4000  }
0x1f2: {  	[sflag:s12] =	ssyncset.done $0x0  }
0x1f3: {  	[sflag:s12] =	ssyncadd.s32 $0xFFFFC000  }
0x1f4: {  	_ =	swait.ge [sflag:s23], $0x4000  }
0x1f5: {  	[sflag:s23] =	ssyncset.done $0x0  }
0x1f6: {  	[sflag:s23] =	ssyncadd.s32 $0xFFFFC000  }
0x1f7: {  	[spmem:s2] =	stream.indirect.scatter.add.f32 [tilespmem:s11], [sflag:$0x7], $0x80, s24, s10, $0xb8;
	[tilespmem:$0x1CC00] =	vst v63  }
0x1f8: {  	_ =	swait.ge [sflag:s25], $0x100  }
0x1f9: {  	[sflag:s25] =	ssyncset.done $0x0  }
0x1fa: {  	[sflag:s25] =	ssyncadd.s32 $0xFFFFFF00  }
0x1fb: {  	[tilespmem:s14], [sflag:$0x6] =	stream.indirect.gather [hbm4b:s4+s10], $0x80, s22, s10, $0xb8;
	[tilespmem:$0x1CC00] =	vst v63  }
0x1fc: {  	s20 =	sadd.s32 s30, s0  }
0x1fd: {  	[tilespmem:s3], [sflag:$0x1] =	stream.linear.gather [hbm4b:s20+s3], $0x100, $0x38;
	[tilespmem:$0x1CC00] =	vst v63  }
0x1fe: {  	_ =	swait.ge [sflag:s16], $0x4000  }
0x1ff: {  	[sflag:s16] =	ssyncset.done $0x0  }
0x200: {  	[sflag:s16] =	ssyncadd.s32 $0xFFFFC000  }
0x201: {  	_ =	swait.ge [sflag:s17], $0x4000  }
0x202: {  	[sflag:s17] =	ssyncset.done $0x0  }
0x203: {  	[sflag:s17] =	ssyncadd.s32 $0xFFFFC000  }
0x204: {  	[spmem:s2] =	stream.indirect.scatter.add.f32 [tilespmem:s14], [sflag:$0x8], $0x80, s26, s10, $0xb8;
	[tilespmem:$0x1CC00] =	vst v63  }
.Ltmp0:
0x205: {  	_ =	swait.ge [sflag:s9], $0x100;
	(pc) =	sbr.rel @p0 .LBB2_2-.Ltmp0, $4  }
0x206: {  	[sflag:s9] =	ssyncset.done $0x0  }
0x207: {  	[sflag:s9] =	ssyncadd.s32 $0xFFFFFF00  }
0x208: {  	[tilespmem:s11], [sflag:$0x5] =	stream.indirect.gather [hbm4b:s4+s10], $0x80, s3, s10, $0xb8;
	[tilespmem:$0x1CC00] =	vst v63  }
0x209: {  	s30 =	sadd.s32 $0x120, s31  }
0x20a: {  	[tilespmem:s8], [sflag:$0x2] =	stream.linear.gather [hbm4b:s30+s3], $0x100, $0x38;
	[tilespmem:$0x1CC00] =	vst v63  }
0x20b: {  	_ =	swait.ge [sflag:s12], $0x4000  }
0x20c: {  	[sflag:s12] =	ssyncset.done $0x0  }
0x20d: {  	[sflag:s12] =	ssyncadd.s32 $0xFFFFC000  }
0x20e: {  	_ =	swait.ge [sflag:s23], $0x4000  }
0x20f: {  	[sflag:s23] =	ssyncset.done $0x0  }
0x210: {  	[sflag:s23] =	ssyncadd.s32 $0xFFFFC000  }
0x211: {  	[spmem:s2] =	stream.indirect.scatter.add.f32 [tilespmem:s11], [sflag:$0x7], $0x80, s10, s10, $0xb8;
	[tilespmem:$0x1CC00] =	vst v63  }
0x212: {  	_ =	swait.ge [sflag:s13], $0x100  }
0x213: {  	[sflag:s13] =	ssyncset.done $0x0  }
0x214: {  	[sflag:s13] =	ssyncadd.s32 $0xFFFFFF00  }
0x215: {  	[tilespmem:s14], [sflag:$0x6] =	stream.indirect.gather [hbm4b:s4+s10], $0x80, s8, s10, $0xb8;
	[tilespmem:$0x1CC00] =	vst v63  }
0x216: {  	s20 =	rddreg [dreg:$0x12]  }
0x217: {  	[tilespmem:s15], [sflag:$0x3] =	stream.linear.gather [hbm4b:s20+s3], $0x100, $0x38;
	[tilespmem:$0x1CC00] =	vst v63  }
0x218: {  	_ =	swait.ge [sflag:s16], $0x4000  }
0x219: {  	[sflag:s16] =	ssyncset.done $0x0  }
0x21a: {  	[sflag:s16] =	ssyncadd.s32 $0xFFFFC000  }
0x21b: {  	_ =	swait.ge [sflag:s17], $0x4000  }
0x21c: {  	[sflag:s17] =	ssyncset.done $0x0  }
0x21d: {  	[sflag:s17] =	ssyncadd.s32 $0xFFFFC000  }
0x21e: {  	[spmem:s2] =	stream.indirect.scatter.add.f32 [tilespmem:s14], [sflag:$0x8], $0x80, s18, s10, $0xb8;
	[tilespmem:$0x1CC00] =	vst v63  }
0x21f: {  	_ =	swait.ge [sflag:s19], $0x100  }
0x220: {  	[sflag:s19] =	ssyncset.done $0x0  }
0x221: {  	[sflag:s19] =	ssyncadd.s32 $0xFFFFFF00  }
0x222: {  	[tilespmem:s11], [sflag:$0x5] =	stream.indirect.gather [hbm4b:s4+s10], $0x80, s15, s10, $0xb8;
	[tilespmem:$0x1CC00] =	vst v63  }
0x223: {  	s29 =	rddreg [dreg:$0x13]  }
0x224: {  	[tilespmem:s22], [sflag:$0x4] =	stream.linear.gather [hbm4b:s29+s3], $0x100, $0x38;
	[tilespmem:$0x1CC00] =	vst v63  }
0x225: {  	_ =	swait.ge [sflag:s12], $0x4000  }
0x226: {  	[sflag:s12] =	ssyncset.done $0x0  }
0x227: {  	[sflag:s12] =	ssyncadd.s32 $0xFFFFC000  }
0x228: {  	_ =	swait.ge [sflag:s23], $0x4000  }
0x229: {  	[sflag:s23] =	ssyncset.done $0x0  }
0x22a: {  	[sflag:s23] =	ssyncadd.s32 $0xFFFFC000  }
0x22b: {  	[spmem:s2] =	stream.indirect.scatter.add.f32 [tilespmem:s11], [sflag:$0x7], $0x80, s24, s10, $0xb8;
	[tilespmem:$0x1CC00] =	vst v63  }
0x22c: {  	_ =	swait.ge [sflag:s25], $0x100  }
0x22d: {  	[sflag:s25] =	ssyncset.done $0x0  }
0x22e: {  	[sflag:s25] =	ssyncadd.s32 $0xFFFFFF00  }
0x22f: {  	[tilespmem:s14], [sflag:$0x6] =	stream.indirect.gather [hbm4b:s4+s10], $0x80, s22, s10, $0xb8;
	[tilespmem:$0x1CC00] =	vst v63  }
0x230: {  	_ =	swait.ge [sflag:s16], $0x4000  }
0x231: {  	[sflag:s16] =	ssyncset.done $0x0  }
0x232: {  	[sflag:s16] =	ssyncadd.s32 $0xFFFFC000  }
0x233: {  	_ =	swait.ge [sflag:s17], $0x4000  }
0x234: {  	[sflag:s17] =	ssyncset.done $0x0  }
0x235: {  	[sflag:s17] =	ssyncadd.s32 $0xFFFFC000  }
0x236: {  	[spmem:s2] =	stream.indirect.scatter.add.f32 [tilespmem:s14], [sflag:$0x8], $0x80, s26, s10, $0xb8;
	[tilespmem:$0x1CC00] =	vst v63  }
0x237: {  	_ =	swait.ge [sflag:s23], $0x4000  }
0x238: {  	[sflag:s23] =	ssyncset.done $0x0  }
0x239: {  	s30 =	stileid.u32;
	[sflag:s23] =	ssyncadd.s32 $0xFFFFC000  }
0x23a: {  	s20 =	sshll.u32 s30, $0x6;
	[bflag:$0x0] =	sbarrier.arrive $0xFFFF  }
0x23b: {  	s20 =	sor.u32 $0x1C09, s20;
	s29 =	sshrl.u32 s5, $0x3;
	s31 =	rddreg [dreg:$0x14]  }
0x23c: {  	[hbm:s31], [sflag:s20] =	dma.local [spmem:s29], $0x2800  }
0x23d: {  	_ =	swait.ge [sflag:s7], $0x2800  }
0x23e: {  	s28 =	sadd.s32 $0x1, s28;
	s31 =	rddreg [dreg:$0x15]  }
0x23f: {  	p0 =	sne.s32 s28, s31  }
.Ltmp1:
0x240: {  	_ = 	snop;
	(pc) =	sbr.rel @p0 .LBB2_1-.Ltmp1, $3  }
0x241: {  	_ =	sdelay $0x1  }
0x242: {  	[sflag:s7] =	ssyncset.done $0x0  }
0x243: {  	[sflag:s7] =	ssyncadd.s32 $0xFFFFD800  }
0x244: {  	_ =	sfence.sel $0x180000  }
0x245: {  	[bflag:$0x0] =	sbarrier.arrive $0xFFFF  }
0x246: {  	_ =	strace $0x9000004A  }
0x247: {  	s0 =	stileid.u32;
	[bflag:$0x2] =	sbarrier.arrive $0xFFFF  }
0x248: {  	p0 =	sne.s32 s0, $0x0;
	s0 =	rddreg [dreg:$0x2]  }
0x249: {  	s0 =	sadd.s32 @!p0 $0x100000, s0  }
0x24a: {  	[sflag:s0] =	ssyncadd.tile.s32 @!p0 $0x1;
	_ =	shalt  }
.Lfunc_end2:
_tile_overlayer_lowered:
.L_overlay_start_2:
0x24b: {  	(tag) =	ssettag $0x2  }
0x24c: {  	s0 =	rddreg [dreg:$0x0];
	s2 =	stileid.u32  }
0x24d: {  	s1 =	rddreg [dreg:$0x1];
	p0 =	sne.s32 s2, $0x0  }
0x24e: {  	s3 =	rddreg [dreg:$0x2];
	[bflag:$0x3] =	sbarrier.arrive $0xFFFF;
	s2 =	simm.s32 @!p0 $0x1C09  }
0x24f: {  	[timem:s3], [sflag:s2] =	dma.local @!p0 [hbm:s0], s1  }
0x250: {  	s0 =	simm.s32 @!p0 $0x9  }
0x251: {  	_ =	swait.ge @!p0 [sflag:s0], s1  }
0x252: {  	s1 =	ssub.s32 @!p0 $0x0, s1;
	[sflag:s0] =	ssyncset.done @!p0 $0x0  }
0x253: {  	[sflag:s0] =	ssyncadd.s32 @!p0 s1  }
0x254: {  	[bflag:$0x3] =	sbarrier.arrive $0xFFFF  }
0x255: {  	_ =	shalt  }

</sc_bundles>
